<compile_context>
chip_gen: v7x
topology: tpu7x:2x2x1
jax: 0.10.2.dev20260603
libtpu: 0.0.44.dev20260713+nightly
codegen_flags: <defaults>
</compile_context>

<pallas_src>
import functools

import jax
import jax.numpy as jnp
from jax import lax
from jax.experimental import pallas as pl
from jax.experimental.pallas import tpu as pltpu
from jax.experimental.pallas import tpu_sc as plsc

T = 2048
H = 768
H2 = H // 2
E = 8
K = 2
MI = 1024
ISH = 2048

BT = 256
NBLK = T * K // BT + E
NBLK_PAD = 32
PADN = NBLK * BT

NC, NS, NW, L = 2, 16, 32, 16
CS = 16
NACT = H2 // CS


def _unpack_bf16(xp):
    lo = lax.bitcast_convert_type(xp << 16, jnp.float32)
    hi = lax.bitcast_convert_type(xp & jnp.int32(-65536), jnp.float32)
    return jnp.concatenate([lo, hi], axis=0).astype(jnp.bfloat16)


def _pack_bf16(r):
    n = r.shape[0] // 2
    r16 = r.astype(jnp.bfloat16).astype(jnp.float32)
    lo = lax.shift_right_logical(
        lax.bitcast_convert_type(r16[:n, :], jnp.int32), 16)
    hi = lax.bitcast_convert_type(r16[n:, :], jnp.int32) & jnp.int32(-65536)
    return lo | hi


def _router_body(x_ref, wg_ref, logits_ref, topw_ref, slots_ref, eid_ref,
                 xt_ref):
    x = x_ref[...]
    wg = wg_ref[...]
    logits = lax.dot_general(x, wg, (((1,), (1,)), ((), ())),
                             preferred_element_type=jnp.float32)
    logits_ref[...] = logits
    m = jnp.max(logits, axis=1, keepdims=True)
    ex = jnp.exp(logits - m)
    rw = ex / jnp.sum(ex, axis=1, keepdims=True)
    iota_e = lax.broadcasted_iota(jnp.int32, (T, E), 1)
    m0 = jnp.max(rw, axis=1, keepdims=True)
    i0 = jnp.min(jnp.where(rw == m0, iota_e, E), axis=1, keepdims=True)
    rw1 = jnp.where(iota_e == i0, -1.0, rw)
    m1 = jnp.max(rw1, axis=1, keepdims=True)
    i1 = jnp.min(jnp.where(rw1 == m1, iota_e, E), axis=1, keepdims=True)
    topw_ref[...] = jnp.concatenate([m0, m1], axis=1)
    oh0 = (iota_e == i0).astype(jnp.float32)
    oh1 = (iota_e == i1).astype(jnp.float32)
    cnt = oh0 + oh1
    s = cnt
    sh = 1
    while sh < T:
        s = s + jnp.concatenate(
            [jnp.zeros((sh, E), jnp.float32), s[:-sh, :]], axis=0)
        sh *= 2
    pre = s - cnt
    tot = s[T - 1:T, :]
    nb = jnp.floor((tot + (BT - 1)) / BT)
    ends = nb
    sh = 1
    while sh < E:
        ends = ends + jnp.concatenate(
            [jnp.zeros((1, sh), jnp.float32), ends[:, :-sh]], axis=1)
        sh *= 2
    offrow = (ends - nb) * float(BT)
    slot0 = jnp.sum(oh0 * (offrow + pre), axis=1, keepdims=True)
    slot1 = jnp.sum(oh1 * (offrow + pre), axis=1, keepdims=True)
    slots_ref[...] = jnp.concatenate([slot0, slot1], axis=1).astype(jnp.int32)
    bio = lax.broadcasted_iota(jnp.int32, (NBLK_PAD, E), 0).astype(jnp.float32)
    ge = (bio >= jnp.broadcast_to(ends, (NBLK_PAD, E))).astype(jnp.float32)
    eidf = jnp.minimum(jnp.sum(ge, axis=1, keepdims=True), float(E - 1))
    eid_ref[...] = eidf.astype(jnp.int32)
    xr = x.astype(jnp.bfloat16).astype(jnp.float32)
    lo = lax.shift_right_logical(
        lax.bitcast_convert_type(xr[:, :H2], jnp.int32), 16)
    hi = lax.bitcast_convert_type(xr[:, H2:], jnp.int32) & jnp.int32(-65536)
    xt_ref[...] = (lo | hi).T


_router = pl.pallas_call(
    _router_body,
    out_shape=[
        jax.ShapeDtypeStruct((T, E), jnp.float32),
        jax.ShapeDtypeStruct((T, K), jnp.float32),
        jax.ShapeDtypeStruct((T, K), jnp.int32),
        jax.ShapeDtypeStruct((NBLK_PAD, 1), jnp.int32),
        jax.ShapeDtypeStruct((H2, T), jnp.int32),
    ],
)


def _sc_scatter_body(p0_hbm, p1_hbm, w0_hbm, w1_hbm, src_hbm, wsl_hbm,
                     p0_v, p1_v, w0_v, w1_v, src_v, wsl_v):
    wid = lax.axis_index("s") * NC + lax.axis_index("c")

    @pl.when(wid == 0)
    def _():
        pltpu.sync_copy(p0_hbm, p0_v)
        pltpu.sync_copy(p1_hbm, p1_v)
        pltpu.sync_copy(w0_hbm, w0_v)
        pltpu.sync_copy(w1_hbm, w1_v)

        @pl.loop(0, PADN // L)
        def _(i):
            src_v[pl.ds(i * L, L)] = jnp.zeros((L,), jnp.int32)
            wsl_v[pl.ds(i * L, L)] = jnp.zeros((L,), jnp.float32)

        @pl.loop(0, T // L)
        def _(i):
            base = i * L
            tvec = lax.iota(jnp.int32, L) + base
            idx0 = p0_v[pl.ds(base, L)]
            idx1 = p1_v[pl.ds(base, L)]
            plsc.store_scatter(src_v, [idx0], tvec)
            plsc.store_scatter(wsl_v, [idx0], w0_v[pl.ds(base, L)])
            plsc.store_scatter(src_v, [idx1], tvec)
            plsc.store_scatter(wsl_v, [idx1], w1_v[pl.ds(base, L)])

        pltpu.sync_copy(src_v, src_hbm)
        pltpu.sync_copy(wsl_v, wsl_hbm)


def _sc_gather_body(xt_hbm, src_hbm, xst_hbm, stage, src_v, outb):
    wid = lax.axis_index("s") * NC + lax.axis_index("c")

    @pl.when(wid < NACT)
    def _():
        pltpu.sync_copy(xt_hbm.at[pl.ds(wid * CS, CS)], stage)
        pltpu.sync_copy(src_hbm, src_v)
        hp = PADN // 2
        for half in range(2):
            @pl.loop(0, hp // L, unroll=4)
            def _(g):
                idxv = src_v[pl.ds(half * hp + g * L, L)]
                for r in range(CS):
                    rv = jnp.full((L,), r, jnp.int32)
                    vals = plsc.load_gather(stage, [rv, idxv])
                    outb[r, pl.ds(g * L, L)] = vals

            pltpu.sync_copy(
                outb, xst_hbm.at[pl.ds(wid * CS, CS), pl.ds(half * hp, hp)])


def _sc_combine_body(eot_hbm, p0_hbm, p1_hbm, moet_hbm,
                     stage, i0_v, i1_v, outb):
    wid = lax.axis_index("s") * NC + lax.axis_index("c")

    @pl.when(wid < NACT)
    def _():
        pltpu.sync_copy(eot_hbm.at[pl.ds(wid * CS, CS)], stage)
        ht = T // 2
        for half in range(2):
            pltpu.sync_copy(p0_hbm.at[pl.ds(half * ht, ht)], i0_v)
            pltpu.sync_copy(p1_hbm.at[pl.ds(half * ht, ht)], i1_v)

            @pl.loop(0, ht // L, unroll=4)
            def _(g):
                i0 = i0_v[pl.ds(g * L, L)]
                i1 = i1_v[pl.ds(g * L, L)]
                for r in range(CS):
                    rv = jnp.full((L,), r, jnp.int32)
                    a = plsc.load_gather(stage, [rv, i0])
                    b = plsc.load_gather(stage, [rv, i1])
                    s = plsc.bitcast(
                        plsc.bitcast(a, jnp.bfloat16)
                        + plsc.bitcast(b, jnp.bfloat16), jnp.int32)
                    outb[r, pl.ds(g * L, L)] = s

            pltpu.sync_copy(
                outb, moet_hbm.at[pl.ds(wid * CS, CS), pl.ds(half * ht, ht)])


@functools.lru_cache(maxsize=1)
def _build_sc_kernels():
    mesh = plsc.VectorSubcoreMesh(core_axis_name="c", subcore_axis_name="s")
    sc_scatter = functools.partial(
        pl.kernel,
        out_type=[jax.ShapeDtypeStruct((PADN,), jnp.int32),
                  jax.ShapeDtypeStruct((PADN,), jnp.float32)],
        mesh=mesh,
        scratch_types=[
            pltpu.VMEM((T,), jnp.int32), pltpu.VMEM((T,), jnp.int32),
            pltpu.VMEM((T,), jnp.float32), pltpu.VMEM((T,), jnp.float32),
            pltpu.VMEM((PADN,), jnp.int32), pltpu.VMEM((PADN,), jnp.float32),
        ],
        compiler_params=pltpu.CompilerParams(needs_layout_passes=False),
    )(_sc_scatter_body)
    sc_gather = functools.partial(
        pl.kernel,
        out_type=jax.ShapeDtypeStruct((H2, PADN), jnp.int32),
        mesh=mesh,
        scratch_types=[pltpu.VMEM((CS, T), jnp.int32),
                       pltpu.VMEM((PADN,), jnp.int32),
                       pltpu.VMEM((CS, PADN // 2), jnp.int32)],
        compiler_params=pltpu.CompilerParams(needs_layout_passes=False),
    )(_sc_gather_body)
    sc_combine = functools.partial(
        pl.kernel,
        out_type=jax.ShapeDtypeStruct((H2, T), jnp.int32),
        mesh=mesh,
        scratch_types=[pltpu.VMEM((CS, PADN), jnp.int32),
                       pltpu.VMEM((T // 2,), jnp.int32),
                       pltpu.VMEM((T // 2,), jnp.int32),
                       pltpu.VMEM((CS, T // 2), jnp.int32)],
        compiler_params=pltpu.CompilerParams(needs_layout_passes=False),
    )(_sc_combine_body)
    return sc_scatter, sc_gather, sc_combine


def _moe_body(eid_ref, xst_ref, weg_ref, weu_ref, wed_ref, wsl_ref, out_ref,
              wgc, wuc, wdc):
    b = pl.program_id(0)
    recast = jnp.logical_or(b == 0, eid_ref[b] != eid_ref[lax.max(b - 1, 0)])

    @pl.when(recast)
    def _():
        wgc[...] = weg_ref[0].astype(jnp.bfloat16)
        wuc[...] = weu_ref[0].astype(jnp.bfloat16)
        wdc[...] = wed_ref[0].astype(jnp.bfloat16)

    xbt = _unpack_bf16(xst_ref[...])
    gt = lax.dot_general(wgc[...], xbt, (((1,), (0,)), ((), ())),
                         preferred_element_type=jnp.float32)
    ut = lax.dot_general(wuc[...], xbt, (((1,), (0,)), ((), ())),
                         preferred_element_type=jnp.float32)
    ht = ((gt * jax.nn.sigmoid(gt)) * ut).astype(jnp.bfloat16)
    ot = lax.dot_general(wdc[...], ht, (((1,), (0,)), ((), ())),
                         preferred_element_type=jnp.float32)
    out_ref[...] = _pack_bf16(ot * wsl_ref[0])


_moe_mm = pl.pallas_call(
    _moe_body,
    grid_spec=pltpu.PrefetchScalarGridSpec(
        num_scalar_prefetch=1,
        grid=(NBLK,),
        in_specs=[
            pl.BlockSpec((H2, BT), lambda b, eid: (0, b)),
            pl.BlockSpec((1, MI, H), lambda b, eid: (eid[b], 0, 0)),
            pl.BlockSpec((1, MI, H), lambda b, eid: (eid[b], 0, 0)),
            pl.BlockSpec((1, H, MI), lambda b, eid: (eid[b], 0, 0)),
            pl.BlockSpec((1, 1, BT), lambda b, eid: (b, 0, 0)),
        ],
        out_specs=pl.BlockSpec((H2, BT), lambda b, eid: (0, b)),
        scratch_shapes=[pltpu.VMEM((MI, H), jnp.bfloat16),
                        pltpu.VMEM((MI, H), jnp.bfloat16),
                        pltpu.VMEM((H, MI), jnp.bfloat16)],
    ),
    out_shape=jax.ShapeDtypeStruct((H2, PADN), jnp.int32),
)


BTF = 256


def _shared_body(xt_ref, wsg_ref, wsu_ref, wsd_ref, wsig_ref, out_ref,
                 wsgc, wsuc, wsdc):
    @pl.when(pl.program_id(0) == 0)
    def _():
        wsgc[...] = wsg_ref[...].astype(jnp.bfloat16)
        wsuc[...] = wsu_ref[...].astype(jnp.bfloat16)
        wsdc[...] = wsd_ref[...].astype(jnp.bfloat16)

    xbt = _unpack_bf16(xt_ref[...])
    gt = lax.dot_general(wsgc[...], xbt, (((1,), (0,)), ((), ())),
                         preferred_element_type=jnp.float32)
    ut = lax.dot_general(wsuc[...], xbt, (((1,), (0,)), ((), ())),
                         preferred_element_type=jnp.float32)
    ht = ((gt * jax.nn.sigmoid(gt)) * ut).astype(jnp.bfloat16)
    shdt = lax.dot_general(wsdc[...], ht, (((1,), (0,)), ((), ())),
                           preferred_element_type=jnp.float32)
    sg = jax.nn.sigmoid(jnp.sum(
        xbt.astype(jnp.float32) * wsig_ref[...], axis=0, keepdims=True))
    out_ref[...] = sg * shdt


_shared = pl.pallas_call(
    _shared_body,
    grid=(T // BTF,),
    in_specs=[
        pl.BlockSpec((H2, BTF), lambda b: (0, b)),
        pl.BlockSpec((ISH, H), lambda b: (0, 0)),
        pl.BlockSpec((ISH, H), lambda b: (0, 0)),
        pl.BlockSpec((H, ISH), lambda b: (0, 0)),
        pl.BlockSpec((H, 1), lambda b: (0, 0)),
    ],
    out_specs=pl.BlockSpec((H, BTF), lambda b: (0, b)),
    out_shape=jax.ShapeDtypeStruct((H, T), jnp.float32),
    scratch_shapes=[pltpu.VMEM((ISH, H), jnp.bfloat16),
                    pltpu.VMEM((ISH, H), jnp.bfloat16),
                    pltpu.VMEM((H, ISH), jnp.bfloat16)],
)


def _fadd_body(moet_ref, sgsht_ref, out_ref):
    mp = moet_ref[...]
    lo = lax.bitcast_convert_type(mp << 16, jnp.float32)
    hi = lax.bitcast_convert_type(mp & jnp.int32(-65536), jnp.float32)
    mf = jnp.concatenate([lo, hi], axis=0)
    out_ref[...] = (mf + sgsht_ref[...]).T


_fadd = pl.pallas_call(
    _fadd_body,
    grid=(T // 512,),
    in_specs=[
        pl.BlockSpec((H2, 512), lambda b: (0, b)),
        pl.BlockSpec((H, 512), lambda b: (0, b)),
    ],
    out_specs=pl.BlockSpec((512, H), lambda b: (b, 0)),
    out_shape=jax.ShapeDtypeStruct((T, H), jnp.float32),
)


def kernel(hidden_states, Wg, We_gate, We_up, We_down,
           Ws_gate, Ws_up, Ws_down, Wsg):
    b, s_, h = hidden_states.shape
    x = hidden_states.reshape(s_, h)
    logits, topw, slots, eid2, xt32 = _router(x, Wg)
    p0 = slots[:, 0]
    p1 = slots[:, 1]
    w0 = topw[:, 0]
    w1 = topw[:, 1]
    eid_arr = eid2.reshape(NBLK_PAD)[:NBLK]
    _sc_scatter, _sc_gather, _sc_combine = _build_sc_kernels()
    src_tok, wslot = _sc_scatter(p0, p1, w0, w1)
    sgsht = _shared(xt32, Ws_gate, Ws_up, Ws_down, Wsg.reshape(H, 1))
    xst32 = _sc_gather(xt32, src_tok)
    eot32 = _moe_mm(eid_arr, xst32, We_gate, We_up, We_down,
                    wslot.reshape(NBLK, 1, BT))
    moet32 = _sc_combine(eot32, p0, p1)
    final = _fadd(moet32, sgsht)
    return final.reshape(b, s_, h), logits

# --- scband reference (transcript-rebuilt; emitter-appended) ---
"""Pipeline reference for scband-mo-tsesparse-experts-layer-55490977464928 (READ-ONLY COPY).

The authoritative reference and input builder live on the scoring server;
editing this copy changes nothing except your own understanding.
"""

import jax, jax.numpy as jnp
import numpy as np

B, S, H = 1, 2048, 768
E, K = 8, 2
I = 2048
MI = I // K


def setup_inputs(seed: int = 0) -> dict:
    key = jax.random.key(seed)
    ks = jax.random.split(key, 9)
    s = 0.02
    return {
        "hidden_states": jax.random.normal(ks[0], (B, S, H), dtype=jnp.float32),
        "Wg": jax.random.normal(ks[1], (E, H), dtype=jnp.float32) * s,
        "We_gate": jax.random.normal(ks[2], (E, MI, H), dtype=jnp.float32) * s,
        "We_up": jax.random.normal(ks[3], (E, MI, H), dtype=jnp.float32) * s,
        "We_down": jax.random.normal(ks[4], (E, H, MI), dtype=jnp.float32) * s,
        "Ws_gate": jax.random.normal(ks[5], (I, H), dtype=jnp.float32) * s,
        "Ws_up": jax.random.normal(ks[6], (I, H), dtype=jnp.float32) * s,
        "Ws_down": jax.random.normal(ks[7], (H, I), dtype=jnp.float32) * s,
        "Wsg": jax.random.normal(ks[8], (1, H), dtype=jnp.float32) * s,
    }


def reference(hidden_states, Wg, We_gate, We_up, We_down, Ws_gate, Ws_up, Ws_down, Wsg):
    b, s_, h = hidden_states.shape
    x = hidden_states.reshape(-1, h)
    # router
    router_logits = x @ Wg.T
    routing_weights = jax.nn.softmax(router_logits.astype(jnp.float32), axis=1)
    topw, sel = jax.lax.top_k(routing_weights, K)
    topw = topw.astype(x.dtype)  # norm_topk_prob=False -> no renorm
    # per-token per-expert combine coefficient (dense equivalent of the
    # torch expert-loop + index_add dispatch; zero coef => zero contribution)
    onehot = jax.nn.one_hot(sel, E, dtype=x.dtype)  # [T, K, E]
    coef = jnp.einsum('tk,tke->te', topw, onehot)   # [T, E]
    # routed experts (SwiGLU blocks)
    g = jnp.einsum('th,eih->tei', x, We_gate)
    u = jnp.einsum('th,eih->tei', x, We_up)
    hact = jax.nn.silu(g) * u
    eo = jnp.einsum('tei,ehi->teh', hact, We_down)
    moe_out = jnp.einsum('te,teh->th', coef, eo)
    # shared expert with sigmoid gate
    shared = (jax.nn.silu(x @ Ws_gate.T) * (x @ Ws_up.T)) @ Ws_down.T
    sg = jax.nn.sigmoid(x @ Wsg.T)
    final = moe_out + sg * shared
    final = final.reshape(b, s_, h)
    return final, router_logits

if __name__ == "__main__":
    import jax
    _d = setup_inputs()
    print(jax.jit(kernel)(*tuple(_d.values())))

</pallas_src>

<mosaic_0001>
#map = affine_map<(d0, d1) -> (0, 0)>
#map1 = affine_map<(d0, d1) -> (0)>
module attributes {stable_mosaic.version = 14 : i64} {
  func.func @_sc_combine_body(%arg0: i32, %arg1: i32, %arg2: memref<384x6144xi32, #tpu.memory_space<hbm>>, %arg3: memref<2048xi32, #tpu.memory_space<hbm>>, %arg4: memref<2048xi32, #tpu.memory_space<hbm>>, %arg5: memref<384x2048xi32, #tpu.memory_space<hbm>>, %arg6: memref<16x6144xi32, #tpu.memory_space<vmem>>, %arg7: memref<1024xi32, #tpu.memory_space<vmem>>, %arg8: memref<1024xi32, #tpu.memory_space<vmem>>, %arg9: memref<16x1024xi32, #tpu.memory_space<vmem>>) attributes {dimension_semantics = [#tpu.dimension_semantics<core_parallel>, #tpu.dimension_semantics<subcore_parallel>], iteration_bounds = array<i64: 2, 16>, scalar_prefetch = 0 : i64, scratch_operands = 4 : i64, tpu.core_type = #tpu.core_type<sc_vector_subcore>, window_params = [{transform_indices = #map}, {transform_indices = #map1}, {transform_indices = #map1}, {transform_indices = #map}]} {
    %mul3A = arith.constant 2 : i32
    %mul3A_0 = arith.muli %arg1, %mul3A : i32
    %add3A = arith.addi %mul3A_0, %arg0 : i32
    %lt3A = arith.constant 24 : i32
    %lt3A_1 = arith.cmpi slt, %add3A, %lt3A : i32
    %convert_element_type3A = arith.extui %lt3A_1 : i1 to i32
    %cond3A = arith.constant 0 : i32
    %cond3A_2 = arith.cmpi ne, %convert_element_type3A, %cond3A : i32
    scf.if %cond3A_2 {
      %mul3A_3 = arith.constant 16 : i32
      %mul3A_4 = arith.muli %add3A, %mul3A_3 : i32
      "tpu.region"() ({
        %run_scoped3A = tpu.sem_alloc : memref<!tpu.dma_semaphore, #tpu.memory_space<semaphore_mem>>
        %dma_start3A = arith.constant 0 : i32
        %dma_start3A_18 = tpu.memref_slice %arg2[%mul3A_4, %dma_start3A] : memref<384x6144xi32, #tpu.memory_space<hbm>> -> memref<16x6144xi32, #tpu.memory_space<hbm>>
        %dma_start3A_19 = arith.constant 0 : i32
        %dma_start3A_20 = tpu.memref_slice %arg2[%mul3A_4, %dma_start3A_19] : memref<384x6144xi32, #tpu.memory_space<hbm>> -> memref<16x6144xi32, #tpu.memory_space<hbm>>
        tpu.enqueue_dma source(%dma_start3A_20 : memref<16x6144xi32, #tpu.memory_space<hbm>>) target(%arg6 : memref<16x6144xi32, #tpu.memory_space<vmem>>) target_semaphore(%run_scoped3A : memref<!tpu.dma_semaphore, #tpu.memory_space<semaphore_mem>>)
        %dma_wait3A = arith.constant 0 : i32
        %dma_wait3A_21 = tpu.memref_slice %arg2[%mul3A_4, %dma_wait3A] : memref<384x6144xi32, #tpu.memory_space<hbm>> -> memref<16x6144xi32, #tpu.memory_space<hbm>>
        %dma_wait3A_22 = arith.constant 0 : i32
        %dma_wait3A_23 = tpu.memref_slice %arg2[%mul3A_4, %dma_wait3A_22] : memref<384x6144xi32, #tpu.memory_space<hbm>> -> memref<16x6144xi32, #tpu.memory_space<hbm>>
        tpu.wait_dma2 semaphore(%run_scoped3A : memref<!tpu.dma_semaphore, #tpu.memory_space<semaphore_mem>>) src(%dma_wait3A_23 : memref<16x6144xi32, #tpu.memory_space<hbm>>) dst(%arg6 : memref<16x6144xi32, #tpu.memory_space<vmem>>)
        tpu.yield
      }) : () -> ()
      "tpu.region"() ({
        %run_scoped3A = tpu.sem_alloc : memref<!tpu.dma_semaphore, #tpu.memory_space<semaphore_mem>>
        %dma_start3A = arith.constant 0 : i32
        %dma_start3A_18 = tpu.memref_slice %arg3[%dma_start3A] : memref<2048xi32, #tpu.memory_space<hbm>> -> memref<1024xi32, #tpu.memory_space<hbm>>
        %dma_start3A_19 = arith.constant 0 : i32
        %dma_start3A_20 = tpu.memref_slice %arg3[%dma_start3A_19] : memref<2048xi32, #tpu.memory_space<hbm>> -> memref<1024xi32, #tpu.memory_space<hbm>>
        tpu.enqueue_dma source(%dma_start3A_20 : memref<1024xi32, #tpu.memory_space<hbm>>) target(%arg7 : memref<1024xi32, #tpu.memory_space<vmem>>) target_semaphore(%run_scoped3A : memref<!tpu.dma_semaphore, #tpu.memory_space<semaphore_mem>>)
        %dma_wait3A = arith.constant 0 : i32
        %dma_wait3A_21 = tpu.memref_slice %arg3[%dma_wait3A] : memref<2048xi32, #tpu.memory_space<hbm>> -> memref<1024xi32, #tpu.memory_space<hbm>>
        %dma_wait3A_22 = arith.constant 0 : i32
        %dma_wait3A_23 = tpu.memref_slice %arg3[%dma_wait3A_22] : memref<2048xi32, #tpu.memory_space<hbm>> -> memref<1024xi32, #tpu.memory_space<hbm>>
        tpu.wait_dma2 semaphore(%run_scoped3A : memref<!tpu.dma_semaphore, #tpu.memory_space<semaphore_mem>>) src(%dma_wait3A_23 : memref<1024xi32, #tpu.memory_space<hbm>>) dst(%arg7 : memref<1024xi32, #tpu.memory_space<vmem>>)
        tpu.yield
      }) : () -> ()
      "tpu.region"() ({
        %run_scoped3A = tpu.sem_alloc : memref<!tpu.dma_semaphore, #tpu.memory_space<semaphore_mem>>
        %dma_start3A = arith.constant 0 : i32
        %dma_start3A_18 = tpu.memref_slice %arg4[%dma_start3A] : memref<2048xi32, #tpu.memory_space<hbm>> -> memref<1024xi32, #tpu.memory_space<hbm>>
        %dma_start3A_19 = arith.constant 0 : i32
        %dma_start3A_20 = tpu.memref_slice %arg4[%dma_start3A_19] : memref<2048xi32, #tpu.memory_space<hbm>> -> memref<1024xi32, #tpu.memory_space<hbm>>
        tpu.enqueue_dma source(%dma_start3A_20 : memref<1024xi32, #tpu.memory_space<hbm>>) target(%arg8 : memref<1024xi32, #tpu.memory_space<vmem>>) target_semaphore(%run_scoped3A : memref<!tpu.dma_semaphore, #tpu.memory_space<semaphore_mem>>)
        %dma_wait3A = arith.constant 0 : i32
        %dma_wait3A_21 = tpu.memref_slice %arg4[%dma_wait3A] : memref<2048xi32, #tpu.memory_space<hbm>> -> memref<1024xi32, #tpu.memory_space<hbm>>
        %dma_wait3A_22 = arith.constant 0 : i32
        %dma_wait3A_23 = tpu.memref_slice %arg4[%dma_wait3A_22] : memref<2048xi32, #tpu.memory_space<hbm>> -> memref<1024xi32, #tpu.memory_space<hbm>>
        tpu.wait_dma2 semaphore(%run_scoped3A : memref<!tpu.dma_semaphore, #tpu.memory_space<semaphore_mem>>) src(%dma_wait3A_23 : memref<1024xi32, #tpu.memory_space<hbm>>) dst(%arg8 : memref<1024xi32, #tpu.memory_space<vmem>>)
        tpu.yield
      }) : () -> ()
      %scan3A = arith.constant 0 : i32
      %scan3A_5 = arith.constant 64 : i32
      %scan3A_6 = arith.addi %scan3A, %scan3A_5 : i32
      %scan3A_7 = arith.constant 4 : i32
      scf.for %scan3A_18 = %scan3A to %scan3A_6 step %scan3A_7  : i32 {
        %mul3A_19 = arith.constant 1 : i32
        %mul3A_20 = arith.muli %scan3A_18, %mul3A_19 : i32
        %add3A_21 = arith.constant 0 : i32
        %add3A_22 = arith.addi %add3A_21, %mul3A_20 : i32
        %mul3A_23 = arith.constant 16 : i32
        %mul3A_24 = arith.muli %add3A_22, %mul3A_23 : i32
        %get3A = arith.index_cast %mul3A_24 : i32 to index
        %get3A_25 = tpu.vector_load %arg7[%get3A] {strides = array<i32>} : memref<1024xi32, #tpu.memory_space<vmem>>, vector<16xi32>,
        %mul3A_26 = arith.constant 16 : i32
        %mul3A_27 = arith.muli %add3A_22, %mul3A_26 : i32
        %get3A_28 = arith.index_cast %mul3A_27 : i32 to index
        %get3A_29 = tpu.vector_load %arg8[%get3A_28] {strides = array<i32>} : memref<1024xi32, #tpu.memory_space<vmem>>, vector<16xi32>,
        %broadcast_in_dim3A = arith.constant 0 : i32
        %broadcast_in_dim3A_30 = vector.broadcast %broadcast_in_dim3A : i32 to vector<16xi32>
        %gather3A = tpu.vector_load_idx %arg6[%broadcast_in_dim3A_30, %get3A_25] : memref<16x6144xi32, #tpu.memory_space<vmem>>[vector<16xi32>, vector<16xi32>], vector<16xi32>,
        %gather3A_31 = tpu.vector_load_idx %arg6[%broadcast_in_dim3A_30, %get3A_29] : memref<16x6144xi32, #tpu.memory_space<vmem>>[vector<16xi32>, vector<16xi32>], vector<16xi32>,
        %bitcast3A = vector.bitcast %gather3A : vector<16xi32> to vector<32xbf16>
        %bitcast3A_32 = vector.bitcast %gather3A_31 : vector<16xi32> to vector<32xbf16>
        %add3A_33 = arith.addf %bitcast3A, %bitcast3A_32 : vector<32xbf16>
        %bitcast3A_34 = vector.bitcast %add3A_33 : vector<32xbf16> to vector<16xi32>
        %mul3A_35 = arith.constant 16 : i32
        %mul3A_36 = arith.muli %add3A_22, %mul3A_35 : i32
        %swap3A = arith.constant 0 : i32
        %swap3A_37 = arith.index_cast %swap3A : i32 to index
        %swap3A_38 = arith.index_cast %mul3A_36 : i32 to index
        %swap3A_39 = tpu.vector_load %arg9[%swap3A_37, %swap3A_38] {strides = array<i32>} : memref<16x1024xi32, #tpu.memory_space<vmem>>, vector<16xi32>,
        tpu.vector_store %arg9[%swap3A_37, %swap3A_38], %bitcast3A_34 {strides = array<i32>} : memref<16x1024xi32, #tpu.memory_space<vmem>>, vector<16xi32>,
        %broadcast_in_dim3A_40 = arith.constant 1 : i32
        %broadcast_in_dim3A_41 = vector.broadcast %broadcast_in_dim3A_40 : i32 to vector<16xi32>
        %gather3A_42 = tpu.vector_load_idx %arg6[%broadcast_in_dim3A_41, %get3A_25] : memref<16x6144xi32, #tpu.memory_space<vmem>>[vector<16xi32>, vector<16xi32>], vector<16xi32>,
        %gather3A_43 = tpu.vector_load_idx %arg6[%broadcast_in_dim3A_41, %get3A_29] : memref<16x6144xi32, #tpu.memory_space<vmem>>[vector<16xi32>, vector<16xi32>], vector<16xi32>,
        %bitcast3A_44 = vector.bitcast %gather3A_42 : vector<16xi32> to vector<32xbf16>
        %bitcast3A_45 = vector.bitcast %gather3A_43 : vector<16xi32> to vector<32xbf16>
        %add3A_46 = arith.addf %bitcast3A_44, %bitcast3A_45 : vector<32xbf16>
        %bitcast3A_47 = vector.bitcast %add3A_46 : vector<32xbf16> to vector<16xi32>
        %mul3A_48 = arith.constant 16 : i32
        %mul3A_49 = arith.muli %add3A_22, %mul3A_48 : i32
        %swap3A_50 = arith.constant 1 : i32
        %swap3A_51 = arith.index_cast %swap3A_50 : i32 to index
        %swap3A_52 = arith.index_cast %mul3A_49 : i32 to index
        %swap3A_53 = tpu.vector_load %arg9[%swap3A_51, %swap3A_52] {strides = array<i32>} : memref<16x1024xi32, #tpu.memory_space<vmem>>, vector<16xi32>,
        tpu.vector_store %arg9[%swap3A_51, %swap3A_52], %bitcast3A_47 {strides = array<i32>} : memref<16x1024xi32, #tpu.memory_space<vmem>>, vector<16xi32>,
        %broadcast_in_dim3A_54 = arith.constant 2 : i32
        %broadcast_in_dim3A_55 = vector.broadcast %broadcast_in_dim3A_54 : i32 to vector<16xi32>
        %gather3A_56 = tpu.vector_load_idx %arg6[%broadcast_in_dim3A_55, %get3A_25] : memref<16x6144xi32, #tpu.memory_space<vmem>>[vector<16xi32>, vector<16xi32>], vector<16xi32>,
        %gather3A_57 = tpu.vector_load_idx %arg6[%broadcast_in_dim3A_55, %get3A_29] : memref<16x6144xi32, #tpu.memory_space<vmem>>[vector<16xi32>, vector<16xi32>], vector<16xi32>,
        %bitcast3A_58 = vector.bitcast %gather3A_56 : vector<16xi32> to vector<32xbf16>
        %bitcast3A_59 = vector.bitcast %gather3A_57 : vector<16xi32> to vector<32xbf16>
        %add3A_60 = arith.addf %bitcast3A_58, %bitcast3A_59 : vector<32xbf16>
        %bitcast3A_61 = vector.bitcast %add3A_60 : vector<32xbf16> to vector<16xi32>
        %mul3A_62 = arith.constant 16 : i32
        %mul3A_63 = arith.muli %add3A_22, %mul3A_62 : i32
        %swap3A_64 = arith.constant 2 : i32
        %swap3A_65 = arith.index_cast %swap3A_64 : i32 to index
        %swap3A_66 = arith.index_cast %mul3A_63 : i32 to index
        %swap3A_67 = tpu.vector_load %arg9[%swap3A_65, %swap3A_66] {strides = array<i32>} : memref<16x1024xi32, #tpu.memory_space<vmem>>, vector<16xi32>,
        tpu.vector_store %arg9[%swap3A_65, %swap3A_66], %bitcast3A_61 {strides = array<i32>} : memref<16x1024xi32, #tpu.memory_space<vmem>>, vector<16xi32>,
        %broadcast_in_dim3A_68 = arith.constant 3 : i32
        %broadcast_in_dim3A_69 = vector.broadcast %broadcast_in_dim3A_68 : i32 to vector<16xi32>
        %gather3A_70 = tpu.vector_load_idx %arg6[%broadcast_in_dim3A_69, %get3A_25] : memref<16x6144xi32, #tpu.memory_space<vmem>>[vector<16xi32>, vector<16xi32>], vector<16xi32>,
        %gather3A_71 = tpu.vector_load_idx %arg6[%broadcast_in_dim3A_69, %get3A_29] : memref<16x6144xi32, #tpu.memory_space<vmem>>[vector<16xi32>, vector<16xi32>], vector<16xi32>,
        %bitcast3A_72 = vector.bitcast %gather3A_70 : vector<16xi32> to vector<32xbf16>
        %bitcast3A_73 = vector.bitcast %gather3A_71 : vector<16xi32> to vector<32xbf16>
        %add3A_74 = arith.addf %bitcast3A_72, %bitcast3A_73 : vector<32xbf16>
        %bitcast3A_75 = vector.bitcast %add3A_74 : vector<32xbf16> to vector<16xi32>
        %mul3A_76 = arith.constant 16 : i32
        %mul3A_77 = arith.muli %add3A_22, %mul3A_76 : i32
        %swap3A_78 = arith.constant 3 : i32
        %swap3A_79 = arith.index_cast %swap3A_78 : i32 to index
        %swap3A_80 = arith.index_cast %mul3A_77 : i32 to index
        %swap3A_81 = tpu.vector_load %arg9[%swap3A_79, %swap3A_80] {strides = array<i32>} : memref<16x1024xi32, #tpu.memory_space<vmem>>, vector<16xi32>,
        tpu.vector_store %arg9[%swap3A_79, %swap3A_80], %bitcast3A_75 {strides = array<i32>} : memref<16x1024xi32, #tpu.memory_space<vmem>>, vector<16xi32>,
        %broadcast_in_dim3A_82 = arith.constant 4 : i32
        %broadcast_in_dim3A_83 = vector.broadcast %broadcast_in_dim3A_82 : i32 to vector<16xi32>
        %gather3A_84 = tpu.vector_load_idx %arg6[%broadcast_in_dim3A_83, %get3A_25] : memref<16x6144xi32, #tpu.memory_space<vmem>>[vector<16xi32>, vector<16xi32>], vector<16xi32>,
        %gather3A_85 = tpu.vector_load_idx %arg6[%broadcast_in_dim3A_83, %get3A_29] : memref<16x6144xi32, #tpu.memory_space<vmem>>[vector<16xi32>, vector<16xi32>], vector<16xi32>,
        %bitcast3A_86 = vector.bitcast %gather3A_84 : vector<16xi32> to vector<32xbf16>
        %bitcast3A_87 = vector.bitcast %gather3A_85 : vector<16xi32> to vector<32xbf16>
        %add3A_88 = arith.addf %bitcast3A_86, %bitcast3A_87 : vector<32xbf16>
        %bitcast3A_89 = vector.bitcast %add3A_88 : vector<32xbf16> to vector<16xi32>
        %mul3A_90 = arith.constant 16 : i32
        %mul3A_91 = arith.muli %add3A_22, %mul3A_90 : i32
        %swap3A_92 = arith.constant 4 : i32
        %swap3A_93 = arith.index_cast %swap3A_92 : i32 to index
        %swap3A_94 = arith.index_cast %mul3A_91 : i32 to index
        %swap3A_95 = tpu.vector_load %arg9[%swap3A_93, %swap3A_94] {strides = array<i32>} : memref<16x1024xi32, #tpu.memory_space<vmem>>, vector<16xi32>,
        tpu.vector_store %arg9[%swap3A_93, %swap3A_94], %bitcast3A_89 {strides = array<i32>} : memref<16x1024xi32, #tpu.memory_space<vmem>>, vector<16xi32>,
        %broadcast_in_dim3A_96 = arith.constant 5 : i32
        %broadcast_in_dim3A_97 = vector.broadcast %broadcast_in_dim3A_96 : i32 to vector<16xi32>
        %gather3A_98 = tpu.vector_load_idx %arg6[%broadcast_in_dim3A_97, %get3A_25] : memref<16x6144xi32, #tpu.memory_space<vmem>>[vector<16xi32>, vector<16xi32>], vector<16xi32>,
        %gather3A_99 = tpu.vector_load_idx %arg6[%broadcast_in_dim3A_97, %get3A_29] : memref<16x6144xi32, #tpu.memory_space<vmem>>[vector<16xi32>, vector<16xi32>], vector<16xi32>,
        %bitcast3A_100 = vector.bitcast %gather3A_98 : vector<16xi32> to vector<32xbf16>
        %bitcast3A_101 = vector.bitcast %gather3A_99 : vector<16xi32> to vector<32xbf16>
        %add3A_102 = arith.addf %bitcast3A_100, %bitcast3A_101 : vector<32xbf16>
        %bitcast3A_103 = vector.bitcast %add3A_102 : vector<32xbf16> to vector<16xi32>
        %mul3A_104 = arith.constant 16 : i32
        %mul3A_105 = arith.muli %add3A_22, %mul3A_104 : i32
        %swap3A_106 = arith.constant 5 : i32
        %swap3A_107 = arith.index_cast %swap3A_106 : i32 to index
        %swap3A_108 = arith.index_cast %mul3A_105 : i32 to index
        %swap3A_109 = tpu.vector_load %arg9[%swap3A_107, %swap3A_108] {strides = array<i32>} : memref<16x1024xi32, #tpu.memory_space<vmem>>, vector<16xi32>,
        tpu.vector_store %arg9[%swap3A_107, %swap3A_108], %bitcast3A_103 {strides = array<i32>} : memref<16x1024xi32, #tpu.memory_space<vmem>>, vector<16xi32>,
        %broadcast_in_dim3A_110 = arith.constant 6 : i32
        %broadcast_in_dim3A_111 = vector.broadcast %broadcast_in_dim3A_110 : i32 to vector<16xi32>
        %gather3A_112 = tpu.vector_load_idx %arg6[%broadcast_in_dim3A_111, %get3A_25] : memref<16x6144xi32, #tpu.memory_space<vmem>>[vector<16xi32>, vector<16xi32>], vector<16xi32>,
        %gather3A_113 = tpu.vector_load_idx %arg6[%broadcast_in_dim3A_111, %get3A_29] : memref<16x6144xi32, #tpu.memory_space<vmem>>[vector<16xi32>, vector<16xi32>], vector<16xi32>,
        %bitcast3A_114 = vector.bitcast %gather3A_112 : vector<16xi32> to vector<32xbf16>
        %bitcast3A_115 = vector.bitcast %gather3A_113 : vector<16xi32> to vector<32xbf16>
        %add3A_116 = arith.addf %bitcast3A_114, %bitcast3A_115 : vector<32xbf16>
        %bitcast3A_117 = vector.bitcast %add3A_116 : vector<32xbf16> to vector<16xi32>
        %mul3A_118 = arith.constant 16 : i32
        %mul3A_119 = arith.muli %add3A_22, %mul3A_118 : i32
        %swap3A_120 = arith.constant 6 : i32
        %swap3A_121 = arith.index_cast %swap3A_120 : i32 to index
        %swap3A_122 = arith.index_cast %mul3A_119 : i32 to index
        %swap3A_123 = tpu.vector_load %arg9[%swap3A_121, %swap3A_122] {strides = array<i32>} : memref<16x1024xi32, #tpu.memory_space<vmem>>, vector<16xi32>,
        tpu.vector_store %arg9[%swap3A_121, %swap3A_122], %bitcast3A_117 {strides = array<i32>} : memref<16x1024xi32, #tpu.memory_space<vmem>>, vector<16xi32>,
        %broadcast_in_dim3A_124 = arith.constant 7 : i32
        %broadcast_in_dim3A_125 = vector.broadcast %broadcast_in_dim3A_124 : i32 to vector<16xi32>
        %gather3A_126 = tpu.vector_load_idx %arg6[%broadcast_in_dim3A_125, %get3A_25] : memref<16x6144xi32, #tpu.memory_space<vmem>>[vector<16xi32>, vector<16xi32>], vector<16xi32>,
        %gather3A_127 = tpu.vector_load_idx %arg6[%broadcast_in_dim3A_125, %get3A_29] : memref<16x6144xi32, #tpu.memory_space<vmem>>[vector<16xi32>, vector<16xi32>], vector<16xi32>,
        %bitcast3A_128 = vector.bitcast %gather3A_126 : vector<16xi32> to vector<32xbf16>
        %bitcast3A_129 = vector.bitcast %gather3A_127 : vector<16xi32> to vector<32xbf16>
        %add3A_130 = arith.addf %bitcast3A_128, %bitcast3A_129 : vector<32xbf16>
        %bitcast3A_131 = vector.bitcast %add3A_130 : vector<32xbf16> to vector<16xi32>
        %mul3A_132 = arith.constant 16 : i32
        %mul3A_133 = arith.muli %add3A_22, %mul3A_132 : i32
        %swap3A_134 = arith.constant 7 : i32
        %swap3A_135 = arith.index_cast %swap3A_134 : i32 to index
        %swap3A_136 = arith.index_cast %mul3A_133 : i32 to index
        %swap3A_137 = tpu.vector_load %arg9[%swap3A_135, %swap3A_136] {strides = array<i32>} : memref<16x1024xi32, #tpu.memory_space<vmem>>, vector<16xi32>,
        tpu.vector_store %arg9[%swap3A_135, %swap3A_136], %bitcast3A_131 {strides = array<i32>} : memref<16x1024xi32, #tpu.memory_space<vmem>>, vector<16xi32>,
        %broadcast_in_dim3A_138 = arith.constant 8 : i32
        %broadcast_in_dim3A_139 = vector.broadcast %broadcast_in_dim3A_138 : i32 to vector<16xi32>
        %gather3A_140 = tpu.vector_load_idx %arg6[%broadcast_in_dim3A_139, %get3A_25] : memref<16x6144xi32, #tpu.memory_space<vmem>>[vector<16xi32>, vector<16xi32>], vector<16xi32>,
        %gather3A_141 = tpu.vector_load_idx %arg6[%broadcast_in_dim3A_139, %get3A_29] : memref<16x6144xi32, #tpu.memory_space<vmem>>[vector<16xi32>, vector<16xi32>], vector<16xi32>,
        %bitcast3A_142 = vector.bitcast %gather3A_140 : vector<16xi32> to vector<32xbf16>
        %bitcast3A_143 = vector.bitcast %gather3A_141 : vector<16xi32> to vector<32xbf16>
        %add3A_144 = arith.addf %bitcast3A_142, %bitcast3A_143 : vector<32xbf16>
        %bitcast3A_145 = vector.bitcast %add3A_144 : vector<32xbf16> to vector<16xi32>
        %mul3A_146 = arith.constant 16 : i32
        %mul3A_147 = arith.muli %add3A_22, %mul3A_146 : i32
        %swap3A_148 = arith.constant 8 : i32
        %swap3A_149 = arith.index_cast %swap3A_148 : i32 to index
        %swap3A_150 = arith.index_cast %mul3A_147 : i32 to index
        %swap3A_151 = tpu.vector_load %arg9[%swap3A_149, %swap3A_150] {strides = array<i32>} : memref<16x1024xi32, #tpu.memory_space<vmem>>, vector<16xi32>,
        tpu.vector_store %arg9[%swap3A_149, %swap3A_150], %bitcast3A_145 {strides = array<i32>} : memref<16x1024xi32, #tpu.memory_space<vmem>>, vector<16xi32>,
        %broadcast_in_dim3A_152 = arith.constant 9 : i32
        %broadcast_in_dim3A_153 = vector.broadcast %broadcast_in_dim3A_152 : i32 to vector<16xi32>
        %gather3A_154 = tpu.vector_load_idx %arg6[%broadcast_in_dim3A_153, %get3A_25] : memref<16x6144xi32, #tpu.memory_space<vmem>>[vector<16xi32>, vector<16xi32>], vector<16xi32>,
        %gather3A_155 = tpu.vector_load_idx %arg6[%broadcast_in_dim3A_153, %get3A_29] : memref<16x6144xi32, #tpu.memory_space<vmem>>[vector<16xi32>, vector<16xi32>], vector<16xi32>,
        %bitcast3A_156 = vector.bitcast %gather3A_154 : vector<16xi32> to vector<32xbf16>
        %bitcast3A_157 = vector.bitcast %gather3A_155 : vector<16xi32> to vector<32xbf16>
        %add3A_158 = arith.addf %bitcast3A_156, %bitcast3A_157 : vector<32xbf16>
        %bitcast3A_159 = vector.bitcast %add3A_158 : vector<32xbf16> to vector<16xi32>
        %mul3A_160 = arith.constant 16 : i32
        %mul3A_161 = arith.muli %add3A_22, %mul3A_160 : i32
        %swap3A_162 = arith.constant 9 : i32
        %swap3A_163 = arith.index_cast %swap3A_162 : i32 to index
        %swap3A_164 = arith.index_cast %mul3A_161 : i32 to index
        %swap3A_165 = tpu.vector_load %arg9[%swap3A_163, %swap3A_164] {strides = array<i32>} : memref<16x1024xi32, #tpu.memory_space<vmem>>, vector<16xi32>,
        tpu.vector_store %arg9[%swap3A_163, %swap3A_164], %bitcast3A_159 {strides = array<i32>} : memref<16x1024xi32, #tpu.memory_space<vmem>>, vector<16xi32>,
        %broadcast_in_dim3A_166 = arith.constant 10 : i32
        %broadcast_in_dim3A_167 = vector.broadcast %broadcast_in_dim3A_166 : i32 to vector<16xi32>
        %gather3A_168 = tpu.vector_load_idx %arg6[%broadcast_in_dim3A_167, %get3A_25] : memref<16x6144xi32, #tpu.memory_space<vmem>>[vector<16xi32>, vector<16xi32>], vector<16xi32>,
        %gather3A_169 = tpu.vector_load_idx %arg6[%broadcast_in_dim3A_167, %get3A_29] : memref<16x6144xi32, #tpu.memory_space<vmem>>[vector<16xi32>, vector<16xi32>], vector<16xi32>,
        %bitcast3A_170 = vector.bitcast %gather3A_168 : vector<16xi32> to vector<32xbf16>
        %bitcast3A_171 = vector.bitcast %gather3A_169 : vector<16xi32> to vector<32xbf16>
        %add3A_172 = arith.addf %bitcast3A_170, %bitcast3A_171 : vector<32xbf16>
        %bitcast3A_173 = vector.bitcast %add3A_172 : vector<32xbf16> to vector<16xi32>
        %mul3A_174 = arith.constant 16 : i32
        %mul3A_175 = arith.muli %add3A_22, %mul3A_174 : i32
        %swap3A_176 = arith.constant 10 : i32
        %swap3A_177 = arith.index_cast %swap3A_176 : i32 to index
        %swap3A_178 = arith.index_cast %mul3A_175 : i32 to index
        %swap3A_179 = tpu.vector_load %arg9[%swap3A_177, %swap3A_178] {strides = array<i32>} : memref<16x1024xi32, #tpu.memory_space<vmem>>, vector<16xi32>,
        tpu.vector_store %arg9[%swap3A_177, %swap3A_178], %bitcast3A_173 {strides = array<i32>} : memref<16x1024xi32, #tpu.memory_space<vmem>>, vector<16xi32>,
        %broadcast_in_dim3A_180 = arith.constant 11 : i32
        %broadcast_in_dim3A_181 = vector.broadcast %broadcast_in_dim3A_180 : i32 to vector<16xi32>
        %gather3A_182 = tpu.vector_load_idx %arg6[%broadcast_in_dim3A_181, %get3A_25] : memref<16x6144xi32, #tpu.memory_space<vmem>>[vector<16xi32>, vector<16xi32>], vector<16xi32>,
        %gather3A_183 = tpu.vector_load_idx %arg6[%broadcast_in_dim3A_181, %get3A_29] : memref<16x6144xi32, #tpu.memory_space<vmem>>[vector<16xi32>, vector<16xi32>], vector<16xi32>,
        %bitcast3A_184 = vector.bitcast %gather3A_182 : vector<16xi32> to vector<32xbf16>
        %bitcast3A_185 = vector.bitcast %gather3A_183 : vector<16xi32> to vector<32xbf16>
        %add3A_186 = arith.addf %bitcast3A_184, %bitcast3A_185 : vector<32xbf16>
        %bitcast3A_187 = vector.bitcast %add3A_186 : vector<32xbf16> to vector<16xi32>
        %mul3A_188 = arith.constant 16 : i32
        %mul3A_189 = arith.muli %add3A_22, %mul3A_188 : i32
        %swap3A_190 = arith.constant 11 : i32
        %swap3A_191 = arith.index_cast %swap3A_190 : i32 to index
        %swap3A_192 = arith.index_cast %mul3A_189 : i32 to index
        %swap3A_193 = tpu.vector_load %arg9[%swap3A_191, %swap3A_192] {strides = array<i32>} : memref<16x1024xi32, #tpu.memory_space<vmem>>, vector<16xi32>,
        tpu.vector_store %arg9[%swap3A_191, %swap3A_192], %bitcast3A_187 {strides = array<i32>} : memref<16x1024xi32, #tpu.memory_space<vmem>>, vector<16xi32>,
        %broadcast_in_dim3A_194 = arith.constant 12 : i32
        %broadcast_in_dim3A_195 = vector.broadcast %broadcast_in_dim3A_194 : i32 to vector<16xi32>
        %gather3A_196 = tpu.vector_load_idx %arg6[%broadcast_in_dim3A_195, %get3A_25] : memref<16x6144xi32, #tpu.memory_space<vmem>>[vector<16xi32>, vector<16xi32>], vector<16xi32>,
        %gather3A_197 = tpu.vector_load_idx %arg6[%broadcast_in_dim3A_195, %get3A_29] : memref<16x6144xi32, #tpu.memory_space<vmem>>[vector<16xi32>, vector<16xi32>], vector<16xi32>,
        %bitcast3A_198 = vector.bitcast %gather3A_196 : vector<16xi32> to vector<32xbf16>
        %bitcast3A_199 = vector.bitcast %gather3A_197 : vector<16xi32> to vector<32xbf16>
        %add3A_200 = arith.addf %bitcast3A_198, %bitcast3A_199 : vector<32xbf16>
        %bitcast3A_201 = vector.bitcast %add3A_200 : vector<32xbf16> to vector<16xi32>
        %mul3A_202 = arith.constant 16 : i32
        %mul3A_203 = arith.muli %add3A_22, %mul3A_202 : i32
        %swap3A_204 = arith.constant 12 : i32
        %swap3A_205 = arith.index_cast %swap3A_204 : i32 to index
        %swap3A_206 = arith.index_cast %mul3A_203 : i32 to index
        %swap3A_207 = tpu.vector_load %arg9[%swap3A_205, %swap3A_206] {strides = array<i32>} : memref<16x1024xi32, #tpu.memory_space<vmem>>, vector<16xi32>,
        tpu.vector_store %arg9[%swap3A_205, %swap3A_206], %bitcast3A_201 {strides = array<i32>} : memref<16x1024xi32, #tpu.memory_space<vmem>>, vector<16xi32>,
        %broadcast_in_dim3A_208 = arith.constant 13 : i32
        %broadcast_in_dim3A_209 = vector.broadcast %broadcast_in_dim3A_208 : i32 to vector<16xi32>
        %gather3A_210 = tpu.vector_load_idx %arg6[%broadcast_in_dim3A_209, %get3A_25] : memref<16x6144xi32, #tpu.memory_space<vmem>>[vector<16xi32>, vector<16xi32>], vector<16xi32>,
        %gather3A_211 = tpu.vector_load_idx %arg6[%broadcast_in_dim3A_209, %get3A_29] : memref<16x6144xi32, #tpu.memory_space<vmem>>[vector<16xi32>, vector<16xi32>], vector<16xi32>,
        %bitcast3A_212 = vector.bitcast %gather3A_210 : vector<16xi32> to vector<32xbf16>
        %bitcast3A_213 = vector.bitcast %gather3A_211 : vector<16xi32> to vector<32xbf16>
        %add3A_214 = arith.addf %bitcast3A_212, %bitcast3A_213 : vector<32xbf16>
        %bitcast3A_215 = vector.bitcast %add3A_214 : vector<32xbf16> to vector<16xi32>
        %mul3A_216 = arith.constant 16 : i32
        %mul3A_217 = arith.muli %add3A_22, %mul3A_216 : i32
        %swap3A_218 = arith.constant 13 : i32
        %swap3A_219 = arith.index_cast %swap3A_218 : i32 to index
        %swap3A_220 = arith.index_cast %mul3A_217 : i32 to index
        %swap3A_221 = tpu.vector_load %arg9[%swap3A_219, %swap3A_220] {strides = array<i32>} : memref<16x1024xi32, #tpu.memory_space<vmem>>, vector<16xi32>,
        tpu.vector_store %arg9[%swap3A_219, %swap3A_220], %bitcast3A_215 {strides = array<i32>} : memref<16x1024xi32, #tpu.memory_space<vmem>>, vector<16xi32>,
        %broadcast_in_dim3A_222 = arith.constant 14 : i32
        %broadcast_in_dim3A_223 = vector.broadcast %broadcast_in_dim3A_222 : i32 to vector<16xi32>
        %gather3A_224 = tpu.vector_load_idx %arg6[%broadcast_in_dim3A_223, %get3A_25] : memref<16x6144xi32, #tpu.memory_space<vmem>>[vector<16xi32>, vector<16xi32>], vector<16xi32>,
        %gather3A_225 = tpu.vector_load_idx %arg6[%broadcast_in_dim3A_223, %get3A_29] : memref<16x6144xi32, #tpu.memory_space<vmem>>[vector<16xi32>, vector<16xi32>], vector<16xi32>,
        %bitcast3A_226 = vector.bitcast %gather3A_224 : vector<16xi32> to vector<32xbf16>
        %bitcast3A_227 = vector.bitcast %gather3A_225 : vector<16xi32> to vector<32xbf16>
        %add3A_228 = arith.addf %bitcast3A_226, %bitcast3A_227 : vector<32xbf16>
        %bitcast3A_229 = vector.bitcast %add3A_228 : vector<32xbf16> to vector<16xi32>
        %mul3A_230 = arith.constant 16 : i32
        %mul3A_231 = arith.muli %add3A_22, %mul3A_230 : i32
        %swap3A_232 = arith.constant 14 : i32
        %swap3A_233 = arith.index_cast %swap3A_232 : i32 to index
        %swap3A_234 = arith.index_cast %mul3A_231 : i32 to index
        %swap3A_235 = tpu.vector_load %arg9[%swap3A_233, %swap3A_234] {strides = array<i32>} : memref<16x1024xi32, #tpu.memory_space<vmem>>, vector<16xi32>,
        tpu.vector_store %arg9[%swap3A_233, %swap3A_234], %bitcast3A_229 {strides = array<i32>} : memref<16x1024xi32, #tpu.memory_space<vmem>>, vector<16xi32>,
        %broadcast_in_dim3A_236 = arith.constant 15 : i32
        %broadcast_in_dim3A_237 = vector.broadcast %broadcast_in_dim3A_236 : i32 to vector<16xi32>
        %gather3A_238 = tpu.vector_load_idx %arg6[%broadcast_in_dim3A_237, %get3A_25] : memref<16x6144xi32, #tpu.memory_space<vmem>>[vector<16xi32>, vector<16xi32>], vector<16xi32>,
        %gather3A_239 = tpu.vector_load_idx %arg6[%broadcast_in_dim3A_237, %get3A_29] : memref<16x6144xi32, #tpu.memory_space<vmem>>[vector<16xi32>, vector<16xi32>], vector<16xi32>,
        %bitcast3A_240 = vector.bitcast %gather3A_238 : vector<16xi32> to vector<32xbf16>
        %bitcast3A_241 = vector.bitcast %gather3A_239 : vector<16xi32> to vector<32xbf16>
        %add3A_242 = arith.addf %bitcast3A_240, %bitcast3A_241 : vector<32xbf16>
        %bitcast3A_243 = vector.bitcast %add3A_242 : vector<32xbf16> to vector<16xi32>
        %mul3A_244 = arith.constant 16 : i32
        %mul3A_245 = arith.muli %add3A_22, %mul3A_244 : i32
        %swap3A_246 = arith.constant 15 : i32
        %swap3A_247 = arith.index_cast %swap3A_246 : i32 to index
        %swap3A_248 = arith.index_cast %mul3A_245 : i32 to index
        %swap3A_249 = tpu.vector_load %arg9[%swap3A_247, %swap3A_248] {strides = array<i32>} : memref<16x1024xi32, #tpu.memory_space<vmem>>, vector<16xi32>,
        tpu.vector_store %arg9[%swap3A_247, %swap3A_248], %bitcast3A_243 {strides = array<i32>} : memref<16x1024xi32, #tpu.memory_space<vmem>>, vector<16xi32>,
        %scan3A_250 = arith.constant 1 : i32
        %scan3A_251 = arith.addi %scan3A_18, %scan3A_250 : i32
        %mul3A_252 = arith.constant 1 : i32
        %mul3A_253 = arith.muli %scan3A_251, %mul3A_252 : i32
        %add3A_254 = arith.constant 0 : i32
        %add3A_255 = arith.addi %add3A_254, %mul3A_253 : i32
        %mul3A_256 = arith.constant 16 : i32
        %mul3A_257 = arith.muli %add3A_255, %mul3A_256 : i32
        %get3A_258 = arith.index_cast %mul3A_257 : i32 to index
        %get3A_259 = tpu.vector_load %arg7[%get3A_258] {strides = array<i32>} : memref<1024xi32, #tpu.memory_space<vmem>>, vector<16xi32>,
        %mul3A_260 = arith.constant 16 : i32
        %mul3A_261 = arith.muli %add3A_255, %mul3A_260 : i32
        %get3A_262 = arith.index_cast %mul3A_261 : i32 to index
        %get3A_263 = tpu.vector_load %arg8[%get3A_262] {strides = array<i32>} : memref<1024xi32, #tpu.memory_space<vmem>>, vector<16xi32>,
        %broadcast_in_dim3A_264 = arith.constant 0 : i32
        %broadcast_in_dim3A_265 = vector.broadcast %broadcast_in_dim3A_264 : i32 to vector<16xi32>
        %gather3A_266 = tpu.vector_load_idx %arg6[%broadcast_in_dim3A_265, %get3A_259] : memref<16x6144xi32, #tpu.memory_space<vmem>>[vector<16xi32>, vector<16xi32>], vector<16xi32>,
        %gather3A_267 = tpu.vector_load_idx %arg6[%broadcast_in_dim3A_265, %get3A_263] : memref<16x6144xi32, #tpu.memory_space<vmem>>[vector<16xi32>, vector<16xi32>], vector<16xi32>,
        %bitcast3A_268 = vector.bitcast %gather3A_266 : vector<16xi32> to vector<32xbf16>
        %bitcast3A_269 = vector.bitcast %gather3A_267 : vector<16xi32> to vector<32xbf16>
        %add3A_270 = arith.addf %bitcast3A_268, %bitcast3A_269 : vector<32xbf16>
        %bitcast3A_271 = vector.bitcast %add3A_270 : vector<32xbf16> to vector<16xi32>
        %mul3A_272 = arith.constant 16 : i32
        %mul3A_273 = arith.muli %add3A_255, %mul3A_272 : i32
        %swap3A_274 = arith.constant 0 : i32
        %swap3A_275 = arith.index_cast %swap3A_274 : i32 to index
        %swap3A_276 = arith.index_cast %mul3A_273 : i32 to index
        %swap3A_277 = tpu.vector_load %arg9[%swap3A_275, %swap3A_276] {strides = array<i32>} : memref<16x1024xi32, #tpu.memory_space<vmem>>, vector<16xi32>,
        tpu.vector_store %arg9[%swap3A_275, %swap3A_276], %bitcast3A_271 {strides = array<i32>} : memref<16x1024xi32, #tpu.memory_space<vmem>>, vector<16xi32>,
        %broadcast_in_dim3A_278 = arith.constant 1 : i32
        %broadcast_in_dim3A_279 = vector.broadcast %broadcast_in_dim3A_278 : i32 to vector<16xi32>
        %gather3A_280 = tpu.vector_load_idx %arg6[%broadcast_in_dim3A_279, %get3A_259] : memref<16x6144xi32, #tpu.memory_space<vmem>>[vector<16xi32>, vector<16xi32>], vector<16xi32>,
        %gather3A_281 = tpu.vector_load_idx %arg6[%broadcast_in_dim3A_279, %get3A_263] : memref<16x6144xi32, #tpu.memory_space<vmem>>[vector<16xi32>, vector<16xi32>], vector<16xi32>,
        %bitcast3A_282 = vector.bitcast %gather3A_280 : vector<16xi32> to vector<32xbf16>
        %bitcast3A_283 = vector.bitcast %gather3A_281 : vector<16xi32> to vector<32xbf16>
        %add3A_284 = arith.addf %bitcast3A_282, %bitcast3A_283 : vector<32xbf16>
        %bitcast3A_285 = vector.bitcast %add3A_284 : vector<32xbf16> to vector<16xi32>
        %mul3A_286 = arith.constant 16 : i32
        %mul3A_287 = arith.muli %add3A_255, %mul3A_286 : i32
        %swap3A_288 = arith.constant 1 : i32
        %swap3A_289 = arith.index_cast %swap3A_288 : i32 to index
        %swap3A_290 = arith.index_cast %mul3A_287 : i32 to index
        %swap3A_291 = tpu.vector_load %arg9[%swap3A_289, %swap3A_290] {strides = array<i32>} : memref<16x1024xi32, #tpu.memory_space<vmem>>, vector<16xi32>,
        tpu.vector_store %arg9[%swap3A_289, %swap3A_290], %bitcast3A_285 {strides = array<i32>} : memref<16x1024xi32, #tpu.memory_space<vmem>>, vector<16xi32>,
        %broadcast_in_dim3A_292 = arith.constant 2 : i32
        %broadcast_in_dim3A_293 = vector.broadcast %broadcast_in_dim3A_292 : i32 to vector<16xi32>
        %gather3A_294 = tpu.vector_load_idx %arg6[%broadcast_in_dim3A_293, %get3A_259] : memref<16x6144xi32, #tpu.memory_space<vmem>>[vector<16xi32>, vector<16xi32>], vector<16xi32>,
        %gather3A_295 = tpu.vector_load_idx %arg6[%broadcast_in_dim3A_293, %get3A_263] : memref<16x6144xi32, #tpu.memory_space<vmem>>[vector<16xi32>, vector<16xi32>], vector<16xi32>,
        %bitcast3A_296 = vector.bitcast %gather3A_294 : vector<16xi32> to vector<32xbf16>
        %bitcast3A_297 = vector.bitcast %gather3A_295 : vector<16xi32> to vector<32xbf16>
        %add3A_298 = arith.addf %bitcast3A_296, %bitcast3A_297 : vector<32xbf16>
        %bitcast3A_299 = vector.bitcast %add3A_298 : vector<32xbf16> to vector<16xi32>
        %mul3A_300 = arith.constant 16 : i32
        %mul3A_301 = arith.muli %add3A_255, %mul3A_300 : i32
        %swap3A_302 = arith.constant 2 : i32
        %swap3A_303 = arith.index_cast %swap3A_302 : i32 to index
        %swap3A_304 = arith.index_cast %mul3A_301 : i32 to index
        %swap3A_305 = tpu.vector_load %arg9[%swap3A_303, %swap3A_304] {strides = array<i32>} : memref<16x1024xi32, #tpu.memory_space<vmem>>, vector<16xi32>,
        tpu.vector_store %arg9[%swap3A_303, %swap3A_304], %bitcast3A_299 {strides = array<i32>} : memref<16x1024xi32, #tpu.memory_space<vmem>>, vector<16xi32>,
        %broadcast_in_dim3A_306 = arith.constant 3 : i32
        %broadcast_in_dim3A_307 = vector.broadcast %broadcast_in_dim3A_306 : i32 to vector<16xi32>
        %gather3A_308 = tpu.vector_load_idx %arg6[%broadcast_in_dim3A_307, %get3A_259] : memref<16x6144xi32, #tpu.memory_space<vmem>>[vector<16xi32>, vector<16xi32>], vector<16xi32>,
        %gather3A_309 = tpu.vector_load_idx %arg6[%broadcast_in_dim3A_307, %get3A_263] : memref<16x6144xi32, #tpu.memory_space<vmem>>[vector<16xi32>, vector<16xi32>], vector<16xi32>,
        %bitcast3A_310 = vector.bitcast %gather3A_308 : vector<16xi32> to vector<32xbf16>
        %bitcast3A_311 = vector.bitcast %gather3A_309 : vector<16xi32> to vector<32xbf16>
        %add3A_312 = arith.addf %bitcast3A_310, %bitcast3A_311 : vector<32xbf16>
        %bitcast3A_313 = vector.bitcast %add3A_312 : vector<32xbf16> to vector<16xi32>
        %mul3A_314 = arith.constant 16 : i32
        %mul3A_315 = arith.muli %add3A_255, %mul3A_314 : i32
        %swap3A_316 = arith.constant 3 : i32
        %swap3A_317 = arith.index_cast %swap3A_316 : i32 to index
        %swap3A_318 = arith.index_cast %mul3A_315 : i32 to index
        %swap3A_319 = tpu.vector_load %arg9[%swap3A_317, %swap3A_318] {strides = array<i32>} : memref<16x1024xi32, #tpu.memory_space<vmem>>, vector<16xi32>,
        tpu.vector_store %arg9[%swap3A_317, %swap3A_318], %bitcast3A_313 {strides = array<i32>} : memref<16x1024xi32, #tpu.memory_space<vmem>>, vector<16xi32>,
        %broadcast_in_dim3A_320 = arith.constant 4 : i32
        %broadcast_in_dim3A_321 = vector.broadcast %broadcast_in_dim3A_320 : i32 to vector<16xi32>
        %gather3A_322 = tpu.vector_load_idx %arg6[%broadcast_in_dim3A_321, %get3A_259] : memref<16x6144xi32, #tpu.memory_space<vmem>>[vector<16xi32>, vector<16xi32>], vector<16xi32>,
        %gather3A_323 = tpu.vector_load_idx %arg6[%broadcast_in_dim3A_321, %get3A_263] : memref<16x6144xi32, #tpu.memory_space<vmem>>[vector<16xi32>, vector<16xi32>], vector<16xi32>,
        %bitcast3A_324 = vector.bitcast %gather3A_322 : vector<16xi32> to vector<32xbf16>
        %bitcast3A_325 = vector.bitcast %gather3A_323 : vector<16xi32> to vector<32xbf16>
        %add3A_326 = arith.addf %bitcast3A_324, %bitcast3A_325 : vector<32xbf16>
        %bitcast3A_327 = vector.bitcast %add3A_326 : vector<32xbf16> to vector<16xi32>
        %mul3A_328 = arith.constant 16 : i32
        %mul3A_329 = arith.muli %add3A_255, %mul3A_328 : i32
        %swap3A_330 = arith.constant 4 : i32
        %swap3A_331 = arith.index_cast %swap3A_330 : i32 to index
        %swap3A_332 = arith.index_cast %mul3A_329 : i32 to index
        %swap3A_333 = tpu.vector_load %arg9[%swap3A_331, %swap3A_332] {strides = array<i32>} : memref<16x1024xi32, #tpu.memory_space<vmem>>, vector<16xi32>,
        tpu.vector_store %arg9[%swap3A_331, %swap3A_332], %bitcast3A_327 {strides = array<i32>} : memref<16x1024xi32, #tpu.memory_space<vmem>>, vector<16xi32>,
        %broadcast_in_dim3A_334 = arith.constant 5 : i32
        %broadcast_in_dim3A_335 = vector.broadcast %broadcast_in_dim3A_334 : i32 to vector<16xi32>
        %gather3A_336 = tpu.vector_load_idx %arg6[%broadcast_in_dim3A_335, %get3A_259] : memref<16x6144xi32, #tpu.memory_space<vmem>>[vector<16xi32>, vector<16xi32>], vector<16xi32>,
        %gather3A_337 = tpu.vector_load_idx %arg6[%broadcast_in_dim3A_335, %get3A_263] : memref<16x6144xi32, #tpu.memory_space<vmem>>[vector<16xi32>, vector<16xi32>], vector<16xi32>,
        %bitcast3A_338 = vector.bitcast %gather3A_336 : vector<16xi32> to vector<32xbf16>
        %bitcast3A_339 = vector.bitcast %gather3A_337 : vector<16xi32> to vector<32xbf16>
        %add3A_340 = arith.addf %bitcast3A_338, %bitcast3A_339 : vector<32xbf16>
        %bitcast3A_341 = vector.bitcast %add3A_340 : vector<32xbf16> to vector<16xi32>
        %mul3A_342 = arith.constant 16 : i32
        %mul3A_343 = arith.muli %add3A_255, %mul3A_342 : i32
        %swap3A_344 = arith.constant 5 : i32
        %swap3A_345 = arith.index_cast %swap3A_344 : i32 to index
        %swap3A_346 = arith.index_cast %mul3A_343 : i32 to index
        %swap3A_347 = tpu.vector_load %arg9[%swap3A_345, %swap3A_346] {strides = array<i32>} : memref<16x1024xi32, #tpu.memory_space<vmem>>, vector<16xi32>,
        tpu.vector_store %arg9[%swap3A_345, %swap3A_346], %bitcast3A_341 {strides = array<i32>} : memref<16x1024xi32, #tpu.memory_space<vmem>>, vector<16xi32>,
        %broadcast_in_dim3A_348 = arith.constant 6 : i32
        %broadcast_in_dim3A_349 = vector.broadcast %broadcast_in_dim3A_348 : i32 to vector<16xi32>
        %gather3A_350 = tpu.vector_load_idx %arg6[%broadcast_in_dim3A_349, %get3A_259] : memref<16x6144xi32, #tpu.memory_space<vmem>>[vector<16xi32>, vector<16xi32>], vector<16xi32>,
        %gather3A_351 = tpu.vector_load_idx %arg6[%broadcast_in_dim3A_349, %get3A_263] : memref<16x6144xi32, #tpu.memory_space<vmem>>[vector<16xi32>, vector<16xi32>], vector<16xi32>,
        %bitcast3A_352 = vector.bitcast %gather3A_350 : vector<16xi32> to vector<32xbf16>
        %bitcast3A_353 = vector.bitcast %gather3A_351 : vector<16xi32> to vector<32xbf16>
        %add3A_354 = arith.addf %bitcast3A_352, %bitcast3A_353 : vector<32xbf16>
        %bitcast3A_355 = vector.bitcast %add3A_354 : vector<32xbf16> to vector<16xi32>
        %mul3A_356 = arith.constant 16 : i32
        %mul3A_357 = arith.muli %add3A_255, %mul3A_356 : i32
        %swap3A_358 = arith.constant 6 : i32
        %swap3A_359 = arith.index_cast %swap3A_358 : i32 to index
        %swap3A_360 = arith.index_cast %mul3A_357 : i32 to index
        %swap3A_361 = tpu.vector_load %arg9[%swap3A_359, %swap3A_360] {strides = array<i32>} : memref<16x1024xi32, #tpu.memory_space<vmem>>, vector<16xi32>,
        tpu.vector_store %arg9[%swap3A_359, %swap3A_360], %bitcast3A_355 {strides = array<i32>} : memref<16x1024xi32, #tpu.memory_space<vmem>>, vector<16xi32>,
        %broadcast_in_dim3A_362 = arith.constant 7 : i32
        %broadcast_in_dim3A_363 = vector.broadcast %broadcast_in_dim3A_362 : i32 to vector<16xi32>
        %gather3A_364 = tpu.vector_load_idx %arg6[%broadcast_in_dim3A_363, %get3A_259] : memref<16x6144xi32, #tpu.memory_space<vmem>>[vector<16xi32>, vector<16xi32>], vector<16xi32>,
        %gather3A_365 = tpu.vector_load_idx %arg6[%broadcast_in_dim3A_363, %get3A_263] : memref<16x6144xi32, #tpu.memory_space<vmem>>[vector<16xi32>, vector<16xi32>], vector<16xi32>,
        %bitcast3A_366 = vector.bitcast %gather3A_364 : vector<16xi32> to vector<32xbf16>
        %bitcast3A_367 = vector.bitcast %gather3A_365 : vector<16xi32> to vector<32xbf16>
        %add3A_368 = arith.addf %bitcast3A_366, %bitcast3A_367 : vector<32xbf16>
        %bitcast3A_369 = vector.bitcast %add3A_368 : vector<32xbf16> to vector<16xi32>
        %mul3A_370 = arith.constant 16 : i32
        %mul3A_371 = arith.muli %add3A_255, %mul3A_370 : i32
        %swap3A_372 = arith.constant 7 : i32
        %swap3A_373 = arith.index_cast %swap3A_372 : i32 to index
        %swap3A_374 = arith.index_cast %mul3A_371 : i32 to index
        %swap3A_375 = tpu.vector_load %arg9[%swap3A_373, %swap3A_374] {strides = array<i32>} : memref<16x1024xi32, #tpu.memory_space<vmem>>, vector<16xi32>,
        tpu.vector_store %arg9[%swap3A_373, %swap3A_374], %bitcast3A_369 {strides = array<i32>} : memref<16x1024xi32, #tpu.memory_space<vmem>>, vector<16xi32>,
        %broadcast_in_dim3A_376 = arith.constant 8 : i32
        %broadcast_in_dim3A_377 = vector.broadcast %broadcast_in_dim3A_376 : i32 to vector<16xi32>
        %gather3A_378 = tpu.vector_load_idx %arg6[%broadcast_in_dim3A_377, %get3A_259] : memref<16x6144xi32, #tpu.memory_space<vmem>>[vector<16xi32>, vector<16xi32>], vector<16xi32>,
        %gather3A_379 = tpu.vector_load_idx %arg6[%broadcast_in_dim3A_377, %get3A_263] : memref<16x6144xi32, #tpu.memory_space<vmem>>[vector<16xi32>, vector<16xi32>], vector<16xi32>,
        %bitcast3A_380 = vector.bitcast %gather3A_378 : vector<16xi32> to vector<32xbf16>
        %bitcast3A_381 = vector.bitcast %gather3A_379 : vector<16xi32> to vector<32xbf16>
        %add3A_382 = arith.addf %bitcast3A_380, %bitcast3A_381 : vector<32xbf16>
        %bitcast3A_383 = vector.bitcast %add3A_382 : vector<32xbf16> to vector<16xi32>
        %mul3A_384 = arith.constant 16 : i32
        %mul3A_385 = arith.muli %add3A_255, %mul3A_384 : i32
        %swap3A_386 = arith.constant 8 : i32
        %swap3A_387 = arith.index_cast %swap3A_386 : i32 to index
        %swap3A_388 = arith.index_cast %mul3A_385 : i32 to index
        %swap3A_389 = tpu.vector_load %arg9[%swap3A_387, %swap3A_388] {strides = array<i32>} : memref<16x1024xi32, #tpu.memory_space<vmem>>, vector<16xi32>,
        tpu.vector_store %arg9[%swap3A_387, %swap3A_388], %bitcast3A_383 {strides = array<i32>} : memref<16x1024xi32, #tpu.memory_space<vmem>>, vector<16xi32>,
        %broadcast_in_dim3A_390 = arith.constant 9 : i32
        %broadcast_in_dim3A_391 = vector.broadcast %broadcast_in_dim3A_390 : i32 to vector<16xi32>
        %gather3A_392 = tpu.vector_load_idx %arg6[%broadcast_in_dim3A_391, %get3A_259] : memref<16x6144xi32, #tpu.memory_space<vmem>>[vector<16xi32>, vector<16xi32>], vector<16xi32>,
        %gather3A_393 = tpu.vector_load_idx %arg6[%broadcast_in_dim3A_391, %get3A_263] : memref<16x6144xi32, #tpu.memory_space<vmem>>[vector<16xi32>, vector<16xi32>], vector<16xi32>,
        %bitcast3A_394 = vector.bitcast %gather3A_392 : vector<16xi32> to vector<32xbf16>
        %bitcast3A_395 = vector.bitcast %gather3A_393 : vector<16xi32> to vector<32xbf16>
        %add3A_396 = arith.addf %bitcast3A_394, %bitcast3A_395 : vector<32xbf16>
        %bitcast3A_397 = vector.bitcast %add3A_396 : vector<32xbf16> to vector<16xi32>
        %mul3A_398 = arith.constant 16 : i32
        %mul3A_399 = arith.muli %add3A_255, %mul3A_398 : i32
        %swap3A_400 = arith.constant 9 : i32
        %swap3A_401 = arith.index_cast %swap3A_400 : i32 to index
        %swap3A_402 = arith.index_cast %mul3A_399 : i32 to index
        %swap3A_403 = tpu.vector_load %arg9[%swap3A_401, %swap3A_402] {strides = array<i32>} : memref<16x1024xi32, #tpu.memory_space<vmem>>, vector<16xi32>,
        tpu.vector_store %arg9[%swap3A_401, %swap3A_402], %bitcast3A_397 {strides = array<i32>} : memref<16x1024xi32, #tpu.memory_space<vmem>>, vector<16xi32>,
        %broadcast_in_dim3A_404 = arith.constant 10 : i32
        %broadcast_in_dim3A_405 = vector.broadcast %broadcast_in_dim3A_404 : i32 to vector<16xi32>
        %gather3A_406 = tpu.vector_load_idx %arg6[%broadcast_in_dim3A_405, %get3A_259] : memref<16x6144xi32, #tpu.memory_space<vmem>>[vector<16xi32>, vector<16xi32>], vector<16xi32>,
        %gather3A_407 = tpu.vector_load_idx %arg6[%broadcast_in_dim3A_405, %get3A_263] : memref<16x6144xi32, #tpu.memory_space<vmem>>[vector<16xi32>, vector<16xi32>], vector<16xi32>,
        %bitcast3A_408 = vector.bitcast %gather3A_406 : vector<16xi32> to vector<32xbf16>
        %bitcast3A_409 = vector.bitcast %gather3A_407 : vector<16xi32> to vector<32xbf16>
        %add3A_410 = arith.addf %bitcast3A_408, %bitcast3A_409 : vector<32xbf16>
        %bitcast3A_411 = vector.bitcast %add3A_410 : vector<32xbf16> to vector<16xi32>
        %mul3A_412 = arith.constant 16 : i32
        %mul3A_413 = arith.muli %add3A_255, %mul3A_412 : i32
        %swap3A_414 = arith.constant 10 : i32
        %swap3A_415 = arith.index_cast %swap3A_414 : i32 to index
        %swap3A_416 = arith.index_cast %mul3A_413 : i32 to index
        %swap3A_417 = tpu.vector_load %arg9[%swap3A_415, %swap3A_416] {strides = array<i32>} : memref<16x1024xi32, #tpu.memory_space<vmem>>, vector<16xi32>,
        tpu.vector_store %arg9[%swap3A_415, %swap3A_416], %bitcast3A_411 {strides = array<i32>} : memref<16x1024xi32, #tpu.memory_space<vmem>>, vector<16xi32>,
        %broadcast_in_dim3A_418 = arith.constant 11 : i32
        %broadcast_in_dim3A_419 = vector.broadcast %broadcast_in_dim3A_418 : i32 to vector<16xi32>
        %gather3A_420 = tpu.vector_load_idx %arg6[%broadcast_in_dim3A_419, %get3A_259] : memref<16x6144xi32, #tpu.memory_space<vmem>>[vector<16xi32>, vector<16xi32>], vector<16xi32>,
        %gather3A_421 = tpu.vector_load_idx %arg6[%broadcast_in_dim3A_419, %get3A_263] : memref<16x6144xi32, #tpu.memory_space<vmem>>[vector<16xi32>, vector<16xi32>], vector<16xi32>,
        %bitcast3A_422 = vector.bitcast %gather3A_420 : vector<16xi32> to vector<32xbf16>
        %bitcast3A_423 = vector.bitcast %gather3A_421 : vector<16xi32> to vector<32xbf16>
        %add3A_424 = arith.addf %bitcast3A_422, %bitcast3A_423 : vector<32xbf16>
        %bitcast3A_425 = vector.bitcast %add3A_424 : vector<32xbf16> to vector<16xi32>
        %mul3A_426 = arith.constant 16 : i32
        %mul3A_427 = arith.muli %add3A_255, %mul3A_426 : i32
        %swap3A_428 = arith.constant 11 : i32
        %swap3A_429 = arith.index_cast %swap3A_428 : i32 to index
        %swap3A_430 = arith.index_cast %mul3A_427 : i32 to index
        %swap3A_431 = tpu.vector_load %arg9[%swap3A_429, %swap3A_430] {strides = array<i32>} : memref<16x1024xi32, #tpu.memory_space<vmem>>, vector<16xi32>,
        tpu.vector_store %arg9[%swap3A_429, %swap3A_430], %bitcast3A_425 {strides = array<i32>} : memref<16x1024xi32, #tpu.memory_space<vmem>>, vector<16xi32>,
        %broadcast_in_dim3A_432 = arith.constant 12 : i32
        %broadcast_in_dim3A_433 = vector.broadcast %broadcast_in_dim3A_432 : i32 to vector<16xi32>
        %gather3A_434 = tpu.vector_load_idx %arg6[%broadcast_in_dim3A_433, %get3A_259] : memref<16x6144xi32, #tpu.memory_space<vmem>>[vector<16xi32>, vector<16xi32>], vector<16xi32>,
        %gather3A_435 = tpu.vector_load_idx %arg6[%broadcast_in_dim3A_433, %get3A_263] : memref<16x6144xi32, #tpu.memory_space<vmem>>[vector<16xi32>, vector<16xi32>], vector<16xi32>,
        %bitcast3A_436 = vector.bitcast %gather3A_434 : vector<16xi32> to vector<32xbf16>
        %bitcast3A_437 = vector.bitcast %gather3A_435 : vector<16xi32> to vector<32xbf16>
        %add3A_438 = arith.addf %bitcast3A_436, %bitcast3A_437 : vector<32xbf16>
        %bitcast3A_439 = vector.bitcast %add3A_438 : vector<32xbf16> to vector<16xi32>
        %mul3A_440 = arith.constant 16 : i32
        %mul3A_441 = arith.muli %add3A_255, %mul3A_440 : i32
        %swap3A_442 = arith.constant 12 : i32
        %swap3A_443 = arith.index_cast %swap3A_442 : i32 to index
        %swap3A_444 = arith.index_cast %mul3A_441 : i32 to index
        %swap3A_445 = tpu.vector_load %arg9[%swap3A_443, %swap3A_444] {strides = array<i32>} : memref<16x1024xi32, #tpu.memory_space<vmem>>, vector<16xi32>,
        tpu.vector_store %arg9[%swap3A_443, %swap3A_444], %bitcast3A_439 {strides = array<i32>} : memref<16x1024xi32, #tpu.memory_space<vmem>>, vector<16xi32>,
        %broadcast_in_dim3A_446 = arith.constant 13 : i32
        %broadcast_in_dim3A_447 = vector.broadcast %broadcast_in_dim3A_446 : i32 to vector<16xi32>
        %gather3A_448 = tpu.vector_load_idx %arg6[%broadcast_in_dim3A_447, %get3A_259] : memref<16x6144xi32, #tpu.memory_space<vmem>>[vector<16xi32>, vector<16xi32>], vector<16xi32>,
        %gather3A_449 = tpu.vector_load_idx %arg6[%broadcast_in_dim3A_447, %get3A_263] : memref<16x6144xi32, #tpu.memory_space<vmem>>[vector<16xi32>, vector<16xi32>], vector<16xi32>,
        %bitcast3A_450 = vector.bitcast %gather3A_448 : vector<16xi32> to vector<32xbf16>
        %bitcast3A_451 = vector.bitcast %gather3A_449 : vector<16xi32> to vector<32xbf16>
        %add3A_452 = arith.addf %bitcast3A_450, %bitcast3A_451 : vector<32xbf16>
        %bitcast3A_453 = vector.bitcast %add3A_452 : vector<32xbf16> to vector<16xi32>
        %mul3A_454 = arith.constant 16 : i32
        %mul3A_455 = arith.muli %add3A_255, %mul3A_454 : i32
        %swap3A_456 = arith.constant 13 : i32
        %swap3A_457 = arith.index_cast %swap3A_456 : i32 to index
        %swap3A_458 = arith.index_cast %mul3A_455 : i32 to index
        %swap3A_459 = tpu.vector_load %arg9[%swap3A_457, %swap3A_458] {strides = array<i32>} : memref<16x1024xi32, #tpu.memory_space<vmem>>, vector<16xi32>,
        tpu.vector_store %arg9[%swap3A_457, %swap3A_458], %bitcast3A_453 {strides = array<i32>} : memref<16x1024xi32, #tpu.memory_space<vmem>>, vector<16xi32>,
        %broadcast_in_dim3A_460 = arith.constant 14 : i32
        %broadcast_in_dim3A_461 = vector.broadcast %broadcast_in_dim3A_460 : i32 to vector<16xi32>
        %gather3A_462 = tpu.vector_load_idx %arg6[%broadcast_in_dim3A_461, %get3A_259] : memref<16x6144xi32, #tpu.memory_space<vmem>>[vector<16xi32>, vector<16xi32>], vector<16xi32>,
        %gather3A_463 = tpu.vector_load_idx %arg6[%broadcast_in_dim3A_461, %get3A_263] : memref<16x6144xi32, #tpu.memory_space<vmem>>[vector<16xi32>, vector<16xi32>], vector<16xi32>,
        %bitcast3A_464 = vector.bitcast %gather3A_462 : vector<16xi32> to vector<32xbf16>
        %bitcast3A_465 = vector.bitcast %gather3A_463 : vector<16xi32> to vector<32xbf16>
        %add3A_466 = arith.addf %bitcast3A_464, %bitcast3A_465 : vector<32xbf16>
        %bitcast3A_467 = vector.bitcast %add3A_466 : vector<32xbf16> to vector<16xi32>
        %mul3A_468 = arith.constant 16 : i32
        %mul3A_469 = arith.muli %add3A_255, %mul3A_468 : i32
        %swap3A_470 = arith.constant 14 : i32
        %swap3A_471 = arith.index_cast %swap3A_470 : i32 to index
        %swap3A_472 = arith.index_cast %mul3A_469 : i32 to index
        %swap3A_473 = tpu.vector_load %arg9[%swap3A_471, %swap3A_472] {strides = array<i32>} : memref<16x1024xi32, #tpu.memory_space<vmem>>, vector<16xi32>,
        tpu.vector_store %arg9[%swap3A_471, %swap3A_472], %bitcast3A_467 {strides = array<i32>} : memref<16x1024xi32, #tpu.memory_space<vmem>>, vector<16xi32>,
        %broadcast_in_dim3A_474 = arith.constant 15 : i32
        %broadcast_in_dim3A_475 = vector.broadcast %broadcast_in_dim3A_474 : i32 to vector<16xi32>
        %gather3A_476 = tpu.vector_load_idx %arg6[%broadcast_in_dim3A_475, %get3A_259] : memref<16x6144xi32, #tpu.memory_space<vmem>>[vector<16xi32>, vector<16xi32>], vector<16xi32>,
        %gather3A_477 = tpu.vector_load_idx %arg6[%broadcast_in_dim3A_475, %get3A_263] : memref<16x6144xi32, #tpu.memory_space<vmem>>[vector<16xi32>, vector<16xi32>], vector<16xi32>,
        %bitcast3A_478 = vector.bitcast %gather3A_476 : vector<16xi32> to vector<32xbf16>
        %bitcast3A_479 = vector.bitcast %gather3A_477 : vector<16xi32> to vector<32xbf16>
        %add3A_480 = arith.addf %bitcast3A_478, %bitcast3A_479 : vector<32xbf16>
        %bitcast3A_481 = vector.bitcast %add3A_480 : vector<32xbf16> to vector<16xi32>
        %mul3A_482 = arith.constant 16 : i32
        %mul3A_483 = arith.muli %add3A_255, %mul3A_482 : i32
        %swap3A_484 = arith.constant 15 : i32
        %swap3A_485 = arith.index_cast %swap3A_484 : i32 to index
        %swap3A_486 = arith.index_cast %mul3A_483 : i32 to index
        %swap3A_487 = tpu.vector_load %arg9[%swap3A_485, %swap3A_486] {strides = array<i32>} : memref<16x1024xi32, #tpu.memory_space<vmem>>, vector<16xi32>,
        tpu.vector_store %arg9[%swap3A_485, %swap3A_486], %bitcast3A_481 {strides = array<i32>} : memref<16x1024xi32, #tpu.memory_space<vmem>>, vector<16xi32>,
        %scan3A_488 = arith.constant 2 : i32
        %scan3A_489 = arith.addi %scan3A_18, %scan3A_488 : i32
        %mul3A_490 = arith.constant 1 : i32
        %mul3A_491 = arith.muli %scan3A_489, %mul3A_490 : i32
        %add3A_492 = arith.constant 0 : i32
        %add3A_493 = arith.addi %add3A_492, %mul3A_491 : i32
        %mul3A_494 = arith.constant 16 : i32
        %mul3A_495 = arith.muli %add3A_493, %mul3A_494 : i32
        %get3A_496 = arith.index_cast %mul3A_495 : i32 to index
        %get3A_497 = tpu.vector_load %arg7[%get3A_496] {strides = array<i32>} : memref<1024xi32, #tpu.memory_space<vmem>>, vector<16xi32>,
        %mul3A_498 = arith.constant 16 : i32
        %mul3A_499 = arith.muli %add3A_493, %mul3A_498 : i32
        %get3A_500 = arith.index_cast %mul3A_499 : i32 to index
        %get3A_501 = tpu.vector_load %arg8[%get3A_500] {strides = array<i32>} : memref<1024xi32, #tpu.memory_space<vmem>>, vector<16xi32>,
        %broadcast_in_dim3A_502 = arith.constant 0 : i32
        %broadcast_in_dim3A_503 = vector.broadcast %broadcast_in_dim3A_502 : i32 to vector<16xi32>
        %gather3A_504 = tpu.vector_load_idx %arg6[%broadcast_in_dim3A_503, %get3A_497] : memref<16x6144xi32, #tpu.memory_space<vmem>>[vector<16xi32>, vector<16xi32>], vector<16xi32>,
        %gather3A_505 = tpu.vector_load_idx %arg6[%broadcast_in_dim3A_503, %get3A_501] : memref<16x6144xi32, #tpu.memory_space<vmem>>[vector<16xi32>, vector<16xi32>], vector<16xi32>,
        %bitcast3A_506 = vector.bitcast %gather3A_504 : vector<16xi32> to vector<32xbf16>
        %bitcast3A_507 = vector.bitcast %gather3A_505 : vector<16xi32> to vector<32xbf16>
        %add3A_508 = arith.addf %bitcast3A_506, %bitcast3A_507 : vector<32xbf16>
        %bitcast3A_509 = vector.bitcast %add3A_508 : vector<32xbf16> to vector<16xi32>
        %mul3A_510 = arith.constant 16 : i32
        %mul3A_511 = arith.muli %add3A_493, %mul3A_510 : i32
        %swap3A_512 = arith.constant 0 : i32
        %swap3A_513 = arith.index_cast %swap3A_512 : i32 to index
        %swap3A_514 = arith.index_cast %mul3A_511 : i32 to index
        %swap3A_515 = tpu.vector_load %arg9[%swap3A_513, %swap3A_514] {strides = array<i32>} : memref<16x1024xi32, #tpu.memory_space<vmem>>, vector<16xi32>,
        tpu.vector_store %arg9[%swap3A_513, %swap3A_514], %bitcast3A_509 {strides = array<i32>} : memref<16x1024xi32, #tpu.memory_space<vmem>>, vector<16xi32>,
        %broadcast_in_dim3A_516 = arith.constant 1 : i32
        %broadcast_in_dim3A_517 = vector.broadcast %broadcast_in_dim3A_516 : i32 to vector<16xi32>
        %gather3A_518 = tpu.vector_load_idx %arg6[%broadcast_in_dim3A_517, %get3A_497] : memref<16x6144xi32, #tpu.memory_space<vmem>>[vector<16xi32>, vector<16xi32>], vector<16xi32>,
        %gather3A_519 = tpu.vector_load_idx %arg6[%broadcast_in_dim3A_517, %get3A_501] : memref<16x6144xi32, #tpu.memory_space<vmem>>[vector<16xi32>, vector<16xi32>], vector<16xi32>,
        %bitcast3A_520 = vector.bitcast %gather3A_518 : vector<16xi32> to vector<32xbf16>
        %bitcast3A_521 = vector.bitcast %gather3A_519 : vector<16xi32> to vector<32xbf16>
        %add3A_522 = arith.addf %bitcast3A_520, %bitcast3A_521 : vector<32xbf16>
        %bitcast3A_523 = vector.bitcast %add3A_522 : vector<32xbf16> to vector<16xi32>
        %mul3A_524 = arith.constant 16 : i32
        %mul3A_525 = arith.muli %add3A_493, %mul3A_524 : i32
        %swap3A_526 = arith.constant 1 : i32
        %swap3A_527 = arith.index_cast %swap3A_526 : i32 to index
        %swap3A_528 = arith.index_cast %mul3A_525 : i32 to index
        %swap3A_529 = tpu.vector_load %arg9[%swap3A_527, %swap3A_528] {strides = array<i32>} : memref<16x1024xi32, #tpu.memory_space<vmem>>, vector<16xi32>,
        tpu.vector_store %arg9[%swap3A_527, %swap3A_528], %bitcast3A_523 {strides = array<i32>} : memref<16x1024xi32, #tpu.memory_space<vmem>>, vector<16xi32>,
        %broadcast_in_dim3A_530 = arith.constant 2 : i32
        %broadcast_in_dim3A_531 = vector.broadcast %broadcast_in_dim3A_530 : i32 to vector<16xi32>
        %gather3A_532 = tpu.vector_load_idx %arg6[%broadcast_in_dim3A_531, %get3A_497] : memref<16x6144xi32, #tpu.memory_space<vmem>>[vector<16xi32>, vector<16xi32>], vector<16xi32>,
        %gather3A_533 = tpu.vector_load_idx %arg6[%broadcast_in_dim3A_531, %get3A_501] : memref<16x6144xi32, #tpu.memory_space<vmem>>[vector<16xi32>, vector<16xi32>], vector<16xi32>,
        %bitcast3A_534 = vector.bitcast %gather3A_532 : vector<16xi32> to vector<32xbf16>
        %bitcast3A_535 = vector.bitcast %gather3A_533 : vector<16xi32> to vector<32xbf16>
        %add3A_536 = arith.addf %bitcast3A_534, %bitcast3A_535 : vector<32xbf16>
        %bitcast3A_537 = vector.bitcast %add3A_536 : vector<32xbf16> to vector<16xi32>
        %mul3A_538 = arith.constant 16 : i32
        %mul3A_539 = arith.muli %add3A_493, %mul3A_538 : i32
        %swap3A_540 = arith.constant 2 : i32
        %swap3A_541 = arith.index_cast %swap3A_540 : i32 to index
        %swap3A_542 = arith.index_cast %mul3A_539 : i32 to index
        %swap3A_543 = tpu.vector_load %arg9[%swap3A_541, %swap3A_542] {strides = array<i32>} : memref<16x1024xi32, #tpu.memory_space<vmem>>, vector<16xi32>,
        tpu.vector_store %arg9[%swap3A_541, %swap3A_542], %bitcast3A_537 {strides = array<i32>} : memref<16x1024xi32, #tpu.memory_space<vmem>>, vector<16xi32>,
        %broadcast_in_dim3A_544 = arith.constant 3 : i32
        %broadcast_in_dim3A_545 = vector.broadcast %broadcast_in_dim3A_544 : i32 to vector<16xi32>
        %gather3A_546 = tpu.vector_load_idx %arg6[%broadcast_in_dim3A_545, %get3A_497] : memref<16x6144xi32, #tpu.memory_space<vmem>>[vector<16xi32>, vector<16xi32>], vector<16xi32>,
        %gather3A_547 = tpu.vector_load_idx %arg6[%broadcast_in_dim3A_545, %get3A_501] : memref<16x6144xi32, #tpu.memory_space<vmem>>[vector<16xi32>, vector<16xi32>], vector<16xi32>,
        %bitcast3A_548 = vector.bitcast %gather3A_546 : vector<16xi32> to vector<32xbf16>
        %bitcast3A_549 = vector.bitcast %gather3A_547 : vector<16xi32> to vector<32xbf16>
        %add3A_550 = arith.addf %bitcast3A_548, %bitcast3A_549 : vector<32xbf16>
        %bitcast3A_551 = vector.bitcast %add3A_550 : vector<32xbf16> to vector<16xi32>
        %mul3A_552 = arith.constant 16 : i32
        %mul3A_553 = arith.muli %add3A_493, %mul3A_552 : i32
        %swap3A_554 = arith.constant 3 : i32
        %swap3A_555 = arith.index_cast %swap3A_554 : i32 to index
        %swap3A_556 = arith.index_cast %mul3A_553 : i32 to index
        %swap3A_557 = tpu.vector_load %arg9[%swap3A_555, %swap3A_556] {strides = array<i32>} : memref<16x1024xi32, #tpu.memory_space<vmem>>, vector<16xi32>,
        tpu.vector_store %arg9[%swap3A_555, %swap3A_556], %bitcast3A_551 {strides = array<i32>} : memref<16x1024xi32, #tpu.memory_space<vmem>>, vector<16xi32>,
        %broadcast_in_dim3A_558 = arith.constant 4 : i32
        %broadcast_in_dim3A_559 = vector.broadcast %broadcast_in_dim3A_558 : i32 to vector<16xi32>
        %gather3A_560 = tpu.vector_load_idx %arg6[%broadcast_in_dim3A_559, %get3A_497] : memref<16x6144xi32, #tpu.memory_space<vmem>>[vector<16xi32>, vector<16xi32>], vector<16xi32>,
        %gather3A_561 = tpu.vector_load_idx %arg6[%broadcast_in_dim3A_559, %get3A_501] : memref<16x6144xi32, #tpu.memory_space<vmem>>[vector<16xi32>, vector<16xi32>], vector<16xi32>,
        %bitcast3A_562 = vector.bitcast %gather3A_560 : vector<16xi32> to vector<32xbf16>
        %bitcast3A_563 = vector.bitcast %gather3A_561 : vector<16xi32> to vector<32xbf16>
        %add3A_564 = arith.addf %bitcast3A_562, %bitcast3A_563 : vector<32xbf16>
        %bitcast3A_565 = vector.bitcast %add3A_564 : vector<32xbf16> to vector<16xi32>
        %mul3A_566 = arith.constant 16 : i32
        %mul3A_567 = arith.muli %add3A_493, %mul3A_566 : i32
        %swap3A_568 = arith.constant 4 : i32
        %swap3A_569 = arith.index_cast %swap3A_568 : i32 to index
        %swap3A_570 = arith.index_cast %mul3A_567 : i32 to index
        %swap3A_571 = tpu.vector_load %arg9[%swap3A_569, %swap3A_570] {strides = array<i32>} : memref<16x1024xi32, #tpu.memory_space<vmem>>, vector<16xi32>,
        tpu.vector_store %arg9[%swap3A_569, %swap3A_570], %bitcast3A_565 {strides = array<i32>} : memref<16x1024xi32, #tpu.memory_space<vmem>>, vector<16xi32>,
        %broadcast_in_dim3A_572 = arith.constant 5 : i32
        %broadcast_in_dim3A_573 = vector.broadcast %broadcast_in_dim3A_572 : i32 to vector<16xi32>
        %gather3A_574 = tpu.vector_load_idx %arg6[%broadcast_in_dim3A_573, %get3A_497] : memref<16x6144xi32, #tpu.memory_space<vmem>>[vector<16xi32>, vector<16xi32>], vector<16xi32>,
        %gather3A_575 = tpu.vector_load_idx %arg6[%broadcast_in_dim3A_573, %get3A_501] : memref<16x6144xi32, #tpu.memory_space<vmem>>[vector<16xi32>, vector<16xi32>], vector<16xi32>,
        %bitcast3A_576 = vector.bitcast %gather3A_574 : vector<16xi32> to vector<32xbf16>
        %bitcast3A_577 = vector.bitcast %gather3A_575 : vector<16xi32> to vector<32xbf16>
        %add3A_578 = arith.addf %bitcast3A_576, %bitcast3A_577 : vector<32xbf16>
        %bitcast3A_579 = vector.bitcast %add3A_578 : vector<32xbf16> to vector<16xi32>
        %mul3A_580 = arith.constant 16 : i32
        %mul3A_581 = arith.muli %add3A_493, %mul3A_580 : i32
        %swap3A_582 = arith.constant 5 : i32
        %swap3A_583 = arith.index_cast %swap3A_582 : i32 to index
        %swap3A_584 = arith.index_cast %mul3A_581 : i32 to index
        %swap3A_585 = tpu.vector_load %arg9[%swap3A_583, %swap3A_584] {strides = array<i32>} : memref<16x1024xi32, #tpu.memory_space<vmem>>, vector<16xi32>,
        tpu.vector_store %arg9[%swap3A_583, %swap3A_584], %bitcast3A_579 {strides = array<i32>} : memref<16x1024xi32, #tpu.memory_space<vmem>>, vector<16xi32>,
        %broadcast_in_dim3A_586 = arith.constant 6 : i32
        %broadcast_in_dim3A_587 = vector.broadcast %broadcast_in_dim3A_586 : i32 to vector<16xi32>
        %gather3A_588 = tpu.vector_load_idx %arg6[%broadcast_in_dim3A_587, %get3A_497] : memref<16x6144xi32, #tpu.memory_space<vmem>>[vector<16xi32>, vector<16xi32>], vector<16xi32>,
        %gather3A_589 = tpu.vector_load_idx %arg6[%broadcast_in_dim3A_587, %get3A_501] : memref<16x6144xi32, #tpu.memory_space<vmem>>[vector<16xi32>, vector<16xi32>], vector<16xi32>,
        %bitcast3A_590 = vector.bitcast %gather3A_588 : vector<16xi32> to vector<32xbf16>
        %bitcast3A_591 = vector.bitcast %gather3A_589 : vector<16xi32> to vector<32xbf16>
        %add3A_592 = arith.addf %bitcast3A_590, %bitcast3A_591 : vector<32xbf16>
        %bitcast3A_593 = vector.bitcast %add3A_592 : vector<32xbf16> to vector<16xi32>
        %mul3A_594 = arith.constant 16 : i32
        %mul3A_595 = arith.muli %add3A_493, %mul3A_594 : i32
        %swap3A_596 = arith.constant 6 : i32
        %swap3A_597 = arith.index_cast %swap3A_596 : i32 to index
        %swap3A_598 = arith.index_cast %mul3A_595 : i32 to index
        %swap3A_599 = tpu.vector_load %arg9[%swap3A_597, %swap3A_598] {strides = array<i32>} : memref<16x1024xi32, #tpu.memory_space<vmem>>, vector<16xi32>,
        tpu.vector_store %arg9[%swap3A_597, %swap3A_598], %bitcast3A_593 {strides = array<i32>} : memref<16x1024xi32, #tpu.memory_space<vmem>>, vector<16xi32>,
        %broadcast_in_dim3A_600 = arith.constant 7 : i32
        %broadcast_in_dim3A_601 = vector.broadcast %broadcast_in_dim3A_600 : i32 to vector<16xi32>
        %gather3A_602 = tpu.vector_load_idx %arg6[%broadcast_in_dim3A_601, %get3A_497] : memref<16x6144xi32, #tpu.memory_space<vmem>>[vector<16xi32>, vector<16xi32>], vector<16xi32>,
        %gather3A_603 = tpu.vector_load_idx %arg6[%broadcast_in_dim3A_601, %get3A_501] : memref<16x6144xi32, #tpu.memory_space<vmem>>[vector<16xi32>, vector<16xi32>], vector<16xi32>,
        %bitcast3A_604 = vector.bitcast %gather3A_602 : vector<16xi32> to vector<32xbf16>
        %bitcast3A_605 = vector.bitcast %gather3A_603 : vector<16xi32> to vector<32xbf16>
        %add3A_606 = arith.addf %bitcast3A_604, %bitcast3A_605 : vector<32xbf16>
        %bitcast3A_607 = vector.bitcast %add3A_606 : vector<32xbf16> to vector<16xi32>
        %mul3A_608 = arith.constant 16 : i32
        %mul3A_609 = arith.muli %add3A_493, %mul3A_608 : i32
        %swap3A_610 = arith.constant 7 : i32
        %swap3A_611 = arith.index_cast %swap3A_610 : i32 to index
        %swap3A_612 = arith.index_cast %mul3A_609 : i32 to index
        %swap3A_613 = tpu.vector_load %arg9[%swap3A_611, %swap3A_612] {strides = array<i32>} : memref<16x1024xi32, #tpu.memory_space<vmem>>, vector<16xi32>,
        tpu.vector_store %arg9[%swap3A_611, %swap3A_612], %bitcast3A_607 {strides = array<i32>} : memref<16x1024xi32, #tpu.memory_space<vmem>>, vector<16xi32>,
        %broadcast_in_dim3A_614 = arith.constant 8 : i32
        %broadcast_in_dim3A_615 = vector.broadcast %broadcast_in_dim3A_614 : i32 to vector<16xi32>
        %gather3A_616 = tpu.vector_load_idx %arg6[%broadcast_in_dim3A_615, %get3A_497] : memref<16x6144xi32, #tpu.memory_space<vmem>>[vector<16xi32>, vector<16xi32>], vector<16xi32>,
        %gather3A_617 = tpu.vector_load_idx %arg6[%broadcast_in_dim3A_615, %get3A_501] : memref<16x6144xi32, #tpu.memory_space<vmem>>[vector<16xi32>, vector<16xi32>], vector<16xi32>,
        %bitcast3A_618 = vector.bitcast %gather3A_616 : vector<16xi32> to vector<32xbf16>
        %bitcast3A_619 = vector.bitcast %gather3A_617 : vector<16xi32> to vector<32xbf16>
        %add3A_620 = arith.addf %bitcast3A_618, %bitcast3A_619 : vector<32xbf16>
        %bitcast3A_621 = vector.bitcast %add3A_620 : vector<32xbf16> to vector<16xi32>
        %mul3A_622 = arith.constant 16 : i32
        %mul3A_623 = arith.muli %add3A_493, %mul3A_622 : i32
        %swap3A_624 = arith.constant 8 : i32
        %swap3A_625 = arith.index_cast %swap3A_624 : i32 to index
        %swap3A_626 = arith.index_cast %mul3A_623 : i32 to index
        %swap3A_627 = tpu.vector_load %arg9[%swap3A_625, %swap3A_626] {strides = array<i32>} : memref<16x1024xi32, #tpu.memory_space<vmem>>, vector<16xi32>,
        tpu.vector_store %arg9[%swap3A_625, %swap3A_626], %bitcast3A_621 {strides = array<i32>} : memref<16x1024xi32, #tpu.memory_space<vmem>>, vector<16xi32>,
        %broadcast_in_dim3A_628 = arith.constant 9 : i32
        %broadcast_in_dim3A_629 = vector.broadcast %broadcast_in_dim3A_628 : i32 to vector<16xi32>
        %gather3A_630 = tpu.vector_load_idx %arg6[%broadcast_in_dim3A_629, %get3A_497] : memref<16x6144xi32, #tpu.memory_space<vmem>>[vector<16xi32>, vector<16xi32>], vector<16xi32>,
        %gather3A_631 = tpu.vector_load_idx %arg6[%broadcast_in_dim3A_629, %get3A_501] : memref<16x6144xi32, #tpu.memory_space<vmem>>[vector<16xi32>, vector<16xi32>], vector<16xi32>,
        %bitcast3A_632 = vector.bitcast %gather3A_630 : vector<16xi32> to vector<32xbf16>
        %bitcast3A_633 = vector.bitcast %gather3A_631 : vector<16xi32> to vector<32xbf16>
        %add3A_634 = arith.addf %bitcast3A_632, %bitcast3A_633 : vector<32xbf16>
        %bitcast3A_635 = vector.bitcast %add3A_634 : vector<32xbf16> to vector<16xi32>
        %mul3A_636 = arith.constant 16 : i32
        %mul3A_637 = arith.muli %add3A_493, %mul3A_636 : i32
        %swap3A_638 = arith.constant 9 : i32
        %swap3A_639 = arith.index_cast %swap3A_638 : i32 to index
        %swap3A_640 = arith.index_cast %mul3A_637 : i32 to index
        %swap3A_641 = tpu.vector_load %arg9[%swap3A_639, %swap3A_640] {strides = array<i32>} : memref<16x1024xi32, #tpu.memory_space<vmem>>, vector<16xi32>,
        tpu.vector_store %arg9[%swap3A_639, %swap3A_640], %bitcast3A_635 {strides = array<i32>} : memref<16x1024xi32, #tpu.memory_space<vmem>>, vector<16xi32>,
        %broadcast_in_dim3A_642 = arith.constant 10 : i32
        %broadcast_in_dim3A_643 = vector.broadcast %broadcast_in_dim3A_642 : i32 to vector<16xi32>
        %gather3A_644 = tpu.vector_load_idx %arg6[%broadcast_in_dim3A_643, %get3A_497] : memref<16x6144xi32, #tpu.memory_space<vmem>>[vector<16xi32>, vector<16xi32>], vector<16xi32>,
        %gather3A_645 = tpu.vector_load_idx %arg6[%broadcast_in_dim3A_643, %get3A_501] : memref<16x6144xi32, #tpu.memory_space<vmem>>[vector<16xi32>, vector<16xi32>], vector<16xi32>,
        %bitcast3A_646 = vector.bitcast %gather3A_644 : vector<16xi32> to vector<32xbf16>
        %bitcast3A_647 = vector.bitcast %gather3A_645 : vector<16xi32> to vector<32xbf16>
        %add3A_648 = arith.addf %bitcast3A_646, %bitcast3A_647 : vector<32xbf16>
        %bitcast3A_649 = vector.bitcast %add3A_648 : vector<32xbf16> to vector<16xi32>
        %mul3A_650 = arith.constant 16 : i32
        %mul3A_651 = arith.muli %add3A_493, %mul3A_650 : i32
        %swap3A_652 = arith.constant 10 : i32
        %swap3A_653 = arith.index_cast %swap3A_652 : i32 to index
        %swap3A_654 = arith.index_cast %mul3A_651 : i32 to index
        %swap3A_655 = tpu.vector_load %arg9[%swap3A_653, %swap3A_654] {strides = array<i32>} : memref<16x1024xi32, #tpu.memory_space<vmem>>, vector<16xi32>,
        tpu.vector_store %arg9[%swap3A_653, %swap3A_654], %bitcast3A_649 {strides = array<i32>} : memref<16x1024xi32, #tpu.memory_space<vmem>>, vector<16xi32>,
        %broadcast_in_dim3A_656 = arith.constant 11 : i32
        %broadcast_in_dim3A_657 = vector.broadcast %broadcast_in_dim3A_656 : i32 to vector<16xi32>
        %gather3A_658 = tpu.vector_load_idx %arg6[%broadcast_in_dim3A_657, %get3A_497] : memref<16x6144xi32, #tpu.memory_space<vmem>>[vector<16xi32>, vector<16xi32>], vector<16xi32>,
        %gather3A_659 = tpu.vector_load_idx %arg6[%broadcast_in_dim3A_657, %get3A_501] : memref<16x6144xi32, #tpu.memory_space<vmem>>[vector<16xi32>, vector<16xi32>], vector<16xi32>,
        %bitcast3A_660 = vector.bitcast %gather3A_658 : vector<16xi32> to vector<32xbf16>
        %bitcast3A_661 = vector.bitcast %gather3A_659 : vector<16xi32> to vector<32xbf16>
        %add3A_662 = arith.addf %bitcast3A_660, %bitcast3A_661 : vector<32xbf16>
        %bitcast3A_663 = vector.bitcast %add3A_662 : vector<32xbf16> to vector<16xi32>
        %mul3A_664 = arith.constant 16 : i32
        %mul3A_665 = arith.muli %add3A_493, %mul3A_664 : i32
        %swap3A_666 = arith.constant 11 : i32
        %swap3A_667 = arith.index_cast %swap3A_666 : i32 to index
        %swap3A_668 = arith.index_cast %mul3A_665 : i32 to index
        %swap3A_669 = tpu.vector_load %arg9[%swap3A_667, %swap3A_668] {strides = array<i32>} : memref<16x1024xi32, #tpu.memory_space<vmem>>, vector<16xi32>,
        tpu.vector_store %arg9[%swap3A_667, %swap3A_668], %bitcast3A_663 {strides = array<i32>} : memref<16x1024xi32, #tpu.memory_space<vmem>>, vector<16xi32>,
        %broadcast_in_dim3A_670 = arith.constant 12 : i32
        %broadcast_in_dim3A_671 = vector.broadcast %broadcast_in_dim3A_670 : i32 to vector<16xi32>
        %gather3A_672 = tpu.vector_load_idx %arg6[%broadcast_in_dim3A_671, %get3A_497] : memref<16x6144xi32, #tpu.memory_space<vmem>>[vector<16xi32>, vector<16xi32>], vector<16xi32>,
        %gather3A_673 = tpu.vector_load_idx %arg6[%broadcast_in_dim3A_671, %get3A_501] : memref<16x6144xi32, #tpu.memory_space<vmem>>[vector<16xi32>, vector<16xi32>], vector<16xi32>,
        %bitcast3A_674 = vector.bitcast %gather3A_672 : vector<16xi32> to vector<32xbf16>
        %bitcast3A_675 = vector.bitcast %gather3A_673 : vector<16xi32> to vector<32xbf16>
        %add3A_676 = arith.addf %bitcast3A_674, %bitcast3A_675 : vector<32xbf16>
        %bitcast3A_677 = vector.bitcast %add3A_676 : vector<32xbf16> to vector<16xi32>
        %mul3A_678 = arith.constant 16 : i32
        %mul3A_679 = arith.muli %add3A_493, %mul3A_678 : i32
        %swap3A_680 = arith.constant 12 : i32
        %swap3A_681 = arith.index_cast %swap3A_680 : i32 to index
        %swap3A_682 = arith.index_cast %mul3A_679 : i32 to index
        %swap3A_683 = tpu.vector_load %arg9[%swap3A_681, %swap3A_682] {strides = array<i32>} : memref<16x1024xi32, #tpu.memory_space<vmem>>, vector<16xi32>,
        tpu.vector_store %arg9[%swap3A_681, %swap3A_682], %bitcast3A_677 {strides = array<i32>} : memref<16x1024xi32, #tpu.memory_space<vmem>>, vector<16xi32>,
        %broadcast_in_dim3A_684 = arith.constant 13 : i32
        %broadcast_in_dim3A_685 = vector.broadcast %broadcast_in_dim3A_684 : i32 to vector<16xi32>
        %gather3A_686 = tpu.vector_load_idx %arg6[%broadcast_in_dim3A_685, %get3A_497] : memref<16x6144xi32, #tpu.memory_space<vmem>>[vector<16xi32>, vector<16xi32>], vector<16xi32>,
        %gather3A_687 = tpu.vector_load_idx %arg6[%broadcast_in_dim3A_685, %get3A_501] : memref<16x6144xi32, #tpu.memory_space<vmem>>[vector<16xi32>, vector<16xi32>], vector<16xi32>,
        %bitcast3A_688 = vector.bitcast %gather3A_686 : vector<16xi32> to vector<32xbf16>
        %bitcast3A_689 = vector.bitcast %gather3A_687 : vector<16xi32> to vector<32xbf16>
        %add3A_690 = arith.addf %bitcast3A_688, %bitcast3A_689 : vector<32xbf16>
        %bitcast3A_691 = vector.bitcast %add3A_690 : vector<32xbf16> to vector<16xi32>
        %mul3A_692 = arith.constant 16 : i32
        %mul3A_693 = arith.muli %add3A_493, %mul3A_692 : i32
        %swap3A_694 = arith.constant 13 : i32
        %swap3A_695 = arith.index_cast %swap3A_694 : i32 to index
        %swap3A_696 = arith.index_cast %mul3A_693 : i32 to index
        %swap3A_697 = tpu.vector_load %arg9[%swap3A_695, %swap3A_696] {strides = array<i32>} : memref<16x1024xi32, #tpu.memory_space<vmem>>, vector<16xi32>,
        tpu.vector_store %arg9[%swap3A_695, %swap3A_696], %bitcast3A_691 {strides = array<i32>} : memref<16x1024xi32, #tpu.memory_space<vmem>>, vector<16xi32>,
        %broadcast_in_dim3A_698 = arith.constant 14 : i32
        %broadcast_in_dim3A_699 = vector.broadcast %broadcast_in_dim3A_698 : i32 to vector<16xi32>
        %gather3A_700 = tpu.vector_load_idx %arg6[%broadcast_in_dim3A_699, %get3A_497] : memref<16x6144xi32, #tpu.memory_space<vmem>>[vector<16xi32>, vector<16xi32>], vector<16xi32>,
        %gather3A_701 = tpu.vector_load_idx %arg6[%broadcast_in_dim3A_699, %get3A_501] : memref<16x6144xi32, #tpu.memory_space<vmem>>[vector<16xi32>, vector<16xi32>], vector<16xi32>,
        %bitcast3A_702 = vector.bitcast %gather3A_700 : vector<16xi32> to vector<32xbf16>
        %bitcast3A_703 = vector.bitcast %gather3A_701 : vector<16xi32> to vector<32xbf16>
        %add3A_704 = arith.addf %bitcast3A_702, %bitcast3A_703 : vector<32xbf16>
        %bitcast3A_705 = vector.bitcast %add3A_704 : vector<32xbf16> to vector<16xi32>
        %mul3A_706 = arith.constant 16 : i32
        %mul3A_707 = arith.muli %add3A_493, %mul3A_706 : i32
        %swap3A_708 = arith.constant 14 : i32
        %swap3A_709 = arith.index_cast %swap3A_708 : i32 to index
        %swap3A_710 = arith.index_cast %mul3A_707 : i32 to index
        %swap3A_711 = tpu.vector_load %arg9[%swap3A_709, %swap3A_710] {strides = array<i32>} : memref<16x1024xi32, #tpu.memory_space<vmem>>, vector<16xi32>,
        tpu.vector_store %arg9[%swap3A_709, %swap3A_710], %bitcast3A_705 {strides = array<i32>} : memref<16x1024xi32, #tpu.memory_space<vmem>>, vector<16xi32>,
        %broadcast_in_dim3A_712 = arith.constant 15 : i32
        %broadcast_in_dim3A_713 = vector.broadcast %broadcast_in_dim3A_712 : i32 to vector<16xi32>
        %gather3A_714 = tpu.vector_load_idx %arg6[%broadcast_in_dim3A_713, %get3A_497] : memref<16x6144xi32, #tpu.memory_space<vmem>>[vector<16xi32>, vector<16xi32>], vector<16xi32>,
        %gather3A_715 = tpu.vector_load_idx %arg6[%broadcast_in_dim3A_713, %get3A_501] : memref<16x6144xi32, #tpu.memory_space<vmem>>[vector<16xi32>, vector<16xi32>], vector<16xi32>,
        %bitcast3A_716 = vector.bitcast %gather3A_714 : vector<16xi32> to vector<32xbf16>
        %bitcast3A_717 = vector.bitcast %gather3A_715 : vector<16xi32> to vector<32xbf16>
        %add3A_718 = arith.addf %bitcast3A_716, %bitcast3A_717 : vector<32xbf16>
        %bitcast3A_719 = vector.bitcast %add3A_718 : vector<32xbf16> to vector<16xi32>
        %mul3A_720 = arith.constant 16 : i32
        %mul3A_721 = arith.muli %add3A_493, %mul3A_720 : i32
        %swap3A_722 = arith.constant 15 : i32
        %swap3A_723 = arith.index_cast %swap3A_722 : i32 to index
        %swap3A_724 = arith.index_cast %mul3A_721 : i32 to index
        %swap3A_725 = tpu.vector_load %arg9[%swap3A_723, %swap3A_724] {strides = array<i32>} : memref<16x1024xi32, #tpu.memory_space<vmem>>, vector<16xi32>,
        tpu.vector_store %arg9[%swap3A_723, %swap3A_724], %bitcast3A_719 {strides = array<i32>} : memref<16x1024xi32, #tpu.memory_space<vmem>>, vector<16xi32>,
        %scan3A_726 = arith.constant 3 : i32
        %scan3A_727 = arith.addi %scan3A_18, %scan3A_726 : i32
        %mul3A_728 = arith.constant 1 : i32
        %mul3A_729 = arith.muli %scan3A_727, %mul3A_728 : i32
        %add3A_730 = arith.constant 0 : i32
        %add3A_731 = arith.addi %add3A_730, %mul3A_729 : i32
        %mul3A_732 = arith.constant 16 : i32
        %mul3A_733 = arith.muli %add3A_731, %mul3A_732 : i32
        %get3A_734 = arith.index_cast %mul3A_733 : i32 to index
        %get3A_735 = tpu.vector_load %arg7[%get3A_734] {strides = array<i32>} : memref<1024xi32, #tpu.memory_space<vmem>>, vector<16xi32>,
        %mul3A_736 = arith.constant 16 : i32
        %mul3A_737 = arith.muli %add3A_731, %mul3A_736 : i32
        %get3A_738 = arith.index_cast %mul3A_737 : i32 to index
        %get3A_739 = tpu.vector_load %arg8[%get3A_738] {strides = array<i32>} : memref<1024xi32, #tpu.memory_space<vmem>>, vector<16xi32>,
        %broadcast_in_dim3A_740 = arith.constant 0 : i32
        %broadcast_in_dim3A_741 = vector.broadcast %broadcast_in_dim3A_740 : i32 to vector<16xi32>
        %gather3A_742 = tpu.vector_load_idx %arg6[%broadcast_in_dim3A_741, %get3A_735] : memref<16x6144xi32, #tpu.memory_space<vmem>>[vector<16xi32>, vector<16xi32>], vector<16xi32>,
        %gather3A_743 = tpu.vector_load_idx %arg6[%broadcast_in_dim3A_741, %get3A_739] : memref<16x6144xi32, #tpu.memory_space<vmem>>[vector<16xi32>, vector<16xi32>], vector<16xi32>,
        %bitcast3A_744 = vector.bitcast %gather3A_742 : vector<16xi32> to vector<32xbf16>
        %bitcast3A_745 = vector.bitcast %gather3A_743 : vector<16xi32> to vector<32xbf16>
        %add3A_746 = arith.addf %bitcast3A_744, %bitcast3A_745 : vector<32xbf16>
        %bitcast3A_747 = vector.bitcast %add3A_746 : vector<32xbf16> to vector<16xi32>
        %mul3A_748 = arith.constant 16 : i32
        %mul3A_749 = arith.muli %add3A_731, %mul3A_748 : i32
        %swap3A_750 = arith.constant 0 : i32
        %swap3A_751 = arith.index_cast %swap3A_750 : i32 to index
        %swap3A_752 = arith.index_cast %mul3A_749 : i32 to index
        %swap3A_753 = tpu.vector_load %arg9[%swap3A_751, %swap3A_752] {strides = array<i32>} : memref<16x1024xi32, #tpu.memory_space<vmem>>, vector<16xi32>,
        tpu.vector_store %arg9[%swap3A_751, %swap3A_752], %bitcast3A_747 {strides = array<i32>} : memref<16x1024xi32, #tpu.memory_space<vmem>>, vector<16xi32>,
        %broadcast_in_dim3A_754 = arith.constant 1 : i32
        %broadcast_in_dim3A_755 = vector.broadcast %broadcast_in_dim3A_754 : i32 to vector<16xi32>
        %gather3A_756 = tpu.vector_load_idx %arg6[%broadcast_in_dim3A_755, %get3A_735] : memref<16x6144xi32, #tpu.memory_space<vmem>>[vector<16xi32>, vector<16xi32>], vector<16xi32>,
        %gather3A_757 = tpu.vector_load_idx %arg6[%broadcast_in_dim3A_755, %get3A_739] : memref<16x6144xi32, #tpu.memory_space<vmem>>[vector<16xi32>, vector<16xi32>], vector<16xi32>,
        %bitcast3A_758 = vector.bitcast %gather3A_756 : vector<16xi32> to vector<32xbf16>
        %bitcast3A_759 = vector.bitcast %gather3A_757 : vector<16xi32> to vector<32xbf16>
        %add3A_760 = arith.addf %bitcast3A_758, %bitcast3A_759 : vector<32xbf16>
        %bitcast3A_761 = vector.bitcast %add3A_760 : vector<32xbf16> to vector<16xi32>
        %mul3A_762 = arith.constant 16 : i32
        %mul3A_763 = arith.muli %add3A_731, %mul3A_762 : i32
        %swap3A_764 = arith.constant 1 : i32
        %swap3A_765 = arith.index_cast %swap3A_764 : i32 to index
        %swap3A_766 = arith.index_cast %mul3A_763 : i32 to index
        %swap3A_767 = tpu.vector_load %arg9[%swap3A_765, %swap3A_766] {strides = array<i32>} : memref<16x1024xi32, #tpu.memory_space<vmem>>, vector<16xi32>,
        tpu.vector_store %arg9[%swap3A_765, %swap3A_766], %bitcast3A_761 {strides = array<i32>} : memref<16x1024xi32, #tpu.memory_space<vmem>>, vector<16xi32>,
        %broadcast_in_dim3A_768 = arith.constant 2 : i32
        %broadcast_in_dim3A_769 = vector.broadcast %broadcast_in_dim3A_768 : i32 to vector<16xi32>
        %gather3A_770 = tpu.vector_load_idx %arg6[%broadcast_in_dim3A_769, %get3A_735] : memref<16x6144xi32, #tpu.memory_space<vmem>>[vector<16xi32>, vector<16xi32>], vector<16xi32>,
        %gather3A_771 = tpu.vector_load_idx %arg6[%broadcast_in_dim3A_769, %get3A_739] : memref<16x6144xi32, #tpu.memory_space<vmem>>[vector<16xi32>, vector<16xi32>], vector<16xi32>,
        %bitcast3A_772 = vector.bitcast %gather3A_770 : vector<16xi32> to vector<32xbf16>
        %bitcast3A_773 = vector.bitcast %gather3A_771 : vector<16xi32> to vector<32xbf16>
        %add3A_774 = arith.addf %bitcast3A_772, %bitcast3A_773 : vector<32xbf16>
        %bitcast3A_775 = vector.bitcast %add3A_774 : vector<32xbf16> to vector<16xi32>
        %mul3A_776 = arith.constant 16 : i32
        %mul3A_777 = arith.muli %add3A_731, %mul3A_776 : i32
        %swap3A_778 = arith.constant 2 : i32
        %swap3A_779 = arith.index_cast %swap3A_778 : i32 to index
        %swap3A_780 = arith.index_cast %mul3A_777 : i32 to index
        %swap3A_781 = tpu.vector_load %arg9[%swap3A_779, %swap3A_780] {strides = array<i32>} : memref<16x1024xi32, #tpu.memory_space<vmem>>, vector<16xi32>,
        tpu.vector_store %arg9[%swap3A_779, %swap3A_780], %bitcast3A_775 {strides = array<i32>} : memref<16x1024xi32, #tpu.memory_space<vmem>>, vector<16xi32>,
        %broadcast_in_dim3A_782 = arith.constant 3 : i32
        %broadcast_in_dim3A_783 = vector.broadcast %broadcast_in_dim3A_782 : i32 to vector<16xi32>
        %gather3A_784 = tpu.vector_load_idx %arg6[%broadcast_in_dim3A_783, %get3A_735] : memref<16x6144xi32, #tpu.memory_space<vmem>>[vector<16xi32>, vector<16xi32>], vector<16xi32>,
        %gather3A_785 = tpu.vector_load_idx %arg6[%broadcast_in_dim3A_783, %get3A_739] : memref<16x6144xi32, #tpu.memory_space<vmem>>[vector<16xi32>, vector<16xi32>], vector<16xi32>,
        %bitcast3A_786 = vector.bitcast %gather3A_784 : vector<16xi32> to vector<32xbf16>
        %bitcast3A_787 = vector.bitcast %gather3A_785 : vector<16xi32> to vector<32xbf16>
        %add3A_788 = arith.addf %bitcast3A_786, %bitcast3A_787 : vector<32xbf16>
        %bitcast3A_789 = vector.bitcast %add3A_788 : vector<32xbf16> to vector<16xi32>
        %mul3A_790 = arith.constant 16 : i32
        %mul3A_791 = arith.muli %add3A_731, %mul3A_790 : i32
        %swap3A_792 = arith.constant 3 : i32
        %swap3A_793 = arith.index_cast %swap3A_792 : i32 to index
        %swap3A_794 = arith.index_cast %mul3A_791 : i32 to index
        %swap3A_795 = tpu.vector_load %arg9[%swap3A_793, %swap3A_794] {strides = array<i32>} : memref<16x1024xi32, #tpu.memory_space<vmem>>, vector<16xi32>,
        tpu.vector_store %arg9[%swap3A_793, %swap3A_794], %bitcast3A_789 {strides = array<i32>} : memref<16x1024xi32, #tpu.memory_space<vmem>>, vector<16xi32>,
        %broadcast_in_dim3A_796 = arith.constant 4 : i32
        %broadcast_in_dim3A_797 = vector.broadcast %broadcast_in_dim3A_796 : i32 to vector<16xi32>
        %gather3A_798 = tpu.vector_load_idx %arg6[%broadcast_in_dim3A_797, %get3A_735] : memref<16x6144xi32, #tpu.memory_space<vmem>>[vector<16xi32>, vector<16xi32>], vector<16xi32>,
        %gather3A_799 = tpu.vector_load_idx %arg6[%broadcast_in_dim3A_797, %get3A_739] : memref<16x6144xi32, #tpu.memory_space<vmem>>[vector<16xi32>, vector<16xi32>], vector<16xi32>,
        %bitcast3A_800 = vector.bitcast %gather3A_798 : vector<16xi32> to vector<32xbf16>
        %bitcast3A_801 = vector.bitcast %gather3A_799 : vector<16xi32> to vector<32xbf16>
        %add3A_802 = arith.addf %bitcast3A_800, %bitcast3A_801 : vector<32xbf16>
        %bitcast3A_803 = vector.bitcast %add3A_802 : vector<32xbf16> to vector<16xi32>
        %mul3A_804 = arith.constant 16 : i32
        %mul3A_805 = arith.muli %add3A_731, %mul3A_804 : i32
        %swap3A_806 = arith.constant 4 : i32
        %swap3A_807 = arith.index_cast %swap3A_806 : i32 to index
        %swap3A_808 = arith.index_cast %mul3A_805 : i32 to index
        %swap3A_809 = tpu.vector_load %arg9[%swap3A_807, %swap3A_808] {strides = array<i32>} : memref<16x1024xi32, #tpu.memory_space<vmem>>, vector<16xi32>,
        tpu.vector_store %arg9[%swap3A_807, %swap3A_808], %bitcast3A_803 {strides = array<i32>} : memref<16x1024xi32, #tpu.memory_space<vmem>>, vector<16xi32>,
        %broadcast_in_dim3A_810 = arith.constant 5 : i32
        %broadcast_in_dim3A_811 = vector.broadcast %broadcast_in_dim3A_810 : i32 to vector<16xi32>
        %gather3A_812 = tpu.vector_load_idx %arg6[%broadcast_in_dim3A_811, %get3A_735] : memref<16x6144xi32, #tpu.memory_space<vmem>>[vector<16xi32>, vector<16xi32>], vector<16xi32>,
        %gather3A_813 = tpu.vector_load_idx %arg6[%broadcast_in_dim3A_811, %get3A_739] : memref<16x6144xi32, #tpu.memory_space<vmem>>[vector<16xi32>, vector<16xi32>], vector<16xi32>,
        %bitcast3A_814 = vector.bitcast %gather3A_812 : vector<16xi32> to vector<32xbf16>
        %bitcast3A_815 = vector.bitcast %gather3A_813 : vector<16xi32> to vector<32xbf16>
        %add3A_816 = arith.addf %bitcast3A_814, %bitcast3A_815 : vector<32xbf16>
        %bitcast3A_817 = vector.bitcast %add3A_816 : vector<32xbf16> to vector<16xi32>
        %mul3A_818 = arith.constant 16 : i32
        %mul3A_819 = arith.muli %add3A_731, %mul3A_818 : i32
        %swap3A_820 = arith.constant 5 : i32
        %swap3A_821 = arith.index_cast %swap3A_820 : i32 to index
        %swap3A_822 = arith.index_cast %mul3A_819 : i32 to index
        %swap3A_823 = tpu.vector_load %arg9[%swap3A_821, %swap3A_822] {strides = array<i32>} : memref<16x1024xi32, #tpu.memory_space<vmem>>, vector<16xi32>,
        tpu.vector_store %arg9[%swap3A_821, %swap3A_822], %bitcast3A_817 {strides = array<i32>} : memref<16x1024xi32, #tpu.memory_space<vmem>>, vector<16xi32>,
        %broadcast_in_dim3A_824 = arith.constant 6 : i32
        %broadcast_in_dim3A_825 = vector.broadcast %broadcast_in_dim3A_824 : i32 to vector<16xi32>
        %gather3A_826 = tpu.vector_load_idx %arg6[%broadcast_in_dim3A_825, %get3A_735] : memref<16x6144xi32, #tpu.memory_space<vmem>>[vector<16xi32>, vector<16xi32>], vector<16xi32>,
        %gather3A_827 = tpu.vector_load_idx %arg6[%broadcast_in_dim3A_825, %get3A_739] : memref<16x6144xi32, #tpu.memory_space<vmem>>[vector<16xi32>, vector<16xi32>], vector<16xi32>,
        %bitcast3A_828 = vector.bitcast %gather3A_826 : vector<16xi32> to vector<32xbf16>
        %bitcast3A_829 = vector.bitcast %gather3A_827 : vector<16xi32> to vector<32xbf16>
        %add3A_830 = arith.addf %bitcast3A_828, %bitcast3A_829 : vector<32xbf16>
        %bitcast3A_831 = vector.bitcast %add3A_830 : vector<32xbf16> to vector<16xi32>
        %mul3A_832 = arith.constant 16 : i32
        %mul3A_833 = arith.muli %add3A_731, %mul3A_832 : i32
        %swap3A_834 = arith.constant 6 : i32
        %swap3A_835 = arith.index_cast %swap3A_834 : i32 to index
        %swap3A_836 = arith.index_cast %mul3A_833 : i32 to index
        %swap3A_837 = tpu.vector_load %arg9[%swap3A_835, %swap3A_836] {strides = array<i32>} : memref<16x1024xi32, #tpu.memory_space<vmem>>, vector<16xi32>,
        tpu.vector_store %arg9[%swap3A_835, %swap3A_836], %bitcast3A_831 {strides = array<i32>} : memref<16x1024xi32, #tpu.memory_space<vmem>>, vector<16xi32>,
        %broadcast_in_dim3A_838 = arith.constant 7 : i32
        %broadcast_in_dim3A_839 = vector.broadcast %broadcast_in_dim3A_838 : i32 to vector<16xi32>
        %gather3A_840 = tpu.vector_load_idx %arg6[%broadcast_in_dim3A_839, %get3A_735] : memref<16x6144xi32, #tpu.memory_space<vmem>>[vector<16xi32>, vector<16xi32>], vector<16xi32>,
        %gather3A_841 = tpu.vector_load_idx %arg6[%broadcast_in_dim3A_839, %get3A_739] : memref<16x6144xi32, #tpu.memory_space<vmem>>[vector<16xi32>, vector<16xi32>], vector<16xi32>,
        %bitcast3A_842 = vector.bitcast %gather3A_840 : vector<16xi32> to vector<32xbf16>
        %bitcast3A_843 = vector.bitcast %gather3A_841 : vector<16xi32> to vector<32xbf16>
        %add3A_844 = arith.addf %bitcast3A_842, %bitcast3A_843 : vector<32xbf16>
        %bitcast3A_845 = vector.bitcast %add3A_844 : vector<32xbf16> to vector<16xi32>
        %mul3A_846 = arith.constant 16 : i32
        %mul3A_847 = arith.muli %add3A_731, %mul3A_846 : i32
        %swap3A_848 = arith.constant 7 : i32
        %swap3A_849 = arith.index_cast %swap3A_848 : i32 to index
        %swap3A_850 = arith.index_cast %mul3A_847 : i32 to index
        %swap3A_851 = tpu.vector_load %arg9[%swap3A_849, %swap3A_850] {strides = array<i32>} : memref<16x1024xi32, #tpu.memory_space<vmem>>, vector<16xi32>,
        tpu.vector_store %arg9[%swap3A_849, %swap3A_850], %bitcast3A_845 {strides = array<i32>} : memref<16x1024xi32, #tpu.memory_space<vmem>>, vector<16xi32>,
        %broadcast_in_dim3A_852 = arith.constant 8 : i32
        %broadcast_in_dim3A_853 = vector.broadcast %broadcast_in_dim3A_852 : i32 to vector<16xi32>
        %gather3A_854 = tpu.vector_load_idx %arg6[%broadcast_in_dim3A_853, %get3A_735] : memref<16x6144xi32, #tpu.memory_space<vmem>>[vector<16xi32>, vector<16xi32>], vector<16xi32>,
        %gather3A_855 = tpu.vector_load_idx %arg6[%broadcast_in_dim3A_853, %get3A_739] : memref<16x6144xi32, #tpu.memory_space<vmem>>[vector<16xi32>, vector<16xi32>], vector<16xi32>,
        %bitcast3A_856 = vector.bitcast %gather3A_854 : vector<16xi32> to vector<32xbf16>
        %bitcast3A_857 = vector.bitcast %gather3A_855 : vector<16xi32> to vector<32xbf16>
        %add3A_858 = arith.addf %bitcast3A_856, %bitcast3A_857 : vector<32xbf16>
        %bitcast3A_859 = vector.bitcast %add3A_858 : vector<32xbf16> to vector<16xi32>
        %mul3A_860 = arith.constant 16 : i32
        %mul3A_861 = arith.muli %add3A_731, %mul3A_860 : i32
        %swap3A_862 = arith.constant 8 : i32
        %swap3A_863 = arith.index_cast %swap3A_862 : i32 to index
        %swap3A_864 = arith.index_cast %mul3A_861 : i32 to index
        %swap3A_865 = tpu.vector_load %arg9[%swap3A_863, %swap3A_864] {strides = array<i32>} : memref<16x1024xi32, #tpu.memory_space<vmem>>, vector<16xi32>,
        tpu.vector_store %arg9[%swap3A_863, %swap3A_864], %bitcast3A_859 {strides = array<i32>} : memref<16x1024xi32, #tpu.memory_space<vmem>>, vector<16xi32>,
        %broadcast_in_dim3A_866 = arith.constant 9 : i32
        %broadcast_in_dim3A_867 = vector.broadcast %broadcast_in_dim3A_866 : i32 to vector<16xi32>
        %gather3A_868 = tpu.vector_load_idx %arg6[%broadcast_in_dim3A_867, %get3A_735] : memref<16x6144xi32, #tpu.memory_space<vmem>>[vector<16xi32>, vector<16xi32>], vector<16xi32>,
        %gather3A_869 = tpu.vector_load_idx %arg6[%broadcast_in_dim3A_867, %get3A_739] : memref<16x6144xi32, #tpu.memory_space<vmem>>[vector<16xi32>, vector<16xi32>], vector<16xi32>,
        %bitcast3A_870 = vector.bitcast %gather3A_868 : vector<16xi32> to vector<32xbf16>
        %bitcast3A_871 = vector.bitcast %gather3A_869 : vector<16xi32> to vector<32xbf16>
        %add3A_872 = arith.addf %bitcast3A_870, %bitcast3A_871 : vector<32xbf16>
        %bitcast3A_873 = vector.bitcast %add3A_872 : vector<32xbf16> to vector<16xi32>
        %mul3A_874 = arith.constant 16 : i32
        %mul3A_875 = arith.muli %add3A_731, %mul3A_874 : i32
        %swap3A_876 = arith.constant 9 : i32
        %swap3A_877 = arith.index_cast %swap3A_876 : i32 to index
        %swap3A_878 = arith.index_cast %mul3A_875 : i32 to index
        %swap3A_879 = tpu.vector_load %arg9[%swap3A_877, %swap3A_878] {strides = array<i32>} : memref<16x1024xi32, #tpu.memory_space<vmem>>, vector<16xi32>,
        tpu.vector_store %arg9[%swap3A_877, %swap3A_878], %bitcast3A_873 {strides = array<i32>} : memref<16x1024xi32, #tpu.memory_space<vmem>>, vector<16xi32>,
        %broadcast_in_dim3A_880 = arith.constant 10 : i32
        %broadcast_in_dim3A_881 = vector.broadcast %broadcast_in_dim3A_880 : i32 to vector<16xi32>
        %gather3A_882 = tpu.vector_load_idx %arg6[%broadcast_in_dim3A_881, %get3A_735] : memref<16x6144xi32, #tpu.memory_space<vmem>>[vector<16xi32>, vector<16xi32>], vector<16xi32>,
        %gather3A_883 = tpu.vector_load_idx %arg6[%broadcast_in_dim3A_881, %get3A_739] : memref<16x6144xi32, #tpu.memory_space<vmem>>[vector<16xi32>, vector<16xi32>], vector<16xi32>,
        %bitcast3A_884 = vector.bitcast %gather3A_882 : vector<16xi32> to vector<32xbf16>
        %bitcast3A_885 = vector.bitcast %gather3A_883 : vector<16xi32> to vector<32xbf16>
        %add3A_886 = arith.addf %bitcast3A_884, %bitcast3A_885 : vector<32xbf16>
        %bitcast3A_887 = vector.bitcast %add3A_886 : vector<32xbf16> to vector<16xi32>
        %mul3A_888 = arith.constant 16 : i32
        %mul3A_889 = arith.muli %add3A_731, %mul3A_888 : i32
        %swap3A_890 = arith.constant 10 : i32
        %swap3A_891 = arith.index_cast %swap3A_890 : i32 to index
        %swap3A_892 = arith.index_cast %mul3A_889 : i32 to index
        %swap3A_893 = tpu.vector_load %arg9[%swap3A_891, %swap3A_892] {strides = array<i32>} : memref<16x1024xi32, #tpu.memory_space<vmem>>, vector<16xi32>,
        tpu.vector_store %arg9[%swap3A_891, %swap3A_892], %bitcast3A_887 {strides = array<i32>} : memref<16x1024xi32, #tpu.memory_space<vmem>>, vector<16xi32>,
        %broadcast_in_dim3A_894 = arith.constant 11 : i32
        %broadcast_in_dim3A_895 = vector.broadcast %broadcast_in_dim3A_894 : i32 to vector<16xi32>
        %gather3A_896 = tpu.vector_load_idx %arg6[%broadcast_in_dim3A_895, %get3A_735] : memref<16x6144xi32, #tpu.memory_space<vmem>>[vector<16xi32>, vector<16xi32>], vector<16xi32>,
        %gather3A_897 = tpu.vector_load_idx %arg6[%broadcast_in_dim3A_895, %get3A_739] : memref<16x6144xi32, #tpu.memory_space<vmem>>[vector<16xi32>, vector<16xi32>], vector<16xi32>,
        %bitcast3A_898 = vector.bitcast %gather3A_896 : vector<16xi32> to vector<32xbf16>
        %bitcast3A_899 = vector.bitcast %gather3A_897 : vector<16xi32> to vector<32xbf16>
        %add3A_900 = arith.addf %bitcast3A_898, %bitcast3A_899 : vector<32xbf16>
        %bitcast3A_901 = vector.bitcast %add3A_900 : vector<32xbf16> to vector<16xi32>
        %mul3A_902 = arith.constant 16 : i32
        %mul3A_903 = arith.muli %add3A_731, %mul3A_902 : i32
        %swap3A_904 = arith.constant 11 : i32
        %swap3A_905 = arith.index_cast %swap3A_904 : i32 to index
        %swap3A_906 = arith.index_cast %mul3A_903 : i32 to index
        %swap3A_907 = tpu.vector_load %arg9[%swap3A_905, %swap3A_906] {strides = array<i32>} : memref<16x1024xi32, #tpu.memory_space<vmem>>, vector<16xi32>,
        tpu.vector_store %arg9[%swap3A_905, %swap3A_906], %bitcast3A_901 {strides = array<i32>} : memref<16x1024xi32, #tpu.memory_space<vmem>>, vector<16xi32>,
        %broadcast_in_dim3A_908 = arith.constant 12 : i32
        %broadcast_in_dim3A_909 = vector.broadcast %broadcast_in_dim3A_908 : i32 to vector<16xi32>
        %gather3A_910 = tpu.vector_load_idx %arg6[%broadcast_in_dim3A_909, %get3A_735] : memref<16x6144xi32, #tpu.memory_space<vmem>>[vector<16xi32>, vector<16xi32>], vector<16xi32>,
        %gather3A_911 = tpu.vector_load_idx %arg6[%broadcast_in_dim3A_909, %get3A_739] : memref<16x6144xi32, #tpu.memory_space<vmem>>[vector<16xi32>, vector<16xi32>], vector<16xi32>,
        %bitcast3A_912 = vector.bitcast %gather3A_910 : vector<16xi32> to vector<32xbf16>
        %bitcast3A_913 = vector.bitcast %gather3A_911 : vector<16xi32> to vector<32xbf16>
        %add3A_914 = arith.addf %bitcast3A_912, %bitcast3A_913 : vector<32xbf16>
        %bitcast3A_915 = vector.bitcast %add3A_914 : vector<32xbf16> to vector<16xi32>
        %mul3A_916 = arith.constant 16 : i32
        %mul3A_917 = arith.muli %add3A_731, %mul3A_916 : i32
        %swap3A_918 = arith.constant 12 : i32
        %swap3A_919 = arith.index_cast %swap3A_918 : i32 to index
        %swap3A_920 = arith.index_cast %mul3A_917 : i32 to index
        %swap3A_921 = tpu.vector_load %arg9[%swap3A_919, %swap3A_920] {strides = array<i32>} : memref<16x1024xi32, #tpu.memory_space<vmem>>, vector<16xi32>,
        tpu.vector_store %arg9[%swap3A_919, %swap3A_920], %bitcast3A_915 {strides = array<i32>} : memref<16x1024xi32, #tpu.memory_space<vmem>>, vector<16xi32>,
        %broadcast_in_dim3A_922 = arith.constant 13 : i32
        %broadcast_in_dim3A_923 = vector.broadcast %broadcast_in_dim3A_922 : i32 to vector<16xi32>
        %gather3A_924 = tpu.vector_load_idx %arg6[%broadcast_in_dim3A_923, %get3A_735] : memref<16x6144xi32, #tpu.memory_space<vmem>>[vector<16xi32>, vector<16xi32>], vector<16xi32>,
        %gather3A_925 = tpu.vector_load_idx %arg6[%broadcast_in_dim3A_923, %get3A_739] : memref<16x6144xi32, #tpu.memory_space<vmem>>[vector<16xi32>, vector<16xi32>], vector<16xi32>,
        %bitcast3A_926 = vector.bitcast %gather3A_924 : vector<16xi32> to vector<32xbf16>
        %bitcast3A_927 = vector.bitcast %gather3A_925 : vector<16xi32> to vector<32xbf16>
        %add3A_928 = arith.addf %bitcast3A_926, %bitcast3A_927 : vector<32xbf16>
        %bitcast3A_929 = vector.bitcast %add3A_928 : vector<32xbf16> to vector<16xi32>
        %mul3A_930 = arith.constant 16 : i32
        %mul3A_931 = arith.muli %add3A_731, %mul3A_930 : i32
        %swap3A_932 = arith.constant 13 : i32
        %swap3A_933 = arith.index_cast %swap3A_932 : i32 to index
        %swap3A_934 = arith.index_cast %mul3A_931 : i32 to index
        %swap3A_935 = tpu.vector_load %arg9[%swap3A_933, %swap3A_934] {strides = array<i32>} : memref<16x1024xi32, #tpu.memory_space<vmem>>, vector<16xi32>,
        tpu.vector_store %arg9[%swap3A_933, %swap3A_934], %bitcast3A_929 {strides = array<i32>} : memref<16x1024xi32, #tpu.memory_space<vmem>>, vector<16xi32>,
        %broadcast_in_dim3A_936 = arith.constant 14 : i32
        %broadcast_in_dim3A_937 = vector.broadcast %broadcast_in_dim3A_936 : i32 to vector<16xi32>
        %gather3A_938 = tpu.vector_load_idx %arg6[%broadcast_in_dim3A_937, %get3A_735] : memref<16x6144xi32, #tpu.memory_space<vmem>>[vector<16xi32>, vector<16xi32>], vector<16xi32>,
        %gather3A_939 = tpu.vector_load_idx %arg6[%broadcast_in_dim3A_937, %get3A_739] : memref<16x6144xi32, #tpu.memory_space<vmem>>[vector<16xi32>, vector<16xi32>], vector<16xi32>,
        %bitcast3A_940 = vector.bitcast %gather3A_938 : vector<16xi32> to vector<32xbf16>
        %bitcast3A_941 = vector.bitcast %gather3A_939 : vector<16xi32> to vector<32xbf16>
        %add3A_942 = arith.addf %bitcast3A_940, %bitcast3A_941 : vector<32xbf16>
        %bitcast3A_943 = vector.bitcast %add3A_942 : vector<32xbf16> to vector<16xi32>
        %mul3A_944 = arith.constant 16 : i32
        %mul3A_945 = arith.muli %add3A_731, %mul3A_944 : i32
        %swap3A_946 = arith.constant 14 : i32
        %swap3A_947 = arith.index_cast %swap3A_946 : i32 to index
        %swap3A_948 = arith.index_cast %mul3A_945 : i32 to index
        %swap3A_949 = tpu.vector_load %arg9[%swap3A_947, %swap3A_948] {strides = array<i32>} : memref<16x1024xi32, #tpu.memory_space<vmem>>, vector<16xi32>,
        tpu.vector_store %arg9[%swap3A_947, %swap3A_948], %bitcast3A_943 {strides = array<i32>} : memref<16x1024xi32, #tpu.memory_space<vmem>>, vector<16xi32>,
        %broadcast_in_dim3A_950 = arith.constant 15 : i32
        %broadcast_in_dim3A_951 = vector.broadcast %broadcast_in_dim3A_950 : i32 to vector<16xi32>
        %gather3A_952 = tpu.vector_load_idx %arg6[%broadcast_in_dim3A_951, %get3A_735] : memref<16x6144xi32, #tpu.memory_space<vmem>>[vector<16xi32>, vector<16xi32>], vector<16xi32>,
        %gather3A_953 = tpu.vector_load_idx %arg6[%broadcast_in_dim3A_951, %get3A_739] : memref<16x6144xi32, #tpu.memory_space<vmem>>[vector<16xi32>, vector<16xi32>], vector<16xi32>,
        %bitcast3A_954 = vector.bitcast %gather3A_952 : vector<16xi32> to vector<32xbf16>
        %bitcast3A_955 = vector.bitcast %gather3A_953 : vector<16xi32> to vector<32xbf16>
        %add3A_956 = arith.addf %bitcast3A_954, %bitcast3A_955 : vector<32xbf16>
        %bitcast3A_957 = vector.bitcast %add3A_956 : vector<32xbf16> to vector<16xi32>
        %mul3A_958 = arith.constant 16 : i32
        %mul3A_959 = arith.muli %add3A_731, %mul3A_958 : i32
        %swap3A_960 = arith.constant 15 : i32
        %swap3A_961 = arith.index_cast %swap3A_960 : i32 to index
        %swap3A_962 = arith.index_cast %mul3A_959 : i32 to index
        %swap3A_963 = tpu.vector_load %arg9[%swap3A_961, %swap3A_962] {strides = array<i32>} : memref<16x1024xi32, #tpu.memory_space<vmem>>, vector<16xi32>,
        tpu.vector_store %arg9[%swap3A_961, %swap3A_962], %bitcast3A_957 {strides = array<i32>} : memref<16x1024xi32, #tpu.memory_space<vmem>>, vector<16xi32>,
      }
      %scan3A_8 = arith.constant 64 : i32
      %mul3A_9 = arith.constant 16 : i32
      %mul3A_10 = arith.muli %add3A, %mul3A_9 : i32
      "tpu.region"() ({
        %run_scoped3A = tpu.sem_alloc : memref<!tpu.dma_semaphore, #tpu.memory_space<semaphore_mem>>
        %dma_start3A = arith.constant 0 : i32
        %dma_start3A_18 = tpu.memref_slice %arg5[%mul3A_10, %dma_start3A] : memref<384x2048xi32, #tpu.memory_space<hbm>> -> memref<16x1024xi32, #tpu.memory_space<hbm>>
        %dma_start3A_19 = arith.constant 0 : i32
        %dma_start3A_20 = tpu.memref_slice %arg5[%mul3A_10, %dma_start3A_19] : memref<384x2048xi32, #tpu.memory_space<hbm>> -> memref<16x1024xi32, #tpu.memory_space<hbm>>
        tpu.enqueue_dma source(%arg9 : memref<16x1024xi32, #tpu.memory_space<vmem>>) target(%dma_start3A_20 : memref<16x1024xi32, #tpu.memory_space<hbm>>) target_semaphore(%run_scoped3A : memref<!tpu.dma_semaphore, #tpu.memory_space<semaphore_mem>>)
        %dma_wait3A = arith.constant 0 : i32
        %dma_wait3A_21 = tpu.memref_slice %arg5[%mul3A_10, %dma_wait3A] : memref<384x2048xi32, #tpu.memory_space<hbm>> -> memref<16x1024xi32, #tpu.memory_space<hbm>>
        %dma_wait3A_22 = arith.constant 0 : i32
        %dma_wait3A_23 = tpu.memref_slice %arg5[%mul3A_10, %dma_wait3A_22] : memref<384x2048xi32, #tpu.memory_space<hbm>> -> memref<16x1024xi32, #tpu.memory_space<hbm>>
        tpu.wait_dma2 semaphore(%run_scoped3A : memref<!tpu.dma_semaphore, #tpu.memory_space<semaphore_mem>>) src(%arg9 : memref<16x1024xi32, #tpu.memory_space<vmem>>) dst(%dma_wait3A_23 : memref<16x1024xi32, #tpu.memory_space<hbm>>)
        tpu.yield
      }) : () -> ()
      "tpu.region"() ({
        %run_scoped3A = tpu.sem_alloc : memref<!tpu.dma_semaphore, #tpu.memory_space<semaphore_mem>>
        %dma_start3A = arith.constant 1024 : i32
        %dma_start3A_18 = tpu.memref_slice %arg3[%dma_start3A] : memref<2048xi32, #tpu.memory_space<hbm>> -> memref<1024xi32, #tpu.memory_space<hbm>>
        %dma_start3A_19 = arith.constant 1024 : i32
        %dma_start3A_20 = tpu.memref_slice %arg3[%dma_start3A_19] : memref<2048xi32, #tpu.memory_space<hbm>> -> memref<1024xi32, #tpu.memory_space<hbm>>
        tpu.enqueue_dma source(%dma_start3A_20 : memref<1024xi32, #tpu.memory_space<hbm>>) target(%arg7 : memref<1024xi32, #tpu.memory_space<vmem>>) target_semaphore(%run_scoped3A : memref<!tpu.dma_semaphore, #tpu.memory_space<semaphore_mem>>)
        %dma_wait3A = arith.constant 1024 : i32
        %dma_wait3A_21 = tpu.memref_slice %arg3[%dma_wait3A] : memref<2048xi32, #tpu.memory_space<hbm>> -> memref<1024xi32, #tpu.memory_space<hbm>>
        %dma_wait3A_22 = arith.constant 1024 : i32
        %dma_wait3A_23 = tpu.memref_slice %arg3[%dma_wait3A_22] : memref<2048xi32, #tpu.memory_space<hbm>> -> memref<1024xi32, #tpu.memory_space<hbm>>
        tpu.wait_dma2 semaphore(%run_scoped3A : memref<!tpu.dma_semaphore, #tpu.memory_space<semaphore_mem>>) src(%dma_wait3A_23 : memref<1024xi32, #tpu.memory_space<hbm>>) dst(%arg7 : memref<1024xi32, #tpu.memory_space<vmem>>)
        tpu.yield
      }) : () -> ()
      "tpu.region"() ({
        %run_scoped3A = tpu.sem_alloc : memref<!tpu.dma_semaphore, #tpu.memory_space<semaphore_mem>>
        %dma_start3A = arith.constant 1024 : i32
        %dma_start3A_18 = tpu.memref_slice %arg4[%dma_start3A] : memref<2048xi32, #tpu.memory_space<hbm>> -> memref<1024xi32, #tpu.memory_space<hbm>>
        %dma_start3A_19 = arith.constant 1024 : i32
        %dma_start3A_20 = tpu.memref_slice %arg4[%dma_start3A_19] : memref<2048xi32, #tpu.memory_space<hbm>> -> memref<1024xi32, #tpu.memory_space<hbm>>
        tpu.enqueue_dma source(%dma_start3A_20 : memref<1024xi32, #tpu.memory_space<hbm>>) target(%arg8 : memref<1024xi32, #tpu.memory_space<vmem>>) target_semaphore(%run_scoped3A : memref<!tpu.dma_semaphore, #tpu.memory_space<semaphore_mem>>)
        %dma_wait3A = arith.constant 1024 : i32
        %dma_wait3A_21 = tpu.memref_slice %arg4[%dma_wait3A] : memref<2048xi32, #tpu.memory_space<hbm>> -> memref<1024xi32, #tpu.memory_space<hbm>>
        %dma_wait3A_22 = arith.constant 1024 : i32
        %dma_wait3A_23 = tpu.memref_slice %arg4[%dma_wait3A_22] : memref<2048xi32, #tpu.memory_space<hbm>> -> memref<1024xi32, #tpu.memory_space<hbm>>
        tpu.wait_dma2 semaphore(%run_scoped3A : memref<!tpu.dma_semaphore, #tpu.memory_space<semaphore_mem>>) src(%dma_wait3A_23 : memref<1024xi32, #tpu.memory_space<hbm>>) dst(%arg8 : memref<1024xi32, #tpu.memory_space<vmem>>)
        tpu.yield
      }) : () -> ()
      %scan3A_11 = arith.constant 0 : i32
      %scan3A_12 = arith.constant 64 : i32
      %scan3A_13 = arith.addi %scan3A_11, %scan3A_12 : i32
      %scan3A_14 = arith.constant 4 : i32
      scf.for %scan3A_18 = %scan3A_11 to %scan3A_13 step %scan3A_14  : i32 {
        %mul3A_19 = arith.constant 1 : i32
        %mul3A_20 = arith.muli %scan3A_18, %mul3A_19 : i32
        %add3A_21 = arith.constant 0 : i32
        %add3A_22 = arith.addi %add3A_21, %mul3A_20 : i32
        %mul3A_23 = arith.constant 16 : i32
        %mul3A_24 = arith.muli %add3A_22, %mul3A_23 : i32
        %get3A = arith.index_cast %mul3A_24 : i32 to index
        %get3A_25 = tpu.vector_load %arg7[%get3A] {strides = array<i32>} : memref<1024xi32, #tpu.memory_space<vmem>>, vector<16xi32>,
        %mul3A_26 = arith.constant 16 : i32
        %mul3A_27 = arith.muli %add3A_22, %mul3A_26 : i32
        %get3A_28 = arith.index_cast %mul3A_27 : i32 to index
        %get3A_29 = tpu.vector_load %arg8[%get3A_28] {strides = array<i32>} : memref<1024xi32, #tpu.memory_space<vmem>>, vector<16xi32>,
        %broadcast_in_dim3A = arith.constant 0 : i32
        %broadcast_in_dim3A_30 = vector.broadcast %broadcast_in_dim3A : i32 to vector<16xi32>
        %gather3A = tpu.vector_load_idx %arg6[%broadcast_in_dim3A_30, %get3A_25] : memref<16x6144xi32, #tpu.memory_space<vmem>>[vector<16xi32>, vector<16xi32>], vector<16xi32>,
        %gather3A_31 = tpu.vector_load_idx %arg6[%broadcast_in_dim3A_30, %get3A_29] : memref<16x6144xi32, #tpu.memory_space<vmem>>[vector<16xi32>, vector<16xi32>], vector<16xi32>,
        %bitcast3A = vector.bitcast %gather3A : vector<16xi32> to vector<32xbf16>
        %bitcast3A_32 = vector.bitcast %gather3A_31 : vector<16xi32> to vector<32xbf16>
        %add3A_33 = arith.addf %bitcast3A, %bitcast3A_32 : vector<32xbf16>
        %bitcast3A_34 = vector.bitcast %add3A_33 : vector<32xbf16> to vector<16xi32>
        %mul3A_35 = arith.constant 16 : i32
        %mul3A_36 = arith.muli %add3A_22, %mul3A_35 : i32
        %swap3A = arith.constant 0 : i32
        %swap3A_37 = arith.index_cast %swap3A : i32 to index
        %swap3A_38 = arith.index_cast %mul3A_36 : i32 to index
        %swap3A_39 = tpu.vector_load %arg9[%swap3A_37, %swap3A_38] {strides = array<i32>} : memref<16x1024xi32, #tpu.memory_space<vmem>>, vector<16xi32>,
        tpu.vector_store %arg9[%swap3A_37, %swap3A_38], %bitcast3A_34 {strides = array<i32>} : memref<16x1024xi32, #tpu.memory_space<vmem>>, vector<16xi32>,
        %broadcast_in_dim3A_40 = arith.constant 1 : i32
        %broadcast_in_dim3A_41 = vector.broadcast %broadcast_in_dim3A_40 : i32 to vector<16xi32>
        %gather3A_42 = tpu.vector_load_idx %arg6[%broadcast_in_dim3A_41, %get3A_25] : memref<16x6144xi32, #tpu.memory_space<vmem>>[vector<16xi32>, vector<16xi32>], vector<16xi32>,
        %gather3A_43 = tpu.vector_load_idx %arg6[%broadcast_in_dim3A_41, %get3A_29] : memref<16x6144xi32, #tpu.memory_space<vmem>>[vector<16xi32>, vector<16xi32>], vector<16xi32>,
        %bitcast3A_44 = vector.bitcast %gather3A_42 : vector<16xi32> to vector<32xbf16>
        %bitcast3A_45 = vector.bitcast %gather3A_43 : vector<16xi32> to vector<32xbf16>
        %add3A_46 = arith.addf %bitcast3A_44, %bitcast3A_45 : vector<32xbf16>
        %bitcast3A_47 = vector.bitcast %add3A_46 : vector<32xbf16> to vector<16xi32>
        %mul3A_48 = arith.constant 16 : i32
        %mul3A_49 = arith.muli %add3A_22, %mul3A_48 : i32
        %swap3A_50 = arith.constant 1 : i32
        %swap3A_51 = arith.index_cast %swap3A_50 : i32 to index
        %swap3A_52 = arith.index_cast %mul3A_49 : i32 to index
        %swap3A_53 = tpu.vector_load %arg9[%swap3A_51, %swap3A_52] {strides = array<i32>} : memref<16x1024xi32, #tpu.memory_space<vmem>>, vector<16xi32>,
        tpu.vector_store %arg9[%swap3A_51, %swap3A_52], %bitcast3A_47 {strides = array<i32>} : memref<16x1024xi32, #tpu.memory_space<vmem>>, vector<16xi32>,
        %broadcast_in_dim3A_54 = arith.constant 2 : i32
        %broadcast_in_dim3A_55 = vector.broadcast %broadcast_in_dim3A_54 : i32 to vector<16xi32>
        %gather3A_56 = tpu.vector_load_idx %arg6[%broadcast_in_dim3A_55, %get3A_25] : memref<16x6144xi32, #tpu.memory_space<vmem>>[vector<16xi32>, vector<16xi32>], vector<16xi32>,
        %gather3A_57 = tpu.vector_load_idx %arg6[%broadcast_in_dim3A_55, %get3A_29] : memref<16x6144xi32, #tpu.memory_space<vmem>>[vector<16xi32>, vector<16xi32>], vector<16xi32>,
        %bitcast3A_58 = vector.bitcast %gather3A_56 : vector<16xi32> to vector<32xbf16>
        %bitcast3A_59 = vector.bitcast %gather3A_57 : vector<16xi32> to vector<32xbf16>
        %add3A_60 = arith.addf %bitcast3A_58, %bitcast3A_59 : vector<32xbf16>
        %bitcast3A_61 = vector.bitcast %add3A_60 : vector<32xbf16> to vector<16xi32>
        %mul3A_62 = arith.constant 16 : i32
        %mul3A_63 = arith.muli %add3A_22, %mul3A_62 : i32
        %swap3A_64 = arith.constant 2 : i32
        %swap3A_65 = arith.index_cast %swap3A_64 : i32 to index
        %swap3A_66 = arith.index_cast %mul3A_63 : i32 to index
        %swap3A_67 = tpu.vector_load %arg9[%swap3A_65, %swap3A_66] {strides = array<i32>} : memref<16x1024xi32, #tpu.memory_space<vmem>>, vector<16xi32>,
        tpu.vector_store %arg9[%swap3A_65, %swap3A_66], %bitcast3A_61 {strides = array<i32>} : memref<16x1024xi32, #tpu.memory_space<vmem>>, vector<16xi32>,
        %broadcast_in_dim3A_68 = arith.constant 3 : i32
        %broadcast_in_dim3A_69 = vector.broadcast %broadcast_in_dim3A_68 : i32 to vector<16xi32>
        %gather3A_70 = tpu.vector_load_idx %arg6[%broadcast_in_dim3A_69, %get3A_25] : memref<16x6144xi32, #tpu.memory_space<vmem>>[vector<16xi32>, vector<16xi32>], vector<16xi32>,
        %gather3A_71 = tpu.vector_load_idx %arg6[%broadcast_in_dim3A_69, %get3A_29] : memref<16x6144xi32, #tpu.memory_space<vmem>>[vector<16xi32>, vector<16xi32>], vector<16xi32>,
        %bitcast3A_72 = vector.bitcast %gather3A_70 : vector<16xi32> to vector<32xbf16>
        %bitcast3A_73 = vector.bitcast %gather3A_71 : vector<16xi32> to vector<32xbf16>
        %add3A_74 = arith.addf %bitcast3A_72, %bitcast3A_73 : vector<32xbf16>
        %bitcast3A_75 = vector.bitcast %add3A_74 : vector<32xbf16> to vector<16xi32>
        %mul3A_76 = arith.constant 16 : i32
        %mul3A_77 = arith.muli %add3A_22, %mul3A_76 : i32
        %swap3A_78 = arith.constant 3 : i32
        %swap3A_79 = arith.index_cast %swap3A_78 : i32 to index
        %swap3A_80 = arith.index_cast %mul3A_77 : i32 to index
        %swap3A_81 = tpu.vector_load %arg9[%swap3A_79, %swap3A_80] {strides = array<i32>} : memref<16x1024xi32, #tpu.memory_space<vmem>>, vector<16xi32>,
        tpu.vector_store %arg9[%swap3A_79, %swap3A_80], %bitcast3A_75 {strides = array<i32>} : memref<16x1024xi32, #tpu.memory_space<vmem>>, vector<16xi32>,
        %broadcast_in_dim3A_82 = arith.constant 4 : i32
        %broadcast_in_dim3A_83 = vector.broadcast %broadcast_in_dim3A_82 : i32 to vector<16xi32>
        %gather3A_84 = tpu.vector_load_idx %arg6[%broadcast_in_dim3A_83, %get3A_25] : memref<16x6144xi32, #tpu.memory_space<vmem>>[vector<16xi32>, vector<16xi32>], vector<16xi32>,
        %gather3A_85 = tpu.vector_load_idx %arg6[%broadcast_in_dim3A_83, %get3A_29] : memref<16x6144xi32, #tpu.memory_space<vmem>>[vector<16xi32>, vector<16xi32>], vector<16xi32>,
        %bitcast3A_86 = vector.bitcast %gather3A_84 : vector<16xi32> to vector<32xbf16>
        %bitcast3A_87 = vector.bitcast %gather3A_85 : vector<16xi32> to vector<32xbf16>
        %add3A_88 = arith.addf %bitcast3A_86, %bitcast3A_87 : vector<32xbf16>
        %bitcast3A_89 = vector.bitcast %add3A_88 : vector<32xbf16> to vector<16xi32>
        %mul3A_90 = arith.constant 16 : i32
        %mul3A_91 = arith.muli %add3A_22, %mul3A_90 : i32
        %swap3A_92 = arith.constant 4 : i32
        %swap3A_93 = arith.index_cast %swap3A_92 : i32 to index
        %swap3A_94 = arith.index_cast %mul3A_91 : i32 to index
        %swap3A_95 = tpu.vector_load %arg9[%swap3A_93, %swap3A_94] {strides = array<i32>} : memref<16x1024xi32, #tpu.memory_space<vmem>>, vector<16xi32>,
        tpu.vector_store %arg9[%swap3A_93, %swap3A_94], %bitcast3A_89 {strides = array<i32>} : memref<16x1024xi32, #tpu.memory_space<vmem>>, vector<16xi32>,
        %broadcast_in_dim3A_96 = arith.constant 5 : i32
        %broadcast_in_dim3A_97 = vector.broadcast %broadcast_in_dim3A_96 : i32 to vector<16xi32>
        %gather3A_98 = tpu.vector_load_idx %arg6[%broadcast_in_dim3A_97, %get3A_25] : memref<16x6144xi32, #tpu.memory_space<vmem>>[vector<16xi32>, vector<16xi32>], vector<16xi32>,
        %gather3A_99 = tpu.vector_load_idx %arg6[%broadcast_in_dim3A_97, %get3A_29] : memref<16x6144xi32, #tpu.memory_space<vmem>>[vector<16xi32>, vector<16xi32>], vector<16xi32>,
        %bitcast3A_100 = vector.bitcast %gather3A_98 : vector<16xi32> to vector<32xbf16>
        %bitcast3A_101 = vector.bitcast %gather3A_99 : vector<16xi32> to vector<32xbf16>
        %add3A_102 = arith.addf %bitcast3A_100, %bitcast3A_101 : vector<32xbf16>
        %bitcast3A_103 = vector.bitcast %add3A_102 : vector<32xbf16> to vector<16xi32>
        %mul3A_104 = arith.constant 16 : i32
        %mul3A_105 = arith.muli %add3A_22, %mul3A_104 : i32
        %swap3A_106 = arith.constant 5 : i32
        %swap3A_107 = arith.index_cast %swap3A_106 : i32 to index
        %swap3A_108 = arith.index_cast %mul3A_105 : i32 to index
        %swap3A_109 = tpu.vector_load %arg9[%swap3A_107, %swap3A_108] {strides = array<i32>} : memref<16x1024xi32, #tpu.memory_space<vmem>>, vector<16xi32>,
        tpu.vector_store %arg9[%swap3A_107, %swap3A_108], %bitcast3A_103 {strides = array<i32>} : memref<16x1024xi32, #tpu.memory_space<vmem>>, vector<16xi32>,
        %broadcast_in_dim3A_110 = arith.constant 6 : i32
        %broadcast_in_dim3A_111 = vector.broadcast %broadcast_in_dim3A_110 : i32 to vector<16xi32>
        %gather3A_112 = tpu.vector_load_idx %arg6[%broadcast_in_dim3A_111, %get3A_25] : memref<16x6144xi32, #tpu.memory_space<vmem>>[vector<16xi32>, vector<16xi32>], vector<16xi32>,
        %gather3A_113 = tpu.vector_load_idx %arg6[%broadcast_in_dim3A_111, %get3A_29] : memref<16x6144xi32, #tpu.memory_space<vmem>>[vector<16xi32>, vector<16xi32>], vector<16xi32>,
        %bitcast3A_114 = vector.bitcast %gather3A_112 : vector<16xi32> to vector<32xbf16>
        %bitcast3A_115 = vector.bitcast %gather3A_113 : vector<16xi32> to vector<32xbf16>
        %add3A_116 = arith.addf %bitcast3A_114, %bitcast3A_115 : vector<32xbf16>
        %bitcast3A_117 = vector.bitcast %add3A_116 : vector<32xbf16> to vector<16xi32>
        %mul3A_118 = arith.constant 16 : i32
        %mul3A_119 = arith.muli %add3A_22, %mul3A_118 : i32
        %swap3A_120 = arith.constant 6 : i32
        %swap3A_121 = arith.index_cast %swap3A_120 : i32 to index
        %swap3A_122 = arith.index_cast %mul3A_119 : i32 to index
        %swap3A_123 = tpu.vector_load %arg9[%swap3A_121, %swap3A_122] {strides = array<i32>} : memref<16x1024xi32, #tpu.memory_space<vmem>>, vector<16xi32>,
        tpu.vector_store %arg9[%swap3A_121, %swap3A_122], %bitcast3A_117 {strides = array<i32>} : memref<16x1024xi32, #tpu.memory_space<vmem>>, vector<16xi32>,
        %broadcast_in_dim3A_124 = arith.constant 7 : i32
        %broadcast_in_dim3A_125 = vector.broadcast %broadcast_in_dim3A_124 : i32 to vector<16xi32>
        %gather3A_126 = tpu.vector_load_idx %arg6[%broadcast_in_dim3A_125, %get3A_25] : memref<16x6144xi32, #tpu.memory_space<vmem>>[vector<16xi32>, vector<16xi32>], vector<16xi32>,
        %gather3A_127 = tpu.vector_load_idx %arg6[%broadcast_in_dim3A_125, %get3A_29] : memref<16x6144xi32, #tpu.memory_space<vmem>>[vector<16xi32>, vector<16xi32>], vector<16xi32>,
        %bitcast3A_128 = vector.bitcast %gather3A_126 : vector<16xi32> to vector<32xbf16>
        %bitcast3A_129 = vector.bitcast %gather3A_127 : vector<16xi32> to vector<32xbf16>
        %add3A_130 = arith.addf %bitcast3A_128, %bitcast3A_129 : vector<32xbf16>
        %bitcast3A_131 = vector.bitcast %add3A_130 : vector<32xbf16> to vector<16xi32>
        %mul3A_132 = arith.constant 16 : i32
        %mul3A_133 = arith.muli %add3A_22, %mul3A_132 : i32
        %swap3A_134 = arith.constant 7 : i32
        %swap3A_135 = arith.index_cast %swap3A_134 : i32 to index
        %swap3A_136 = arith.index_cast %mul3A_133 : i32 to index
        %swap3A_137 = tpu.vector_load %arg9[%swap3A_135, %swap3A_136] {strides = array<i32>} : memref<16x1024xi32, #tpu.memory_space<vmem>>, vector<16xi32>,
        tpu.vector_store %arg9[%swap3A_135, %swap3A_136], %bitcast3A_131 {strides = array<i32>} : memref<16x1024xi32, #tpu.memory_space<vmem>>, vector<16xi32>,
        %broadcast_in_dim3A_138 = arith.constant 8 : i32
        %broadcast_in_dim3A_139 = vector.broadcast %broadcast_in_dim3A_138 : i32 to vector<16xi32>
        %gather3A_140 = tpu.vector_load_idx %arg6[%broadcast_in_dim3A_139, %get3A_25] : memref<16x6144xi32, #tpu.memory_space<vmem>>[vector<16xi32>, vector<16xi32>], vector<16xi32>,
        %gather3A_141 = tpu.vector_load_idx %arg6[%broadcast_in_dim3A_139, %get3A_29] : memref<16x6144xi32, #tpu.memory_space<vmem>>[vector<16xi32>, vector<16xi32>], vector<16xi32>,
        %bitcast3A_142 = vector.bitcast %gather3A_140 : vector<16xi32> to vector<32xbf16>
        %bitcast3A_143 = vector.bitcast %gather3A_141 : vector<16xi32> to vector<32xbf16>
        %add3A_144 = arith.addf %bitcast3A_142, %bitcast3A_143 : vector<32xbf16>
        %bitcast3A_145 = vector.bitcast %add3A_144 : vector<32xbf16> to vector<16xi32>
        %mul3A_146 = arith.constant 16 : i32
        %mul3A_147 = arith.muli %add3A_22, %mul3A_146 : i32
        %swap3A_148 = arith.constant 8 : i32
        %swap3A_149 = arith.index_cast %swap3A_148 : i32 to index
        %swap3A_150 = arith.index_cast %mul3A_147 : i32 to index
        %swap3A_151 = tpu.vector_load %arg9[%swap3A_149, %swap3A_150] {strides = array<i32>} : memref<16x1024xi32, #tpu.memory_space<vmem>>, vector<16xi32>,
        tpu.vector_store %arg9[%swap3A_149, %swap3A_150], %bitcast3A_145 {strides = array<i32>} : memref<16x1024xi32, #tpu.memory_space<vmem>>, vector<16xi32>,
        %broadcast_in_dim3A_152 = arith.constant 9 : i32
        %broadcast_in_dim3A_153 = vector.broadcast %broadcast_in_dim3A_152 : i32 to vector<16xi32>
        %gather3A_154 = tpu.vector_load_idx %arg6[%broadcast_in_dim3A_153, %get3A_25] : memref<16x6144xi32, #tpu.memory_space<vmem>>[vector<16xi32>, vector<16xi32>], vector<16xi32>,
        %gather3A_155 = tpu.vector_load_idx %arg6[%broadcast_in_dim3A_153, %get3A_29] : memref<16x6144xi32, #tpu.memory_space<vmem>>[vector<16xi32>, vector<16xi32>], vector<16xi32>,
        %bitcast3A_156 = vector.bitcast %gather3A_154 : vector<16xi32> to vector<32xbf16>
        %bitcast3A_157 = vector.bitcast %gather3A_155 : vector<16xi32> to vector<32xbf16>
        %add3A_158 = arith.addf %bitcast3A_156, %bitcast3A_157 : vector<32xbf16>
        %bitcast3A_159 = vector.bitcast %add3A_158 : vector<32xbf16> to vector<16xi32>
        %mul3A_160 = arith.constant 16 : i32
        %mul3A_161 = arith.muli %add3A_22, %mul3A_160 : i32
        %swap3A_162 = arith.constant 9 : i32
        %swap3A_163 = arith.index_cast %swap3A_162 : i32 to index
        %swap3A_164 = arith.index_cast %mul3A_161 : i32 to index
        %swap3A_165 = tpu.vector_load %arg9[%swap3A_163, %swap3A_164] {strides = array<i32>} : memref<16x1024xi32, #tpu.memory_space<vmem>>, vector<16xi32>,
        tpu.vector_store %arg9[%swap3A_163, %swap3A_164], %bitcast3A_159 {strides = array<i32>} : memref<16x1024xi32, #tpu.memory_space<vmem>>, vector<16xi32>,
        %broadcast_in_dim3A_166 = arith.constant 10 : i32
        %broadcast_in_dim3A_167 = vector.broadcast %broadcast_in_dim3A_166 : i32 to vector<16xi32>
        %gather3A_168 = tpu.vector_load_idx %arg6[%broadcast_in_dim3A_167, %get3A_25] : memref<16x6144xi32, #tpu.memory_space<vmem>>[vector<16xi32>, vector<16xi32>], vector<16xi32>,
        %gather3A_169 = tpu.vector_load_idx %arg6[%broadcast_in_dim3A_167, %get3A_29] : memref<16x6144xi32, #tpu.memory_space<vmem>>[vector<16xi32>, vector<16xi32>], vector<16xi32>,
        %bitcast3A_170 = vector.bitcast %gather3A_168 : vector<16xi32> to vector<32xbf16>
        %bitcast3A_171 = vector.bitcast %gather3A_169 : vector<16xi32> to vector<32xbf16>
        %add3A_172 = arith.addf %bitcast3A_170, %bitcast3A_171 : vector<32xbf16>
        %bitcast3A_173 = vector.bitcast %add3A_172 : vector<32xbf16> to vector<16xi32>
        %mul3A_174 = arith.constant 16 : i32
        %mul3A_175 = arith.muli %add3A_22, %mul3A_174 : i32
        %swap3A_176 = arith.constant 10 : i32
        %swap3A_177 = arith.index_cast %swap3A_176 : i32 to index
        %swap3A_178 = arith.index_cast %mul3A_175 : i32 to index
        %swap3A_179 = tpu.vector_load %arg9[%swap3A_177, %swap3A_178] {strides = array<i32>} : memref<16x1024xi32, #tpu.memory_space<vmem>>, vector<16xi32>,
        tpu.vector_store %arg9[%swap3A_177, %swap3A_178], %bitcast3A_173 {strides = array<i32>} : memref<16x1024xi32, #tpu.memory_space<vmem>>, vector<16xi32>,
        %broadcast_in_dim3A_180 = arith.constant 11 : i32
        %broadcast_in_dim3A_181 = vector.broadcast %broadcast_in_dim3A_180 : i32 to vector<16xi32>
        %gather3A_182 = tpu.vector_load_idx %arg6[%broadcast_in_dim3A_181, %get3A_25] : memref<16x6144xi32, #tpu.memory_space<vmem>>[vector<16xi32>, vector<16xi32>], vector<16xi32>,
        %gather3A_183 = tpu.vector_load_idx %arg6[%broadcast_in_dim3A_181, %get3A_29] : memref<16x6144xi32, #tpu.memory_space<vmem>>[vector<16xi32>, vector<16xi32>], vector<16xi32>,
        %bitcast3A_184 = vector.bitcast %gather3A_182 : vector<16xi32> to vector<32xbf16>
        %bitcast3A_185 = vector.bitcast %gather3A_183 : vector<16xi32> to vector<32xbf16>
        %add3A_186 = arith.addf %bitcast3A_184, %bitcast3A_185 : vector<32xbf16>
        %bitcast3A_187 = vector.bitcast %add3A_186 : vector<32xbf16> to vector<16xi32>
        %mul3A_188 = arith.constant 16 : i32
        %mul3A_189 = arith.muli %add3A_22, %mul3A_188 : i32
        %swap3A_190 = arith.constant 11 : i32
        %swap3A_191 = arith.index_cast %swap3A_190 : i32 to index
        %swap3A_192 = arith.index_cast %mul3A_189 : i32 to index
        %swap3A_193 = tpu.vector_load %arg9[%swap3A_191, %swap3A_192] {strides = array<i32>} : memref<16x1024xi32, #tpu.memory_space<vmem>>, vector<16xi32>,
        tpu.vector_store %arg9[%swap3A_191, %swap3A_192], %bitcast3A_187 {strides = array<i32>} : memref<16x1024xi32, #tpu.memory_space<vmem>>, vector<16xi32>,
        %broadcast_in_dim3A_194 = arith.constant 12 : i32
        %broadcast_in_dim3A_195 = vector.broadcast %broadcast_in_dim3A_194 : i32 to vector<16xi32>
        %gather3A_196 = tpu.vector_load_idx %arg6[%broadcast_in_dim3A_195, %get3A_25] : memref<16x6144xi32, #tpu.memory_space<vmem>>[vector<16xi32>, vector<16xi32>], vector<16xi32>,
        %gather3A_197 = tpu.vector_load_idx %arg6[%broadcast_in_dim3A_195, %get3A_29] : memref<16x6144xi32, #tpu.memory_space<vmem>>[vector<16xi32>, vector<16xi32>], vector<16xi32>,
        %bitcast3A_198 = vector.bitcast %gather3A_196 : vector<16xi32> to vector<32xbf16>
        %bitcast3A_199 = vector.bitcast %gather3A_197 : vector<16xi32> to vector<32xbf16>
        %add3A_200 = arith.addf %bitcast3A_198, %bitcast3A_199 : vector<32xbf16>
        %bitcast3A_201 = vector.bitcast %add3A_200 : vector<32xbf16> to vector<16xi32>
        %mul3A_202 = arith.constant 16 : i32
        %mul3A_203 = arith.muli %add3A_22, %mul3A_202 : i32
        %swap3A_204 = arith.constant 12 : i32
        %swap3A_205 = arith.index_cast %swap3A_204 : i32 to index
        %swap3A_206 = arith.index_cast %mul3A_203 : i32 to index
        %swap3A_207 = tpu.vector_load %arg9[%swap3A_205, %swap3A_206] {strides = array<i32>} : memref<16x1024xi32, #tpu.memory_space<vmem>>, vector<16xi32>,
        tpu.vector_store %arg9[%swap3A_205, %swap3A_206], %bitcast3A_201 {strides = array<i32>} : memref<16x1024xi32, #tpu.memory_space<vmem>>, vector<16xi32>,
        %broadcast_in_dim3A_208 = arith.constant 13 : i32
        %broadcast_in_dim3A_209 = vector.broadcast %broadcast_in_dim3A_208 : i32 to vector<16xi32>
        %gather3A_210 = tpu.vector_load_idx %arg6[%broadcast_in_dim3A_209, %get3A_25] : memref<16x6144xi32, #tpu.memory_space<vmem>>[vector<16xi32>, vector<16xi32>], vector<16xi32>,
        %gather3A_211 = tpu.vector_load_idx %arg6[%broadcast_in_dim3A_209, %get3A_29] : memref<16x6144xi32, #tpu.memory_space<vmem>>[vector<16xi32>, vector<16xi32>], vector<16xi32>,
        %bitcast3A_212 = vector.bitcast %gather3A_210 : vector<16xi32> to vector<32xbf16>
        %bitcast3A_213 = vector.bitcast %gather3A_211 : vector<16xi32> to vector<32xbf16>
        %add3A_214 = arith.addf %bitcast3A_212, %bitcast3A_213 : vector<32xbf16>
        %bitcast3A_215 = vector.bitcast %add3A_214 : vector<32xbf16> to vector<16xi32>
        %mul3A_216 = arith.constant 16 : i32
        %mul3A_217 = arith.muli %add3A_22, %mul3A_216 : i32
        %swap3A_218 = arith.constant 13 : i32
        %swap3A_219 = arith.index_cast %swap3A_218 : i32 to index
        %swap3A_220 = arith.index_cast %mul3A_217 : i32 to index
        %swap3A_221 = tpu.vector_load %arg9[%swap3A_219, %swap3A_220] {strides = array<i32>} : memref<16x1024xi32, #tpu.memory_space<vmem>>, vector<16xi32>,
        tpu.vector_store %arg9[%swap3A_219, %swap3A_220], %bitcast3A_215 {strides = array<i32>} : memref<16x1024xi32, #tpu.memory_space<vmem>>, vector<16xi32>,
        %broadcast_in_dim3A_222 = arith.constant 14 : i32
        %broadcast_in_dim3A_223 = vector.broadcast %broadcast_in_dim3A_222 : i32 to vector<16xi32>
        %gather3A_224 = tpu.vector_load_idx %arg6[%broadcast_in_dim3A_223, %get3A_25] : memref<16x6144xi32, #tpu.memory_space<vmem>>[vector<16xi32>, vector<16xi32>], vector<16xi32>,
        %gather3A_225 = tpu.vector_load_idx %arg6[%broadcast_in_dim3A_223, %get3A_29] : memref<16x6144xi32, #tpu.memory_space<vmem>>[vector<16xi32>, vector<16xi32>], vector<16xi32>,
        %bitcast3A_226 = vector.bitcast %gather3A_224 : vector<16xi32> to vector<32xbf16>
        %bitcast3A_227 = vector.bitcast %gather3A_225 : vector<16xi32> to vector<32xbf16>
        %add3A_228 = arith.addf %bitcast3A_226, %bitcast3A_227 : vector<32xbf16>
        %bitcast3A_229 = vector.bitcast %add3A_228 : vector<32xbf16> to vector<16xi32>
        %mul3A_230 = arith.constant 16 : i32
        %mul3A_231 = arith.muli %add3A_22, %mul3A_230 : i32
        %swap3A_232 = arith.constant 14 : i32
        %swap3A_233 = arith.index_cast %swap3A_232 : i32 to index
        %swap3A_234 = arith.index_cast %mul3A_231 : i32 to index
        %swap3A_235 = tpu.vector_load %arg9[%swap3A_233, %swap3A_234] {strides = array<i32>} : memref<16x1024xi32, #tpu.memory_space<vmem>>, vector<16xi32>,
        tpu.vector_store %arg9[%swap3A_233, %swap3A_234], %bitcast3A_229 {strides = array<i32>} : memref<16x1024xi32, #tpu.memory_space<vmem>>, vector<16xi32>,
        %broadcast_in_dim3A_236 = arith.constant 15 : i32
        %broadcast_in_dim3A_237 = vector.broadcast %broadcast_in_dim3A_236 : i32 to vector<16xi32>
        %gather3A_238 = tpu.vector_load_idx %arg6[%broadcast_in_dim3A_237, %get3A_25] : memref<16x6144xi32, #tpu.memory_space<vmem>>[vector<16xi32>, vector<16xi32>], vector<16xi32>,
        %gather3A_239 = tpu.vector_load_idx %arg6[%broadcast_in_dim3A_237, %get3A_29] : memref<16x6144xi32, #tpu.memory_space<vmem>>[vector<16xi32>, vector<16xi32>], vector<16xi32>,
        %bitcast3A_240 = vector.bitcast %gather3A_238 : vector<16xi32> to vector<32xbf16>
        %bitcast3A_241 = vector.bitcast %gather3A_239 : vector<16xi32> to vector<32xbf16>
        %add3A_242 = arith.addf %bitcast3A_240, %bitcast3A_241 : vector<32xbf16>
        %bitcast3A_243 = vector.bitcast %add3A_242 : vector<32xbf16> to vector<16xi32>
        %mul3A_244 = arith.constant 16 : i32
        %mul3A_245 = arith.muli %add3A_22, %mul3A_244 : i32
        %swap3A_246 = arith.constant 15 : i32
        %swap3A_247 = arith.index_cast %swap3A_246 : i32 to index
        %swap3A_248 = arith.index_cast %mul3A_245 : i32 to index
        %swap3A_249 = tpu.vector_load %arg9[%swap3A_247, %swap3A_248] {strides = array<i32>} : memref<16x1024xi32, #tpu.memory_space<vmem>>, vector<16xi32>,
        tpu.vector_store %arg9[%swap3A_247, %swap3A_248], %bitcast3A_243 {strides = array<i32>} : memref<16x1024xi32, #tpu.memory_space<vmem>>, vector<16xi32>,
        %scan3A_250 = arith.constant 1 : i32
        %scan3A_251 = arith.addi %scan3A_18, %scan3A_250 : i32
        %mul3A_252 = arith.constant 1 : i32
        %mul3A_253 = arith.muli %scan3A_251, %mul3A_252 : i32
        %add3A_254 = arith.constant 0 : i32
        %add3A_255 = arith.addi %add3A_254, %mul3A_253 : i32
        %mul3A_256 = arith.constant 16 : i32
        %mul3A_257 = arith.muli %add3A_255, %mul3A_256 : i32
        %get3A_258 = arith.index_cast %mul3A_257 : i32 to index
        %get3A_259 = tpu.vector_load %arg7[%get3A_258] {strides = array<i32>} : memref<1024xi32, #tpu.memory_space<vmem>>, vector<16xi32>,
        %mul3A_260 = arith.constant 16 : i32
        %mul3A_261 = arith.muli %add3A_255, %mul3A_260 : i32
        %get3A_262 = arith.index_cast %mul3A_261 : i32 to index
        %get3A_263 = tpu.vector_load %arg8[%get3A_262] {strides = array<i32>} : memref<1024xi32, #tpu.memory_space<vmem>>, vector<16xi32>,
        %broadcast_in_dim3A_264 = arith.constant 0 : i32
        %broadcast_in_dim3A_265 = vector.broadcast %broadcast_in_dim3A_264 : i32 to vector<16xi32>
        %gather3A_266 = tpu.vector_load_idx %arg6[%broadcast_in_dim3A_265, %get3A_259] : memref<16x6144xi32, #tpu.memory_space<vmem>>[vector<16xi32>, vector<16xi32>], vector<16xi32>,
        %gather3A_267 = tpu.vector_load_idx %arg6[%broadcast_in_dim3A_265, %get3A_263] : memref<16x6144xi32, #tpu.memory_space<vmem>>[vector<16xi32>, vector<16xi32>], vector<16xi32>,
        %bitcast3A_268 = vector.bitcast %gather3A_266 : vector<16xi32> to vector<32xbf16>
        %bitcast3A_269 = vector.bitcast %gather3A_267 : vector<16xi32> to vector<32xbf16>
        %add3A_270 = arith.addf %bitcast3A_268, %bitcast3A_269 : vector<32xbf16>
        %bitcast3A_271 = vector.bitcast %add3A_270 : vector<32xbf16> to vector<16xi32>
        %mul3A_272 = arith.constant 16 : i32
        %mul3A_273 = arith.muli %add3A_255, %mul3A_272 : i32
        %swap3A_274 = arith.constant 0 : i32
        %swap3A_275 = arith.index_cast %swap3A_274 : i32 to index
        %swap3A_276 = arith.index_cast %mul3A_273 : i32 to index
        %swap3A_277 = tpu.vector_load %arg9[%swap3A_275, %swap3A_276] {strides = array<i32>} : memref<16x1024xi32, #tpu.memory_space<vmem>>, vector<16xi32>,
        tpu.vector_store %arg9[%swap3A_275, %swap3A_276], %bitcast3A_271 {strides = array<i32>} : memref<16x1024xi32, #tpu.memory_space<vmem>>, vector<16xi32>,
        %broadcast_in_dim3A_278 = arith.constant 1 : i32
        %broadcast_in_dim3A_279 = vector.broadcast %broadcast_in_dim3A_278 : i32 to vector<16xi32>
        %gather3A_280 = tpu.vector_load_idx %arg6[%broadcast_in_dim3A_279, %get3A_259] : memref<16x6144xi32, #tpu.memory_space<vmem>>[vector<16xi32>, vector<16xi32>], vector<16xi32>,
        %gather3A_281 = tpu.vector_load_idx %arg6[%broadcast_in_dim3A_279, %get3A_263] : memref<16x6144xi32, #tpu.memory_space<vmem>>[vector<16xi32>, vector<16xi32>], vector<16xi32>,
        %bitcast3A_282 = vector.bitcast %gather3A_280 : vector<16xi32> to vector<32xbf16>
        %bitcast3A_283 = vector.bitcast %gather3A_281 : vector<16xi32> to vector<32xbf16>
        %add3A_284 = arith.addf %bitcast3A_282, %bitcast3A_283 : vector<32xbf16>
        %bitcast3A_285 = vector.bitcast %add3A_284 : vector<32xbf16> to vector<16xi32>
        %mul3A_286 = arith.constant 16 : i32
        %mul3A_287 = arith.muli %add3A_255, %mul3A_286 : i32
        %swap3A_288 = arith.constant 1 : i32
        %swap3A_289 = arith.index_cast %swap3A_288 : i32 to index
        %swap3A_290 = arith.index_cast %mul3A_287 : i32 to index
        %swap3A_291 = tpu.vector_load %arg9[%swap3A_289, %swap3A_290] {strides = array<i32>} : memref<16x1024xi32, #tpu.memory_space<vmem>>, vector<16xi32>,
        tpu.vector_store %arg9[%swap3A_289, %swap3A_290], %bitcast3A_285 {strides = array<i32>} : memref<16x1024xi32, #tpu.memory_space<vmem>>, vector<16xi32>,
        %broadcast_in_dim3A_292 = arith.constant 2 : i32
        %broadcast_in_dim3A_293 = vector.broadcast %broadcast_in_dim3A_292 : i32 to vector<16xi32>
        %gather3A_294 = tpu.vector_load_idx %arg6[%broadcast_in_dim3A_293, %get3A_259] : memref<16x6144xi32, #tpu.memory_space<vmem>>[vector<16xi32>, vector<16xi32>], vector<16xi32>,
        %gather3A_295 = tpu.vector_load_idx %arg6[%broadcast_in_dim3A_293, %get3A_263] : memref<16x6144xi32, #tpu.memory_space<vmem>>[vector<16xi32>, vector<16xi32>], vector<16xi32>,
        %bitcast3A_296 = vector.bitcast %gather3A_294 : vector<16xi32> to vector<32xbf16>
        %bitcast3A_297 = vector.bitcast %gather3A_295 : vector<16xi32> to vector<32xbf16>
        %add3A_298 = arith.addf %bitcast3A_296, %bitcast3A_297 : vector<32xbf16>
        %bitcast3A_299 = vector.bitcast %add3A_298 : vector<32xbf16> to vector<16xi32>
        %mul3A_300 = arith.constant 16 : i32
        %mul3A_301 = arith.muli %add3A_255, %mul3A_300 : i32
        %swap3A_302 = arith.constant 2 : i32
        %swap3A_303 = arith.index_cast %swap3A_302 : i32 to index
        %swap3A_304 = arith.index_cast %mul3A_301 : i32 to index
        %swap3A_305 = tpu.vector_load %arg9[%swap3A_303, %swap3A_304] {strides = array<i32>} : memref<16x1024xi32, #tpu.memory_space<vmem>>, vector<16xi32>,
        tpu.vector_store %arg9[%swap3A_303, %swap3A_304], %bitcast3A_299 {strides = array<i32>} : memref<16x1024xi32, #tpu.memory_space<vmem>>, vector<16xi32>,
        %broadcast_in_dim3A_306 = arith.constant 3 : i32
        %broadcast_in_dim3A_307 = vector.broadcast %broadcast_in_dim3A_306 : i32 to vector<16xi32>
        %gather3A_308 = tpu.vector_load_idx %arg6[%broadcast_in_dim3A_307, %get3A_259] : memref<16x6144xi32, #tpu.memory_space<vmem>>[vector<16xi32>, vector<16xi32>], vector<16xi32>,
        %gather3A_309 = tpu.vector_load_idx %arg6[%broadcast_in_dim3A_307, %get3A_263] : memref<16x6144xi32, #tpu.memory_space<vmem>>[vector<16xi32>, vector<16xi32>], vector<16xi32>,
        %bitcast3A_310 = vector.bitcast %gather3A_308 : vector<16xi32> to vector<32xbf16>
        %bitcast3A_311 = vector.bitcast %gather3A_309 : vector<16xi32> to vector<32xbf16>
        %add3A_312 = arith.addf %bitcast3A_310, %bitcast3A_311 : vector<32xbf16>
        %bitcast3A_313 = vector.bitcast %add3A_312 : vector<32xbf16> to vector<16xi32>
        %mul3A_314 = arith.constant 16 : i32
        %mul3A_315 = arith.muli %add3A_255, %mul3A_314 : i32
        %swap3A_316 = arith.constant 3 : i32
        %swap3A_317 = arith.index_cast %swap3A_316 : i32 to index
        %swap3A_318 = arith.index_cast %mul3A_315 : i32 to index
        %swap3A_319 = tpu.vector_load %arg9[%swap3A_317, %swap3A_318] {strides = array<i32>} : memref<16x1024xi32, #tpu.memory_space<vmem>>, vector<16xi32>,
        tpu.vector_store %arg9[%swap3A_317, %swap3A_318], %bitcast3A_313 {strides = array<i32>} : memref<16x1024xi32, #tpu.memory_space<vmem>>, vector<16xi32>,
        %broadcast_in_dim3A_320 = arith.constant 4 : i32
        %broadcast_in_dim3A_321 = vector.broadcast %broadcast_in_dim3A_320 : i32 to vector<16xi32>
        %gather3A_322 = tpu.vector_load_idx %arg6[%broadcast_in_dim3A_321, %get3A_259] : memref<16x6144xi32, #tpu.memory_space<vmem>>[vector<16xi32>, vector<16xi32>], vector<16xi32>,
        %gather3A_323 = tpu.vector_load_idx %arg6[%broadcast_in_dim3A_321, %get3A_263] : memref<16x6144xi32, #tpu.memory_space<vmem>>[vector<16xi32>, vector<16xi32>], vector<16xi32>,
        %bitcast3A_324 = vector.bitcast %gather3A_322 : vector<16xi32> to vector<32xbf16>
        %bitcast3A_325 = vector.bitcast %gather3A_323 : vector<16xi32> to vector<32xbf16>
        %add3A_326 = arith.addf %bitcast3A_324, %bitcast3A_325 : vector<32xbf16>
        %bitcast3A_327 = vector.bitcast %add3A_326 : vector<32xbf16> to vector<16xi32>
        %mul3A_328 = arith.constant 16 : i32
        %mul3A_329 = arith.muli %add3A_255, %mul3A_328 : i32
        %swap3A_330 = arith.constant 4 : i32
        %swap3A_331 = arith.index_cast %swap3A_330 : i32 to index
        %swap3A_332 = arith.index_cast %mul3A_329 : i32 to index
        %swap3A_333 = tpu.vector_load %arg9[%swap3A_331, %swap3A_332] {strides = array<i32>} : memref<16x1024xi32, #tpu.memory_space<vmem>>, vector<16xi32>,
        tpu.vector_store %arg9[%swap3A_331, %swap3A_332], %bitcast3A_327 {strides = array<i32>} : memref<16x1024xi32, #tpu.memory_space<vmem>>, vector<16xi32>,
        %broadcast_in_dim3A_334 = arith.constant 5 : i32
        %broadcast_in_dim3A_335 = vector.broadcast %broadcast_in_dim3A_334 : i32 to vector<16xi32>
        %gather3A_336 = tpu.vector_load_idx %arg6[%broadcast_in_dim3A_335, %get3A_259] : memref<16x6144xi32, #tpu.memory_space<vmem>>[vector<16xi32>, vector<16xi32>], vector<16xi32>,
        %gather3A_337 = tpu.vector_load_idx %arg6[%broadcast_in_dim3A_335, %get3A_263] : memref<16x6144xi32, #tpu.memory_space<vmem>>[vector<16xi32>, vector<16xi32>], vector<16xi32>,
        %bitcast3A_338 = vector.bitcast %gather3A_336 : vector<16xi32> to vector<32xbf16>
        %bitcast3A_339 = vector.bitcast %gather3A_337 : vector<16xi32> to vector<32xbf16>
        %add3A_340 = arith.addf %bitcast3A_338, %bitcast3A_339 : vector<32xbf16>
        %bitcast3A_341 = vector.bitcast %add3A_340 : vector<32xbf16> to vector<16xi32>
        %mul3A_342 = arith.constant 16 : i32
        %mul3A_343 = arith.muli %add3A_255, %mul3A_342 : i32
        %swap3A_344 = arith.constant 5 : i32
        %swap3A_345 = arith.index_cast %swap3A_344 : i32 to index
        %swap3A_346 = arith.index_cast %mul3A_343 : i32 to index
        %swap3A_347 = tpu.vector_load %arg9[%swap3A_345, %swap3A_346] {strides = array<i32>} : memref<16x1024xi32, #tpu.memory_space<vmem>>, vector<16xi32>,
        tpu.vector_store %arg9[%swap3A_345, %swap3A_346], %bitcast3A_341 {strides = array<i32>} : memref<16x1024xi32, #tpu.memory_space<vmem>>, vector<16xi32>,
        %broadcast_in_dim3A_348 = arith.constant 6 : i32
        %broadcast_in_dim3A_349 = vector.broadcast %broadcast_in_dim3A_348 : i32 to vector<16xi32>
        %gather3A_350 = tpu.vector_load_idx %arg6[%broadcast_in_dim3A_349, %get3A_259] : memref<16x6144xi32, #tpu.memory_space<vmem>>[vector<16xi32>, vector<16xi32>], vector<16xi32>,
        %gather3A_351 = tpu.vector_load_idx %arg6[%broadcast_in_dim3A_349, %get3A_263] : memref<16x6144xi32, #tpu.memory_space<vmem>>[vector<16xi32>, vector<16xi32>], vector<16xi32>,
        %bitcast3A_352 = vector.bitcast %gather3A_350 : vector<16xi32> to vector<32xbf16>
        %bitcast3A_353 = vector.bitcast %gather3A_351 : vector<16xi32> to vector<32xbf16>
        %add3A_354 = arith.addf %bitcast3A_352, %bitcast3A_353 : vector<32xbf16>
        %bitcast3A_355 = vector.bitcast %add3A_354 : vector<32xbf16> to vector<16xi32>
        %mul3A_356 = arith.constant 16 : i32
        %mul3A_357 = arith.muli %add3A_255, %mul3A_356 : i32
        %swap3A_358 = arith.constant 6 : i32
        %swap3A_359 = arith.index_cast %swap3A_358 : i32 to index
        %swap3A_360 = arith.index_cast %mul3A_357 : i32 to index
        %swap3A_361 = tpu.vector_load %arg9[%swap3A_359, %swap3A_360] {strides = array<i32>} : memref<16x1024xi32, #tpu.memory_space<vmem>>, vector<16xi32>,
        tpu.vector_store %arg9[%swap3A_359, %swap3A_360], %bitcast3A_355 {strides = array<i32>} : memref<16x1024xi32, #tpu.memory_space<vmem>>, vector<16xi32>,
        %broadcast_in_dim3A_362 = arith.constant 7 : i32
        %broadcast_in_dim3A_363 = vector.broadcast %broadcast_in_dim3A_362 : i32 to vector<16xi32>
        %gather3A_364 = tpu.vector_load_idx %arg6[%broadcast_in_dim3A_363, %get3A_259] : memref<16x6144xi32, #tpu.memory_space<vmem>>[vector<16xi32>, vector<16xi32>], vector<16xi32>,
        %gather3A_365 = tpu.vector_load_idx %arg6[%broadcast_in_dim3A_363, %get3A_263] : memref<16x6144xi32, #tpu.memory_space<vmem>>[vector<16xi32>, vector<16xi32>], vector<16xi32>,
        %bitcast3A_366 = vector.bitcast %gather3A_364 : vector<16xi32> to vector<32xbf16>
        %bitcast3A_367 = vector.bitcast %gather3A_365 : vector<16xi32> to vector<32xbf16>
        %add3A_368 = arith.addf %bitcast3A_366, %bitcast3A_367 : vector<32xbf16>
        %bitcast3A_369 = vector.bitcast %add3A_368 : vector<32xbf16> to vector<16xi32>
        %mul3A_370 = arith.constant 16 : i32
        %mul3A_371 = arith.muli %add3A_255, %mul3A_370 : i32
        %swap3A_372 = arith.constant 7 : i32
        %swap3A_373 = arith.index_cast %swap3A_372 : i32 to index
        %swap3A_374 = arith.index_cast %mul3A_371 : i32 to index
        %swap3A_375 = tpu.vector_load %arg9[%swap3A_373, %swap3A_374] {strides = array<i32>} : memref<16x1024xi32, #tpu.memory_space<vmem>>, vector<16xi32>,
        tpu.vector_store %arg9[%swap3A_373, %swap3A_374], %bitcast3A_369 {strides = array<i32>} : memref<16x1024xi32, #tpu.memory_space<vmem>>, vector<16xi32>,
        %broadcast_in_dim3A_376 = arith.constant 8 : i32
        %broadcast_in_dim3A_377 = vector.broadcast %broadcast_in_dim3A_376 : i32 to vector<16xi32>
        %gather3A_378 = tpu.vector_load_idx %arg6[%broadcast_in_dim3A_377, %get3A_259] : memref<16x6144xi32, #tpu.memory_space<vmem>>[vector<16xi32>, vector<16xi32>], vector<16xi32>,
        %gather3A_379 = tpu.vector_load_idx %arg6[%broadcast_in_dim3A_377, %get3A_263] : memref<16x6144xi32, #tpu.memory_space<vmem>>[vector<16xi32>, vector<16xi32>], vector<16xi32>,
        %bitcast3A_380 = vector.bitcast %gather3A_378 : vector<16xi32> to vector<32xbf16>
        %bitcast3A_381 = vector.bitcast %gather3A_379 : vector<16xi32> to vector<32xbf16>
        %add3A_382 = arith.addf %bitcast3A_380, %bitcast3A_381 : vector<32xbf16>
        %bitcast3A_383 = vector.bitcast %add3A_382 : vector<32xbf16> to vector<16xi32>
        %mul3A_384 = arith.constant 16 : i32
        %mul3A_385 = arith.muli %add3A_255, %mul3A_384 : i32
        %swap3A_386 = arith.constant 8 : i32
        %swap3A_387 = arith.index_cast %swap3A_386 : i32 to index
        %swap3A_388 = arith.index_cast %mul3A_385 : i32 to index
        %swap3A_389 = tpu.vector_load %arg9[%swap3A_387, %swap3A_388] {strides = array<i32>} : memref<16x1024xi32, #tpu.memory_space<vmem>>, vector<16xi32>,
        tpu.vector_store %arg9[%swap3A_387, %swap3A_388], %bitcast3A_383 {strides = array<i32>} : memref<16x1024xi32, #tpu.memory_space<vmem>>, vector<16xi32>,
        %broadcast_in_dim3A_390 = arith.constant 9 : i32
        %broadcast_in_dim3A_391 = vector.broadcast %broadcast_in_dim3A_390 : i32 to vector<16xi32>
        %gather3A_392 = tpu.vector_load_idx %arg6[%broadcast_in_dim3A_391, %get3A_259] : memref<16x6144xi32, #tpu.memory_space<vmem>>[vector<16xi32>, vector<16xi32>], vector<16xi32>,
        %gather3A_393 = tpu.vector_load_idx %arg6[%broadcast_in_dim3A_391, %get3A_263] : memref<16x6144xi32, #tpu.memory_space<vmem>>[vector<16xi32>, vector<16xi32>], vector<16xi32>,
        %bitcast3A_394 = vector.bitcast %gather3A_392 : vector<16xi32> to vector<32xbf16>
        %bitcast3A_395 = vector.bitcast %gather3A_393 : vector<16xi32> to vector<32xbf16>
        %add3A_396 = arith.addf %bitcast3A_394, %bitcast3A_395 : vector<32xbf16>
        %bitcast3A_397 = vector.bitcast %add3A_396 : vector<32xbf16> to vector<16xi32>
        %mul3A_398 = arith.constant 16 : i32
        %mul3A_399 = arith.muli %add3A_255, %mul3A_398 : i32
        %swap3A_400 = arith.constant 9 : i32
        %swap3A_401 = arith.index_cast %swap3A_400 : i32 to index
        %swap3A_402 = arith.index_cast %mul3A_399 : i32 to index
        %swap3A_403 = tpu.vector_load %arg9[%swap3A_401, %swap3A_402] {strides = array<i32>} : memref<16x1024xi32, #tpu.memory_space<vmem>>, vector<16xi32>,
        tpu.vector_store %arg9[%swap3A_401, %swap3A_402], %bitcast3A_397 {strides = array<i32>} : memref<16x1024xi32, #tpu.memory_space<vmem>>, vector<16xi32>,
        %broadcast_in_dim3A_404 = arith.constant 10 : i32
        %broadcast_in_dim3A_405 = vector.broadcast %broadcast_in_dim3A_404 : i32 to vector<16xi32>
        %gather3A_406 = tpu.vector_load_idx %arg6[%broadcast_in_dim3A_405, %get3A_259] : memref<16x6144xi32, #tpu.memory_space<vmem>>[vector<16xi32>, vector<16xi32>], vector<16xi32>,
        %gather3A_407 = tpu.vector_load_idx %arg6[%broadcast_in_dim3A_405, %get3A_263] : memref<16x6144xi32, #tpu.memory_space<vmem>>[vector<16xi32>, vector<16xi32>], vector<16xi32>,
        %bitcast3A_408 = vector.bitcast %gather3A_406 : vector<16xi32> to vector<32xbf16>
        %bitcast3A_409 = vector.bitcast %gather3A_407 : vector<16xi32> to vector<32xbf16>
        %add3A_410 = arith.addf %bitcast3A_408, %bitcast3A_409 : vector<32xbf16>
        %bitcast3A_411 = vector.bitcast %add3A_410 : vector<32xbf16> to vector<16xi32>
        %mul3A_412 = arith.constant 16 : i32
        %mul3A_413 = arith.muli %add3A_255, %mul3A_412 : i32
        %swap3A_414 = arith.constant 10 : i32
        %swap3A_415 = arith.index_cast %swap3A_414 : i32 to index
        %swap3A_416 = arith.index_cast %mul3A_413 : i32 to index
        %swap3A_417 = tpu.vector_load %arg9[%swap3A_415, %swap3A_416] {strides = array<i32>} : memref<16x1024xi32, #tpu.memory_space<vmem>>, vector<16xi32>,
        tpu.vector_store %arg9[%swap3A_415, %swap3A_416], %bitcast3A_411 {strides = array<i32>} : memref<16x1024xi32, #tpu.memory_space<vmem>>, vector<16xi32>,
        %broadcast_in_dim3A_418 = arith.constant 11 : i32
        %broadcast_in_dim3A_419 = vector.broadcast %broadcast_in_dim3A_418 : i32 to vector<16xi32>
        %gather3A_420 = tpu.vector_load_idx %arg6[%broadcast_in_dim3A_419, %get3A_259] : memref<16x6144xi32, #tpu.memory_space<vmem>>[vector<16xi32>, vector<16xi32>], vector<16xi32>,
        %gather3A_421 = tpu.vector_load_idx %arg6[%broadcast_in_dim3A_419, %get3A_263] : memref<16x6144xi32, #tpu.memory_space<vmem>>[vector<16xi32>, vector<16xi32>], vector<16xi32>,
        %bitcast3A_422 = vector.bitcast %gather3A_420 : vector<16xi32> to vector<32xbf16>
        %bitcast3A_423 = vector.bitcast %gather3A_421 : vector<16xi32> to vector<32xbf16>
        %add3A_424 = arith.addf %bitcast3A_422, %bitcast3A_423 : vector<32xbf16>
        %bitcast3A_425 = vector.bitcast %add3A_424 : vector<32xbf16> to vector<16xi32>
        %mul3A_426 = arith.constant 16 : i32
        %mul3A_427 = arith.muli %add3A_255, %mul3A_426 : i32
        %swap3A_428 = arith.constant 11 : i32
        %swap3A_429 = arith.index_cast %swap3A_428 : i32 to index
        %swap3A_430 = arith.index_cast %mul3A_427 : i32 to index
        %swap3A_431 = tpu.vector_load %arg9[%swap3A_429, %swap3A_430] {strides = array<i32>} : memref<16x1024xi32, #tpu.memory_space<vmem>>, vector<16xi32>,
        tpu.vector_store %arg9[%swap3A_429, %swap3A_430], %bitcast3A_425 {strides = array<i32>} : memref<16x1024xi32, #tpu.memory_space<vmem>>, vector<16xi32>,
        %broadcast_in_dim3A_432 = arith.constant 12 : i32
        %broadcast_in_dim3A_433 = vector.broadcast %broadcast_in_dim3A_432 : i32 to vector<16xi32>
        %gather3A_434 = tpu.vector_load_idx %arg6[%broadcast_in_dim3A_433, %get3A_259] : memref<16x6144xi32, #tpu.memory_space<vmem>>[vector<16xi32>, vector<16xi32>], vector<16xi32>,
        %gather3A_435 = tpu.vector_load_idx %arg6[%broadcast_in_dim3A_433, %get3A_263] : memref<16x6144xi32, #tpu.memory_space<vmem>>[vector<16xi32>, vector<16xi32>], vector<16xi32>,
        %bitcast3A_436 = vector.bitcast %gather3A_434 : vector<16xi32> to vector<32xbf16>
        %bitcast3A_437 = vector.bitcast %gather3A_435 : vector<16xi32> to vector<32xbf16>
        %add3A_438 = arith.addf %bitcast3A_436, %bitcast3A_437 : vector<32xbf16>
        %bitcast3A_439 = vector.bitcast %add3A_438 : vector<32xbf16> to vector<16xi32>
        %mul3A_440 = arith.constant 16 : i32
        %mul3A_441 = arith.muli %add3A_255, %mul3A_440 : i32
        %swap3A_442 = arith.constant 12 : i32
        %swap3A_443 = arith.index_cast %swap3A_442 : i32 to index
        %swap3A_444 = arith.index_cast %mul3A_441 : i32 to index
        %swap3A_445 = tpu.vector_load %arg9[%swap3A_443, %swap3A_444] {strides = array<i32>} : memref<16x1024xi32, #tpu.memory_space<vmem>>, vector<16xi32>,
        tpu.vector_store %arg9[%swap3A_443, %swap3A_444], %bitcast3A_439 {strides = array<i32>} : memref<16x1024xi32, #tpu.memory_space<vmem>>, vector<16xi32>,
        %broadcast_in_dim3A_446 = arith.constant 13 : i32
        %broadcast_in_dim3A_447 = vector.broadcast %broadcast_in_dim3A_446 : i32 to vector<16xi32>
        %gather3A_448 = tpu.vector_load_idx %arg6[%broadcast_in_dim3A_447, %get3A_259] : memref<16x6144xi32, #tpu.memory_space<vmem>>[vector<16xi32>, vector<16xi32>], vector<16xi32>,
        %gather3A_449 = tpu.vector_load_idx %arg6[%broadcast_in_dim3A_447, %get3A_263] : memref<16x6144xi32, #tpu.memory_space<vmem>>[vector<16xi32>, vector<16xi32>], vector<16xi32>,
        %bitcast3A_450 = vector.bitcast %gather3A_448 : vector<16xi32> to vector<32xbf16>
        %bitcast3A_451 = vector.bitcast %gather3A_449 : vector<16xi32> to vector<32xbf16>
        %add3A_452 = arith.addf %bitcast3A_450, %bitcast3A_451 : vector<32xbf16>
        %bitcast3A_453 = vector.bitcast %add3A_452 : vector<32xbf16> to vector<16xi32>
        %mul3A_454 = arith.constant 16 : i32
        %mul3A_455 = arith.muli %add3A_255, %mul3A_454 : i32
        %swap3A_456 = arith.constant 13 : i32
        %swap3A_457 = arith.index_cast %swap3A_456 : i32 to index
        %swap3A_458 = arith.index_cast %mul3A_455 : i32 to index
        %swap3A_459 = tpu.vector_load %arg9[%swap3A_457, %swap3A_458] {strides = array<i32>} : memref<16x1024xi32, #tpu.memory_space<vmem>>, vector<16xi32>,
        tpu.vector_store %arg9[%swap3A_457, %swap3A_458], %bitcast3A_453 {strides = array<i32>} : memref<16x1024xi32, #tpu.memory_space<vmem>>, vector<16xi32>,
        %broadcast_in_dim3A_460 = arith.constant 14 : i32
        %broadcast_in_dim3A_461 = vector.broadcast %broadcast_in_dim3A_460 : i32 to vector<16xi32>
        %gather3A_462 = tpu.vector_load_idx %arg6[%broadcast_in_dim3A_461, %get3A_259] : memref<16x6144xi32, #tpu.memory_space<vmem>>[vector<16xi32>, vector<16xi32>], vector<16xi32>,
        %gather3A_463 = tpu.vector_load_idx %arg6[%broadcast_in_dim3A_461, %get3A_263] : memref<16x6144xi32, #tpu.memory_space<vmem>>[vector<16xi32>, vector<16xi32>], vector<16xi32>,
        %bitcast3A_464 = vector.bitcast %gather3A_462 : vector<16xi32> to vector<32xbf16>
        %bitcast3A_465 = vector.bitcast %gather3A_463 : vector<16xi32> to vector<32xbf16>
        %add3A_466 = arith.addf %bitcast3A_464, %bitcast3A_465 : vector<32xbf16>
        %bitcast3A_467 = vector.bitcast %add3A_466 : vector<32xbf16> to vector<16xi32>
        %mul3A_468 = arith.constant 16 : i32
        %mul3A_469 = arith.muli %add3A_255, %mul3A_468 : i32
        %swap3A_470 = arith.constant 14 : i32
        %swap3A_471 = arith.index_cast %swap3A_470 : i32 to index
        %swap3A_472 = arith.index_cast %mul3A_469 : i32 to index
        %swap3A_473 = tpu.vector_load %arg9[%swap3A_471, %swap3A_472] {strides = array<i32>} : memref<16x1024xi32, #tpu.memory_space<vmem>>, vector<16xi32>,
        tpu.vector_store %arg9[%swap3A_471, %swap3A_472], %bitcast3A_467 {strides = array<i32>} : memref<16x1024xi32, #tpu.memory_space<vmem>>, vector<16xi32>,
        %broadcast_in_dim3A_474 = arith.constant 15 : i32
        %broadcast_in_dim3A_475 = vector.broadcast %broadcast_in_dim3A_474 : i32 to vector<16xi32>
        %gather3A_476 = tpu.vector_load_idx %arg6[%broadcast_in_dim3A_475, %get3A_259] : memref<16x6144xi32, #tpu.memory_space<vmem>>[vector<16xi32>, vector<16xi32>], vector<16xi32>,
        %gather3A_477 = tpu.vector_load_idx %arg6[%broadcast_in_dim3A_475, %get3A_263] : memref<16x6144xi32, #tpu.memory_space<vmem>>[vector<16xi32>, vector<16xi32>], vector<16xi32>,
        %bitcast3A_478 = vector.bitcast %gather3A_476 : vector<16xi32> to vector<32xbf16>
        %bitcast3A_479 = vector.bitcast %gather3A_477 : vector<16xi32> to vector<32xbf16>
        %add3A_480 = arith.addf %bitcast3A_478, %bitcast3A_479 : vector<32xbf16>
        %bitcast3A_481 = vector.bitcast %add3A_480 : vector<32xbf16> to vector<16xi32>
        %mul3A_482 = arith.constant 16 : i32
        %mul3A_483 = arith.muli %add3A_255, %mul3A_482 : i32
        %swap3A_484 = arith.constant 15 : i32
        %swap3A_485 = arith.index_cast %swap3A_484 : i32 to index
        %swap3A_486 = arith.index_cast %mul3A_483 : i32 to index
        %swap3A_487 = tpu.vector_load %arg9[%swap3A_485, %swap3A_486] {strides = array<i32>} : memref<16x1024xi32, #tpu.memory_space<vmem>>, vector<16xi32>,
        tpu.vector_store %arg9[%swap3A_485, %swap3A_486], %bitcast3A_481 {strides = array<i32>} : memref<16x1024xi32, #tpu.memory_space<vmem>>, vector<16xi32>,
        %scan3A_488 = arith.constant 2 : i32
        %scan3A_489 = arith.addi %scan3A_18, %scan3A_488 : i32
        %mul3A_490 = arith.constant 1 : i32
        %mul3A_491 = arith.muli %scan3A_489, %mul3A_490 : i32
        %add3A_492 = arith.constant 0 : i32
        %add3A_493 = arith.addi %add3A_492, %mul3A_491 : i32
        %mul3A_494 = arith.constant 16 : i32
        %mul3A_495 = arith.muli %add3A_493, %mul3A_494 : i32
        %get3A_496 = arith.index_cast %mul3A_495 : i32 to index
        %get3A_497 = tpu.vector_load %arg7[%get3A_496] {strides = array<i32>} : memref<1024xi32, #tpu.memory_space<vmem>>, vector<16xi32>,
        %mul3A_498 = arith.constant 16 : i32
        %mul3A_499 = arith.muli %add3A_493, %mul3A_498 : i32
        %get3A_500 = arith.index_cast %mul3A_499 : i32 to index
        %get3A_501 = tpu.vector_load %arg8[%get3A_500] {strides = array<i32>} : memref<1024xi32, #tpu.memory_space<vmem>>, vector<16xi32>,
        %broadcast_in_dim3A_502 = arith.constant 0 : i32
        %broadcast_in_dim3A_503 = vector.broadcast %broadcast_in_dim3A_502 : i32 to vector<16xi32>
        %gather3A_504 = tpu.vector_load_idx %arg6[%broadcast_in_dim3A_503, %get3A_497] : memref<16x6144xi32, #tpu.memory_space<vmem>>[vector<16xi32>, vector<16xi32>], vector<16xi32>,
        %gather3A_505 = tpu.vector_load_idx %arg6[%broadcast_in_dim3A_503, %get3A_501] : memref<16x6144xi32, #tpu.memory_space<vmem>>[vector<16xi32>, vector<16xi32>], vector<16xi32>,
        %bitcast3A_506 = vector.bitcast %gather3A_504 : vector<16xi32> to vector<32xbf16>
        %bitcast3A_507 = vector.bitcast %gather3A_505 : vector<16xi32> to vector<32xbf16>
        %add3A_508 = arith.addf %bitcast3A_506, %bitcast3A_507 : vector<32xbf16>
        %bitcast3A_509 = vector.bitcast %add3A_508 : vector<32xbf16> to vector<16xi32>
        %mul3A_510 = arith.constant 16 : i32
        %mul3A_511 = arith.muli %add3A_493, %mul3A_510 : i32
        %swap3A_512 = arith.constant 0 : i32
        %swap3A_513 = arith.index_cast %swap3A_512 : i32 to index
        %swap3A_514 = arith.index_cast %mul3A_511 : i32 to index
        %swap3A_515 = tpu.vector_load %arg9[%swap3A_513, %swap3A_514] {strides = array<i32>} : memref<16x1024xi32, #tpu.memory_space<vmem>>, vector<16xi32>,
        tpu.vector_store %arg9[%swap3A_513, %swap3A_514], %bitcast3A_509 {strides = array<i32>} : memref<16x1024xi32, #tpu.memory_space<vmem>>, vector<16xi32>,
        %broadcast_in_dim3A_516 = arith.constant 1 : i32
        %broadcast_in_dim3A_517 = vector.broadcast %broadcast_in_dim3A_516 : i32 to vector<16xi32>
        %gather3A_518 = tpu.vector_load_idx %arg6[%broadcast_in_dim3A_517, %get3A_497] : memref<16x6144xi32, #tpu.memory_space<vmem>>[vector<16xi32>, vector<16xi32>], vector<16xi32>,
        %gather3A_519 = tpu.vector_load_idx %arg6[%broadcast_in_dim3A_517, %get3A_501] : memref<16x6144xi32, #tpu.memory_space<vmem>>[vector<16xi32>, vector<16xi32>], vector<16xi32>,
        %bitcast3A_520 = vector.bitcast %gather3A_518 : vector<16xi32> to vector<32xbf16>
        %bitcast3A_521 = vector.bitcast %gather3A_519 : vector<16xi32> to vector<32xbf16>
        %add3A_522 = arith.addf %bitcast3A_520, %bitcast3A_521 : vector<32xbf16>
        %bitcast3A_523 = vector.bitcast %add3A_522 : vector<32xbf16> to vector<16xi32>
        %mul3A_524 = arith.constant 16 : i32
        %mul3A_525 = arith.muli %add3A_493, %mul3A_524 : i32
        %swap3A_526 = arith.constant 1 : i32
        %swap3A_527 = arith.index_cast %swap3A_526 : i32 to index
        %swap3A_528 = arith.index_cast %mul3A_525 : i32 to index
        %swap3A_529 = tpu.vector_load %arg9[%swap3A_527, %swap3A_528] {strides = array<i32>} : memref<16x1024xi32, #tpu.memory_space<vmem>>, vector<16xi32>,
        tpu.vector_store %arg9[%swap3A_527, %swap3A_528], %bitcast3A_523 {strides = array<i32>} : memref<16x1024xi32, #tpu.memory_space<vmem>>, vector<16xi32>,
        %broadcast_in_dim3A_530 = arith.constant 2 : i32
        %broadcast_in_dim3A_531 = vector.broadcast %broadcast_in_dim3A_530 : i32 to vector<16xi32>
        %gather3A_532 = tpu.vector_load_idx %arg6[%broadcast_in_dim3A_531, %get3A_497] : memref<16x6144xi32, #tpu.memory_space<vmem>>[vector<16xi32>, vector<16xi32>], vector<16xi32>,
        %gather3A_533 = tpu.vector_load_idx %arg6[%broadcast_in_dim3A_531, %get3A_501] : memref<16x6144xi32, #tpu.memory_space<vmem>>[vector<16xi32>, vector<16xi32>], vector<16xi32>,
        %bitcast3A_534 = vector.bitcast %gather3A_532 : vector<16xi32> to vector<32xbf16>
        %bitcast3A_535 = vector.bitcast %gather3A_533 : vector<16xi32> to vector<32xbf16>
        %add3A_536 = arith.addf %bitcast3A_534, %bitcast3A_535 : vector<32xbf16>
        %bitcast3A_537 = vector.bitcast %add3A_536 : vector<32xbf16> to vector<16xi32>
        %mul3A_538 = arith.constant 16 : i32
        %mul3A_539 = arith.muli %add3A_493, %mul3A_538 : i32
        %swap3A_540 = arith.constant 2 : i32
        %swap3A_541 = arith.index_cast %swap3A_540 : i32 to index
        %swap3A_542 = arith.index_cast %mul3A_539 : i32 to index
        %swap3A_543 = tpu.vector_load %arg9[%swap3A_541, %swap3A_542] {strides = array<i32>} : memref<16x1024xi32, #tpu.memory_space<vmem>>, vector<16xi32>,
        tpu.vector_store %arg9[%swap3A_541, %swap3A_542], %bitcast3A_537 {strides = array<i32>} : memref<16x1024xi32, #tpu.memory_space<vmem>>, vector<16xi32>,
        %broadcast_in_dim3A_544 = arith.constant 3 : i32
        %broadcast_in_dim3A_545 = vector.broadcast %broadcast_in_dim3A_544 : i32 to vector<16xi32>
        %gather3A_546 = tpu.vector_load_idx %arg6[%broadcast_in_dim3A_545, %get3A_497] : memref<16x6144xi32, #tpu.memory_space<vmem>>[vector<16xi32>, vector<16xi32>], vector<16xi32>,
        %gather3A_547 = tpu.vector_load_idx %arg6[%broadcast_in_dim3A_545, %get3A_501] : memref<16x6144xi32, #tpu.memory_space<vmem>>[vector<16xi32>, vector<16xi32>], vector<16xi32>,
        %bitcast3A_548 = vector.bitcast %gather3A_546 : vector<16xi32> to vector<32xbf16>
        %bitcast3A_549 = vector.bitcast %gather3A_547 : vector<16xi32> to vector<32xbf16>
        %add3A_550 = arith.addf %bitcast3A_548, %bitcast3A_549 : vector<32xbf16>
        %bitcast3A_551 = vector.bitcast %add3A_550 : vector<32xbf16> to vector<16xi32>
        %mul3A_552 = arith.constant 16 : i32
        %mul3A_553 = arith.muli %add3A_493, %mul3A_552 : i32
        %swap3A_554 = arith.constant 3 : i32
        %swap3A_555 = arith.index_cast %swap3A_554 : i32 to index
        %swap3A_556 = arith.index_cast %mul3A_553 : i32 to index
        %swap3A_557 = tpu.vector_load %arg9[%swap3A_555, %swap3A_556] {strides = array<i32>} : memref<16x1024xi32, #tpu.memory_space<vmem>>, vector<16xi32>,
        tpu.vector_store %arg9[%swap3A_555, %swap3A_556], %bitcast3A_551 {strides = array<i32>} : memref<16x1024xi32, #tpu.memory_space<vmem>>, vector<16xi32>,
        %broadcast_in_dim3A_558 = arith.constant 4 : i32
        %broadcast_in_dim3A_559 = vector.broadcast %broadcast_in_dim3A_558 : i32 to vector<16xi32>
        %gather3A_560 = tpu.vector_load_idx %arg6[%broadcast_in_dim3A_559, %get3A_497] : memref<16x6144xi32, #tpu.memory_space<vmem>>[vector<16xi32>, vector<16xi32>], vector<16xi32>,
        %gather3A_561 = tpu.vector_load_idx %arg6[%broadcast_in_dim3A_559, %get3A_501] : memref<16x6144xi32, #tpu.memory_space<vmem>>[vector<16xi32>, vector<16xi32>], vector<16xi32>,
        %bitcast3A_562 = vector.bitcast %gather3A_560 : vector<16xi32> to vector<32xbf16>
        %bitcast3A_563 = vector.bitcast %gather3A_561 : vector<16xi32> to vector<32xbf16>
        %add3A_564 = arith.addf %bitcast3A_562, %bitcast3A_563 : vector<32xbf16>
        %bitcast3A_565 = vector.bitcast %add3A_564 : vector<32xbf16> to vector<16xi32>
        %mul3A_566 = arith.constant 16 : i32
        %mul3A_567 = arith.muli %add3A_493, %mul3A_566 : i32
        %swap3A_568 = arith.constant 4 : i32
        %swap3A_569 = arith.index_cast %swap3A_568 : i32 to index
        %swap3A_570 = arith.index_cast %mul3A_567 : i32 to index
        %swap3A_571 = tpu.vector_load %arg9[%swap3A_569, %swap3A_570] {strides = array<i32>} : memref<16x1024xi32, #tpu.memory_space<vmem>>, vector<16xi32>,
        tpu.vector_store %arg9[%swap3A_569, %swap3A_570], %bitcast3A_565 {strides = array<i32>} : memref<16x1024xi32, #tpu.memory_space<vmem>>, vector<16xi32>,
        %broadcast_in_dim3A_572 = arith.constant 5 : i32
        %broadcast_in_dim3A_573 = vector.broadcast %broadcast_in_dim3A_572 : i32 to vector<16xi32>
        %gather3A_574 = tpu.vector_load_idx %arg6[%broadcast_in_dim3A_573, %get3A_497] : memref<16x6144xi32, #tpu.memory_space<vmem>>[vector<16xi32>, vector<16xi32>], vector<16xi32>,
        %gather3A_575 = tpu.vector_load_idx %arg6[%broadcast_in_dim3A_573, %get3A_501] : memref<16x6144xi32, #tpu.memory_space<vmem>>[vector<16xi32>, vector<16xi32>], vector<16xi32>,
        %bitcast3A_576 = vector.bitcast %gather3A_574 : vector<16xi32> to vector<32xbf16>
        %bitcast3A_577 = vector.bitcast %gather3A_575 : vector<16xi32> to vector<32xbf16>
        %add3A_578 = arith.addf %bitcast3A_576, %bitcast3A_577 : vector<32xbf16>
        %bitcast3A_579 = vector.bitcast %add3A_578 : vector<32xbf16> to vector<16xi32>
        %mul3A_580 = arith.constant 16 : i32
        %mul3A_581 = arith.muli %add3A_493, %mul3A_580 : i32
        %swap3A_582 = arith.constant 5 : i32
        %swap3A_583 = arith.index_cast %swap3A_582 : i32 to index
        %swap3A_584 = arith.index_cast %mul3A_581 : i32 to index
        %swap3A_585 = tpu.vector_load %arg9[%swap3A_583, %swap3A_584] {strides = array<i32>} : memref<16x1024xi32, #tpu.memory_space<vmem>>, vector<16xi32>,
        tpu.vector_store %arg9[%swap3A_583, %swap3A_584], %bitcast3A_579 {strides = array<i32>} : memref<16x1024xi32, #tpu.memory_space<vmem>>, vector<16xi32>,
        %broadcast_in_dim3A_586 = arith.constant 6 : i32
        %broadcast_in_dim3A_587 = vector.broadcast %broadcast_in_dim3A_586 : i32 to vector<16xi32>
        %gather3A_588 = tpu.vector_load_idx %arg6[%broadcast_in_dim3A_587, %get3A_497] : memref<16x6144xi32, #tpu.memory_space<vmem>>[vector<16xi32>, vector<16xi32>], vector<16xi32>,
        %gather3A_589 = tpu.vector_load_idx %arg6[%broadcast_in_dim3A_587, %get3A_501] : memref<16x6144xi32, #tpu.memory_space<vmem>>[vector<16xi32>, vector<16xi32>], vector<16xi32>,
        %bitcast3A_590 = vector.bitcast %gather3A_588 : vector<16xi32> to vector<32xbf16>
        %bitcast3A_591 = vector.bitcast %gather3A_589 : vector<16xi32> to vector<32xbf16>
        %add3A_592 = arith.addf %bitcast3A_590, %bitcast3A_591 : vector<32xbf16>
        %bitcast3A_593 = vector.bitcast %add3A_592 : vector<32xbf16> to vector<16xi32>
        %mul3A_594 = arith.constant 16 : i32
        %mul3A_595 = arith.muli %add3A_493, %mul3A_594 : i32
        %swap3A_596 = arith.constant 6 : i32
        %swap3A_597 = arith.index_cast %swap3A_596 : i32 to index
        %swap3A_598 = arith.index_cast %mul3A_595 : i32 to index
        %swap3A_599 = tpu.vector_load %arg9[%swap3A_597, %swap3A_598] {strides = array<i32>} : memref<16x1024xi32, #tpu.memory_space<vmem>>, vector<16xi32>,
        tpu.vector_store %arg9[%swap3A_597, %swap3A_598], %bitcast3A_593 {strides = array<i32>} : memref<16x1024xi32, #tpu.memory_space<vmem>>, vector<16xi32>,
        %broadcast_in_dim3A_600 = arith.constant 7 : i32
        %broadcast_in_dim3A_601 = vector.broadcast %broadcast_in_dim3A_600 : i32 to vector<16xi32>
        %gather3A_602 = tpu.vector_load_idx %arg6[%broadcast_in_dim3A_601, %get3A_497] : memref<16x6144xi32, #tpu.memory_space<vmem>>[vector<16xi32>, vector<16xi32>], vector<16xi32>,
        %gather3A_603 = tpu.vector_load_idx %arg6[%broadcast_in_dim3A_601, %get3A_501] : memref<16x6144xi32, #tpu.memory_space<vmem>>[vector<16xi32>, vector<16xi32>], vector<16xi32>,
        %bitcast3A_604 = vector.bitcast %gather3A_602 : vector<16xi32> to vector<32xbf16>
        %bitcast3A_605 = vector.bitcast %gather3A_603 : vector<16xi32> to vector<32xbf16>
        %add3A_606 = arith.addf %bitcast3A_604, %bitcast3A_605 : vector<32xbf16>
        %bitcast3A_607 = vector.bitcast %add3A_606 : vector<32xbf16> to vector<16xi32>
        %mul3A_608 = arith.constant 16 : i32
        %mul3A_609 = arith.muli %add3A_493, %mul3A_608 : i32
        %swap3A_610 = arith.constant 7 : i32
        %swap3A_611 = arith.index_cast %swap3A_610 : i32 to index
        %swap3A_612 = arith.index_cast %mul3A_609 : i32 to index
        %swap3A_613 = tpu.vector_load %arg9[%swap3A_611, %swap3A_612] {strides = array<i32>} : memref<16x1024xi32, #tpu.memory_space<vmem>>, vector<16xi32>,
        tpu.vector_store %arg9[%swap3A_611, %swap3A_612], %bitcast3A_607 {strides = array<i32>} : memref<16x1024xi32, #tpu.memory_space<vmem>>, vector<16xi32>,
        %broadcast_in_dim3A_614 = arith.constant 8 : i32
        %broadcast_in_dim3A_615 = vector.broadcast %broadcast_in_dim3A_614 : i32 to vector<16xi32>
        %gather3A_616 = tpu.vector_load_idx %arg6[%broadcast_in_dim3A_615, %get3A_497] : memref<16x6144xi32, #tpu.memory_space<vmem>>[vector<16xi32>, vector<16xi32>], vector<16xi32>,
        %gather3A_617 = tpu.vector_load_idx %arg6[%broadcast_in_dim3A_615, %get3A_501] : memref<16x6144xi32, #tpu.memory_space<vmem>>[vector<16xi32>, vector<16xi32>], vector<16xi32>,
        %bitcast3A_618 = vector.bitcast %gather3A_616 : vector<16xi32> to vector<32xbf16>
        %bitcast3A_619 = vector.bitcast %gather3A_617 : vector<16xi32> to vector<32xbf16>
        %add3A_620 = arith.addf %bitcast3A_618, %bitcast3A_619 : vector<32xbf16>
        %bitcast3A_621 = vector.bitcast %add3A_620 : vector<32xbf16> to vector<16xi32>
        %mul3A_622 = arith.constant 16 : i32
        %mul3A_623 = arith.muli %add3A_493, %mul3A_622 : i32
        %swap3A_624 = arith.constant 8 : i32
        %swap3A_625 = arith.index_cast %swap3A_624 : i32 to index
        %swap3A_626 = arith.index_cast %mul3A_623 : i32 to index
        %swap3A_627 = tpu.vector_load %arg9[%swap3A_625, %swap3A_626] {strides = array<i32>} : memref<16x1024xi32, #tpu.memory_space<vmem>>, vector<16xi32>,
        tpu.vector_store %arg9[%swap3A_625, %swap3A_626], %bitcast3A_621 {strides = array<i32>} : memref<16x1024xi32, #tpu.memory_space<vmem>>, vector<16xi32>,
        %broadcast_in_dim3A_628 = arith.constant 9 : i32
        %broadcast_in_dim3A_629 = vector.broadcast %broadcast_in_dim3A_628 : i32 to vector<16xi32>
        %gather3A_630 = tpu.vector_load_idx %arg6[%broadcast_in_dim3A_629, %get3A_497] : memref<16x6144xi32, #tpu.memory_space<vmem>>[vector<16xi32>, vector<16xi32>], vector<16xi32>,
        %gather3A_631 = tpu.vector_load_idx %arg6[%broadcast_in_dim3A_629, %get3A_501] : memref<16x6144xi32, #tpu.memory_space<vmem>>[vector<16xi32>, vector<16xi32>], vector<16xi32>,
        %bitcast3A_632 = vector.bitcast %gather3A_630 : vector<16xi32> to vector<32xbf16>
        %bitcast3A_633 = vector.bitcast %gather3A_631 : vector<16xi32> to vector<32xbf16>
        %add3A_634 = arith.addf %bitcast3A_632, %bitcast3A_633 : vector<32xbf16>
        %bitcast3A_635 = vector.bitcast %add3A_634 : vector<32xbf16> to vector<16xi32>
        %mul3A_636 = arith.constant 16 : i32
        %mul3A_637 = arith.muli %add3A_493, %mul3A_636 : i32
        %swap3A_638 = arith.constant 9 : i32
        %swap3A_639 = arith.index_cast %swap3A_638 : i32 to index
        %swap3A_640 = arith.index_cast %mul3A_637 : i32 to index
        %swap3A_641 = tpu.vector_load %arg9[%swap3A_639, %swap3A_640] {strides = array<i32>} : memref<16x1024xi32, #tpu.memory_space<vmem>>, vector<16xi32>,
        tpu.vector_store %arg9[%swap3A_639, %swap3A_640], %bitcast3A_635 {strides = array<i32>} : memref<16x1024xi32, #tpu.memory_space<vmem>>, vector<16xi32>,
        %broadcast_in_dim3A_642 = arith.constant 10 : i32
        %broadcast_in_dim3A_643 = vector.broadcast %broadcast_in_dim3A_642 : i32 to vector<16xi32>
        %gather3A_644 = tpu.vector_load_idx %arg6[%broadcast_in_dim3A_643, %get3A_497] : memref<16x6144xi32, #tpu.memory_space<vmem>>[vector<16xi32>, vector<16xi32>], vector<16xi32>,
        %gather3A_645 = tpu.vector_load_idx %arg6[%broadcast_in_dim3A_643, %get3A_501] : memref<16x6144xi32, #tpu.memory_space<vmem>>[vector<16xi32>, vector<16xi32>], vector<16xi32>,
        %bitcast3A_646 = vector.bitcast %gather3A_644 : vector<16xi32> to vector<32xbf16>
        %bitcast3A_647 = vector.bitcast %gather3A_645 : vector<16xi32> to vector<32xbf16>
        %add3A_648 = arith.addf %bitcast3A_646, %bitcast3A_647 : vector<32xbf16>
        %bitcast3A_649 = vector.bitcast %add3A_648 : vector<32xbf16> to vector<16xi32>
        %mul3A_650 = arith.constant 16 : i32
        %mul3A_651 = arith.muli %add3A_493, %mul3A_650 : i32
        %swap3A_652 = arith.constant 10 : i32
        %swap3A_653 = arith.index_cast %swap3A_652 : i32 to index
        %swap3A_654 = arith.index_cast %mul3A_651 : i32 to index
        %swap3A_655 = tpu.vector_load %arg9[%swap3A_653, %swap3A_654] {strides = array<i32>} : memref<16x1024xi32, #tpu.memory_space<vmem>>, vector<16xi32>,
        tpu.vector_store %arg9[%swap3A_653, %swap3A_654], %bitcast3A_649 {strides = array<i32>} : memref<16x1024xi32, #tpu.memory_space<vmem>>, vector<16xi32>,
        %broadcast_in_dim3A_656 = arith.constant 11 : i32
        %broadcast_in_dim3A_657 = vector.broadcast %broadcast_in_dim3A_656 : i32 to vector<16xi32>
        %gather3A_658 = tpu.vector_load_idx %arg6[%broadcast_in_dim3A_657, %get3A_497] : memref<16x6144xi32, #tpu.memory_space<vmem>>[vector<16xi32>, vector<16xi32>], vector<16xi32>,
        %gather3A_659 = tpu.vector_load_idx %arg6[%broadcast_in_dim3A_657, %get3A_501] : memref<16x6144xi32, #tpu.memory_space<vmem>>[vector<16xi32>, vector<16xi32>], vector<16xi32>,
        %bitcast3A_660 = vector.bitcast %gather3A_658 : vector<16xi32> to vector<32xbf16>
        %bitcast3A_661 = vector.bitcast %gather3A_659 : vector<16xi32> to vector<32xbf16>
        %add3A_662 = arith.addf %bitcast3A_660, %bitcast3A_661 : vector<32xbf16>
        %bitcast3A_663 = vector.bitcast %add3A_662 : vector<32xbf16> to vector<16xi32>
        %mul3A_664 = arith.constant 16 : i32
        %mul3A_665 = arith.muli %add3A_493, %mul3A_664 : i32
        %swap3A_666 = arith.constant 11 : i32
        %swap3A_667 = arith.index_cast %swap3A_666 : i32 to index
        %swap3A_668 = arith.index_cast %mul3A_665 : i32 to index
        %swap3A_669 = tpu.vector_load %arg9[%swap3A_667, %swap3A_668] {strides = array<i32>} : memref<16x1024xi32, #tpu.memory_space<vmem>>, vector<16xi32>,
        tpu.vector_store %arg9[%swap3A_667, %swap3A_668], %bitcast3A_663 {strides = array<i32>} : memref<16x1024xi32, #tpu.memory_space<vmem>>, vector<16xi32>,
        %broadcast_in_dim3A_670 = arith.constant 12 : i32
        %broadcast_in_dim3A_671 = vector.broadcast %broadcast_in_dim3A_670 : i32 to vector<16xi32>
        %gather3A_672 = tpu.vector_load_idx %arg6[%broadcast_in_dim3A_671, %get3A_497] : memref<16x6144xi32, #tpu.memory_space<vmem>>[vector<16xi32>, vector<16xi32>], vector<16xi32>,
        %gather3A_673 = tpu.vector_load_idx %arg6[%broadcast_in_dim3A_671, %get3A_501] : memref<16x6144xi32, #tpu.memory_space<vmem>>[vector<16xi32>, vector<16xi32>], vector<16xi32>,
        %bitcast3A_674 = vector.bitcast %gather3A_672 : vector<16xi32> to vector<32xbf16>
        %bitcast3A_675 = vector.bitcast %gather3A_673 : vector<16xi32> to vector<32xbf16>
        %add3A_676 = arith.addf %bitcast3A_674, %bitcast3A_675 : vector<32xbf16>
        %bitcast3A_677 = vector.bitcast %add3A_676 : vector<32xbf16> to vector<16xi32>
        %mul3A_678 = arith.constant 16 : i32
        %mul3A_679 = arith.muli %add3A_493, %mul3A_678 : i32
        %swap3A_680 = arith.constant 12 : i32
        %swap3A_681 = arith.index_cast %swap3A_680 : i32 to index
        %swap3A_682 = arith.index_cast %mul3A_679 : i32 to index
        %swap3A_683 = tpu.vector_load %arg9[%swap3A_681, %swap3A_682] {strides = array<i32>} : memref<16x1024xi32, #tpu.memory_space<vmem>>, vector<16xi32>,
        tpu.vector_store %arg9[%swap3A_681, %swap3A_682], %bitcast3A_677 {strides = array<i32>} : memref<16x1024xi32, #tpu.memory_space<vmem>>, vector<16xi32>,
        %broadcast_in_dim3A_684 = arith.constant 13 : i32
        %broadcast_in_dim3A_685 = vector.broadcast %broadcast_in_dim3A_684 : i32 to vector<16xi32>
        %gather3A_686 = tpu.vector_load_idx %arg6[%broadcast_in_dim3A_685, %get3A_497] : memref<16x6144xi32, #tpu.memory_space<vmem>>[vector<16xi32>, vector<16xi32>], vector<16xi32>,
        %gather3A_687 = tpu.vector_load_idx %arg6[%broadcast_in_dim3A_685, %get3A_501] : memref<16x6144xi32, #tpu.memory_space<vmem>>[vector<16xi32>, vector<16xi32>], vector<16xi32>,
        %bitcast3A_688 = vector.bitcast %gather3A_686 : vector<16xi32> to vector<32xbf16>
        %bitcast3A_689 = vector.bitcast %gather3A_687 : vector<16xi32> to vector<32xbf16>
        %add3A_690 = arith.addf %bitcast3A_688, %bitcast3A_689 : vector<32xbf16>
        %bitcast3A_691 = vector.bitcast %add3A_690 : vector<32xbf16> to vector<16xi32>
        %mul3A_692 = arith.constant 16 : i32
        %mul3A_693 = arith.muli %add3A_493, %mul3A_692 : i32
        %swap3A_694 = arith.constant 13 : i32
        %swap3A_695 = arith.index_cast %swap3A_694 : i32 to index
        %swap3A_696 = arith.index_cast %mul3A_693 : i32 to index
        %swap3A_697 = tpu.vector_load %arg9[%swap3A_695, %swap3A_696] {strides = array<i32>} : memref<16x1024xi32, #tpu.memory_space<vmem>>, vector<16xi32>,
        tpu.vector_store %arg9[%swap3A_695, %swap3A_696], %bitcast3A_691 {strides = array<i32>} : memref<16x1024xi32, #tpu.memory_space<vmem>>, vector<16xi32>,
        %broadcast_in_dim3A_698 = arith.constant 14 : i32
        %broadcast_in_dim3A_699 = vector.broadcast %broadcast_in_dim3A_698 : i32 to vector<16xi32>
        %gather3A_700 = tpu.vector_load_idx %arg6[%broadcast_in_dim3A_699, %get3A_497] : memref<16x6144xi32, #tpu.memory_space<vmem>>[vector<16xi32>, vector<16xi32>], vector<16xi32>,
        %gather3A_701 = tpu.vector_load_idx %arg6[%broadcast_in_dim3A_699, %get3A_501] : memref<16x6144xi32, #tpu.memory_space<vmem>>[vector<16xi32>, vector<16xi32>], vector<16xi32>,
        %bitcast3A_702 = vector.bitcast %gather3A_700 : vector<16xi32> to vector<32xbf16>
        %bitcast3A_703 = vector.bitcast %gather3A_701 : vector<16xi32> to vector<32xbf16>
        %add3A_704 = arith.addf %bitcast3A_702, %bitcast3A_703 : vector<32xbf16>
        %bitcast3A_705 = vector.bitcast %add3A_704 : vector<32xbf16> to vector<16xi32>
        %mul3A_706 = arith.constant 16 : i32
        %mul3A_707 = arith.muli %add3A_493, %mul3A_706 : i32
        %swap3A_708 = arith.constant 14 : i32
        %swap3A_709 = arith.index_cast %swap3A_708 : i32 to index
        %swap3A_710 = arith.index_cast %mul3A_707 : i32 to index
        %swap3A_711 = tpu.vector_load %arg9[%swap3A_709, %swap3A_710] {strides = array<i32>} : memref<16x1024xi32, #tpu.memory_space<vmem>>, vector<16xi32>,
        tpu.vector_store %arg9[%swap3A_709, %swap3A_710], %bitcast3A_705 {strides = array<i32>} : memref<16x1024xi32, #tpu.memory_space<vmem>>, vector<16xi32>,
        %broadcast_in_dim3A_712 = arith.constant 15 : i32
        %broadcast_in_dim3A_713 = vector.broadcast %broadcast_in_dim3A_712 : i32 to vector<16xi32>
        %gather3A_714 = tpu.vector_load_idx %arg6[%broadcast_in_dim3A_713, %get3A_497] : memref<16x6144xi32, #tpu.memory_space<vmem>>[vector<16xi32>, vector<16xi32>], vector<16xi32>,
        %gather3A_715 = tpu.vector_load_idx %arg6[%broadcast_in_dim3A_713, %get3A_501] : memref<16x6144xi32, #tpu.memory_space<vmem>>[vector<16xi32>, vector<16xi32>], vector<16xi32>,
        %bitcast3A_716 = vector.bitcast %gather3A_714 : vector<16xi32> to vector<32xbf16>
        %bitcast3A_717 = vector.bitcast %gather3A_715 : vector<16xi32> to vector<32xbf16>
        %add3A_718 = arith.addf %bitcast3A_716, %bitcast3A_717 : vector<32xbf16>
        %bitcast3A_719 = vector.bitcast %add3A_718 : vector<32xbf16> to vector<16xi32>
        %mul3A_720 = arith.constant 16 : i32
        %mul3A_721 = arith.muli %add3A_493, %mul3A_720 : i32
        %swap3A_722 = arith.constant 15 : i32
        %swap3A_723 = arith.index_cast %swap3A_722 : i32 to index
        %swap3A_724 = arith.index_cast %mul3A_721 : i32 to index
        %swap3A_725 = tpu.vector_load %arg9[%swap3A_723, %swap3A_724] {strides = array<i32>} : memref<16x1024xi32, #tpu.memory_space<vmem>>, vector<16xi32>,
        tpu.vector_store %arg9[%swap3A_723, %swap3A_724], %bitcast3A_719 {strides = array<i32>} : memref<16x1024xi32, #tpu.memory_space<vmem>>, vector<16xi32>,
        %scan3A_726 = arith.constant 3 : i32
        %scan3A_727 = arith.addi %scan3A_18, %scan3A_726 : i32
        %mul3A_728 = arith.constant 1 : i32
        %mul3A_729 = arith.muli %scan3A_727, %mul3A_728 : i32
        %add3A_730 = arith.constant 0 : i32
        %add3A_731 = arith.addi %add3A_730, %mul3A_729 : i32
        %mul3A_732 = arith.constant 16 : i32
        %mul3A_733 = arith.muli %add3A_731, %mul3A_732 : i32
        %get3A_734 = arith.index_cast %mul3A_733 : i32 to index
        %get3A_735 = tpu.vector_load %arg7[%get3A_734] {strides = array<i32>} : memref<1024xi32, #tpu.memory_space<vmem>>, vector<16xi32>,
        %mul3A_736 = arith.constant 16 : i32
        %mul3A_737 = arith.muli %add3A_731, %mul3A_736 : i32
        %get3A_738 = arith.index_cast %mul3A_737 : i32 to index
        %get3A_739 = tpu.vector_load %arg8[%get3A_738] {strides = array<i32>} : memref<1024xi32, #tpu.memory_space<vmem>>, vector<16xi32>,
        %broadcast_in_dim3A_740 = arith.constant 0 : i32
        %broadcast_in_dim3A_741 = vector.broadcast %broadcast_in_dim3A_740 : i32 to vector<16xi32>
        %gather3A_742 = tpu.vector_load_idx %arg6[%broadcast_in_dim3A_741, %get3A_735] : memref<16x6144xi32, #tpu.memory_space<vmem>>[vector<16xi32>, vector<16xi32>], vector<16xi32>,
        %gather3A_743 = tpu.vector_load_idx %arg6[%broadcast_in_dim3A_741, %get3A_739] : memref<16x6144xi32, #tpu.memory_space<vmem>>[vector<16xi32>, vector<16xi32>], vector<16xi32>,
        %bitcast3A_744 = vector.bitcast %gather3A_742 : vector<16xi32> to vector<32xbf16>
        %bitcast3A_745 = vector.bitcast %gather3A_743 : vector<16xi32> to vector<32xbf16>
        %add3A_746 = arith.addf %bitcast3A_744, %bitcast3A_745 : vector<32xbf16>
        %bitcast3A_747 = vector.bitcast %add3A_746 : vector<32xbf16> to vector<16xi32>
        %mul3A_748 = arith.constant 16 : i32
        %mul3A_749 = arith.muli %add3A_731, %mul3A_748 : i32
        %swap3A_750 = arith.constant 0 : i32
        %swap3A_751 = arith.index_cast %swap3A_750 : i32 to index
        %swap3A_752 = arith.index_cast %mul3A_749 : i32 to index
        %swap3A_753 = tpu.vector_load %arg9[%swap3A_751, %swap3A_752] {strides = array<i32>} : memref<16x1024xi32, #tpu.memory_space<vmem>>, vector<16xi32>,
        tpu.vector_store %arg9[%swap3A_751, %swap3A_752], %bitcast3A_747 {strides = array<i32>} : memref<16x1024xi32, #tpu.memory_space<vmem>>, vector<16xi32>,
        %broadcast_in_dim3A_754 = arith.constant 1 : i32
        %broadcast_in_dim3A_755 = vector.broadcast %broadcast_in_dim3A_754 : i32 to vector<16xi32>
        %gather3A_756 = tpu.vector_load_idx %arg6[%broadcast_in_dim3A_755, %get3A_735] : memref<16x6144xi32, #tpu.memory_space<vmem>>[vector<16xi32>, vector<16xi32>], vector<16xi32>,
        %gather3A_757 = tpu.vector_load_idx %arg6[%broadcast_in_dim3A_755, %get3A_739] : memref<16x6144xi32, #tpu.memory_space<vmem>>[vector<16xi32>, vector<16xi32>], vector<16xi32>,
        %bitcast3A_758 = vector.bitcast %gather3A_756 : vector<16xi32> to vector<32xbf16>
        %bitcast3A_759 = vector.bitcast %gather3A_757 : vector<16xi32> to vector<32xbf16>
        %add3A_760 = arith.addf %bitcast3A_758, %bitcast3A_759 : vector<32xbf16>
        %bitcast3A_761 = vector.bitcast %add3A_760 : vector<32xbf16> to vector<16xi32>
        %mul3A_762 = arith.constant 16 : i32
        %mul3A_763 = arith.muli %add3A_731, %mul3A_762 : i32
        %swap3A_764 = arith.constant 1 : i32
        %swap3A_765 = arith.index_cast %swap3A_764 : i32 to index
        %swap3A_766 = arith.index_cast %mul3A_763 : i32 to index
        %swap3A_767 = tpu.vector_load %arg9[%swap3A_765, %swap3A_766] {strides = array<i32>} : memref<16x1024xi32, #tpu.memory_space<vmem>>, vector<16xi32>,
        tpu.vector_store %arg9[%swap3A_765, %swap3A_766], %bitcast3A_761 {strides = array<i32>} : memref<16x1024xi32, #tpu.memory_space<vmem>>, vector<16xi32>,
        %broadcast_in_dim3A_768 = arith.constant 2 : i32
        %broadcast_in_dim3A_769 = vector.broadcast %broadcast_in_dim3A_768 : i32 to vector<16xi32>
        %gather3A_770 = tpu.vector_load_idx %arg6[%broadcast_in_dim3A_769, %get3A_735] : memref<16x6144xi32, #tpu.memory_space<vmem>>[vector<16xi32>, vector<16xi32>], vector<16xi32>,
        %gather3A_771 = tpu.vector_load_idx %arg6[%broadcast_in_dim3A_769, %get3A_739] : memref<16x6144xi32, #tpu.memory_space<vmem>>[vector<16xi32>, vector<16xi32>], vector<16xi32>,
        %bitcast3A_772 = vector.bitcast %gather3A_770 : vector<16xi32> to vector<32xbf16>
        %bitcast3A_773 = vector.bitcast %gather3A_771 : vector<16xi32> to vector<32xbf16>
        %add3A_774 = arith.addf %bitcast3A_772, %bitcast3A_773 : vector<32xbf16>
        %bitcast3A_775 = vector.bitcast %add3A_774 : vector<32xbf16> to vector<16xi32>
        %mul3A_776 = arith.constant 16 : i32
        %mul3A_777 = arith.muli %add3A_731, %mul3A_776 : i32
        %swap3A_778 = arith.constant 2 : i32
        %swap3A_779 = arith.index_cast %swap3A_778 : i32 to index
        %swap3A_780 = arith.index_cast %mul3A_777 : i32 to index
        %swap3A_781 = tpu.vector_load %arg9[%swap3A_779, %swap3A_780] {strides = array<i32>} : memref<16x1024xi32, #tpu.memory_space<vmem>>, vector<16xi32>,
        tpu.vector_store %arg9[%swap3A_779, %swap3A_780], %bitcast3A_775 {strides = array<i32>} : memref<16x1024xi32, #tpu.memory_space<vmem>>, vector<16xi32>,
        %broadcast_in_dim3A_782 = arith.constant 3 : i32
        %broadcast_in_dim3A_783 = vector.broadcast %broadcast_in_dim3A_782 : i32 to vector<16xi32>
        %gather3A_784 = tpu.vector_load_idx %arg6[%broadcast_in_dim3A_783, %get3A_735] : memref<16x6144xi32, #tpu.memory_space<vmem>>[vector<16xi32>, vector<16xi32>], vector<16xi32>,
        %gather3A_785 = tpu.vector_load_idx %arg6[%broadcast_in_dim3A_783, %get3A_739] : memref<16x6144xi32, #tpu.memory_space<vmem>>[vector<16xi32>, vector<16xi32>], vector<16xi32>,
        %bitcast3A_786 = vector.bitcast %gather3A_784 : vector<16xi32> to vector<32xbf16>
        %bitcast3A_787 = vector.bitcast %gather3A_785 : vector<16xi32> to vector<32xbf16>
        %add3A_788 = arith.addf %bitcast3A_786, %bitcast3A_787 : vector<32xbf16>
        %bitcast3A_789 = vector.bitcast %add3A_788 : vector<32xbf16> to vector<16xi32>
        %mul3A_790 = arith.constant 16 : i32
        %mul3A_791 = arith.muli %add3A_731, %mul3A_790 : i32
        %swap3A_792 = arith.constant 3 : i32
        %swap3A_793 = arith.index_cast %swap3A_792 : i32 to index
        %swap3A_794 = arith.index_cast %mul3A_791 : i32 to index
        %swap3A_795 = tpu.vector_load %arg9[%swap3A_793, %swap3A_794] {strides = array<i32>} : memref<16x1024xi32, #tpu.memory_space<vmem>>, vector<16xi32>,
        tpu.vector_store %arg9[%swap3A_793, %swap3A_794], %bitcast3A_789 {strides = array<i32>} : memref<16x1024xi32, #tpu.memory_space<vmem>>, vector<16xi32>,
        %broadcast_in_dim3A_796 = arith.constant 4 : i32
        %broadcast_in_dim3A_797 = vector.broadcast %broadcast_in_dim3A_796 : i32 to vector<16xi32>
        %gather3A_798 = tpu.vector_load_idx %arg6[%broadcast_in_dim3A_797, %get3A_735] : memref<16x6144xi32, #tpu.memory_space<vmem>>[vector<16xi32>, vector<16xi32>], vector<16xi32>,
        %gather3A_799 = tpu.vector_load_idx %arg6[%broadcast_in_dim3A_797, %get3A_739] : memref<16x6144xi32, #tpu.memory_space<vmem>>[vector<16xi32>, vector<16xi32>], vector<16xi32>,
        %bitcast3A_800 = vector.bitcast %gather3A_798 : vector<16xi32> to vector<32xbf16>
        %bitcast3A_801 = vector.bitcast %gather3A_799 : vector<16xi32> to vector<32xbf16>
        %add3A_802 = arith.addf %bitcast3A_800, %bitcast3A_801 : vector<32xbf16>
        %bitcast3A_803 = vector.bitcast %add3A_802 : vector<32xbf16> to vector<16xi32>
        %mul3A_804 = arith.constant 16 : i32
        %mul3A_805 = arith.muli %add3A_731, %mul3A_804 : i32
        %swap3A_806 = arith.constant 4 : i32
        %swap3A_807 = arith.index_cast %swap3A_806 : i32 to index
        %swap3A_808 = arith.index_cast %mul3A_805 : i32 to index
        %swap3A_809 = tpu.vector_load %arg9[%swap3A_807, %swap3A_808] {strides = array<i32>} : memref<16x1024xi32, #tpu.memory_space<vmem>>, vector<16xi32>,
        tpu.vector_store %arg9[%swap3A_807, %swap3A_808], %bitcast3A_803 {strides = array<i32>} : memref<16x1024xi32, #tpu.memory_space<vmem>>, vector<16xi32>,
        %broadcast_in_dim3A_810 = arith.constant 5 : i32
        %broadcast_in_dim3A_811 = vector.broadcast %broadcast_in_dim3A_810 : i32 to vector<16xi32>
        %gather3A_812 = tpu.vector_load_idx %arg6[%broadcast_in_dim3A_811, %get3A_735] : memref<16x6144xi32, #tpu.memory_space<vmem>>[vector<16xi32>, vector<16xi32>], vector<16xi32>,
        %gather3A_813 = tpu.vector_load_idx %arg6[%broadcast_in_dim3A_811, %get3A_739] : memref<16x6144xi32, #tpu.memory_space<vmem>>[vector<16xi32>, vector<16xi32>], vector<16xi32>,
        %bitcast3A_814 = vector.bitcast %gather3A_812 : vector<16xi32> to vector<32xbf16>
        %bitcast3A_815 = vector.bitcast %gather3A_813 : vector<16xi32> to vector<32xbf16>
        %add3A_816 = arith.addf %bitcast3A_814, %bitcast3A_815 : vector<32xbf16>
        %bitcast3A_817 = vector.bitcast %add3A_816 : vector<32xbf16> to vector<16xi32>
        %mul3A_818 = arith.constant 16 : i32
        %mul3A_819 = arith.muli %add3A_731, %mul3A_818 : i32
        %swap3A_820 = arith.constant 5 : i32
        %swap3A_821 = arith.index_cast %swap3A_820 : i32 to index
        %swap3A_822 = arith.index_cast %mul3A_819 : i32 to index
        %swap3A_823 = tpu.vector_load %arg9[%swap3A_821, %swap3A_822] {strides = array<i32>} : memref<16x1024xi32, #tpu.memory_space<vmem>>, vector<16xi32>,
        tpu.vector_store %arg9[%swap3A_821, %swap3A_822], %bitcast3A_817 {strides = array<i32>} : memref<16x1024xi32, #tpu.memory_space<vmem>>, vector<16xi32>,
        %broadcast_in_dim3A_824 = arith.constant 6 : i32
        %broadcast_in_dim3A_825 = vector.broadcast %broadcast_in_dim3A_824 : i32 to vector<16xi32>
        %gather3A_826 = tpu.vector_load_idx %arg6[%broadcast_in_dim3A_825, %get3A_735] : memref<16x6144xi32, #tpu.memory_space<vmem>>[vector<16xi32>, vector<16xi32>], vector<16xi32>,
        %gather3A_827 = tpu.vector_load_idx %arg6[%broadcast_in_dim3A_825, %get3A_739] : memref<16x6144xi32, #tpu.memory_space<vmem>>[vector<16xi32>, vector<16xi32>], vector<16xi32>,
        %bitcast3A_828 = vector.bitcast %gather3A_826 : vector<16xi32> to vector<32xbf16>
        %bitcast3A_829 = vector.bitcast %gather3A_827 : vector<16xi32> to vector<32xbf16>
        %add3A_830 = arith.addf %bitcast3A_828, %bitcast3A_829 : vector<32xbf16>
        %bitcast3A_831 = vector.bitcast %add3A_830 : vector<32xbf16> to vector<16xi32>
        %mul3A_832 = arith.constant 16 : i32
        %mul3A_833 = arith.muli %add3A_731, %mul3A_832 : i32
        %swap3A_834 = arith.constant 6 : i32
        %swap3A_835 = arith.index_cast %swap3A_834 : i32 to index
        %swap3A_836 = arith.index_cast %mul3A_833 : i32 to index
        %swap3A_837 = tpu.vector_load %arg9[%swap3A_835, %swap3A_836] {strides = array<i32>} : memref<16x1024xi32, #tpu.memory_space<vmem>>, vector<16xi32>,
        tpu.vector_store %arg9[%swap3A_835, %swap3A_836], %bitcast3A_831 {strides = array<i32>} : memref<16x1024xi32, #tpu.memory_space<vmem>>, vector<16xi32>,
        %broadcast_in_dim3A_838 = arith.constant 7 : i32
        %broadcast_in_dim3A_839 = vector.broadcast %broadcast_in_dim3A_838 : i32 to vector<16xi32>
        %gather3A_840 = tpu.vector_load_idx %arg6[%broadcast_in_dim3A_839, %get3A_735] : memref<16x6144xi32, #tpu.memory_space<vmem>>[vector<16xi32>, vector<16xi32>], vector<16xi32>,
        %gather3A_841 = tpu.vector_load_idx %arg6[%broadcast_in_dim3A_839, %get3A_739] : memref<16x6144xi32, #tpu.memory_space<vmem>>[vector<16xi32>, vector<16xi32>], vector<16xi32>,
        %bitcast3A_842 = vector.bitcast %gather3A_840 : vector<16xi32> to vector<32xbf16>
        %bitcast3A_843 = vector.bitcast %gather3A_841 : vector<16xi32> to vector<32xbf16>
        %add3A_844 = arith.addf %bitcast3A_842, %bitcast3A_843 : vector<32xbf16>
        %bitcast3A_845 = vector.bitcast %add3A_844 : vector<32xbf16> to vector<16xi32>
        %mul3A_846 = arith.constant 16 : i32
        %mul3A_847 = arith.muli %add3A_731, %mul3A_846 : i32
        %swap3A_848 = arith.constant 7 : i32
        %swap3A_849 = arith.index_cast %swap3A_848 : i32 to index
        %swap3A_850 = arith.index_cast %mul3A_847 : i32 to index
        %swap3A_851 = tpu.vector_load %arg9[%swap3A_849, %swap3A_850] {strides = array<i32>} : memref<16x1024xi32, #tpu.memory_space<vmem>>, vector<16xi32>,
        tpu.vector_store %arg9[%swap3A_849, %swap3A_850], %bitcast3A_845 {strides = array<i32>} : memref<16x1024xi32, #tpu.memory_space<vmem>>, vector<16xi32>,
        %broadcast_in_dim3A_852 = arith.constant 8 : i32
        %broadcast_in_dim3A_853 = vector.broadcast %broadcast_in_dim3A_852 : i32 to vector<16xi32>
        %gather3A_854 = tpu.vector_load_idx %arg6[%broadcast_in_dim3A_853, %get3A_735] : memref<16x6144xi32, #tpu.memory_space<vmem>>[vector<16xi32>, vector<16xi32>], vector<16xi32>,
        %gather3A_855 = tpu.vector_load_idx %arg6[%broadcast_in_dim3A_853, %get3A_739] : memref<16x6144xi32, #tpu.memory_space<vmem>>[vector<16xi32>, vector<16xi32>], vector<16xi32>,
        %bitcast3A_856 = vector.bitcast %gather3A_854 : vector<16xi32> to vector<32xbf16>
        %bitcast3A_857 = vector.bitcast %gather3A_855 : vector<16xi32> to vector<32xbf16>
        %add3A_858 = arith.addf %bitcast3A_856, %bitcast3A_857 : vector<32xbf16>
        %bitcast3A_859 = vector.bitcast %add3A_858 : vector<32xbf16> to vector<16xi32>
        %mul3A_860 = arith.constant 16 : i32
        %mul3A_861 = arith.muli %add3A_731, %mul3A_860 : i32
        %swap3A_862 = arith.constant 8 : i32
        %swap3A_863 = arith.index_cast %swap3A_862 : i32 to index
        %swap3A_864 = arith.index_cast %mul3A_861 : i32 to index
        %swap3A_865 = tpu.vector_load %arg9[%swap3A_863, %swap3A_864] {strides = array<i32>} : memref<16x1024xi32, #tpu.memory_space<vmem>>, vector<16xi32>,
        tpu.vector_store %arg9[%swap3A_863, %swap3A_864], %bitcast3A_859 {strides = array<i32>} : memref<16x1024xi32, #tpu.memory_space<vmem>>, vector<16xi32>,
        %broadcast_in_dim3A_866 = arith.constant 9 : i32
        %broadcast_in_dim3A_867 = vector.broadcast %broadcast_in_dim3A_866 : i32 to vector<16xi32>
        %gather3A_868 = tpu.vector_load_idx %arg6[%broadcast_in_dim3A_867, %get3A_735] : memref<16x6144xi32, #tpu.memory_space<vmem>>[vector<16xi32>, vector<16xi32>], vector<16xi32>,
        %gather3A_869 = tpu.vector_load_idx %arg6[%broadcast_in_dim3A_867, %get3A_739] : memref<16x6144xi32, #tpu.memory_space<vmem>>[vector<16xi32>, vector<16xi32>], vector<16xi32>,
        %bitcast3A_870 = vector.bitcast %gather3A_868 : vector<16xi32> to vector<32xbf16>
        %bitcast3A_871 = vector.bitcast %gather3A_869 : vector<16xi32> to vector<32xbf16>
        %add3A_872 = arith.addf %bitcast3A_870, %bitcast3A_871 : vector<32xbf16>
        %bitcast3A_873 = vector.bitcast %add3A_872 : vector<32xbf16> to vector<16xi32>
        %mul3A_874 = arith.constant 16 : i32
        %mul3A_875 = arith.muli %add3A_731, %mul3A_874 : i32
        %swap3A_876 = arith.constant 9 : i32
        %swap3A_877 = arith.index_cast %swap3A_876 : i32 to index
        %swap3A_878 = arith.index_cast %mul3A_875 : i32 to index
        %swap3A_879 = tpu.vector_load %arg9[%swap3A_877, %swap3A_878] {strides = array<i32>} : memref<16x1024xi32, #tpu.memory_space<vmem>>, vector<16xi32>,
        tpu.vector_store %arg9[%swap3A_877, %swap3A_878], %bitcast3A_873 {strides = array<i32>} : memref<16x1024xi32, #tpu.memory_space<vmem>>, vector<16xi32>,
        %broadcast_in_dim3A_880 = arith.constant 10 : i32
        %broadcast_in_dim3A_881 = vector.broadcast %broadcast_in_dim3A_880 : i32 to vector<16xi32>
        %gather3A_882 = tpu.vector_load_idx %arg6[%broadcast_in_dim3A_881, %get3A_735] : memref<16x6144xi32, #tpu.memory_space<vmem>>[vector<16xi32>, vector<16xi32>], vector<16xi32>,
        %gather3A_883 = tpu.vector_load_idx %arg6[%broadcast_in_dim3A_881, %get3A_739] : memref<16x6144xi32, #tpu.memory_space<vmem>>[vector<16xi32>, vector<16xi32>], vector<16xi32>,
        %bitcast3A_884 = vector.bitcast %gather3A_882 : vector<16xi32> to vector<32xbf16>
        %bitcast3A_885 = vector.bitcast %gather3A_883 : vector<16xi32> to vector<32xbf16>
        %add3A_886 = arith.addf %bitcast3A_884, %bitcast3A_885 : vector<32xbf16>
        %bitcast3A_887 = vector.bitcast %add3A_886 : vector<32xbf16> to vector<16xi32>
        %mul3A_888 = arith.constant 16 : i32
        %mul3A_889 = arith.muli %add3A_731, %mul3A_888 : i32
        %swap3A_890 = arith.constant 10 : i32
        %swap3A_891 = arith.index_cast %swap3A_890 : i32 to index
        %swap3A_892 = arith.index_cast %mul3A_889 : i32 to index
        %swap3A_893 = tpu.vector_load %arg9[%swap3A_891, %swap3A_892] {strides = array<i32>} : memref<16x1024xi32, #tpu.memory_space<vmem>>, vector<16xi32>,
        tpu.vector_store %arg9[%swap3A_891, %swap3A_892], %bitcast3A_887 {strides = array<i32>} : memref<16x1024xi32, #tpu.memory_space<vmem>>, vector<16xi32>,
        %broadcast_in_dim3A_894 = arith.constant 11 : i32
        %broadcast_in_dim3A_895 = vector.broadcast %broadcast_in_dim3A_894 : i32 to vector<16xi32>
        %gather3A_896 = tpu.vector_load_idx %arg6[%broadcast_in_dim3A_895, %get3A_735] : memref<16x6144xi32, #tpu.memory_space<vmem>>[vector<16xi32>, vector<16xi32>], vector<16xi32>,
        %gather3A_897 = tpu.vector_load_idx %arg6[%broadcast_in_dim3A_895, %get3A_739] : memref<16x6144xi32, #tpu.memory_space<vmem>>[vector<16xi32>, vector<16xi32>], vector<16xi32>,
        %bitcast3A_898 = vector.bitcast %gather3A_896 : vector<16xi32> to vector<32xbf16>
        %bitcast3A_899 = vector.bitcast %gather3A_897 : vector<16xi32> to vector<32xbf16>
        %add3A_900 = arith.addf %bitcast3A_898, %bitcast3A_899 : vector<32xbf16>
        %bitcast3A_901 = vector.bitcast %add3A_900 : vector<32xbf16> to vector<16xi32>
        %mul3A_902 = arith.constant 16 : i32
        %mul3A_903 = arith.muli %add3A_731, %mul3A_902 : i32
        %swap3A_904 = arith.constant 11 : i32
        %swap3A_905 = arith.index_cast %swap3A_904 : i32 to index
        %swap3A_906 = arith.index_cast %mul3A_903 : i32 to index
        %swap3A_907 = tpu.vector_load %arg9[%swap3A_905, %swap3A_906] {strides = array<i32>} : memref<16x1024xi32, #tpu.memory_space<vmem>>, vector<16xi32>,
        tpu.vector_store %arg9[%swap3A_905, %swap3A_906], %bitcast3A_901 {strides = array<i32>} : memref<16x1024xi32, #tpu.memory_space<vmem>>, vector<16xi32>,
        %broadcast_in_dim3A_908 = arith.constant 12 : i32
        %broadcast_in_dim3A_909 = vector.broadcast %broadcast_in_dim3A_908 : i32 to vector<16xi32>
        %gather3A_910 = tpu.vector_load_idx %arg6[%broadcast_in_dim3A_909, %get3A_735] : memref<16x6144xi32, #tpu.memory_space<vmem>>[vector<16xi32>, vector<16xi32>], vector<16xi32>,
        %gather3A_911 = tpu.vector_load_idx %arg6[%broadcast_in_dim3A_909, %get3A_739] : memref<16x6144xi32, #tpu.memory_space<vmem>>[vector<16xi32>, vector<16xi32>], vector<16xi32>,
        %bitcast3A_912 = vector.bitcast %gather3A_910 : vector<16xi32> to vector<32xbf16>
        %bitcast3A_913 = vector.bitcast %gather3A_911 : vector<16xi32> to vector<32xbf16>
        %add3A_914 = arith.addf %bitcast3A_912, %bitcast3A_913 : vector<32xbf16>
        %bitcast3A_915 = vector.bitcast %add3A_914 : vector<32xbf16> to vector<16xi32>
        %mul3A_916 = arith.constant 16 : i32
        %mul3A_917 = arith.muli %add3A_731, %mul3A_916 : i32
        %swap3A_918 = arith.constant 12 : i32
        %swap3A_919 = arith.index_cast %swap3A_918 : i32 to index
        %swap3A_920 = arith.index_cast %mul3A_917 : i32 to index
        %swap3A_921 = tpu.vector_load %arg9[%swap3A_919, %swap3A_920] {strides = array<i32>} : memref<16x1024xi32, #tpu.memory_space<vmem>>, vector<16xi32>,
        tpu.vector_store %arg9[%swap3A_919, %swap3A_920], %bitcast3A_915 {strides = array<i32>} : memref<16x1024xi32, #tpu.memory_space<vmem>>, vector<16xi32>,
        %broadcast_in_dim3A_922 = arith.constant 13 : i32
        %broadcast_in_dim3A_923 = vector.broadcast %broadcast_in_dim3A_922 : i32 to vector<16xi32>
        %gather3A_924 = tpu.vector_load_idx %arg6[%broadcast_in_dim3A_923, %get3A_735] : memref<16x6144xi32, #tpu.memory_space<vmem>>[vector<16xi32>, vector<16xi32>], vector<16xi32>,
        %gather3A_925 = tpu.vector_load_idx %arg6[%broadcast_in_dim3A_923, %get3A_739] : memref<16x6144xi32, #tpu.memory_space<vmem>>[vector<16xi32>, vector<16xi32>], vector<16xi32>,
        %bitcast3A_926 = vector.bitcast %gather3A_924 : vector<16xi32> to vector<32xbf16>
        %bitcast3A_927 = vector.bitcast %gather3A_925 : vector<16xi32> to vector<32xbf16>
        %add3A_928 = arith.addf %bitcast3A_926, %bitcast3A_927 : vector<32xbf16>
        %bitcast3A_929 = vector.bitcast %add3A_928 : vector<32xbf16> to vector<16xi32>
        %mul3A_930 = arith.constant 16 : i32
        %mul3A_931 = arith.muli %add3A_731, %mul3A_930 : i32
        %swap3A_932 = arith.constant 13 : i32
        %swap3A_933 = arith.index_cast %swap3A_932 : i32 to index
        %swap3A_934 = arith.index_cast %mul3A_931 : i32 to index
        %swap3A_935 = tpu.vector_load %arg9[%swap3A_933, %swap3A_934] {strides = array<i32>} : memref<16x1024xi32, #tpu.memory_space<vmem>>, vector<16xi32>,
        tpu.vector_store %arg9[%swap3A_933, %swap3A_934], %bitcast3A_929 {strides = array<i32>} : memref<16x1024xi32, #tpu.memory_space<vmem>>, vector<16xi32>,
        %broadcast_in_dim3A_936 = arith.constant 14 : i32
        %broadcast_in_dim3A_937 = vector.broadcast %broadcast_in_dim3A_936 : i32 to vector<16xi32>
        %gather3A_938 = tpu.vector_load_idx %arg6[%broadcast_in_dim3A_937, %get3A_735] : memref<16x6144xi32, #tpu.memory_space<vmem>>[vector<16xi32>, vector<16xi32>], vector<16xi32>,
        %gather3A_939 = tpu.vector_load_idx %arg6[%broadcast_in_dim3A_937, %get3A_739] : memref<16x6144xi32, #tpu.memory_space<vmem>>[vector<16xi32>, vector<16xi32>], vector<16xi32>,
        %bitcast3A_940 = vector.bitcast %gather3A_938 : vector<16xi32> to vector<32xbf16>
        %bitcast3A_941 = vector.bitcast %gather3A_939 : vector<16xi32> to vector<32xbf16>
        %add3A_942 = arith.addf %bitcast3A_940, %bitcast3A_941 : vector<32xbf16>
        %bitcast3A_943 = vector.bitcast %add3A_942 : vector<32xbf16> to vector<16xi32>
        %mul3A_944 = arith.constant 16 : i32
        %mul3A_945 = arith.muli %add3A_731, %mul3A_944 : i32
        %swap3A_946 = arith.constant 14 : i32
        %swap3A_947 = arith.index_cast %swap3A_946 : i32 to index
        %swap3A_948 = arith.index_cast %mul3A_945 : i32 to index
        %swap3A_949 = tpu.vector_load %arg9[%swap3A_947, %swap3A_948] {strides = array<i32>} : memref<16x1024xi32, #tpu.memory_space<vmem>>, vector<16xi32>,
        tpu.vector_store %arg9[%swap3A_947, %swap3A_948], %bitcast3A_943 {strides = array<i32>} : memref<16x1024xi32, #tpu.memory_space<vmem>>, vector<16xi32>,
        %broadcast_in_dim3A_950 = arith.constant 15 : i32
        %broadcast_in_dim3A_951 = vector.broadcast %broadcast_in_dim3A_950 : i32 to vector<16xi32>
        %gather3A_952 = tpu.vector_load_idx %arg6[%broadcast_in_dim3A_951, %get3A_735] : memref<16x6144xi32, #tpu.memory_space<vmem>>[vector<16xi32>, vector<16xi32>], vector<16xi32>,
        %gather3A_953 = tpu.vector_load_idx %arg6[%broadcast_in_dim3A_951, %get3A_739] : memref<16x6144xi32, #tpu.memory_space<vmem>>[vector<16xi32>, vector<16xi32>], vector<16xi32>,
        %bitcast3A_954 = vector.bitcast %gather3A_952 : vector<16xi32> to vector<32xbf16>
        %bitcast3A_955 = vector.bitcast %gather3A_953 : vector<16xi32> to vector<32xbf16>
        %add3A_956 = arith.addf %bitcast3A_954, %bitcast3A_955 : vector<32xbf16>
        %bitcast3A_957 = vector.bitcast %add3A_956 : vector<32xbf16> to vector<16xi32>
        %mul3A_958 = arith.constant 16 : i32
        %mul3A_959 = arith.muli %add3A_731, %mul3A_958 : i32
        %swap3A_960 = arith.constant 15 : i32
        %swap3A_961 = arith.index_cast %swap3A_960 : i32 to index
        %swap3A_962 = arith.index_cast %mul3A_959 : i32 to index
        %swap3A_963 = tpu.vector_load %arg9[%swap3A_961, %swap3A_962] {strides = array<i32>} : memref<16x1024xi32, #tpu.memory_space<vmem>>, vector<16xi32>,
        tpu.vector_store %arg9[%swap3A_961, %swap3A_962], %bitcast3A_957 {strides = array<i32>} : memref<16x1024xi32, #tpu.memory_space<vmem>>, vector<16xi32>,
      }
      %scan3A_15 = arith.constant 64 : i32
      %mul3A_16 = arith.constant 16 : i32
      %mul3A_17 = arith.muli %add3A, %mul3A_16 : i32
      "tpu.region"() ({
        %run_scoped3A = tpu.sem_alloc : memref<!tpu.dma_semaphore, #tpu.memory_space<semaphore_mem>>
        %dma_start3A = arith.constant 1024 : i32
        %dma_start3A_18 = tpu.memref_slice %arg5[%mul3A_17, %dma_start3A] : memref<384x2048xi32, #tpu.memory_space<hbm>> -> memref<16x1024xi32, #tpu.memory_space<hbm>>
        %dma_start3A_19 = arith.constant 1024 : i32
        %dma_start3A_20 = tpu.memref_slice %arg5[%mul3A_17, %dma_start3A_19] : memref<384x2048xi32, #tpu.memory_space<hbm>> -> memref<16x1024xi32, #tpu.memory_space<hbm>>
        tpu.enqueue_dma source(%arg9 : memref<16x1024xi32, #tpu.memory_space<vmem>>) target(%dma_start3A_20 : memref<16x1024xi32, #tpu.memory_space<hbm>>) target_semaphore(%run_scoped3A : memref<!tpu.dma_semaphore, #tpu.memory_space<semaphore_mem>>)
        %dma_wait3A = arith.constant 1024 : i32
        %dma_wait3A_21 = tpu.memref_slice %arg5[%mul3A_17, %dma_wait3A] : memref<384x2048xi32, #tpu.memory_space<hbm>> -> memref<16x1024xi32, #tpu.memory_space<hbm>>
        %dma_wait3A_22 = arith.constant 1024 : i32
        %dma_wait3A_23 = tpu.memref_slice %arg5[%mul3A_17, %dma_wait3A_22] : memref<384x2048xi32, #tpu.memory_space<hbm>> -> memref<16x1024xi32, #tpu.memory_space<hbm>>
        tpu.wait_dma2 semaphore(%run_scoped3A : memref<!tpu.dma_semaphore, #tpu.memory_space<semaphore_mem>>) src(%arg9 : memref<16x1024xi32, #tpu.memory_space<vmem>>) dst(%dma_wait3A_23 : memref<16x1024xi32, #tpu.memory_space<hbm>>)
        tpu.yield
      }) : () -> ()
    } else {
    }
    return
  }
}

#map = affine_map<(d0, d1) -> (0, 0)>
#map1 = affine_map<(d0, d1) -> (0)>
module attributes {stable_mosaic.version = 14 : i64} {
  func.func @_sc_gather_body(%arg0: i32, %arg1: i32, %arg2: memref<384x2048xi32, #tpu.memory_space<hbm>>, %arg3: memref<6144xi32, #tpu.memory_space<hbm>>, %arg4: memref<384x6144xi32, #tpu.memory_space<hbm>>, %arg5: memref<16x2048xi32, #tpu.memory_space<vmem>>, %arg6: memref<6144xi32, #tpu.memory_space<vmem>>, %arg7: memref<16x3072xi32, #tpu.memory_space<vmem>>) attributes {dimension_semantics = [#tpu.dimension_semantics<core_parallel>, #tpu.dimension_semantics<subcore_parallel>], iteration_bounds = array<i64: 2, 16>, scalar_prefetch = 0 : i64, scratch_operands = 3 : i64, tpu.core_type = #tpu.core_type<sc_vector_subcore>, window_params = [{transform_indices = #map}, {transform_indices = #map1}, {transform_indices = #map}]} {
    %mul3A = arith.constant 2 : i32
    %mul3A_0 = arith.muli %arg1, %mul3A : i32
    %add3A = arith.addi %mul3A_0, %arg0 : i32
    %lt3A = arith.constant 24 : i32
    %lt3A_1 = arith.cmpi slt, %add3A, %lt3A : i32
    %convert_element_type3A = arith.extui %lt3A_1 : i1 to i32
    %cond3A = arith.constant 0 : i32
    %cond3A_2 = arith.cmpi ne, %convert_element_type3A, %cond3A : i32
    scf.if %cond3A_2 {
      %mul3A_3 = arith.constant 16 : i32
      %mul3A_4 = arith.muli %add3A, %mul3A_3 : i32
      "tpu.region"() ({
        %run_scoped3A = tpu.sem_alloc : memref<!tpu.dma_semaphore, #tpu.memory_space<semaphore_mem>>
        %dma_start3A = arith.constant 0 : i32
        %dma_start3A_18 = tpu.memref_slice %arg2[%mul3A_4, %dma_start3A] : memref<384x2048xi32, #tpu.memory_space<hbm>> -> memref<16x2048xi32, #tpu.memory_space<hbm>>
        %dma_start3A_19 = arith.constant 0 : i32
        %dma_start3A_20 = tpu.memref_slice %arg2[%mul3A_4, %dma_start3A_19] : memref<384x2048xi32, #tpu.memory_space<hbm>> -> memref<16x2048xi32, #tpu.memory_space<hbm>>
        tpu.enqueue_dma source(%dma_start3A_20 : memref<16x2048xi32, #tpu.memory_space<hbm>>) target(%arg5 : memref<16x2048xi32, #tpu.memory_space<vmem>>) target_semaphore(%run_scoped3A : memref<!tpu.dma_semaphore, #tpu.memory_space<semaphore_mem>>)
        %dma_wait3A = arith.constant 0 : i32
        %dma_wait3A_21 = tpu.memref_slice %arg2[%mul3A_4, %dma_wait3A] : memref<384x2048xi32, #tpu.memory_space<hbm>> -> memref<16x2048xi32, #tpu.memory_space<hbm>>
        %dma_wait3A_22 = arith.constant 0 : i32
        %dma_wait3A_23 = tpu.memref_slice %arg2[%mul3A_4, %dma_wait3A_22] : memref<384x2048xi32, #tpu.memory_space<hbm>> -> memref<16x2048xi32, #tpu.memory_space<hbm>>
        tpu.wait_dma2 semaphore(%run_scoped3A : memref<!tpu.dma_semaphore, #tpu.memory_space<semaphore_mem>>) src(%dma_wait3A_23 : memref<16x2048xi32, #tpu.memory_space<hbm>>) dst(%arg5 : memref<16x2048xi32, #tpu.memory_space<vmem>>)
        tpu.yield
      }) : () -> ()
      "tpu.region"() ({
        %run_scoped3A = tpu.sem_alloc : memref<!tpu.dma_semaphore, #tpu.memory_space<semaphore_mem>>
        tpu.enqueue_dma source(%arg3 : memref<6144xi32, #tpu.memory_space<hbm>>) target(%arg6 : memref<6144xi32, #tpu.memory_space<vmem>>) target_semaphore(%run_scoped3A : memref<!tpu.dma_semaphore, #tpu.memory_space<semaphore_mem>>)
        tpu.wait_dma2 semaphore(%run_scoped3A : memref<!tpu.dma_semaphore, #tpu.memory_space<semaphore_mem>>) src(%arg3 : memref<6144xi32, #tpu.memory_space<hbm>>) dst(%arg6 : memref<6144xi32, #tpu.memory_space<vmem>>)
        tpu.yield
      }) : () -> ()
      %scan3A = arith.constant 0 : i32
      %scan3A_5 = arith.constant 192 : i32
      %scan3A_6 = arith.addi %scan3A, %scan3A_5 : i32
      %scan3A_7 = arith.constant 4 : i32
      scf.for %scan3A_18 = %scan3A to %scan3A_6 step %scan3A_7  : i32 {
        %mul3A_19 = arith.constant 1 : i32
        %mul3A_20 = arith.muli %scan3A_18, %mul3A_19 : i32
        %add3A_21 = arith.constant 0 : i32
        %add3A_22 = arith.addi %add3A_21, %mul3A_20 : i32
        %mul3A_23 = arith.constant 16 : i32
        %mul3A_24 = arith.muli %add3A_22, %mul3A_23 : i32
        %add3A_25 = arith.constant 0 : i32
        %add3A_26 = arith.addi %add3A_25, %mul3A_24 : i32
        %get3A = arith.index_cast %add3A_26 : i32 to index
        %get3A_27 = tpu.vector_load %arg6[%get3A] {strides = array<i32>} : memref<6144xi32, #tpu.memory_space<vmem>>, vector<16xi32>,
        %broadcast_in_dim3A = arith.constant 0 : i32
        %broadcast_in_dim3A_28 = vector.broadcast %broadcast_in_dim3A : i32 to vector<16xi32>
        %gather3A = tpu.vector_load_idx %arg5[%broadcast_in_dim3A_28, %get3A_27] : memref<16x2048xi32, #tpu.memory_space<vmem>>[vector<16xi32>, vector<16xi32>], vector<16xi32>,
        %mul3A_29 = arith.constant 16 : i32
        %mul3A_30 = arith.muli %add3A_22, %mul3A_29 : i32
        %swap3A = arith.constant 0 : i32
        %swap3A_31 = arith.index_cast %swap3A : i32 to index
        %swap3A_32 = arith.index_cast %mul3A_30 : i32 to index
        %swap3A_33 = tpu.vector_load %arg7[%swap3A_31, %swap3A_32] {strides = array<i32>} : memref<16x3072xi32, #tpu.memory_space<vmem>>, vector<16xi32>,
        tpu.vector_store %arg7[%swap3A_31, %swap3A_32], %gather3A {strides = array<i32>} : memref<16x3072xi32, #tpu.memory_space<vmem>>, vector<16xi32>,
        %broadcast_in_dim3A_34 = arith.constant 1 : i32
        %broadcast_in_dim3A_35 = vector.broadcast %broadcast_in_dim3A_34 : i32 to vector<16xi32>
        %gather3A_36 = tpu.vector_load_idx %arg5[%broadcast_in_dim3A_35, %get3A_27] : memref<16x2048xi32, #tpu.memory_space<vmem>>[vector<16xi32>, vector<16xi32>], vector<16xi32>,
        %mul3A_37 = arith.constant 16 : i32
        %mul3A_38 = arith.muli %add3A_22, %mul3A_37 : i32
        %swap3A_39 = arith.constant 1 : i32
        %swap3A_40 = arith.index_cast %swap3A_39 : i32 to index
        %swap3A_41 = arith.index_cast %mul3A_38 : i32 to index
        %swap3A_42 = tpu.vector_load %arg7[%swap3A_40, %swap3A_41] {strides = array<i32>} : memref<16x3072xi32, #tpu.memory_space<vmem>>, vector<16xi32>,
        tpu.vector_store %arg7[%swap3A_40, %swap3A_41], %gather3A_36 {strides = array<i32>} : memref<16x3072xi32, #tpu.memory_space<vmem>>, vector<16xi32>,
        %broadcast_in_dim3A_43 = arith.constant 2 : i32
        %broadcast_in_dim3A_44 = vector.broadcast %broadcast_in_dim3A_43 : i32 to vector<16xi32>
        %gather3A_45 = tpu.vector_load_idx %arg5[%broadcast_in_dim3A_44, %get3A_27] : memref<16x2048xi32, #tpu.memory_space<vmem>>[vector<16xi32>, vector<16xi32>], vector<16xi32>,
        %mul3A_46 = arith.constant 16 : i32
        %mul3A_47 = arith.muli %add3A_22, %mul3A_46 : i32
        %swap3A_48 = arith.constant 2 : i32
        %swap3A_49 = arith.index_cast %swap3A_48 : i32 to index
        %swap3A_50 = arith.index_cast %mul3A_47 : i32 to index
        %swap3A_51 = tpu.vector_load %arg7[%swap3A_49, %swap3A_50] {strides = array<i32>} : memref<16x3072xi32, #tpu.memory_space<vmem>>, vector<16xi32>,
        tpu.vector_store %arg7[%swap3A_49, %swap3A_50], %gather3A_45 {strides = array<i32>} : memref<16x3072xi32, #tpu.memory_space<vmem>>, vector<16xi32>,
        %broadcast_in_dim3A_52 = arith.constant 3 : i32
        %broadcast_in_dim3A_53 = vector.broadcast %broadcast_in_dim3A_52 : i32 to vector<16xi32>
        %gather3A_54 = tpu.vector_load_idx %arg5[%broadcast_in_dim3A_53, %get3A_27] : memref<16x2048xi32, #tpu.memory_space<vmem>>[vector<16xi32>, vector<16xi32>], vector<16xi32>,
        %mul3A_55 = arith.constant 16 : i32
        %mul3A_56 = arith.muli %add3A_22, %mul3A_55 : i32
        %swap3A_57 = arith.constant 3 : i32
        %swap3A_58 = arith.index_cast %swap3A_57 : i32 to index
        %swap3A_59 = arith.index_cast %mul3A_56 : i32 to index
        %swap3A_60 = tpu.vector_load %arg7[%swap3A_58, %swap3A_59] {strides = array<i32>} : memref<16x3072xi32, #tpu.memory_space<vmem>>, vector<16xi32>,
        tpu.vector_store %arg7[%swap3A_58, %swap3A_59], %gather3A_54 {strides = array<i32>} : memref<16x3072xi32, #tpu.memory_space<vmem>>, vector<16xi32>,
        %broadcast_in_dim3A_61 = arith.constant 4 : i32
        %broadcast_in_dim3A_62 = vector.broadcast %broadcast_in_dim3A_61 : i32 to vector<16xi32>
        %gather3A_63 = tpu.vector_load_idx %arg5[%broadcast_in_dim3A_62, %get3A_27] : memref<16x2048xi32, #tpu.memory_space<vmem>>[vector<16xi32>, vector<16xi32>], vector<16xi32>,
        %mul3A_64 = arith.constant 16 : i32
        %mul3A_65 = arith.muli %add3A_22, %mul3A_64 : i32
        %swap3A_66 = arith.constant 4 : i32
        %swap3A_67 = arith.index_cast %swap3A_66 : i32 to index
        %swap3A_68 = arith.index_cast %mul3A_65 : i32 to index
        %swap3A_69 = tpu.vector_load %arg7[%swap3A_67, %swap3A_68] {strides = array<i32>} : memref<16x3072xi32, #tpu.memory_space<vmem>>, vector<16xi32>,
        tpu.vector_store %arg7[%swap3A_67, %swap3A_68], %gather3A_63 {strides = array<i32>} : memref<16x3072xi32, #tpu.memory_space<vmem>>, vector<16xi32>,
        %broadcast_in_dim3A_70 = arith.constant 5 : i32
        %broadcast_in_dim3A_71 = vector.broadcast %broadcast_in_dim3A_70 : i32 to vector<16xi32>
        %gather3A_72 = tpu.vector_load_idx %arg5[%broadcast_in_dim3A_71, %get3A_27] : memref<16x2048xi32, #tpu.memory_space<vmem>>[vector<16xi32>, vector<16xi32>], vector<16xi32>,
        %mul3A_73 = arith.constant 16 : i32
        %mul3A_74 = arith.muli %add3A_22, %mul3A_73 : i32
        %swap3A_75 = arith.constant 5 : i32
        %swap3A_76 = arith.index_cast %swap3A_75 : i32 to index
        %swap3A_77 = arith.index_cast %mul3A_74 : i32 to index
        %swap3A_78 = tpu.vector_load %arg7[%swap3A_76, %swap3A_77] {strides = array<i32>} : memref<16x3072xi32, #tpu.memory_space<vmem>>, vector<16xi32>,
        tpu.vector_store %arg7[%swap3A_76, %swap3A_77], %gather3A_72 {strides = array<i32>} : memref<16x3072xi32, #tpu.memory_space<vmem>>, vector<16xi32>,
        %broadcast_in_dim3A_79 = arith.constant 6 : i32
        %broadcast_in_dim3A_80 = vector.broadcast %broadcast_in_dim3A_79 : i32 to vector<16xi32>
        %gather3A_81 = tpu.vector_load_idx %arg5[%broadcast_in_dim3A_80, %get3A_27] : memref<16x2048xi32, #tpu.memory_space<vmem>>[vector<16xi32>, vector<16xi32>], vector<16xi32>,
        %mul3A_82 = arith.constant 16 : i32
        %mul3A_83 = arith.muli %add3A_22, %mul3A_82 : i32
        %swap3A_84 = arith.constant 6 : i32
        %swap3A_85 = arith.index_cast %swap3A_84 : i32 to index
        %swap3A_86 = arith.index_cast %mul3A_83 : i32 to index
        %swap3A_87 = tpu.vector_load %arg7[%swap3A_85, %swap3A_86] {strides = array<i32>} : memref<16x3072xi32, #tpu.memory_space<vmem>>, vector<16xi32>,
        tpu.vector_store %arg7[%swap3A_85, %swap3A_86], %gather3A_81 {strides = array<i32>} : memref<16x3072xi32, #tpu.memory_space<vmem>>, vector<16xi32>,
        %broadcast_in_dim3A_88 = arith.constant 7 : i32
        %broadcast_in_dim3A_89 = vector.broadcast %broadcast_in_dim3A_88 : i32 to vector<16xi32>
        %gather3A_90 = tpu.vector_load_idx %arg5[%broadcast_in_dim3A_89, %get3A_27] : memref<16x2048xi32, #tpu.memory_space<vmem>>[vector<16xi32>, vector<16xi32>], vector<16xi32>,
        %mul3A_91 = arith.constant 16 : i32
        %mul3A_92 = arith.muli %add3A_22, %mul3A_91 : i32
        %swap3A_93 = arith.constant 7 : i32
        %swap3A_94 = arith.index_cast %swap3A_93 : i32 to index
        %swap3A_95 = arith.index_cast %mul3A_92 : i32 to index
        %swap3A_96 = tpu.vector_load %arg7[%swap3A_94, %swap3A_95] {strides = array<i32>} : memref<16x3072xi32, #tpu.memory_space<vmem>>, vector<16xi32>,
        tpu.vector_store %arg7[%swap3A_94, %swap3A_95], %gather3A_90 {strides = array<i32>} : memref<16x3072xi32, #tpu.memory_space<vmem>>, vector<16xi32>,
        %broadcast_in_dim3A_97 = arith.constant 8 : i32
        %broadcast_in_dim3A_98 = vector.broadcast %broadcast_in_dim3A_97 : i32 to vector<16xi32>
        %gather3A_99 = tpu.vector_load_idx %arg5[%broadcast_in_dim3A_98, %get3A_27] : memref<16x2048xi32, #tpu.memory_space<vmem>>[vector<16xi32>, vector<16xi32>], vector<16xi32>,
        %mul3A_100 = arith.constant 16 : i32
        %mul3A_101 = arith.muli %add3A_22, %mul3A_100 : i32
        %swap3A_102 = arith.constant 8 : i32
        %swap3A_103 = arith.index_cast %swap3A_102 : i32 to index
        %swap3A_104 = arith.index_cast %mul3A_101 : i32 to index
        %swap3A_105 = tpu.vector_load %arg7[%swap3A_103, %swap3A_104] {strides = array<i32>} : memref<16x3072xi32, #tpu.memory_space<vmem>>, vector<16xi32>,
        tpu.vector_store %arg7[%swap3A_103, %swap3A_104], %gather3A_99 {strides = array<i32>} : memref<16x3072xi32, #tpu.memory_space<vmem>>, vector<16xi32>,
        %broadcast_in_dim3A_106 = arith.constant 9 : i32
        %broadcast_in_dim3A_107 = vector.broadcast %broadcast_in_dim3A_106 : i32 to vector<16xi32>
        %gather3A_108 = tpu.vector_load_idx %arg5[%broadcast_in_dim3A_107, %get3A_27] : memref<16x2048xi32, #tpu.memory_space<vmem>>[vector<16xi32>, vector<16xi32>], vector<16xi32>,
        %mul3A_109 = arith.constant 16 : i32
        %mul3A_110 = arith.muli %add3A_22, %mul3A_109 : i32
        %swap3A_111 = arith.constant 9 : i32
        %swap3A_112 = arith.index_cast %swap3A_111 : i32 to index
        %swap3A_113 = arith.index_cast %mul3A_110 : i32 to index
        %swap3A_114 = tpu.vector_load %arg7[%swap3A_112, %swap3A_113] {strides = array<i32>} : memref<16x3072xi32, #tpu.memory_space<vmem>>, vector<16xi32>,
        tpu.vector_store %arg7[%swap3A_112, %swap3A_113], %gather3A_108 {strides = array<i32>} : memref<16x3072xi32, #tpu.memory_space<vmem>>, vector<16xi32>,
        %broadcast_in_dim3A_115 = arith.constant 10 : i32
        %broadcast_in_dim3A_116 = vector.broadcast %broadcast_in_dim3A_115 : i32 to vector<16xi32>
        %gather3A_117 = tpu.vector_load_idx %arg5[%broadcast_in_dim3A_116, %get3A_27] : memref<16x2048xi32, #tpu.memory_space<vmem>>[vector<16xi32>, vector<16xi32>], vector<16xi32>,
        %mul3A_118 = arith.constant 16 : i32
        %mul3A_119 = arith.muli %add3A_22, %mul3A_118 : i32
        %swap3A_120 = arith.constant 10 : i32
        %swap3A_121 = arith.index_cast %swap3A_120 : i32 to index
        %swap3A_122 = arith.index_cast %mul3A_119 : i32 to index
        %swap3A_123 = tpu.vector_load %arg7[%swap3A_121, %swap3A_122] {strides = array<i32>} : memref<16x3072xi32, #tpu.memory_space<vmem>>, vector<16xi32>,
        tpu.vector_store %arg7[%swap3A_121, %swap3A_122], %gather3A_117 {strides = array<i32>} : memref<16x3072xi32, #tpu.memory_space<vmem>>, vector<16xi32>,
        %broadcast_in_dim3A_124 = arith.constant 11 : i32
        %broadcast_in_dim3A_125 = vector.broadcast %broadcast_in_dim3A_124 : i32 to vector<16xi32>
        %gather3A_126 = tpu.vector_load_idx %arg5[%broadcast_in_dim3A_125, %get3A_27] : memref<16x2048xi32, #tpu.memory_space<vmem>>[vector<16xi32>, vector<16xi32>], vector<16xi32>,
        %mul3A_127 = arith.constant 16 : i32
        %mul3A_128 = arith.muli %add3A_22, %mul3A_127 : i32
        %swap3A_129 = arith.constant 11 : i32
        %swap3A_130 = arith.index_cast %swap3A_129 : i32 to index
        %swap3A_131 = arith.index_cast %mul3A_128 : i32 to index
        %swap3A_132 = tpu.vector_load %arg7[%swap3A_130, %swap3A_131] {strides = array<i32>} : memref<16x3072xi32, #tpu.memory_space<vmem>>, vector<16xi32>,
        tpu.vector_store %arg7[%swap3A_130, %swap3A_131], %gather3A_126 {strides = array<i32>} : memref<16x3072xi32, #tpu.memory_space<vmem>>, vector<16xi32>,
        %broadcast_in_dim3A_133 = arith.constant 12 : i32
        %broadcast_in_dim3A_134 = vector.broadcast %broadcast_in_dim3A_133 : i32 to vector<16xi32>
        %gather3A_135 = tpu.vector_load_idx %arg5[%broadcast_in_dim3A_134, %get3A_27] : memref<16x2048xi32, #tpu.memory_space<vmem>>[vector<16xi32>, vector<16xi32>], vector<16xi32>,
        %mul3A_136 = arith.constant 16 : i32
        %mul3A_137 = arith.muli %add3A_22, %mul3A_136 : i32
        %swap3A_138 = arith.constant 12 : i32
        %swap3A_139 = arith.index_cast %swap3A_138 : i32 to index
        %swap3A_140 = arith.index_cast %mul3A_137 : i32 to index
        %swap3A_141 = tpu.vector_load %arg7[%swap3A_139, %swap3A_140] {strides = array<i32>} : memref<16x3072xi32, #tpu.memory_space<vmem>>, vector<16xi32>,
        tpu.vector_store %arg7[%swap3A_139, %swap3A_140], %gather3A_135 {strides = array<i32>} : memref<16x3072xi32, #tpu.memory_space<vmem>>, vector<16xi32>,
        %broadcast_in_dim3A_142 = arith.constant 13 : i32
        %broadcast_in_dim3A_143 = vector.broadcast %broadcast_in_dim3A_142 : i32 to vector<16xi32>
        %gather3A_144 = tpu.vector_load_idx %arg5[%broadcast_in_dim3A_143, %get3A_27] : memref<16x2048xi32, #tpu.memory_space<vmem>>[vector<16xi32>, vector<16xi32>], vector<16xi32>,
        %mul3A_145 = arith.constant 16 : i32
        %mul3A_146 = arith.muli %add3A_22, %mul3A_145 : i32
        %swap3A_147 = arith.constant 13 : i32
        %swap3A_148 = arith.index_cast %swap3A_147 : i32 to index
        %swap3A_149 = arith.index_cast %mul3A_146 : i32 to index
        %swap3A_150 = tpu.vector_load %arg7[%swap3A_148, %swap3A_149] {strides = array<i32>} : memref<16x3072xi32, #tpu.memory_space<vmem>>, vector<16xi32>,
        tpu.vector_store %arg7[%swap3A_148, %swap3A_149], %gather3A_144 {strides = array<i32>} : memref<16x3072xi32, #tpu.memory_space<vmem>>, vector<16xi32>,
        %broadcast_in_dim3A_151 = arith.constant 14 : i32
        %broadcast_in_dim3A_152 = vector.broadcast %broadcast_in_dim3A_151 : i32 to vector<16xi32>
        %gather3A_153 = tpu.vector_load_idx %arg5[%broadcast_in_dim3A_152, %get3A_27] : memref<16x2048xi32, #tpu.memory_space<vmem>>[vector<16xi32>, vector<16xi32>], vector<16xi32>,
        %mul3A_154 = arith.constant 16 : i32
        %mul3A_155 = arith.muli %add3A_22, %mul3A_154 : i32
        %swap3A_156 = arith.constant 14 : i32
        %swap3A_157 = arith.index_cast %swap3A_156 : i32 to index
        %swap3A_158 = arith.index_cast %mul3A_155 : i32 to index
        %swap3A_159 = tpu.vector_load %arg7[%swap3A_157, %swap3A_158] {strides = array<i32>} : memref<16x3072xi32, #tpu.memory_space<vmem>>, vector<16xi32>,
        tpu.vector_store %arg7[%swap3A_157, %swap3A_158], %gather3A_153 {strides = array<i32>} : memref<16x3072xi32, #tpu.memory_space<vmem>>, vector<16xi32>,
        %broadcast_in_dim3A_160 = arith.constant 15 : i32
        %broadcast_in_dim3A_161 = vector.broadcast %broadcast_in_dim3A_160 : i32 to vector<16xi32>
        %gather3A_162 = tpu.vector_load_idx %arg5[%broadcast_in_dim3A_161, %get3A_27] : memref<16x2048xi32, #tpu.memory_space<vmem>>[vector<16xi32>, vector<16xi32>], vector<16xi32>,
        %mul3A_163 = arith.constant 16 : i32
        %mul3A_164 = arith.muli %add3A_22, %mul3A_163 : i32
        %swap3A_165 = arith.constant 15 : i32
        %swap3A_166 = arith.index_cast %swap3A_165 : i32 to index
        %swap3A_167 = arith.index_cast %mul3A_164 : i32 to index
        %swap3A_168 = tpu.vector_load %arg7[%swap3A_166, %swap3A_167] {strides = array<i32>} : memref<16x3072xi32, #tpu.memory_space<vmem>>, vector<16xi32>,
        tpu.vector_store %arg7[%swap3A_166, %swap3A_167], %gather3A_162 {strides = array<i32>} : memref<16x3072xi32, #tpu.memory_space<vmem>>, vector<16xi32>,
        %scan3A_169 = arith.constant 1 : i32
        %scan3A_170 = arith.addi %scan3A_18, %scan3A_169 : i32
        %mul3A_171 = arith.constant 1 : i32
        %mul3A_172 = arith.muli %scan3A_170, %mul3A_171 : i32
        %add3A_173 = arith.constant 0 : i32
        %add3A_174 = arith.addi %add3A_173, %mul3A_172 : i32
        %mul3A_175 = arith.constant 16 : i32
        %mul3A_176 = arith.muli %add3A_174, %mul3A_175 : i32
        %add3A_177 = arith.constant 0 : i32
        %add3A_178 = arith.addi %add3A_177, %mul3A_176 : i32
        %get3A_179 = arith.index_cast %add3A_178 : i32 to index
        %get3A_180 = tpu.vector_load %arg6[%get3A_179] {strides = array<i32>} : memref<6144xi32, #tpu.memory_space<vmem>>, vector<16xi32>,
        %broadcast_in_dim3A_181 = arith.constant 0 : i32
        %broadcast_in_dim3A_182 = vector.broadcast %broadcast_in_dim3A_181 : i32 to vector<16xi32>
        %gather3A_183 = tpu.vector_load_idx %arg5[%broadcast_in_dim3A_182, %get3A_180] : memref<16x2048xi32, #tpu.memory_space<vmem>>[vector<16xi32>, vector<16xi32>], vector<16xi32>,
        %mul3A_184 = arith.constant 16 : i32
        %mul3A_185 = arith.muli %add3A_174, %mul3A_184 : i32
        %swap3A_186 = arith.constant 0 : i32
        %swap3A_187 = arith.index_cast %swap3A_186 : i32 to index
        %swap3A_188 = arith.index_cast %mul3A_185 : i32 to index
        %swap3A_189 = tpu.vector_load %arg7[%swap3A_187, %swap3A_188] {strides = array<i32>} : memref<16x3072xi32, #tpu.memory_space<vmem>>, vector<16xi32>,
        tpu.vector_store %arg7[%swap3A_187, %swap3A_188], %gather3A_183 {strides = array<i32>} : memref<16x3072xi32, #tpu.memory_space<vmem>>, vector<16xi32>,
        %broadcast_in_dim3A_190 = arith.constant 1 : i32
        %broadcast_in_dim3A_191 = vector.broadcast %broadcast_in_dim3A_190 : i32 to vector<16xi32>
        %gather3A_192 = tpu.vector_load_idx %arg5[%broadcast_in_dim3A_191, %get3A_180] : memref<16x2048xi32, #tpu.memory_space<vmem>>[vector<16xi32>, vector<16xi32>], vector<16xi32>,
        %mul3A_193 = arith.constant 16 : i32
        %mul3A_194 = arith.muli %add3A_174, %mul3A_193 : i32
        %swap3A_195 = arith.constant 1 : i32
        %swap3A_196 = arith.index_cast %swap3A_195 : i32 to index
        %swap3A_197 = arith.index_cast %mul3A_194 : i32 to index
        %swap3A_198 = tpu.vector_load %arg7[%swap3A_196, %swap3A_197] {strides = array<i32>} : memref<16x3072xi32, #tpu.memory_space<vmem>>, vector<16xi32>,
        tpu.vector_store %arg7[%swap3A_196, %swap3A_197], %gather3A_192 {strides = array<i32>} : memref<16x3072xi32, #tpu.memory_space<vmem>>, vector<16xi32>,
        %broadcast_in_dim3A_199 = arith.constant 2 : i32
        %broadcast_in_dim3A_200 = vector.broadcast %broadcast_in_dim3A_199 : i32 to vector<16xi32>
        %gather3A_201 = tpu.vector_load_idx %arg5[%broadcast_in_dim3A_200, %get3A_180] : memref<16x2048xi32, #tpu.memory_space<vmem>>[vector<16xi32>, vector<16xi32>], vector<16xi32>,
        %mul3A_202 = arith.constant 16 : i32
        %mul3A_203 = arith.muli %add3A_174, %mul3A_202 : i32
        %swap3A_204 = arith.constant 2 : i32
        %swap3A_205 = arith.index_cast %swap3A_204 : i32 to index
        %swap3A_206 = arith.index_cast %mul3A_203 : i32 to index
        %swap3A_207 = tpu.vector_load %arg7[%swap3A_205, %swap3A_206] {strides = array<i32>} : memref<16x3072xi32, #tpu.memory_space<vmem>>, vector<16xi32>,
        tpu.vector_store %arg7[%swap3A_205, %swap3A_206], %gather3A_201 {strides = array<i32>} : memref<16x3072xi32, #tpu.memory_space<vmem>>, vector<16xi32>,
        %broadcast_in_dim3A_208 = arith.constant 3 : i32
        %broadcast_in_dim3A_209 = vector.broadcast %broadcast_in_dim3A_208 : i32 to vector<16xi32>
        %gather3A_210 = tpu.vector_load_idx %arg5[%broadcast_in_dim3A_209, %get3A_180] : memref<16x2048xi32, #tpu.memory_space<vmem>>[vector<16xi32>, vector<16xi32>], vector<16xi32>,
        %mul3A_211 = arith.constant 16 : i32
        %mul3A_212 = arith.muli %add3A_174, %mul3A_211 : i32
        %swap3A_213 = arith.constant 3 : i32
        %swap3A_214 = arith.index_cast %swap3A_213 : i32 to index
        %swap3A_215 = arith.index_cast %mul3A_212 : i32 to index
        %swap3A_216 = tpu.vector_load %arg7[%swap3A_214, %swap3A_215] {strides = array<i32>} : memref<16x3072xi32, #tpu.memory_space<vmem>>, vector<16xi32>,
        tpu.vector_store %arg7[%swap3A_214, %swap3A_215], %gather3A_210 {strides = array<i32>} : memref<16x3072xi32, #tpu.memory_space<vmem>>, vector<16xi32>,
        %broadcast_in_dim3A_217 = arith.constant 4 : i32
        %broadcast_in_dim3A_218 = vector.broadcast %broadcast_in_dim3A_217 : i32 to vector<16xi32>
        %gather3A_219 = tpu.vector_load_idx %arg5[%broadcast_in_dim3A_218, %get3A_180] : memref<16x2048xi32, #tpu.memory_space<vmem>>[vector<16xi32>, vector<16xi32>], vector<16xi32>,
        %mul3A_220 = arith.constant 16 : i32
        %mul3A_221 = arith.muli %add3A_174, %mul3A_220 : i32
        %swap3A_222 = arith.constant 4 : i32
        %swap3A_223 = arith.index_cast %swap3A_222 : i32 to index
        %swap3A_224 = arith.index_cast %mul3A_221 : i32 to index
        %swap3A_225 = tpu.vector_load %arg7[%swap3A_223, %swap3A_224] {strides = array<i32>} : memref<16x3072xi32, #tpu.memory_space<vmem>>, vector<16xi32>,
        tpu.vector_store %arg7[%swap3A_223, %swap3A_224], %gather3A_219 {strides = array<i32>} : memref<16x3072xi32, #tpu.memory_space<vmem>>, vector<16xi32>,
        %broadcast_in_dim3A_226 = arith.constant 5 : i32
        %broadcast_in_dim3A_227 = vector.broadcast %broadcast_in_dim3A_226 : i32 to vector<16xi32>
        %gather3A_228 = tpu.vector_load_idx %arg5[%broadcast_in_dim3A_227, %get3A_180] : memref<16x2048xi32, #tpu.memory_space<vmem>>[vector<16xi32>, vector<16xi32>], vector<16xi32>,
        %mul3A_229 = arith.constant 16 : i32
        %mul3A_230 = arith.muli %add3A_174, %mul3A_229 : i32
        %swap3A_231 = arith.constant 5 : i32
        %swap3A_232 = arith.index_cast %swap3A_231 : i32 to index
        %swap3A_233 = arith.index_cast %mul3A_230 : i32 to index
        %swap3A_234 = tpu.vector_load %arg7[%swap3A_232, %swap3A_233] {strides = array<i32>} : memref<16x3072xi32, #tpu.memory_space<vmem>>, vector<16xi32>,
        tpu.vector_store %arg7[%swap3A_232, %swap3A_233], %gather3A_228 {strides = array<i32>} : memref<16x3072xi32, #tpu.memory_space<vmem>>, vector<16xi32>,
        %broadcast_in_dim3A_235 = arith.constant 6 : i32
        %broadcast_in_dim3A_236 = vector.broadcast %broadcast_in_dim3A_235 : i32 to vector<16xi32>
        %gather3A_237 = tpu.vector_load_idx %arg5[%broadcast_in_dim3A_236, %get3A_180] : memref<16x2048xi32, #tpu.memory_space<vmem>>[vector<16xi32>, vector<16xi32>], vector<16xi32>,
        %mul3A_238 = arith.constant 16 : i32
        %mul3A_239 = arith.muli %add3A_174, %mul3A_238 : i32
        %swap3A_240 = arith.constant 6 : i32
        %swap3A_241 = arith.index_cast %swap3A_240 : i32 to index
        %swap3A_242 = arith.index_cast %mul3A_239 : i32 to index
        %swap3A_243 = tpu.vector_load %arg7[%swap3A_241, %swap3A_242] {strides = array<i32>} : memref<16x3072xi32, #tpu.memory_space<vmem>>, vector<16xi32>,
        tpu.vector_store %arg7[%swap3A_241, %swap3A_242], %gather3A_237 {strides = array<i32>} : memref<16x3072xi32, #tpu.memory_space<vmem>>, vector<16xi32>,
        %broadcast_in_dim3A_244 = arith.constant 7 : i32
        %broadcast_in_dim3A_245 = vector.broadcast %broadcast_in_dim3A_244 : i32 to vector<16xi32>
        %gather3A_246 = tpu.vector_load_idx %arg5[%broadcast_in_dim3A_245, %get3A_180] : memref<16x2048xi32, #tpu.memory_space<vmem>>[vector<16xi32>, vector<16xi32>], vector<16xi32>,
        %mul3A_247 = arith.constant 16 : i32
        %mul3A_248 = arith.muli %add3A_174, %mul3A_247 : i32
        %swap3A_249 = arith.constant 7 : i32
        %swap3A_250 = arith.index_cast %swap3A_249 : i32 to index
        %swap3A_251 = arith.index_cast %mul3A_248 : i32 to index
        %swap3A_252 = tpu.vector_load %arg7[%swap3A_250, %swap3A_251] {strides = array<i32>} : memref<16x3072xi32, #tpu.memory_space<vmem>>, vector<16xi32>,
        tpu.vector_store %arg7[%swap3A_250, %swap3A_251], %gather3A_246 {strides = array<i32>} : memref<16x3072xi32, #tpu.memory_space<vmem>>, vector<16xi32>,
        %broadcast_in_dim3A_253 = arith.constant 8 : i32
        %broadcast_in_dim3A_254 = vector.broadcast %broadcast_in_dim3A_253 : i32 to vector<16xi32>
        %gather3A_255 = tpu.vector_load_idx %arg5[%broadcast_in_dim3A_254, %get3A_180] : memref<16x2048xi32, #tpu.memory_space<vmem>>[vector<16xi32>, vector<16xi32>], vector<16xi32>,
        %mul3A_256 = arith.constant 16 : i32
        %mul3A_257 = arith.muli %add3A_174, %mul3A_256 : i32
        %swap3A_258 = arith.constant 8 : i32
        %swap3A_259 = arith.index_cast %swap3A_258 : i32 to index
        %swap3A_260 = arith.index_cast %mul3A_257 : i32 to index
        %swap3A_261 = tpu.vector_load %arg7[%swap3A_259, %swap3A_260] {strides = array<i32>} : memref<16x3072xi32, #tpu.memory_space<vmem>>, vector<16xi32>,
        tpu.vector_store %arg7[%swap3A_259, %swap3A_260], %gather3A_255 {strides = array<i32>} : memref<16x3072xi32, #tpu.memory_space<vmem>>, vector<16xi32>,
        %broadcast_in_dim3A_262 = arith.constant 9 : i32
        %broadcast_in_dim3A_263 = vector.broadcast %broadcast_in_dim3A_262 : i32 to vector<16xi32>
        %gather3A_264 = tpu.vector_load_idx %arg5[%broadcast_in_dim3A_263, %get3A_180] : memref<16x2048xi32, #tpu.memory_space<vmem>>[vector<16xi32>, vector<16xi32>], vector<16xi32>,
        %mul3A_265 = arith.constant 16 : i32
        %mul3A_266 = arith.muli %add3A_174, %mul3A_265 : i32
        %swap3A_267 = arith.constant 9 : i32
        %swap3A_268 = arith.index_cast %swap3A_267 : i32 to index
        %swap3A_269 = arith.index_cast %mul3A_266 : i32 to index
        %swap3A_270 = tpu.vector_load %arg7[%swap3A_268, %swap3A_269] {strides = array<i32>} : memref<16x3072xi32, #tpu.memory_space<vmem>>, vector<16xi32>,
        tpu.vector_store %arg7[%swap3A_268, %swap3A_269], %gather3A_264 {strides = array<i32>} : memref<16x3072xi32, #tpu.memory_space<vmem>>, vector<16xi32>,
        %broadcast_in_dim3A_271 = arith.constant 10 : i32
        %broadcast_in_dim3A_272 = vector.broadcast %broadcast_in_dim3A_271 : i32 to vector<16xi32>
        %gather3A_273 = tpu.vector_load_idx %arg5[%broadcast_in_dim3A_272, %get3A_180] : memref<16x2048xi32, #tpu.memory_space<vmem>>[vector<16xi32>, vector<16xi32>], vector<16xi32>,
        %mul3A_274 = arith.constant 16 : i32
        %mul3A_275 = arith.muli %add3A_174, %mul3A_274 : i32
        %swap3A_276 = arith.constant 10 : i32
        %swap3A_277 = arith.index_cast %swap3A_276 : i32 to index
        %swap3A_278 = arith.index_cast %mul3A_275 : i32 to index
        %swap3A_279 = tpu.vector_load %arg7[%swap3A_277, %swap3A_278] {strides = array<i32>} : memref<16x3072xi32, #tpu.memory_space<vmem>>, vector<16xi32>,
        tpu.vector_store %arg7[%swap3A_277, %swap3A_278], %gather3A_273 {strides = array<i32>} : memref<16x3072xi32, #tpu.memory_space<vmem>>, vector<16xi32>,
        %broadcast_in_dim3A_280 = arith.constant 11 : i32
        %broadcast_in_dim3A_281 = vector.broadcast %broadcast_in_dim3A_280 : i32 to vector<16xi32>
        %gather3A_282 = tpu.vector_load_idx %arg5[%broadcast_in_dim3A_281, %get3A_180] : memref<16x2048xi32, #tpu.memory_space<vmem>>[vector<16xi32>, vector<16xi32>], vector<16xi32>,
        %mul3A_283 = arith.constant 16 : i32
        %mul3A_284 = arith.muli %add3A_174, %mul3A_283 : i32
        %swap3A_285 = arith.constant 11 : i32
        %swap3A_286 = arith.index_cast %swap3A_285 : i32 to index
        %swap3A_287 = arith.index_cast %mul3A_284 : i32 to index
        %swap3A_288 = tpu.vector_load %arg7[%swap3A_286, %swap3A_287] {strides = array<i32>} : memref<16x3072xi32, #tpu.memory_space<vmem>>, vector<16xi32>,
        tpu.vector_store %arg7[%swap3A_286, %swap3A_287], %gather3A_282 {strides = array<i32>} : memref<16x3072xi32, #tpu.memory_space<vmem>>, vector<16xi32>,
        %broadcast_in_dim3A_289 = arith.constant 12 : i32
        %broadcast_in_dim3A_290 = vector.broadcast %broadcast_in_dim3A_289 : i32 to vector<16xi32>
        %gather3A_291 = tpu.vector_load_idx %arg5[%broadcast_in_dim3A_290, %get3A_180] : memref<16x2048xi32, #tpu.memory_space<vmem>>[vector<16xi32>, vector<16xi32>], vector<16xi32>,
        %mul3A_292 = arith.constant 16 : i32
        %mul3A_293 = arith.muli %add3A_174, %mul3A_292 : i32
        %swap3A_294 = arith.constant 12 : i32
        %swap3A_295 = arith.index_cast %swap3A_294 : i32 to index
        %swap3A_296 = arith.index_cast %mul3A_293 : i32 to index
        %swap3A_297 = tpu.vector_load %arg7[%swap3A_295, %swap3A_296] {strides = array<i32>} : memref<16x3072xi32, #tpu.memory_space<vmem>>, vector<16xi32>,
        tpu.vector_store %arg7[%swap3A_295, %swap3A_296], %gather3A_291 {strides = array<i32>} : memref<16x3072xi32, #tpu.memory_space<vmem>>, vector<16xi32>,
        %broadcast_in_dim3A_298 = arith.constant 13 : i32
        %broadcast_in_dim3A_299 = vector.broadcast %broadcast_in_dim3A_298 : i32 to vector<16xi32>
        %gather3A_300 = tpu.vector_load_idx %arg5[%broadcast_in_dim3A_299, %get3A_180] : memref<16x2048xi32, #tpu.memory_space<vmem>>[vector<16xi32>, vector<16xi32>], vector<16xi32>,
        %mul3A_301 = arith.constant 16 : i32
        %mul3A_302 = arith.muli %add3A_174, %mul3A_301 : i32
        %swap3A_303 = arith.constant 13 : i32
        %swap3A_304 = arith.index_cast %swap3A_303 : i32 to index
        %swap3A_305 = arith.index_cast %mul3A_302 : i32 to index
        %swap3A_306 = tpu.vector_load %arg7[%swap3A_304, %swap3A_305] {strides = array<i32>} : memref<16x3072xi32, #tpu.memory_space<vmem>>, vector<16xi32>,
        tpu.vector_store %arg7[%swap3A_304, %swap3A_305], %gather3A_300 {strides = array<i32>} : memref<16x3072xi32, #tpu.memory_space<vmem>>, vector<16xi32>,
        %broadcast_in_dim3A_307 = arith.constant 14 : i32
        %broadcast_in_dim3A_308 = vector.broadcast %broadcast_in_dim3A_307 : i32 to vector<16xi32>
        %gather3A_309 = tpu.vector_load_idx %arg5[%broadcast_in_dim3A_308, %get3A_180] : memref<16x2048xi32, #tpu.memory_space<vmem>>[vector<16xi32>, vector<16xi32>], vector<16xi32>,
        %mul3A_310 = arith.constant 16 : i32
        %mul3A_311 = arith.muli %add3A_174, %mul3A_310 : i32
        %swap3A_312 = arith.constant 14 : i32
        %swap3A_313 = arith.index_cast %swap3A_312 : i32 to index
        %swap3A_314 = arith.index_cast %mul3A_311 : i32 to index
        %swap3A_315 = tpu.vector_load %arg7[%swap3A_313, %swap3A_314] {strides = array<i32>} : memref<16x3072xi32, #tpu.memory_space<vmem>>, vector<16xi32>,
        tpu.vector_store %arg7[%swap3A_313, %swap3A_314], %gather3A_309 {strides = array<i32>} : memref<16x3072xi32, #tpu.memory_space<vmem>>, vector<16xi32>,
        %broadcast_in_dim3A_316 = arith.constant 15 : i32
        %broadcast_in_dim3A_317 = vector.broadcast %broadcast_in_dim3A_316 : i32 to vector<16xi32>
        %gather3A_318 = tpu.vector_load_idx %arg5[%broadcast_in_dim3A_317, %get3A_180] : memref<16x2048xi32, #tpu.memory_space<vmem>>[vector<16xi32>, vector<16xi32>], vector<16xi32>,
        %mul3A_319 = arith.constant 16 : i32
        %mul3A_320 = arith.muli %add3A_174, %mul3A_319 : i32
        %swap3A_321 = arith.constant 15 : i32
        %swap3A_322 = arith.index_cast %swap3A_321 : i32 to index
        %swap3A_323 = arith.index_cast %mul3A_320 : i32 to index
        %swap3A_324 = tpu.vector_load %arg7[%swap3A_322, %swap3A_323] {strides = array<i32>} : memref<16x3072xi32, #tpu.memory_space<vmem>>, vector<16xi32>,
        tpu.vector_store %arg7[%swap3A_322, %swap3A_323], %gather3A_318 {strides = array<i32>} : memref<16x3072xi32, #tpu.memory_space<vmem>>, vector<16xi32>,
        %scan3A_325 = arith.constant 2 : i32
        %scan3A_326 = arith.addi %scan3A_18, %scan3A_325 : i32
        %mul3A_327 = arith.constant 1 : i32
        %mul3A_328 = arith.muli %scan3A_326, %mul3A_327 : i32
        %add3A_329 = arith.constant 0 : i32
        %add3A_330 = arith.addi %add3A_329, %mul3A_328 : i32
        %mul3A_331 = arith.constant 16 : i32
        %mul3A_332 = arith.muli %add3A_330, %mul3A_331 : i32
        %add3A_333 = arith.constant 0 : i32
        %add3A_334 = arith.addi %add3A_333, %mul3A_332 : i32
        %get3A_335 = arith.index_cast %add3A_334 : i32 to index
        %get3A_336 = tpu.vector_load %arg6[%get3A_335] {strides = array<i32>} : memref<6144xi32, #tpu.memory_space<vmem>>, vector<16xi32>,
        %broadcast_in_dim3A_337 = arith.constant 0 : i32
        %broadcast_in_dim3A_338 = vector.broadcast %broadcast_in_dim3A_337 : i32 to vector<16xi32>
        %gather3A_339 = tpu.vector_load_idx %arg5[%broadcast_in_dim3A_338, %get3A_336] : memref<16x2048xi32, #tpu.memory_space<vmem>>[vector<16xi32>, vector<16xi32>], vector<16xi32>,
        %mul3A_340 = arith.constant 16 : i32
        %mul3A_341 = arith.muli %add3A_330, %mul3A_340 : i32
        %swap3A_342 = arith.constant 0 : i32
        %swap3A_343 = arith.index_cast %swap3A_342 : i32 to index
        %swap3A_344 = arith.index_cast %mul3A_341 : i32 to index
        %swap3A_345 = tpu.vector_load %arg7[%swap3A_343, %swap3A_344] {strides = array<i32>} : memref<16x3072xi32, #tpu.memory_space<vmem>>, vector<16xi32>,
        tpu.vector_store %arg7[%swap3A_343, %swap3A_344], %gather3A_339 {strides = array<i32>} : memref<16x3072xi32, #tpu.memory_space<vmem>>, vector<16xi32>,
        %broadcast_in_dim3A_346 = arith.constant 1 : i32
        %broadcast_in_dim3A_347 = vector.broadcast %broadcast_in_dim3A_346 : i32 to vector<16xi32>
        %gather3A_348 = tpu.vector_load_idx %arg5[%broadcast_in_dim3A_347, %get3A_336] : memref<16x2048xi32, #tpu.memory_space<vmem>>[vector<16xi32>, vector<16xi32>], vector<16xi32>,
        %mul3A_349 = arith.constant 16 : i32
        %mul3A_350 = arith.muli %add3A_330, %mul3A_349 : i32
        %swap3A_351 = arith.constant 1 : i32
        %swap3A_352 = arith.index_cast %swap3A_351 : i32 to index
        %swap3A_353 = arith.index_cast %mul3A_350 : i32 to index
        %swap3A_354 = tpu.vector_load %arg7[%swap3A_352, %swap3A_353] {strides = array<i32>} : memref<16x3072xi32, #tpu.memory_space<vmem>>, vector<16xi32>,
        tpu.vector_store %arg7[%swap3A_352, %swap3A_353], %gather3A_348 {strides = array<i32>} : memref<16x3072xi32, #tpu.memory_space<vmem>>, vector<16xi32>,
        %broadcast_in_dim3A_355 = arith.constant 2 : i32
        %broadcast_in_dim3A_356 = vector.broadcast %broadcast_in_dim3A_355 : i32 to vector<16xi32>
        %gather3A_357 = tpu.vector_load_idx %arg5[%broadcast_in_dim3A_356, %get3A_336] : memref<16x2048xi32, #tpu.memory_space<vmem>>[vector<16xi32>, vector<16xi32>], vector<16xi32>,
        %mul3A_358 = arith.constant 16 : i32
        %mul3A_359 = arith.muli %add3A_330, %mul3A_358 : i32
        %swap3A_360 = arith.constant 2 : i32
        %swap3A_361 = arith.index_cast %swap3A_360 : i32 to index
        %swap3A_362 = arith.index_cast %mul3A_359 : i32 to index
        %swap3A_363 = tpu.vector_load %arg7[%swap3A_361, %swap3A_362] {strides = array<i32>} : memref<16x3072xi32, #tpu.memory_space<vmem>>, vector<16xi32>,
        tpu.vector_store %arg7[%swap3A_361, %swap3A_362], %gather3A_357 {strides = array<i32>} : memref<16x3072xi32, #tpu.memory_space<vmem>>, vector<16xi32>,
        %broadcast_in_dim3A_364 = arith.constant 3 : i32
        %broadcast_in_dim3A_365 = vector.broadcast %broadcast_in_dim3A_364 : i32 to vector<16xi32>
        %gather3A_366 = tpu.vector_load_idx %arg5[%broadcast_in_dim3A_365, %get3A_336] : memref<16x2048xi32, #tpu.memory_space<vmem>>[vector<16xi32>, vector<16xi32>], vector<16xi32>,
        %mul3A_367 = arith.constant 16 : i32
        %mul3A_368 = arith.muli %add3A_330, %mul3A_367 : i32
        %swap3A_369 = arith.constant 3 : i32
        %swap3A_370 = arith.index_cast %swap3A_369 : i32 to index
        %swap3A_371 = arith.index_cast %mul3A_368 : i32 to index
        %swap3A_372 = tpu.vector_load %arg7[%swap3A_370, %swap3A_371] {strides = array<i32>} : memref<16x3072xi32, #tpu.memory_space<vmem>>, vector<16xi32>,
        tpu.vector_store %arg7[%swap3A_370, %swap3A_371], %gather3A_366 {strides = array<i32>} : memref<16x3072xi32, #tpu.memory_space<vmem>>, vector<16xi32>,
        %broadcast_in_dim3A_373 = arith.constant 4 : i32
        %broadcast_in_dim3A_374 = vector.broadcast %broadcast_in_dim3A_373 : i32 to vector<16xi32>
        %gather3A_375 = tpu.vector_load_idx %arg5[%broadcast_in_dim3A_374, %get3A_336] : memref<16x2048xi32, #tpu.memory_space<vmem>>[vector<16xi32>, vector<16xi32>], vector<16xi32>,
        %mul3A_376 = arith.constant 16 : i32
        %mul3A_377 = arith.muli %add3A_330, %mul3A_376 : i32
        %swap3A_378 = arith.constant 4 : i32
        %swap3A_379 = arith.index_cast %swap3A_378 : i32 to index
        %swap3A_380 = arith.index_cast %mul3A_377 : i32 to index
        %swap3A_381 = tpu.vector_load %arg7[%swap3A_379, %swap3A_380] {strides = array<i32>} : memref<16x3072xi32, #tpu.memory_space<vmem>>, vector<16xi32>,
        tpu.vector_store %arg7[%swap3A_379, %swap3A_380], %gather3A_375 {strides = array<i32>} : memref<16x3072xi32, #tpu.memory_space<vmem>>, vector<16xi32>,
        %broadcast_in_dim3A_382 = arith.constant 5 : i32
        %broadcast_in_dim3A_383 = vector.broadcast %broadcast_in_dim3A_382 : i32 to vector<16xi32>
        %gather3A_384 = tpu.vector_load_idx %arg5[%broadcast_in_dim3A_383, %get3A_336] : memref<16x2048xi32, #tpu.memory_space<vmem>>[vector<16xi32>, vector<16xi32>], vector<16xi32>,
        %mul3A_385 = arith.constant 16 : i32
        %mul3A_386 = arith.muli %add3A_330, %mul3A_385 : i32
        %swap3A_387 = arith.constant 5 : i32
        %swap3A_388 = arith.index_cast %swap3A_387 : i32 to index
        %swap3A_389 = arith.index_cast %mul3A_386 : i32 to index
        %swap3A_390 = tpu.vector_load %arg7[%swap3A_388, %swap3A_389] {strides = array<i32>} : memref<16x3072xi32, #tpu.memory_space<vmem>>, vector<16xi32>,
        tpu.vector_store %arg7[%swap3A_388, %swap3A_389], %gather3A_384 {strides = array<i32>} : memref<16x3072xi32, #tpu.memory_space<vmem>>, vector<16xi32>,
        %broadcast_in_dim3A_391 = arith.constant 6 : i32
        %broadcast_in_dim3A_392 = vector.broadcast %broadcast_in_dim3A_391 : i32 to vector<16xi32>
        %gather3A_393 = tpu.vector_load_idx %arg5[%broadcast_in_dim3A_392, %get3A_336] : memref<16x2048xi32, #tpu.memory_space<vmem>>[vector<16xi32>, vector<16xi32>], vector<16xi32>,
        %mul3A_394 = arith.constant 16 : i32
        %mul3A_395 = arith.muli %add3A_330, %mul3A_394 : i32
        %swap3A_396 = arith.constant 6 : i32
        %swap3A_397 = arith.index_cast %swap3A_396 : i32 to index
        %swap3A_398 = arith.index_cast %mul3A_395 : i32 to index
        %swap3A_399 = tpu.vector_load %arg7[%swap3A_397, %swap3A_398] {strides = array<i32>} : memref<16x3072xi32, #tpu.memory_space<vmem>>, vector<16xi32>,
        tpu.vector_store %arg7[%swap3A_397, %swap3A_398], %gather3A_393 {strides = array<i32>} : memref<16x3072xi32, #tpu.memory_space<vmem>>, vector<16xi32>,
        %broadcast_in_dim3A_400 = arith.constant 7 : i32
        %broadcast_in_dim3A_401 = vector.broadcast %broadcast_in_dim3A_400 : i32 to vector<16xi32>
        %gather3A_402 = tpu.vector_load_idx %arg5[%broadcast_in_dim3A_401, %get3A_336] : memref<16x2048xi32, #tpu.memory_space<vmem>>[vector<16xi32>, vector<16xi32>], vector<16xi32>,
        %mul3A_403 = arith.constant 16 : i32
        %mul3A_404 = arith.muli %add3A_330, %mul3A_403 : i32
        %swap3A_405 = arith.constant 7 : i32
        %swap3A_406 = arith.index_cast %swap3A_405 : i32 to index
        %swap3A_407 = arith.index_cast %mul3A_404 : i32 to index
        %swap3A_408 = tpu.vector_load %arg7[%swap3A_406, %swap3A_407] {strides = array<i32>} : memref<16x3072xi32, #tpu.memory_space<vmem>>, vector<16xi32>,
        tpu.vector_store %arg7[%swap3A_406, %swap3A_407], %gather3A_402 {strides = array<i32>} : memref<16x3072xi32, #tpu.memory_space<vmem>>, vector<16xi32>,
        %broadcast_in_dim3A_409 = arith.constant 8 : i32
        %broadcast_in_dim3A_410 = vector.broadcast %broadcast_in_dim3A_409 : i32 to vector<16xi32>
        %gather3A_411 = tpu.vector_load_idx %arg5[%broadcast_in_dim3A_410, %get3A_336] : memref<16x2048xi32, #tpu.memory_space<vmem>>[vector<16xi32>, vector<16xi32>], vector<16xi32>,
        %mul3A_412 = arith.constant 16 : i32
        %mul3A_413 = arith.muli %add3A_330, %mul3A_412 : i32
        %swap3A_414 = arith.constant 8 : i32
        %swap3A_415 = arith.index_cast %swap3A_414 : i32 to index
        %swap3A_416 = arith.index_cast %mul3A_413 : i32 to index
        %swap3A_417 = tpu.vector_load %arg7[%swap3A_415, %swap3A_416] {strides = array<i32>} : memref<16x3072xi32, #tpu.memory_space<vmem>>, vector<16xi32>,
        tpu.vector_store %arg7[%swap3A_415, %swap3A_416], %gather3A_411 {strides = array<i32>} : memref<16x3072xi32, #tpu.memory_space<vmem>>, vector<16xi32>,
        %broadcast_in_dim3A_418 = arith.constant 9 : i32
        %broadcast_in_dim3A_419 = vector.broadcast %broadcast_in_dim3A_418 : i32 to vector<16xi32>
        %gather3A_420 = tpu.vector_load_idx %arg5[%broadcast_in_dim3A_419, %get3A_336] : memref<16x2048xi32, #tpu.memory_space<vmem>>[vector<16xi32>, vector<16xi32>], vector<16xi32>,
        %mul3A_421 = arith.constant 16 : i32
        %mul3A_422 = arith.muli %add3A_330, %mul3A_421 : i32
        %swap3A_423 = arith.constant 9 : i32
        %swap3A_424 = arith.index_cast %swap3A_423 : i32 to index
        %swap3A_425 = arith.index_cast %mul3A_422 : i32 to index
        %swap3A_426 = tpu.vector_load %arg7[%swap3A_424, %swap3A_425] {strides = array<i32>} : memref<16x3072xi32, #tpu.memory_space<vmem>>, vector<16xi32>,
        tpu.vector_store %arg7[%swap3A_424, %swap3A_425], %gather3A_420 {strides = array<i32>} : memref<16x3072xi32, #tpu.memory_space<vmem>>, vector<16xi32>,
        %broadcast_in_dim3A_427 = arith.constant 10 : i32
        %broadcast_in_dim3A_428 = vector.broadcast %broadcast_in_dim3A_427 : i32 to vector<16xi32>
        %gather3A_429 = tpu.vector_load_idx %arg5[%broadcast_in_dim3A_428, %get3A_336] : memref<16x2048xi32, #tpu.memory_space<vmem>>[vector<16xi32>, vector<16xi32>], vector<16xi32>,
        %mul3A_430 = arith.constant 16 : i32
        %mul3A_431 = arith.muli %add3A_330, %mul3A_430 : i32
        %swap3A_432 = arith.constant 10 : i32
        %swap3A_433 = arith.index_cast %swap3A_432 : i32 to index
        %swap3A_434 = arith.index_cast %mul3A_431 : i32 to index
        %swap3A_435 = tpu.vector_load %arg7[%swap3A_433, %swap3A_434] {strides = array<i32>} : memref<16x3072xi32, #tpu.memory_space<vmem>>, vector<16xi32>,
        tpu.vector_store %arg7[%swap3A_433, %swap3A_434], %gather3A_429 {strides = array<i32>} : memref<16x3072xi32, #tpu.memory_space<vmem>>, vector<16xi32>,
        %broadcast_in_dim3A_436 = arith.constant 11 : i32
        %broadcast_in_dim3A_437 = vector.broadcast %broadcast_in_dim3A_436 : i32 to vector<16xi32>
        %gather3A_438 = tpu.vector_load_idx %arg5[%broadcast_in_dim3A_437, %get3A_336] : memref<16x2048xi32, #tpu.memory_space<vmem>>[vector<16xi32>, vector<16xi32>], vector<16xi32>,
        %mul3A_439 = arith.constant 16 : i32
        %mul3A_440 = arith.muli %add3A_330, %mul3A_439 : i32
        %swap3A_441 = arith.constant 11 : i32
        %swap3A_442 = arith.index_cast %swap3A_441 : i32 to index
        %swap3A_443 = arith.index_cast %mul3A_440 : i32 to index
        %swap3A_444 = tpu.vector_load %arg7[%swap3A_442, %swap3A_443] {strides = array<i32>} : memref<16x3072xi32, #tpu.memory_space<vmem>>, vector<16xi32>,
        tpu.vector_store %arg7[%swap3A_442, %swap3A_443], %gather3A_438 {strides = array<i32>} : memref<16x3072xi32, #tpu.memory_space<vmem>>, vector<16xi32>,
        %broadcast_in_dim3A_445 = arith.constant 12 : i32
        %broadcast_in_dim3A_446 = vector.broadcast %broadcast_in_dim3A_445 : i32 to vector<16xi32>
        %gather3A_447 = tpu.vector_load_idx %arg5[%broadcast_in_dim3A_446, %get3A_336] : memref<16x2048xi32, #tpu.memory_space<vmem>>[vector<16xi32>, vector<16xi32>], vector<16xi32>,
        %mul3A_448 = arith.constant 16 : i32
        %mul3A_449 = arith.muli %add3A_330, %mul3A_448 : i32
        %swap3A_450 = arith.constant 12 : i32
        %swap3A_451 = arith.index_cast %swap3A_450 : i32 to index
        %swap3A_452 = arith.index_cast %mul3A_449 : i32 to index
        %swap3A_453 = tpu.vector_load %arg7[%swap3A_451, %swap3A_452] {strides = array<i32>} : memref<16x3072xi32, #tpu.memory_space<vmem>>, vector<16xi32>,
        tpu.vector_store %arg7[%swap3A_451, %swap3A_452], %gather3A_447 {strides = array<i32>} : memref<16x3072xi32, #tpu.memory_space<vmem>>, vector<16xi32>,
        %broadcast_in_dim3A_454 = arith.constant 13 : i32
        %broadcast_in_dim3A_455 = vector.broadcast %broadcast_in_dim3A_454 : i32 to vector<16xi32>
        %gather3A_456 = tpu.vector_load_idx %arg5[%broadcast_in_dim3A_455, %get3A_336] : memref<16x2048xi32, #tpu.memory_space<vmem>>[vector<16xi32>, vector<16xi32>], vector<16xi32>,
        %mul3A_457 = arith.constant 16 : i32
        %mul3A_458 = arith.muli %add3A_330, %mul3A_457 : i32
        %swap3A_459 = arith.constant 13 : i32
        %swap3A_460 = arith.index_cast %swap3A_459 : i32 to index
        %swap3A_461 = arith.index_cast %mul3A_458 : i32 to index
        %swap3A_462 = tpu.vector_load %arg7[%swap3A_460, %swap3A_461] {strides = array<i32>} : memref<16x3072xi32, #tpu.memory_space<vmem>>, vector<16xi32>,
        tpu.vector_store %arg7[%swap3A_460, %swap3A_461], %gather3A_456 {strides = array<i32>} : memref<16x3072xi32, #tpu.memory_space<vmem>>, vector<16xi32>,
        %broadcast_in_dim3A_463 = arith.constant 14 : i32
        %broadcast_in_dim3A_464 = vector.broadcast %broadcast_in_dim3A_463 : i32 to vector<16xi32>
        %gather3A_465 = tpu.vector_load_idx %arg5[%broadcast_in_dim3A_464, %get3A_336] : memref<16x2048xi32, #tpu.memory_space<vmem>>[vector<16xi32>, vector<16xi32>], vector<16xi32>,
        %mul3A_466 = arith.constant 16 : i32
        %mul3A_467 = arith.muli %add3A_330, %mul3A_466 : i32
        %swap3A_468 = arith.constant 14 : i32
        %swap3A_469 = arith.index_cast %swap3A_468 : i32 to index
        %swap3A_470 = arith.index_cast %mul3A_467 : i32 to index
        %swap3A_471 = tpu.vector_load %arg7[%swap3A_469, %swap3A_470] {strides = array<i32>} : memref<16x3072xi32, #tpu.memory_space<vmem>>, vector<16xi32>,
        tpu.vector_store %arg7[%swap3A_469, %swap3A_470], %gather3A_465 {strides = array<i32>} : memref<16x3072xi32, #tpu.memory_space<vmem>>, vector<16xi32>,
        %broadcast_in_dim3A_472 = arith.constant 15 : i32
        %broadcast_in_dim3A_473 = vector.broadcast %broadcast_in_dim3A_472 : i32 to vector<16xi32>
        %gather3A_474 = tpu.vector_load_idx %arg5[%broadcast_in_dim3A_473, %get3A_336] : memref<16x2048xi32, #tpu.memory_space<vmem>>[vector<16xi32>, vector<16xi32>], vector<16xi32>,
        %mul3A_475 = arith.constant 16 : i32
        %mul3A_476 = arith.muli %add3A_330, %mul3A_475 : i32
        %swap3A_477 = arith.constant 15 : i32
        %swap3A_478 = arith.index_cast %swap3A_477 : i32 to index
        %swap3A_479 = arith.index_cast %mul3A_476 : i32 to index
        %swap3A_480 = tpu.vector_load %arg7[%swap3A_478, %swap3A_479] {strides = array<i32>} : memref<16x3072xi32, #tpu.memory_space<vmem>>, vector<16xi32>,
        tpu.vector_store %arg7[%swap3A_478, %swap3A_479], %gather3A_474 {strides = array<i32>} : memref<16x3072xi32, #tpu.memory_space<vmem>>, vector<16xi32>,
        %scan3A_481 = arith.constant 3 : i32
        %scan3A_482 = arith.addi %scan3A_18, %scan3A_481 : i32
        %mul3A_483 = arith.constant 1 : i32
        %mul3A_484 = arith.muli %scan3A_482, %mul3A_483 : i32
        %add3A_485 = arith.constant 0 : i32
        %add3A_486 = arith.addi %add3A_485, %mul3A_484 : i32
        %mul3A_487 = arith.constant 16 : i32
        %mul3A_488 = arith.muli %add3A_486, %mul3A_487 : i32
        %add3A_489 = arith.constant 0 : i32
        %add3A_490 = arith.addi %add3A_489, %mul3A_488 : i32
        %get3A_491 = arith.index_cast %add3A_490 : i32 to index
        %get3A_492 = tpu.vector_load %arg6[%get3A_491] {strides = array<i32>} : memref<6144xi32, #tpu.memory_space<vmem>>, vector<16xi32>,
        %broadcast_in_dim3A_493 = arith.constant 0 : i32
        %broadcast_in_dim3A_494 = vector.broadcast %broadcast_in_dim3A_493 : i32 to vector<16xi32>
        %gather3A_495 = tpu.vector_load_idx %arg5[%broadcast_in_dim3A_494, %get3A_492] : memref<16x2048xi32, #tpu.memory_space<vmem>>[vector<16xi32>, vector<16xi32>], vector<16xi32>,
        %mul3A_496 = arith.constant 16 : i32
        %mul3A_497 = arith.muli %add3A_486, %mul3A_496 : i32
        %swap3A_498 = arith.constant 0 : i32
        %swap3A_499 = arith.index_cast %swap3A_498 : i32 to index
        %swap3A_500 = arith.index_cast %mul3A_497 : i32 to index
        %swap3A_501 = tpu.vector_load %arg7[%swap3A_499, %swap3A_500] {strides = array<i32>} : memref<16x3072xi32, #tpu.memory_space<vmem>>, vector<16xi32>,
        tpu.vector_store %arg7[%swap3A_499, %swap3A_500], %gather3A_495 {strides = array<i32>} : memref<16x3072xi32, #tpu.memory_space<vmem>>, vector<16xi32>,
        %broadcast_in_dim3A_502 = arith.constant 1 : i32
        %broadcast_in_dim3A_503 = vector.broadcast %broadcast_in_dim3A_502 : i32 to vector<16xi32>
        %gather3A_504 = tpu.vector_load_idx %arg5[%broadcast_in_dim3A_503, %get3A_492] : memref<16x2048xi32, #tpu.memory_space<vmem>>[vector<16xi32>, vector<16xi32>], vector<16xi32>,
        %mul3A_505 = arith.constant 16 : i32
        %mul3A_506 = arith.muli %add3A_486, %mul3A_505 : i32
        %swap3A_507 = arith.constant 1 : i32
        %swap3A_508 = arith.index_cast %swap3A_507 : i32 to index
        %swap3A_509 = arith.index_cast %mul3A_506 : i32 to index
        %swap3A_510 = tpu.vector_load %arg7[%swap3A_508, %swap3A_509] {strides = array<i32>} : memref<16x3072xi32, #tpu.memory_space<vmem>>, vector<16xi32>,
        tpu.vector_store %arg7[%swap3A_508, %swap3A_509], %gather3A_504 {strides = array<i32>} : memref<16x3072xi32, #tpu.memory_space<vmem>>, vector<16xi32>,
        %broadcast_in_dim3A_511 = arith.constant 2 : i32
        %broadcast_in_dim3A_512 = vector.broadcast %broadcast_in_dim3A_511 : i32 to vector<16xi32>
        %gather3A_513 = tpu.vector_load_idx %arg5[%broadcast_in_dim3A_512, %get3A_492] : memref<16x2048xi32, #tpu.memory_space<vmem>>[vector<16xi32>, vector<16xi32>], vector<16xi32>,
        %mul3A_514 = arith.constant 16 : i32
        %mul3A_515 = arith.muli %add3A_486, %mul3A_514 : i32
        %swap3A_516 = arith.constant 2 : i32
        %swap3A_517 = arith.index_cast %swap3A_516 : i32 to index
        %swap3A_518 = arith.index_cast %mul3A_515 : i32 to index
        %swap3A_519 = tpu.vector_load %arg7[%swap3A_517, %swap3A_518] {strides = array<i32>} : memref<16x3072xi32, #tpu.memory_space<vmem>>, vector<16xi32>,
        tpu.vector_store %arg7[%swap3A_517, %swap3A_518], %gather3A_513 {strides = array<i32>} : memref<16x3072xi32, #tpu.memory_space<vmem>>, vector<16xi32>,
        %broadcast_in_dim3A_520 = arith.constant 3 : i32
        %broadcast_in_dim3A_521 = vector.broadcast %broadcast_in_dim3A_520 : i32 to vector<16xi32>
        %gather3A_522 = tpu.vector_load_idx %arg5[%broadcast_in_dim3A_521, %get3A_492] : memref<16x2048xi32, #tpu.memory_space<vmem>>[vector<16xi32>, vector<16xi32>], vector<16xi32>,
        %mul3A_523 = arith.constant 16 : i32
        %mul3A_524 = arith.muli %add3A_486, %mul3A_523 : i32
        %swap3A_525 = arith.constant 3 : i32
        %swap3A_526 = arith.index_cast %swap3A_525 : i32 to index
        %swap3A_527 = arith.index_cast %mul3A_524 : i32 to index
        %swap3A_528 = tpu.vector_load %arg7[%swap3A_526, %swap3A_527] {strides = array<i32>} : memref<16x3072xi32, #tpu.memory_space<vmem>>, vector<16xi32>,
        tpu.vector_store %arg7[%swap3A_526, %swap3A_527], %gather3A_522 {strides = array<i32>} : memref<16x3072xi32, #tpu.memory_space<vmem>>, vector<16xi32>,
        %broadcast_in_dim3A_529 = arith.constant 4 : i32
        %broadcast_in_dim3A_530 = vector.broadcast %broadcast_in_dim3A_529 : i32 to vector<16xi32>
        %gather3A_531 = tpu.vector_load_idx %arg5[%broadcast_in_dim3A_530, %get3A_492] : memref<16x2048xi32, #tpu.memory_space<vmem>>[vector<16xi32>, vector<16xi32>], vector<16xi32>,
        %mul3A_532 = arith.constant 16 : i32
        %mul3A_533 = arith.muli %add3A_486, %mul3A_532 : i32
        %swap3A_534 = arith.constant 4 : i32
        %swap3A_535 = arith.index_cast %swap3A_534 : i32 to index
        %swap3A_536 = arith.index_cast %mul3A_533 : i32 to index
        %swap3A_537 = tpu.vector_load %arg7[%swap3A_535, %swap3A_536] {strides = array<i32>} : memref<16x3072xi32, #tpu.memory_space<vmem>>, vector<16xi32>,
        tpu.vector_store %arg7[%swap3A_535, %swap3A_536], %gather3A_531 {strides = array<i32>} : memref<16x3072xi32, #tpu.memory_space<vmem>>, vector<16xi32>,
        %broadcast_in_dim3A_538 = arith.constant 5 : i32
        %broadcast_in_dim3A_539 = vector.broadcast %broadcast_in_dim3A_538 : i32 to vector<16xi32>
        %gather3A_540 = tpu.vector_load_idx %arg5[%broadcast_in_dim3A_539, %get3A_492] : memref<16x2048xi32, #tpu.memory_space<vmem>>[vector<16xi32>, vector<16xi32>], vector<16xi32>,
        %mul3A_541 = arith.constant 16 : i32
        %mul3A_542 = arith.muli %add3A_486, %mul3A_541 : i32
        %swap3A_543 = arith.constant 5 : i32
        %swap3A_544 = arith.index_cast %swap3A_543 : i32 to index
        %swap3A_545 = arith.index_cast %mul3A_542 : i32 to index
        %swap3A_546 = tpu.vector_load %arg7[%swap3A_544, %swap3A_545] {strides = array<i32>} : memref<16x3072xi32, #tpu.memory_space<vmem>>, vector<16xi32>,
        tpu.vector_store %arg7[%swap3A_544, %swap3A_545], %gather3A_540 {strides = array<i32>} : memref<16x3072xi32, #tpu.memory_space<vmem>>, vector<16xi32>,
        %broadcast_in_dim3A_547 = arith.constant 6 : i32
        %broadcast_in_dim3A_548 = vector.broadcast %broadcast_in_dim3A_547 : i32 to vector<16xi32>
        %gather3A_549 = tpu.vector_load_idx %arg5[%broadcast_in_dim3A_548, %get3A_492] : memref<16x2048xi32, #tpu.memory_space<vmem>>[vector<16xi32>, vector<16xi32>], vector<16xi32>,
        %mul3A_550 = arith.constant 16 : i32
        %mul3A_551 = arith.muli %add3A_486, %mul3A_550 : i32
        %swap3A_552 = arith.constant 6 : i32
        %swap3A_553 = arith.index_cast %swap3A_552 : i32 to index
        %swap3A_554 = arith.index_cast %mul3A_551 : i32 to index
        %swap3A_555 = tpu.vector_load %arg7[%swap3A_553, %swap3A_554] {strides = array<i32>} : memref<16x3072xi32, #tpu.memory_space<vmem>>, vector<16xi32>,
        tpu.vector_store %arg7[%swap3A_553, %swap3A_554], %gather3A_549 {strides = array<i32>} : memref<16x3072xi32, #tpu.memory_space<vmem>>, vector<16xi32>,
        %broadcast_in_dim3A_556 = arith.constant 7 : i32
        %broadcast_in_dim3A_557 = vector.broadcast %broadcast_in_dim3A_556 : i32 to vector<16xi32>
        %gather3A_558 = tpu.vector_load_idx %arg5[%broadcast_in_dim3A_557, %get3A_492] : memref<16x2048xi32, #tpu.memory_space<vmem>>[vector<16xi32>, vector<16xi32>], vector<16xi32>,
        %mul3A_559 = arith.constant 16 : i32
        %mul3A_560 = arith.muli %add3A_486, %mul3A_559 : i32
        %swap3A_561 = arith.constant 7 : i32
        %swap3A_562 = arith.index_cast %swap3A_561 : i32 to index
        %swap3A_563 = arith.index_cast %mul3A_560 : i32 to index
        %swap3A_564 = tpu.vector_load %arg7[%swap3A_562, %swap3A_563] {strides = array<i32>} : memref<16x3072xi32, #tpu.memory_space<vmem>>, vector<16xi32>,
        tpu.vector_store %arg7[%swap3A_562, %swap3A_563], %gather3A_558 {strides = array<i32>} : memref<16x3072xi32, #tpu.memory_space<vmem>>, vector<16xi32>,
        %broadcast_in_dim3A_565 = arith.constant 8 : i32
        %broadcast_in_dim3A_566 = vector.broadcast %broadcast_in_dim3A_565 : i32 to vector<16xi32>
        %gather3A_567 = tpu.vector_load_idx %arg5[%broadcast_in_dim3A_566, %get3A_492] : memref<16x2048xi32, #tpu.memory_space<vmem>>[vector<16xi32>, vector<16xi32>], vector<16xi32>,
        %mul3A_568 = arith.constant 16 : i32
        %mul3A_569 = arith.muli %add3A_486, %mul3A_568 : i32
        %swap3A_570 = arith.constant 8 : i32
        %swap3A_571 = arith.index_cast %swap3A_570 : i32 to index
        %swap3A_572 = arith.index_cast %mul3A_569 : i32 to index
        %swap3A_573 = tpu.vector_load %arg7[%swap3A_571, %swap3A_572] {strides = array<i32>} : memref<16x3072xi32, #tpu.memory_space<vmem>>, vector<16xi32>,
        tpu.vector_store %arg7[%swap3A_571, %swap3A_572], %gather3A_567 {strides = array<i32>} : memref<16x3072xi32, #tpu.memory_space<vmem>>, vector<16xi32>,
        %broadcast_in_dim3A_574 = arith.constant 9 : i32
        %broadcast_in_dim3A_575 = vector.broadcast %broadcast_in_dim3A_574 : i32 to vector<16xi32>
        %gather3A_576 = tpu.vector_load_idx %arg5[%broadcast_in_dim3A_575, %get3A_492] : memref<16x2048xi32, #tpu.memory_space<vmem>>[vector<16xi32>, vector<16xi32>], vector<16xi32>,
        %mul3A_577 = arith.constant 16 : i32
        %mul3A_578 = arith.muli %add3A_486, %mul3A_577 : i32
        %swap3A_579 = arith.constant 9 : i32
        %swap3A_580 = arith.index_cast %swap3A_579 : i32 to index
        %swap3A_581 = arith.index_cast %mul3A_578 : i32 to index
        %swap3A_582 = tpu.vector_load %arg7[%swap3A_580, %swap3A_581] {strides = array<i32>} : memref<16x3072xi32, #tpu.memory_space<vmem>>, vector<16xi32>,
        tpu.vector_store %arg7[%swap3A_580, %swap3A_581], %gather3A_576 {strides = array<i32>} : memref<16x3072xi32, #tpu.memory_space<vmem>>, vector<16xi32>,
        %broadcast_in_dim3A_583 = arith.constant 10 : i32
        %broadcast_in_dim3A_584 = vector.broadcast %broadcast_in_dim3A_583 : i32 to vector<16xi32>
        %gather3A_585 = tpu.vector_load_idx %arg5[%broadcast_in_dim3A_584, %get3A_492] : memref<16x2048xi32, #tpu.memory_space<vmem>>[vector<16xi32>, vector<16xi32>], vector<16xi32>,
        %mul3A_586 = arith.constant 16 : i32
        %mul3A_587 = arith.muli %add3A_486, %mul3A_586 : i32
        %swap3A_588 = arith.constant 10 : i32
        %swap3A_589 = arith.index_cast %swap3A_588 : i32 to index
        %swap3A_590 = arith.index_cast %mul3A_587 : i32 to index
        %swap3A_591 = tpu.vector_load %arg7[%swap3A_589, %swap3A_590] {strides = array<i32>} : memref<16x3072xi32, #tpu.memory_space<vmem>>, vector<16xi32>,
        tpu.vector_store %arg7[%swap3A_589, %swap3A_590], %gather3A_585 {strides = array<i32>} : memref<16x3072xi32, #tpu.memory_space<vmem>>, vector<16xi32>,
        %broadcast_in_dim3A_592 = arith.constant 11 : i32
        %broadcast_in_dim3A_593 = vector.broadcast %broadcast_in_dim3A_592 : i32 to vector<16xi32>
        %gather3A_594 = tpu.vector_load_idx %arg5[%broadcast_in_dim3A_593, %get3A_492] : memref<16x2048xi32, #tpu.memory_space<vmem>>[vector<16xi32>, vector<16xi32>], vector<16xi32>,
        %mul3A_595 = arith.constant 16 : i32
        %mul3A_596 = arith.muli %add3A_486, %mul3A_595 : i32
        %swap3A_597 = arith.constant 11 : i32
        %swap3A_598 = arith.index_cast %swap3A_597 : i32 to index
        %swap3A_599 = arith.index_cast %mul3A_596 : i32 to index
        %swap3A_600 = tpu.vector_load %arg7[%swap3A_598, %swap3A_599] {strides = array<i32>} : memref<16x3072xi32, #tpu.memory_space<vmem>>, vector<16xi32>,
        tpu.vector_store %arg7[%swap3A_598, %swap3A_599], %gather3A_594 {strides = array<i32>} : memref<16x3072xi32, #tpu.memory_space<vmem>>, vector<16xi32>,
        %broadcast_in_dim3A_601 = arith.constant 12 : i32
        %broadcast_in_dim3A_602 = vector.broadcast %broadcast_in_dim3A_601 : i32 to vector<16xi32>
        %gather3A_603 = tpu.vector_load_idx %arg5[%broadcast_in_dim3A_602, %get3A_492] : memref<16x2048xi32, #tpu.memory_space<vmem>>[vector<16xi32>, vector<16xi32>], vector<16xi32>,
        %mul3A_604 = arith.constant 16 : i32
        %mul3A_605 = arith.muli %add3A_486, %mul3A_604 : i32
        %swap3A_606 = arith.constant 12 : i32
        %swap3A_607 = arith.index_cast %swap3A_606 : i32 to index
        %swap3A_608 = arith.index_cast %mul3A_605 : i32 to index
        %swap3A_609 = tpu.vector_load %arg7[%swap3A_607, %swap3A_608] {strides = array<i32>} : memref<16x3072xi32, #tpu.memory_space<vmem>>, vector<16xi32>,
        tpu.vector_store %arg7[%swap3A_607, %swap3A_608], %gather3A_603 {strides = array<i32>} : memref<16x3072xi32, #tpu.memory_space<vmem>>, vector<16xi32>,
        %broadcast_in_dim3A_610 = arith.constant 13 : i32
        %broadcast_in_dim3A_611 = vector.broadcast %broadcast_in_dim3A_610 : i32 to vector<16xi32>
        %gather3A_612 = tpu.vector_load_idx %arg5[%broadcast_in_dim3A_611, %get3A_492] : memref<16x2048xi32, #tpu.memory_space<vmem>>[vector<16xi32>, vector<16xi32>], vector<16xi32>,
        %mul3A_613 = arith.constant 16 : i32
        %mul3A_614 = arith.muli %add3A_486, %mul3A_613 : i32
        %swap3A_615 = arith.constant 13 : i32
        %swap3A_616 = arith.index_cast %swap3A_615 : i32 to index
        %swap3A_617 = arith.index_cast %mul3A_614 : i32 to index
        %swap3A_618 = tpu.vector_load %arg7[%swap3A_616, %swap3A_617] {strides = array<i32>} : memref<16x3072xi32, #tpu.memory_space<vmem>>, vector<16xi32>,
        tpu.vector_store %arg7[%swap3A_616, %swap3A_617], %gather3A_612 {strides = array<i32>} : memref<16x3072xi32, #tpu.memory_space<vmem>>, vector<16xi32>,
        %broadcast_in_dim3A_619 = arith.constant 14 : i32
        %broadcast_in_dim3A_620 = vector.broadcast %broadcast_in_dim3A_619 : i32 to vector<16xi32>
        %gather3A_621 = tpu.vector_load_idx %arg5[%broadcast_in_dim3A_620, %get3A_492] : memref<16x2048xi32, #tpu.memory_space<vmem>>[vector<16xi32>, vector<16xi32>], vector<16xi32>,
        %mul3A_622 = arith.constant 16 : i32
        %mul3A_623 = arith.muli %add3A_486, %mul3A_622 : i32
        %swap3A_624 = arith.constant 14 : i32
        %swap3A_625 = arith.index_cast %swap3A_624 : i32 to index
        %swap3A_626 = arith.index_cast %mul3A_623 : i32 to index
        %swap3A_627 = tpu.vector_load %arg7[%swap3A_625, %swap3A_626] {strides = array<i32>} : memref<16x3072xi32, #tpu.memory_space<vmem>>, vector<16xi32>,
        tpu.vector_store %arg7[%swap3A_625, %swap3A_626], %gather3A_621 {strides = array<i32>} : memref<16x3072xi32, #tpu.memory_space<vmem>>, vector<16xi32>,
        %broadcast_in_dim3A_628 = arith.constant 15 : i32
        %broadcast_in_dim3A_629 = vector.broadcast %broadcast_in_dim3A_628 : i32 to vector<16xi32>
        %gather3A_630 = tpu.vector_load_idx %arg5[%broadcast_in_dim3A_629, %get3A_492] : memref<16x2048xi32, #tpu.memory_space<vmem>>[vector<16xi32>, vector<16xi32>], vector<16xi32>,
        %mul3A_631 = arith.constant 16 : i32
        %mul3A_632 = arith.muli %add3A_486, %mul3A_631 : i32
        %swap3A_633 = arith.constant 15 : i32
        %swap3A_634 = arith.index_cast %swap3A_633 : i32 to index
        %swap3A_635 = arith.index_cast %mul3A_632 : i32 to index
        %swap3A_636 = tpu.vector_load %arg7[%swap3A_634, %swap3A_635] {strides = array<i32>} : memref<16x3072xi32, #tpu.memory_space<vmem>>, vector<16xi32>,
        tpu.vector_store %arg7[%swap3A_634, %swap3A_635], %gather3A_630 {strides = array<i32>} : memref<16x3072xi32, #tpu.memory_space<vmem>>, vector<16xi32>,
      }
      %scan3A_8 = arith.constant 192 : i32
      %mul3A_9 = arith.constant 16 : i32
      %mul3A_10 = arith.muli %add3A, %mul3A_9 : i32
      "tpu.region"() ({
        %run_scoped3A = tpu.sem_alloc : memref<!tpu.dma_semaphore, #tpu.memory_space<semaphore_mem>>
        %dma_start3A = arith.constant 0 : i32
        %dma_start3A_18 = tpu.memref_slice %arg4[%mul3A_10, %dma_start3A] : memref<384x6144xi32, #tpu.memory_space<hbm>> -> memref<16x3072xi32, #tpu.memory_space<hbm>>
        %dma_start3A_19 = arith.constant 0 : i32
        %dma_start3A_20 = tpu.memref_slice %arg4[%mul3A_10, %dma_start3A_19] : memref<384x6144xi32, #tpu.memory_space<hbm>> -> memref<16x3072xi32, #tpu.memory_space<hbm>>
        tpu.enqueue_dma source(%arg7 : memref<16x3072xi32, #tpu.memory_space<vmem>>) target(%dma_start3A_20 : memref<16x3072xi32, #tpu.memory_space<hbm>>) target_semaphore(%run_scoped3A : memref<!tpu.dma_semaphore, #tpu.memory_space<semaphore_mem>>)
        %dma_wait3A = arith.constant 0 : i32
        %dma_wait3A_21 = tpu.memref_slice %arg4[%mul3A_10, %dma_wait3A] : memref<384x6144xi32, #tpu.memory_space<hbm>> -> memref<16x3072xi32, #tpu.memory_space<hbm>>
        %dma_wait3A_22 = arith.constant 0 : i32
        %dma_wait3A_23 = tpu.memref_slice %arg4[%mul3A_10, %dma_wait3A_22] : memref<384x6144xi32, #tpu.memory_space<hbm>> -> memref<16x3072xi32, #tpu.memory_space<hbm>>
        tpu.wait_dma2 semaphore(%run_scoped3A : memref<!tpu.dma_semaphore, #tpu.memory_space<semaphore_mem>>) src(%arg7 : memref<16x3072xi32, #tpu.memory_space<vmem>>) dst(%dma_wait3A_23 : memref<16x3072xi32, #tpu.memory_space<hbm>>)
        tpu.yield
      }) : () -> ()
      %scan3A_11 = arith.constant 0 : i32
      %scan3A_12 = arith.constant 192 : i32
      %scan3A_13 = arith.addi %scan3A_11, %scan3A_12 : i32
      %scan3A_14 = arith.constant 4 : i32
      scf.for %scan3A_18 = %scan3A_11 to %scan3A_13 step %scan3A_14  : i32 {
        %mul3A_19 = arith.constant 1 : i32
        %mul3A_20 = arith.muli %scan3A_18, %mul3A_19 : i32
        %add3A_21 = arith.constant 0 : i32
        %add3A_22 = arith.addi %add3A_21, %mul3A_20 : i32
        %mul3A_23 = arith.constant 16 : i32
        %mul3A_24 = arith.muli %add3A_22, %mul3A_23 : i32
        %add3A_25 = arith.constant 3072 : i32
        %add3A_26 = arith.addi %add3A_25, %mul3A_24 : i32
        %get3A = arith.index_cast %add3A_26 : i32 to index
        %get3A_27 = tpu.vector_load %arg6[%get3A] {strides = array<i32>} : memref<6144xi32, #tpu.memory_space<vmem>>, vector<16xi32>,
        %broadcast_in_dim3A = arith.constant 0 : i32
        %broadcast_in_dim3A_28 = vector.broadcast %broadcast_in_dim3A : i32 to vector<16xi32>
        %gather3A = tpu.vector_load_idx %arg5[%broadcast_in_dim3A_28, %get3A_27] : memref<16x2048xi32, #tpu.memory_space<vmem>>[vector<16xi32>, vector<16xi32>], vector<16xi32>,
        %mul3A_29 = arith.constant 16 : i32
        %mul3A_30 = arith.muli %add3A_22, %mul3A_29 : i32
        %swap3A = arith.constant 0 : i32
        %swap3A_31 = arith.index_cast %swap3A : i32 to index
        %swap3A_32 = arith.index_cast %mul3A_30 : i32 to index
        %swap3A_33 = tpu.vector_load %arg7[%swap3A_31, %swap3A_32] {strides = array<i32>} : memref<16x3072xi32, #tpu.memory_space<vmem>>, vector<16xi32>,
        tpu.vector_store %arg7[%swap3A_31, %swap3A_32], %gather3A {strides = array<i32>} : memref<16x3072xi32, #tpu.memory_space<vmem>>, vector<16xi32>,
        %broadcast_in_dim3A_34 = arith.constant 1 : i32
        %broadcast_in_dim3A_35 = vector.broadcast %broadcast_in_dim3A_34 : i32 to vector<16xi32>
        %gather3A_36 = tpu.vector_load_idx %arg5[%broadcast_in_dim3A_35, %get3A_27] : memref<16x2048xi32, #tpu.memory_space<vmem>>[vector<16xi32>, vector<16xi32>], vector<16xi32>,
        %mul3A_37 = arith.constant 16 : i32
        %mul3A_38 = arith.muli %add3A_22, %mul3A_37 : i32
        %swap3A_39 = arith.constant 1 : i32
        %swap3A_40 = arith.index_cast %swap3A_39 : i32 to index
        %swap3A_41 = arith.index_cast %mul3A_38 : i32 to index
        %swap3A_42 = tpu.vector_load %arg7[%swap3A_40, %swap3A_41] {strides = array<i32>} : memref<16x3072xi32, #tpu.memory_space<vmem>>, vector<16xi32>,
        tpu.vector_store %arg7[%swap3A_40, %swap3A_41], %gather3A_36 {strides = array<i32>} : memref<16x3072xi32, #tpu.memory_space<vmem>>, vector<16xi32>,
        %broadcast_in_dim3A_43 = arith.constant 2 : i32
        %broadcast_in_dim3A_44 = vector.broadcast %broadcast_in_dim3A_43 : i32 to vector<16xi32>
        %gather3A_45 = tpu.vector_load_idx %arg5[%broadcast_in_dim3A_44, %get3A_27] : memref<16x2048xi32, #tpu.memory_space<vmem>>[vector<16xi32>, vector<16xi32>], vector<16xi32>,
        %mul3A_46 = arith.constant 16 : i32
        %mul3A_47 = arith.muli %add3A_22, %mul3A_46 : i32
        %swap3A_48 = arith.constant 2 : i32
        %swap3A_49 = arith.index_cast %swap3A_48 : i32 to index
        %swap3A_50 = arith.index_cast %mul3A_47 : i32 to index
        %swap3A_51 = tpu.vector_load %arg7[%swap3A_49, %swap3A_50] {strides = array<i32>} : memref<16x3072xi32, #tpu.memory_space<vmem>>, vector<16xi32>,
        tpu.vector_store %arg7[%swap3A_49, %swap3A_50], %gather3A_45 {strides = array<i32>} : memref<16x3072xi32, #tpu.memory_space<vmem>>, vector<16xi32>,
        %broadcast_in_dim3A_52 = arith.constant 3 : i32
        %broadcast_in_dim3A_53 = vector.broadcast %broadcast_in_dim3A_52 : i32 to vector<16xi32>
        %gather3A_54 = tpu.vector_load_idx %arg5[%broadcast_in_dim3A_53, %get3A_27] : memref<16x2048xi32, #tpu.memory_space<vmem>>[vector<16xi32>, vector<16xi32>], vector<16xi32>,
        %mul3A_55 = arith.constant 16 : i32
        %mul3A_56 = arith.muli %add3A_22, %mul3A_55 : i32
        %swap3A_57 = arith.constant 3 : i32
        %swap3A_58 = arith.index_cast %swap3A_57 : i32 to index
        %swap3A_59 = arith.index_cast %mul3A_56 : i32 to index
        %swap3A_60 = tpu.vector_load %arg7[%swap3A_58, %swap3A_59] {strides = array<i32>} : memref<16x3072xi32, #tpu.memory_space<vmem>>, vector<16xi32>,
        tpu.vector_store %arg7[%swap3A_58, %swap3A_59], %gather3A_54 {strides = array<i32>} : memref<16x3072xi32, #tpu.memory_space<vmem>>, vector<16xi32>,
        %broadcast_in_dim3A_61 = arith.constant 4 : i32
        %broadcast_in_dim3A_62 = vector.broadcast %broadcast_in_dim3A_61 : i32 to vector<16xi32>
        %gather3A_63 = tpu.vector_load_idx %arg5[%broadcast_in_dim3A_62, %get3A_27] : memref<16x2048xi32, #tpu.memory_space<vmem>>[vector<16xi32>, vector<16xi32>], vector<16xi32>,
        %mul3A_64 = arith.constant 16 : i32
        %mul3A_65 = arith.muli %add3A_22, %mul3A_64 : i32
        %swap3A_66 = arith.constant 4 : i32
        %swap3A_67 = arith.index_cast %swap3A_66 : i32 to index
        %swap3A_68 = arith.index_cast %mul3A_65 : i32 to index
        %swap3A_69 = tpu.vector_load %arg7[%swap3A_67, %swap3A_68] {strides = array<i32>} : memref<16x3072xi32, #tpu.memory_space<vmem>>, vector<16xi32>,
        tpu.vector_store %arg7[%swap3A_67, %swap3A_68], %gather3A_63 {strides = array<i32>} : memref<16x3072xi32, #tpu.memory_space<vmem>>, vector<16xi32>,
        %broadcast_in_dim3A_70 = arith.constant 5 : i32
        %broadcast_in_dim3A_71 = vector.broadcast %broadcast_in_dim3A_70 : i32 to vector<16xi32>
        %gather3A_72 = tpu.vector_load_idx %arg5[%broadcast_in_dim3A_71, %get3A_27] : memref<16x2048xi32, #tpu.memory_space<vmem>>[vector<16xi32>, vector<16xi32>], vector<16xi32>,
        %mul3A_73 = arith.constant 16 : i32
        %mul3A_74 = arith.muli %add3A_22, %mul3A_73 : i32
        %swap3A_75 = arith.constant 5 : i32
        %swap3A_76 = arith.index_cast %swap3A_75 : i32 to index
        %swap3A_77 = arith.index_cast %mul3A_74 : i32 to index
        %swap3A_78 = tpu.vector_load %arg7[%swap3A_76, %swap3A_77] {strides = array<i32>} : memref<16x3072xi32, #tpu.memory_space<vmem>>, vector<16xi32>,
        tpu.vector_store %arg7[%swap3A_76, %swap3A_77], %gather3A_72 {strides = array<i32>} : memref<16x3072xi32, #tpu.memory_space<vmem>>, vector<16xi32>,
        %broadcast_in_dim3A_79 = arith.constant 6 : i32
        %broadcast_in_dim3A_80 = vector.broadcast %broadcast_in_dim3A_79 : i32 to vector<16xi32>
        %gather3A_81 = tpu.vector_load_idx %arg5[%broadcast_in_dim3A_80, %get3A_27] : memref<16x2048xi32, #tpu.memory_space<vmem>>[vector<16xi32>, vector<16xi32>], vector<16xi32>,
        %mul3A_82 = arith.constant 16 : i32
        %mul3A_83 = arith.muli %add3A_22, %mul3A_82 : i32
        %swap3A_84 = arith.constant 6 : i32
        %swap3A_85 = arith.index_cast %swap3A_84 : i32 to index
        %swap3A_86 = arith.index_cast %mul3A_83 : i32 to index
        %swap3A_87 = tpu.vector_load %arg7[%swap3A_85, %swap3A_86] {strides = array<i32>} : memref<16x3072xi32, #tpu.memory_space<vmem>>, vector<16xi32>,
        tpu.vector_store %arg7[%swap3A_85, %swap3A_86], %gather3A_81 {strides = array<i32>} : memref<16x3072xi32, #tpu.memory_space<vmem>>, vector<16xi32>,
        %broadcast_in_dim3A_88 = arith.constant 7 : i32
        %broadcast_in_dim3A_89 = vector.broadcast %broadcast_in_dim3A_88 : i32 to vector<16xi32>
        %gather3A_90 = tpu.vector_load_idx %arg5[%broadcast_in_dim3A_89, %get3A_27] : memref<16x2048xi32, #tpu.memory_space<vmem>>[vector<16xi32>, vector<16xi32>], vector<16xi32>,
        %mul3A_91 = arith.constant 16 : i32
        %mul3A_92 = arith.muli %add3A_22, %mul3A_91 : i32
        %swap3A_93 = arith.constant 7 : i32
        %swap3A_94 = arith.index_cast %swap3A_93 : i32 to index
        %swap3A_95 = arith.index_cast %mul3A_92 : i32 to index
        %swap3A_96 = tpu.vector_load %arg7[%swap3A_94, %swap3A_95] {strides = array<i32>} : memref<16x3072xi32, #tpu.memory_space<vmem>>, vector<16xi32>,
        tpu.vector_store %arg7[%swap3A_94, %swap3A_95], %gather3A_90 {strides = array<i32>} : memref<16x3072xi32, #tpu.memory_space<vmem>>, vector<16xi32>,
        %broadcast_in_dim3A_97 = arith.constant 8 : i32
        %broadcast_in_dim3A_98 = vector.broadcast %broadcast_in_dim3A_97 : i32 to vector<16xi32>
        %gather3A_99 = tpu.vector_load_idx %arg5[%broadcast_in_dim3A_98, %get3A_27] : memref<16x2048xi32, #tpu.memory_space<vmem>>[vector<16xi32>, vector<16xi32>], vector<16xi32>,
        %mul3A_100 = arith.constant 16 : i32
        %mul3A_101 = arith.muli %add3A_22, %mul3A_100 : i32
        %swap3A_102 = arith.constant 8 : i32
        %swap3A_103 = arith.index_cast %swap3A_102 : i32 to index
        %swap3A_104 = arith.index_cast %mul3A_101 : i32 to index
        %swap3A_105 = tpu.vector_load %arg7[%swap3A_103, %swap3A_104] {strides = array<i32>} : memref<16x3072xi32, #tpu.memory_space<vmem>>, vector<16xi32>,
        tpu.vector_store %arg7[%swap3A_103, %swap3A_104], %gather3A_99 {strides = array<i32>} : memref<16x3072xi32, #tpu.memory_space<vmem>>, vector<16xi32>,
        %broadcast_in_dim3A_106 = arith.constant 9 : i32
        %broadcast_in_dim3A_107 = vector.broadcast %broadcast_in_dim3A_106 : i32 to vector<16xi32>
        %gather3A_108 = tpu.vector_load_idx %arg5[%broadcast_in_dim3A_107, %get3A_27] : memref<16x2048xi32, #tpu.memory_space<vmem>>[vector<16xi32>, vector<16xi32>], vector<16xi32>,
        %mul3A_109 = arith.constant 16 : i32
        %mul3A_110 = arith.muli %add3A_22, %mul3A_109 : i32
        %swap3A_111 = arith.constant 9 : i32
        %swap3A_112 = arith.index_cast %swap3A_111 : i32 to index
        %swap3A_113 = arith.index_cast %mul3A_110 : i32 to index
        %swap3A_114 = tpu.vector_load %arg7[%swap3A_112, %swap3A_113] {strides = array<i32>} : memref<16x3072xi32, #tpu.memory_space<vmem>>, vector<16xi32>,
        tpu.vector_store %arg7[%swap3A_112, %swap3A_113], %gather3A_108 {strides = array<i32>} : memref<16x3072xi32, #tpu.memory_space<vmem>>, vector<16xi32>,
        %broadcast_in_dim3A_115 = arith.constant 10 : i32
        %broadcast_in_dim3A_116 = vector.broadcast %broadcast_in_dim3A_115 : i32 to vector<16xi32>
        %gather3A_117 = tpu.vector_load_idx %arg5[%broadcast_in_dim3A_116, %get3A_27] : memref<16x2048xi32, #tpu.memory_space<vmem>>[vector<16xi32>, vector<16xi32>], vector<16xi32>,
        %mul3A_118 = arith.constant 16 : i32
        %mul3A_119 = arith.muli %add3A_22, %mul3A_118 : i32
        %swap3A_120 = arith.constant 10 : i32
        %swap3A_121 = arith.index_cast %swap3A_120 : i32 to index
        %swap3A_122 = arith.index_cast %mul3A_119 : i32 to index
        %swap3A_123 = tpu.vector_load %arg7[%swap3A_121, %swap3A_122] {strides = array<i32>} : memref<16x3072xi32, #tpu.memory_space<vmem>>, vector<16xi32>,
        tpu.vector_store %arg7[%swap3A_121, %swap3A_122], %gather3A_117 {strides = array<i32>} : memref<16x3072xi32, #tpu.memory_space<vmem>>, vector<16xi32>,
        %broadcast_in_dim3A_124 = arith.constant 11 : i32
        %broadcast_in_dim3A_125 = vector.broadcast %broadcast_in_dim3A_124 : i32 to vector<16xi32>
        %gather3A_126 = tpu.vector_load_idx %arg5[%broadcast_in_dim3A_125, %get3A_27] : memref<16x2048xi32, #tpu.memory_space<vmem>>[vector<16xi32>, vector<16xi32>], vector<16xi32>,
        %mul3A_127 = arith.constant 16 : i32
        %mul3A_128 = arith.muli %add3A_22, %mul3A_127 : i32
        %swap3A_129 = arith.constant 11 : i32
        %swap3A_130 = arith.index_cast %swap3A_129 : i32 to index
        %swap3A_131 = arith.index_cast %mul3A_128 : i32 to index
        %swap3A_132 = tpu.vector_load %arg7[%swap3A_130, %swap3A_131] {strides = array<i32>} : memref<16x3072xi32, #tpu.memory_space<vmem>>, vector<16xi32>,
        tpu.vector_store %arg7[%swap3A_130, %swap3A_131], %gather3A_126 {strides = array<i32>} : memref<16x3072xi32, #tpu.memory_space<vmem>>, vector<16xi32>,
        %broadcast_in_dim3A_133 = arith.constant 12 : i32
        %broadcast_in_dim3A_134 = vector.broadcast %broadcast_in_dim3A_133 : i32 to vector<16xi32>
        %gather3A_135 = tpu.vector_load_idx %arg5[%broadcast_in_dim3A_134, %get3A_27] : memref<16x2048xi32, #tpu.memory_space<vmem>>[vector<16xi32>, vector<16xi32>], vector<16xi32>,
        %mul3A_136 = arith.constant 16 : i32
        %mul3A_137 = arith.muli %add3A_22, %mul3A_136 : i32
        %swap3A_138 = arith.constant 12 : i32
        %swap3A_139 = arith.index_cast %swap3A_138 : i32 to index
        %swap3A_140 = arith.index_cast %mul3A_137 : i32 to index
        %swap3A_141 = tpu.vector_load %arg7[%swap3A_139, %swap3A_140] {strides = array<i32>} : memref<16x3072xi32, #tpu.memory_space<vmem>>, vector<16xi32>,
        tpu.vector_store %arg7[%swap3A_139, %swap3A_140], %gather3A_135 {strides = array<i32>} : memref<16x3072xi32, #tpu.memory_space<vmem>>, vector<16xi32>,
        %broadcast_in_dim3A_142 = arith.constant 13 : i32
        %broadcast_in_dim3A_143 = vector.broadcast %broadcast_in_dim3A_142 : i32 to vector<16xi32>
        %gather3A_144 = tpu.vector_load_idx %arg5[%broadcast_in_dim3A_143, %get3A_27] : memref<16x2048xi32, #tpu.memory_space<vmem>>[vector<16xi32>, vector<16xi32>], vector<16xi32>,
        %mul3A_145 = arith.constant 16 : i32
        %mul3A_146 = arith.muli %add3A_22, %mul3A_145 : i32
        %swap3A_147 = arith.constant 13 : i32
        %swap3A_148 = arith.index_cast %swap3A_147 : i32 to index
        %swap3A_149 = arith.index_cast %mul3A_146 : i32 to index
        %swap3A_150 = tpu.vector_load %arg7[%swap3A_148, %swap3A_149] {strides = array<i32>} : memref<16x3072xi32, #tpu.memory_space<vmem>>, vector<16xi32>,
        tpu.vector_store %arg7[%swap3A_148, %swap3A_149], %gather3A_144 {strides = array<i32>} : memref<16x3072xi32, #tpu.memory_space<vmem>>, vector<16xi32>,
        %broadcast_in_dim3A_151 = arith.constant 14 : i32
        %broadcast_in_dim3A_152 = vector.broadcast %broadcast_in_dim3A_151 : i32 to vector<16xi32>
        %gather3A_153 = tpu.vector_load_idx %arg5[%broadcast_in_dim3A_152, %get3A_27] : memref<16x2048xi32, #tpu.memory_space<vmem>>[vector<16xi32>, vector<16xi32>], vector<16xi32>,
        %mul3A_154 = arith.constant 16 : i32
        %mul3A_155 = arith.muli %add3A_22, %mul3A_154 : i32
        %swap3A_156 = arith.constant 14 : i32
        %swap3A_157 = arith.index_cast %swap3A_156 : i32 to index
        %swap3A_158 = arith.index_cast %mul3A_155 : i32 to index
        %swap3A_159 = tpu.vector_load %arg7[%swap3A_157, %swap3A_158] {strides = array<i32>} : memref<16x3072xi32, #tpu.memory_space<vmem>>, vector<16xi32>,
        tpu.vector_store %arg7[%swap3A_157, %swap3A_158], %gather3A_153 {strides = array<i32>} : memref<16x3072xi32, #tpu.memory_space<vmem>>, vector<16xi32>,
        %broadcast_in_dim3A_160 = arith.constant 15 : i32
        %broadcast_in_dim3A_161 = vector.broadcast %broadcast_in_dim3A_160 : i32 to vector<16xi32>
        %gather3A_162 = tpu.vector_load_idx %arg5[%broadcast_in_dim3A_161, %get3A_27] : memref<16x2048xi32, #tpu.memory_space<vmem>>[vector<16xi32>, vector<16xi32>], vector<16xi32>,
        %mul3A_163 = arith.constant 16 : i32
        %mul3A_164 = arith.muli %add3A_22, %mul3A_163 : i32
        %swap3A_165 = arith.constant 15 : i32
        %swap3A_166 = arith.index_cast %swap3A_165 : i32 to index
        %swap3A_167 = arith.index_cast %mul3A_164 : i32 to index
        %swap3A_168 = tpu.vector_load %arg7[%swap3A_166, %swap3A_167] {strides = array<i32>} : memref<16x3072xi32, #tpu.memory_space<vmem>>, vector<16xi32>,
        tpu.vector_store %arg7[%swap3A_166, %swap3A_167], %gather3A_162 {strides = array<i32>} : memref<16x3072xi32, #tpu.memory_space<vmem>>, vector<16xi32>,
        %scan3A_169 = arith.constant 1 : i32
        %scan3A_170 = arith.addi %scan3A_18, %scan3A_169 : i32
        %mul3A_171 = arith.constant 1 : i32
        %mul3A_172 = arith.muli %scan3A_170, %mul3A_171 : i32
        %add3A_173 = arith.constant 0 : i32
        %add3A_174 = arith.addi %add3A_173, %mul3A_172 : i32
        %mul3A_175 = arith.constant 16 : i32
        %mul3A_176 = arith.muli %add3A_174, %mul3A_175 : i32
        %add3A_177 = arith.constant 3072 : i32
        %add3A_178 = arith.addi %add3A_177, %mul3A_176 : i32
        %get3A_179 = arith.index_cast %add3A_178 : i32 to index
        %get3A_180 = tpu.vector_load %arg6[%get3A_179] {strides = array<i32>} : memref<6144xi32, #tpu.memory_space<vmem>>, vector<16xi32>,
        %broadcast_in_dim3A_181 = arith.constant 0 : i32
        %broadcast_in_dim3A_182 = vector.broadcast %broadcast_in_dim3A_181 : i32 to vector<16xi32>
        %gather3A_183 = tpu.vector_load_idx %arg5[%broadcast_in_dim3A_182, %get3A_180] : memref<16x2048xi32, #tpu.memory_space<vmem>>[vector<16xi32>, vector<16xi32>], vector<16xi32>,
        %mul3A_184 = arith.constant 16 : i32
        %mul3A_185 = arith.muli %add3A_174, %mul3A_184 : i32
        %swap3A_186 = arith.constant 0 : i32
        %swap3A_187 = arith.index_cast %swap3A_186 : i32 to index
        %swap3A_188 = arith.index_cast %mul3A_185 : i32 to index
        %swap3A_189 = tpu.vector_load %arg7[%swap3A_187, %swap3A_188] {strides = array<i32>} : memref<16x3072xi32, #tpu.memory_space<vmem>>, vector<16xi32>,
        tpu.vector_store %arg7[%swap3A_187, %swap3A_188], %gather3A_183 {strides = array<i32>} : memref<16x3072xi32, #tpu.memory_space<vmem>>, vector<16xi32>,
        %broadcast_in_dim3A_190 = arith.constant 1 : i32
        %broadcast_in_dim3A_191 = vector.broadcast %broadcast_in_dim3A_190 : i32 to vector<16xi32>
        %gather3A_192 = tpu.vector_load_idx %arg5[%broadcast_in_dim3A_191, %get3A_180] : memref<16x2048xi32, #tpu.memory_space<vmem>>[vector<16xi32>, vector<16xi32>], vector<16xi32>,
        %mul3A_193 = arith.constant 16 : i32
        %mul3A_194 = arith.muli %add3A_174, %mul3A_193 : i32
        %swap3A_195 = arith.constant 1 : i32
        %swap3A_196 = arith.index_cast %swap3A_195 : i32 to index
        %swap3A_197 = arith.index_cast %mul3A_194 : i32 to index
        %swap3A_198 = tpu.vector_load %arg7[%swap3A_196, %swap3A_197] {strides = array<i32>} : memref<16x3072xi32, #tpu.memory_space<vmem>>, vector<16xi32>,
        tpu.vector_store %arg7[%swap3A_196, %swap3A_197], %gather3A_192 {strides = array<i32>} : memref<16x3072xi32, #tpu.memory_space<vmem>>, vector<16xi32>,
        %broadcast_in_dim3A_199 = arith.constant 2 : i32
        %broadcast_in_dim3A_200 = vector.broadcast %broadcast_in_dim3A_199 : i32 to vector<16xi32>
        %gather3A_201 = tpu.vector_load_idx %arg5[%broadcast_in_dim3A_200, %get3A_180] : memref<16x2048xi32, #tpu.memory_space<vmem>>[vector<16xi32>, vector<16xi32>], vector<16xi32>,
        %mul3A_202 = arith.constant 16 : i32
        %mul3A_203 = arith.muli %add3A_174, %mul3A_202 : i32
        %swap3A_204 = arith.constant 2 : i32
        %swap3A_205 = arith.index_cast %swap3A_204 : i32 to index
        %swap3A_206 = arith.index_cast %mul3A_203 : i32 to index
        %swap3A_207 = tpu.vector_load %arg7[%swap3A_205, %swap3A_206] {strides = array<i32>} : memref<16x3072xi32, #tpu.memory_space<vmem>>, vector<16xi32>,
        tpu.vector_store %arg7[%swap3A_205, %swap3A_206], %gather3A_201 {strides = array<i32>} : memref<16x3072xi32, #tpu.memory_space<vmem>>, vector<16xi32>,
        %broadcast_in_dim3A_208 = arith.constant 3 : i32
        %broadcast_in_dim3A_209 = vector.broadcast %broadcast_in_dim3A_208 : i32 to vector<16xi32>
        %gather3A_210 = tpu.vector_load_idx %arg5[%broadcast_in_dim3A_209, %get3A_180] : memref<16x2048xi32, #tpu.memory_space<vmem>>[vector<16xi32>, vector<16xi32>], vector<16xi32>,
        %mul3A_211 = arith.constant 16 : i32
        %mul3A_212 = arith.muli %add3A_174, %mul3A_211 : i32
        %swap3A_213 = arith.constant 3 : i32
        %swap3A_214 = arith.index_cast %swap3A_213 : i32 to index
        %swap3A_215 = arith.index_cast %mul3A_212 : i32 to index
        %swap3A_216 = tpu.vector_load %arg7[%swap3A_214, %swap3A_215] {strides = array<i32>} : memref<16x3072xi32, #tpu.memory_space<vmem>>, vector<16xi32>,
        tpu.vector_store %arg7[%swap3A_214, %swap3A_215], %gather3A_210 {strides = array<i32>} : memref<16x3072xi32, #tpu.memory_space<vmem>>, vector<16xi32>,
        %broadcast_in_dim3A_217 = arith.constant 4 : i32
        %broadcast_in_dim3A_218 = vector.broadcast %broadcast_in_dim3A_217 : i32 to vector<16xi32>
        %gather3A_219 = tpu.vector_load_idx %arg5[%broadcast_in_dim3A_218, %get3A_180] : memref<16x2048xi32, #tpu.memory_space<vmem>>[vector<16xi32>, vector<16xi32>], vector<16xi32>,
        %mul3A_220 = arith.constant 16 : i32
        %mul3A_221 = arith.muli %add3A_174, %mul3A_220 : i32
        %swap3A_222 = arith.constant 4 : i32
        %swap3A_223 = arith.index_cast %swap3A_222 : i32 to index
        %swap3A_224 = arith.index_cast %mul3A_221 : i32 to index
        %swap3A_225 = tpu.vector_load %arg7[%swap3A_223, %swap3A_224] {strides = array<i32>} : memref<16x3072xi32, #tpu.memory_space<vmem>>, vector<16xi32>,
        tpu.vector_store %arg7[%swap3A_223, %swap3A_224], %gather3A_219 {strides = array<i32>} : memref<16x3072xi32, #tpu.memory_space<vmem>>, vector<16xi32>,
        %broadcast_in_dim3A_226 = arith.constant 5 : i32
        %broadcast_in_dim3A_227 = vector.broadcast %broadcast_in_dim3A_226 : i32 to vector<16xi32>
        %gather3A_228 = tpu.vector_load_idx %arg5[%broadcast_in_dim3A_227, %get3A_180] : memref<16x2048xi32, #tpu.memory_space<vmem>>[vector<16xi32>, vector<16xi32>], vector<16xi32>,
        %mul3A_229 = arith.constant 16 : i32
        %mul3A_230 = arith.muli %add3A_174, %mul3A_229 : i32
        %swap3A_231 = arith.constant 5 : i32
        %swap3A_232 = arith.index_cast %swap3A_231 : i32 to index
        %swap3A_233 = arith.index_cast %mul3A_230 : i32 to index
        %swap3A_234 = tpu.vector_load %arg7[%swap3A_232, %swap3A_233] {strides = array<i32>} : memref<16x3072xi32, #tpu.memory_space<vmem>>, vector<16xi32>,
        tpu.vector_store %arg7[%swap3A_232, %swap3A_233], %gather3A_228 {strides = array<i32>} : memref<16x3072xi32, #tpu.memory_space<vmem>>, vector<16xi32>,
        %broadcast_in_dim3A_235 = arith.constant 6 : i32
        %broadcast_in_dim3A_236 = vector.broadcast %broadcast_in_dim3A_235 : i32 to vector<16xi32>
        %gather3A_237 = tpu.vector_load_idx %arg5[%broadcast_in_dim3A_236, %get3A_180] : memref<16x2048xi32, #tpu.memory_space<vmem>>[vector<16xi32>, vector<16xi32>], vector<16xi32>,
        %mul3A_238 = arith.constant 16 : i32
        %mul3A_239 = arith.muli %add3A_174, %mul3A_238 : i32
        %swap3A_240 = arith.constant 6 : i32
        %swap3A_241 = arith.index_cast %swap3A_240 : i32 to index
        %swap3A_242 = arith.index_cast %mul3A_239 : i32 to index
        %swap3A_243 = tpu.vector_load %arg7[%swap3A_241, %swap3A_242] {strides = array<i32>} : memref<16x3072xi32, #tpu.memory_space<vmem>>, vector<16xi32>,
        tpu.vector_store %arg7[%swap3A_241, %swap3A_242], %gather3A_237 {strides = array<i32>} : memref<16x3072xi32, #tpu.memory_space<vmem>>, vector<16xi32>,
        %broadcast_in_dim3A_244 = arith.constant 7 : i32
        %broadcast_in_dim3A_245 = vector.broadcast %broadcast_in_dim3A_244 : i32 to vector<16xi32>
        %gather3A_246 = tpu.vector_load_idx %arg5[%broadcast_in_dim3A_245, %get3A_180] : memref<16x2048xi32, #tpu.memory_space<vmem>>[vector<16xi32>, vector<16xi32>], vector<16xi32>,
        %mul3A_247 = arith.constant 16 : i32
        %mul3A_248 = arith.muli %add3A_174, %mul3A_247 : i32
        %swap3A_249 = arith.constant 7 : i32
        %swap3A_250 = arith.index_cast %swap3A_249 : i32 to index
        %swap3A_251 = arith.index_cast %mul3A_248 : i32 to index
        %swap3A_252 = tpu.vector_load %arg7[%swap3A_250, %swap3A_251] {strides = array<i32>} : memref<16x3072xi32, #tpu.memory_space<vmem>>, vector<16xi32>,
        tpu.vector_store %arg7[%swap3A_250, %swap3A_251], %gather3A_246 {strides = array<i32>} : memref<16x3072xi32, #tpu.memory_space<vmem>>, vector<16xi32>,
        %broadcast_in_dim3A_253 = arith.constant 8 : i32
        %broadcast_in_dim3A_254 = vector.broadcast %broadcast_in_dim3A_253 : i32 to vector<16xi32>
        %gather3A_255 = tpu.vector_load_idx %arg5[%broadcast_in_dim3A_254, %get3A_180] : memref<16x2048xi32, #tpu.memory_space<vmem>>[vector<16xi32>, vector<16xi32>], vector<16xi32>,
        %mul3A_256 = arith.constant 16 : i32
        %mul3A_257 = arith.muli %add3A_174, %mul3A_256 : i32
        %swap3A_258 = arith.constant 8 : i32
        %swap3A_259 = arith.index_cast %swap3A_258 : i32 to index
        %swap3A_260 = arith.index_cast %mul3A_257 : i32 to index
        %swap3A_261 = tpu.vector_load %arg7[%swap3A_259, %swap3A_260] {strides = array<i32>} : memref<16x3072xi32, #tpu.memory_space<vmem>>, vector<16xi32>,
        tpu.vector_store %arg7[%swap3A_259, %swap3A_260], %gather3A_255 {strides = array<i32>} : memref<16x3072xi32, #tpu.memory_space<vmem>>, vector<16xi32>,
        %broadcast_in_dim3A_262 = arith.constant 9 : i32
        %broadcast_in_dim3A_263 = vector.broadcast %broadcast_in_dim3A_262 : i32 to vector<16xi32>
        %gather3A_264 = tpu.vector_load_idx %arg5[%broadcast_in_dim3A_263, %get3A_180] : memref<16x2048xi32, #tpu.memory_space<vmem>>[vector<16xi32>, vector<16xi32>], vector<16xi32>,
        %mul3A_265 = arith.constant 16 : i32
        %mul3A_266 = arith.muli %add3A_174, %mul3A_265 : i32
        %swap3A_267 = arith.constant 9 : i32
        %swap3A_268 = arith.index_cast %swap3A_267 : i32 to index
        %swap3A_269 = arith.index_cast %mul3A_266 : i32 to index
        %swap3A_270 = tpu.vector_load %arg7[%swap3A_268, %swap3A_269] {strides = array<i32>} : memref<16x3072xi32, #tpu.memory_space<vmem>>, vector<16xi32>,
        tpu.vector_store %arg7[%swap3A_268, %swap3A_269], %gather3A_264 {strides = array<i32>} : memref<16x3072xi32, #tpu.memory_space<vmem>>, vector<16xi32>,
        %broadcast_in_dim3A_271 = arith.constant 10 : i32
        %broadcast_in_dim3A_272 = vector.broadcast %broadcast_in_dim3A_271 : i32 to vector<16xi32>
        %gather3A_273 = tpu.vector_load_idx %arg5[%broadcast_in_dim3A_272, %get3A_180] : memref<16x2048xi32, #tpu.memory_space<vmem>>[vector<16xi32>, vector<16xi32>], vector<16xi32>,
        %mul3A_274 = arith.constant 16 : i32
        %mul3A_275 = arith.muli %add3A_174, %mul3A_274 : i32
        %swap3A_276 = arith.constant 10 : i32
        %swap3A_277 = arith.index_cast %swap3A_276 : i32 to index
        %swap3A_278 = arith.index_cast %mul3A_275 : i32 to index
        %swap3A_279 = tpu.vector_load %arg7[%swap3A_277, %swap3A_278] {strides = array<i32>} : memref<16x3072xi32, #tpu.memory_space<vmem>>, vector<16xi32>,
        tpu.vector_store %arg7[%swap3A_277, %swap3A_278], %gather3A_273 {strides = array<i32>} : memref<16x3072xi32, #tpu.memory_space<vmem>>, vector<16xi32>,
        %broadcast_in_dim3A_280 = arith.constant 11 : i32
        %broadcast_in_dim3A_281 = vector.broadcast %broadcast_in_dim3A_280 : i32 to vector<16xi32>
        %gather3A_282 = tpu.vector_load_idx %arg5[%broadcast_in_dim3A_281, %get3A_180] : memref<16x2048xi32, #tpu.memory_space<vmem>>[vector<16xi32>, vector<16xi32>], vector<16xi32>,
        %mul3A_283 = arith.constant 16 : i32
        %mul3A_284 = arith.muli %add3A_174, %mul3A_283 : i32
        %swap3A_285 = arith.constant 11 : i32
        %swap3A_286 = arith.index_cast %swap3A_285 : i32 to index
        %swap3A_287 = arith.index_cast %mul3A_284 : i32 to index
        %swap3A_288 = tpu.vector_load %arg7[%swap3A_286, %swap3A_287] {strides = array<i32>} : memref<16x3072xi32, #tpu.memory_space<vmem>>, vector<16xi32>,
        tpu.vector_store %arg7[%swap3A_286, %swap3A_287], %gather3A_282 {strides = array<i32>} : memref<16x3072xi32, #tpu.memory_space<vmem>>, vector<16xi32>,
        %broadcast_in_dim3A_289 = arith.constant 12 : i32
        %broadcast_in_dim3A_290 = vector.broadcast %broadcast_in_dim3A_289 : i32 to vector<16xi32>
        %gather3A_291 = tpu.vector_load_idx %arg5[%broadcast_in_dim3A_290, %get3A_180] : memref<16x2048xi32, #tpu.memory_space<vmem>>[vector<16xi32>, vector<16xi32>], vector<16xi32>,
        %mul3A_292 = arith.constant 16 : i32
        %mul3A_293 = arith.muli %add3A_174, %mul3A_292 : i32
        %swap3A_294 = arith.constant 12 : i32
        %swap3A_295 = arith.index_cast %swap3A_294 : i32 to index
        %swap3A_296 = arith.index_cast %mul3A_293 : i32 to index
        %swap3A_297 = tpu.vector_load %arg7[%swap3A_295, %swap3A_296] {strides = array<i32>} : memref<16x3072xi32, #tpu.memory_space<vmem>>, vector<16xi32>,
        tpu.vector_store %arg7[%swap3A_295, %swap3A_296], %gather3A_291 {strides = array<i32>} : memref<16x3072xi32, #tpu.memory_space<vmem>>, vector<16xi32>,
        %broadcast_in_dim3A_298 = arith.constant 13 : i32
        %broadcast_in_dim3A_299 = vector.broadcast %broadcast_in_dim3A_298 : i32 to vector<16xi32>
        %gather3A_300 = tpu.vector_load_idx %arg5[%broadcast_in_dim3A_299, %get3A_180] : memref<16x2048xi32, #tpu.memory_space<vmem>>[vector<16xi32>, vector<16xi32>], vector<16xi32>,
        %mul3A_301 = arith.constant 16 : i32
        %mul3A_302 = arith.muli %add3A_174, %mul3A_301 : i32
        %swap3A_303 = arith.constant 13 : i32
        %swap3A_304 = arith.index_cast %swap3A_303 : i32 to index
        %swap3A_305 = arith.index_cast %mul3A_302 : i32 to index
        %swap3A_306 = tpu.vector_load %arg7[%swap3A_304, %swap3A_305] {strides = array<i32>} : memref<16x3072xi32, #tpu.memory_space<vmem>>, vector<16xi32>,
        tpu.vector_store %arg7[%swap3A_304, %swap3A_305], %gather3A_300 {strides = array<i32>} : memref<16x3072xi32, #tpu.memory_space<vmem>>, vector<16xi32>,
        %broadcast_in_dim3A_307 = arith.constant 14 : i32
        %broadcast_in_dim3A_308 = vector.broadcast %broadcast_in_dim3A_307 : i32 to vector<16xi32>
        %gather3A_309 = tpu.vector_load_idx %arg5[%broadcast_in_dim3A_308, %get3A_180] : memref<16x2048xi32, #tpu.memory_space<vmem>>[vector<16xi32>, vector<16xi32>], vector<16xi32>,
        %mul3A_310 = arith.constant 16 : i32
        %mul3A_311 = arith.muli %add3A_174, %mul3A_310 : i32
        %swap3A_312 = arith.constant 14 : i32
        %swap3A_313 = arith.index_cast %swap3A_312 : i32 to index
        %swap3A_314 = arith.index_cast %mul3A_311 : i32 to index
        %swap3A_315 = tpu.vector_load %arg7[%swap3A_313, %swap3A_314] {strides = array<i32>} : memref<16x3072xi32, #tpu.memory_space<vmem>>, vector<16xi32>,
        tpu.vector_store %arg7[%swap3A_313, %swap3A_314], %gather3A_309 {strides = array<i32>} : memref<16x3072xi32, #tpu.memory_space<vmem>>, vector<16xi32>,
        %broadcast_in_dim3A_316 = arith.constant 15 : i32
        %broadcast_in_dim3A_317 = vector.broadcast %broadcast_in_dim3A_316 : i32 to vector<16xi32>
        %gather3A_318 = tpu.vector_load_idx %arg5[%broadcast_in_dim3A_317, %get3A_180] : memref<16x2048xi32, #tpu.memory_space<vmem>>[vector<16xi32>, vector<16xi32>], vector<16xi32>,
        %mul3A_319 = arith.constant 16 : i32
        %mul3A_320 = arith.muli %add3A_174, %mul3A_319 : i32
        %swap3A_321 = arith.constant 15 : i32
        %swap3A_322 = arith.index_cast %swap3A_321 : i32 to index
        %swap3A_323 = arith.index_cast %mul3A_320 : i32 to index
        %swap3A_324 = tpu.vector_load %arg7[%swap3A_322, %swap3A_323] {strides = array<i32>} : memref<16x3072xi32, #tpu.memory_space<vmem>>, vector<16xi32>,
        tpu.vector_store %arg7[%swap3A_322, %swap3A_323], %gather3A_318 {strides = array<i32>} : memref<16x3072xi32, #tpu.memory_space<vmem>>, vector<16xi32>,
        %scan3A_325 = arith.constant 2 : i32
        %scan3A_326 = arith.addi %scan3A_18, %scan3A_325 : i32
        %mul3A_327 = arith.constant 1 : i32
        %mul3A_328 = arith.muli %scan3A_326, %mul3A_327 : i32
        %add3A_329 = arith.constant 0 : i32
        %add3A_330 = arith.addi %add3A_329, %mul3A_328 : i32
        %mul3A_331 = arith.constant 16 : i32
        %mul3A_332 = arith.muli %add3A_330, %mul3A_331 : i32
        %add3A_333 = arith.constant 3072 : i32
        %add3A_334 = arith.addi %add3A_333, %mul3A_332 : i32
        %get3A_335 = arith.index_cast %add3A_334 : i32 to index
        %get3A_336 = tpu.vector_load %arg6[%get3A_335] {strides = array<i32>} : memref<6144xi32, #tpu.memory_space<vmem>>, vector<16xi32>,
        %broadcast_in_dim3A_337 = arith.constant 0 : i32
        %broadcast_in_dim3A_338 = vector.broadcast %broadcast_in_dim3A_337 : i32 to vector<16xi32>
        %gather3A_339 = tpu.vector_load_idx %arg5[%broadcast_in_dim3A_338, %get3A_336] : memref<16x2048xi32, #tpu.memory_space<vmem>>[vector<16xi32>, vector<16xi32>], vector<16xi32>,
        %mul3A_340 = arith.constant 16 : i32
        %mul3A_341 = arith.muli %add3A_330, %mul3A_340 : i32
        %swap3A_342 = arith.constant 0 : i32
        %swap3A_343 = arith.index_cast %swap3A_342 : i32 to index
        %swap3A_344 = arith.index_cast %mul3A_341 : i32 to index
        %swap3A_345 = tpu.vector_load %arg7[%swap3A_343, %swap3A_344] {strides = array<i32>} : memref<16x3072xi32, #tpu.memory_space<vmem>>, vector<16xi32>,
        tpu.vector_store %arg7[%swap3A_343, %swap3A_344], %gather3A_339 {strides = array<i32>} : memref<16x3072xi32, #tpu.memory_space<vmem>>, vector<16xi32>,
        %broadcast_in_dim3A_346 = arith.constant 1 : i32
        %broadcast_in_dim3A_347 = vector.broadcast %broadcast_in_dim3A_346 : i32 to vector<16xi32>
        %gather3A_348 = tpu.vector_load_idx %arg5[%broadcast_in_dim3A_347, %get3A_336] : memref<16x2048xi32, #tpu.memory_space<vmem>>[vector<16xi32>, vector<16xi32>], vector<16xi32>,
        %mul3A_349 = arith.constant 16 : i32
        %mul3A_350 = arith.muli %add3A_330, %mul3A_349 : i32
        %swap3A_351 = arith.constant 1 : i32
        %swap3A_352 = arith.index_cast %swap3A_351 : i32 to index
        %swap3A_353 = arith.index_cast %mul3A_350 : i32 to index
        %swap3A_354 = tpu.vector_load %arg7[%swap3A_352, %swap3A_353] {strides = array<i32>} : memref<16x3072xi32, #tpu.memory_space<vmem>>, vector<16xi32>,
        tpu.vector_store %arg7[%swap3A_352, %swap3A_353], %gather3A_348 {strides = array<i32>} : memref<16x3072xi32, #tpu.memory_space<vmem>>, vector<16xi32>,
        %broadcast_in_dim3A_355 = arith.constant 2 : i32
        %broadcast_in_dim3A_356 = vector.broadcast %broadcast_in_dim3A_355 : i32 to vector<16xi32>
        %gather3A_357 = tpu.vector_load_idx %arg5[%broadcast_in_dim3A_356, %get3A_336] : memref<16x2048xi32, #tpu.memory_space<vmem>>[vector<16xi32>, vector<16xi32>], vector<16xi32>,
        %mul3A_358 = arith.constant 16 : i32
        %mul3A_359 = arith.muli %add3A_330, %mul3A_358 : i32
        %swap3A_360 = arith.constant 2 : i32
        %swap3A_361 = arith.index_cast %swap3A_360 : i32 to index
        %swap3A_362 = arith.index_cast %mul3A_359 : i32 to index
        %swap3A_363 = tpu.vector_load %arg7[%swap3A_361, %swap3A_362] {strides = array<i32>} : memref<16x3072xi32, #tpu.memory_space<vmem>>, vector<16xi32>,
        tpu.vector_store %arg7[%swap3A_361, %swap3A_362], %gather3A_357 {strides = array<i32>} : memref<16x3072xi32, #tpu.memory_space<vmem>>, vector<16xi32>,
        %broadcast_in_dim3A_364 = arith.constant 3 : i32
        %broadcast_in_dim3A_365 = vector.broadcast %broadcast_in_dim3A_364 : i32 to vector<16xi32>
        %gather3A_366 = tpu.vector_load_idx %arg5[%broadcast_in_dim3A_365, %get3A_336] : memref<16x2048xi32, #tpu.memory_space<vmem>>[vector<16xi32>, vector<16xi32>], vector<16xi32>,
        %mul3A_367 = arith.constant 16 : i32
        %mul3A_368 = arith.muli %add3A_330, %mul3A_367 : i32
        %swap3A_369 = arith.constant 3 : i32
        %swap3A_370 = arith.index_cast %swap3A_369 : i32 to index
        %swap3A_371 = arith.index_cast %mul3A_368 : i32 to index
        %swap3A_372 = tpu.vector_load %arg7[%swap3A_370, %swap3A_371] {strides = array<i32>} : memref<16x3072xi32, #tpu.memory_space<vmem>>, vector<16xi32>,
        tpu.vector_store %arg7[%swap3A_370, %swap3A_371], %gather3A_366 {strides = array<i32>} : memref<16x3072xi32, #tpu.memory_space<vmem>>, vector<16xi32>,
        %broadcast_in_dim3A_373 = arith.constant 4 : i32
        %broadcast_in_dim3A_374 = vector.broadcast %broadcast_in_dim3A_373 : i32 to vector<16xi32>
        %gather3A_375 = tpu.vector_load_idx %arg5[%broadcast_in_dim3A_374, %get3A_336] : memref<16x2048xi32, #tpu.memory_space<vmem>>[vector<16xi32>, vector<16xi32>], vector<16xi32>,
        %mul3A_376 = arith.constant 16 : i32
        %mul3A_377 = arith.muli %add3A_330, %mul3A_376 : i32
        %swap3A_378 = arith.constant 4 : i32
        %swap3A_379 = arith.index_cast %swap3A_378 : i32 to index
        %swap3A_380 = arith.index_cast %mul3A_377 : i32 to index
        %swap3A_381 = tpu.vector_load %arg7[%swap3A_379, %swap3A_380] {strides = array<i32>} : memref<16x3072xi32, #tpu.memory_space<vmem>>, vector<16xi32>,
        tpu.vector_store %arg7[%swap3A_379, %swap3A_380], %gather3A_375 {strides = array<i32>} : memref<16x3072xi32, #tpu.memory_space<vmem>>, vector<16xi32>,
        %broadcast_in_dim3A_382 = arith.constant 5 : i32
        %broadcast_in_dim3A_383 = vector.broadcast %broadcast_in_dim3A_382 : i32 to vector<16xi32>
        %gather3A_384 = tpu.vector_load_idx %arg5[%broadcast_in_dim3A_383, %get3A_336] : memref<16x2048xi32, #tpu.memory_space<vmem>>[vector<16xi32>, vector<16xi32>], vector<16xi32>,
        %mul3A_385 = arith.constant 16 : i32
        %mul3A_386 = arith.muli %add3A_330, %mul3A_385 : i32
        %swap3A_387 = arith.constant 5 : i32
        %swap3A_388 = arith.index_cast %swap3A_387 : i32 to index
        %swap3A_389 = arith.index_cast %mul3A_386 : i32 to index
        %swap3A_390 = tpu.vector_load %arg7[%swap3A_388, %swap3A_389] {strides = array<i32>} : memref<16x3072xi32, #tpu.memory_space<vmem>>, vector<16xi32>,
        tpu.vector_store %arg7[%swap3A_388, %swap3A_389], %gather3A_384 {strides = array<i32>} : memref<16x3072xi32, #tpu.memory_space<vmem>>, vector<16xi32>,
        %broadcast_in_dim3A_391 = arith.constant 6 : i32
        %broadcast_in_dim3A_392 = vector.broadcast %broadcast_in_dim3A_391 : i32 to vector<16xi32>
        %gather3A_393 = tpu.vector_load_idx %arg5[%broadcast_in_dim3A_392, %get3A_336] : memref<16x2048xi32, #tpu.memory_space<vmem>>[vector<16xi32>, vector<16xi32>], vector<16xi32>,
        %mul3A_394 = arith.constant 16 : i32
        %mul3A_395 = arith.muli %add3A_330, %mul3A_394 : i32
        %swap3A_396 = arith.constant 6 : i32
        %swap3A_397 = arith.index_cast %swap3A_396 : i32 to index
        %swap3A_398 = arith.index_cast %mul3A_395 : i32 to index
        %swap3A_399 = tpu.vector_load %arg7[%swap3A_397, %swap3A_398] {strides = array<i32>} : memref<16x3072xi32, #tpu.memory_space<vmem>>, vector<16xi32>,
        tpu.vector_store %arg7[%swap3A_397, %swap3A_398], %gather3A_393 {strides = array<i32>} : memref<16x3072xi32, #tpu.memory_space<vmem>>, vector<16xi32>,
        %broadcast_in_dim3A_400 = arith.constant 7 : i32
        %broadcast_in_dim3A_401 = vector.broadcast %broadcast_in_dim3A_400 : i32 to vector<16xi32>
        %gather3A_402 = tpu.vector_load_idx %arg5[%broadcast_in_dim3A_401, %get3A_336] : memref<16x2048xi32, #tpu.memory_space<vmem>>[vector<16xi32>, vector<16xi32>], vector<16xi32>,
        %mul3A_403 = arith.constant 16 : i32
        %mul3A_404 = arith.muli %add3A_330, %mul3A_403 : i32
        %swap3A_405 = arith.constant 7 : i32
        %swap3A_406 = arith.index_cast %swap3A_405 : i32 to index
        %swap3A_407 = arith.index_cast %mul3A_404 : i32 to index
        %swap3A_408 = tpu.vector_load %arg7[%swap3A_406, %swap3A_407] {strides = array<i32>} : memref<16x3072xi32, #tpu.memory_space<vmem>>, vector<16xi32>,
        tpu.vector_store %arg7[%swap3A_406, %swap3A_407], %gather3A_402 {strides = array<i32>} : memref<16x3072xi32, #tpu.memory_space<vmem>>, vector<16xi32>,
        %broadcast_in_dim3A_409 = arith.constant 8 : i32
        %broadcast_in_dim3A_410 = vector.broadcast %broadcast_in_dim3A_409 : i32 to vector<16xi32>
        %gather3A_411 = tpu.vector_load_idx %arg5[%broadcast_in_dim3A_410, %get3A_336] : memref<16x2048xi32, #tpu.memory_space<vmem>>[vector<16xi32>, vector<16xi32>], vector<16xi32>,
        %mul3A_412 = arith.constant 16 : i32
        %mul3A_413 = arith.muli %add3A_330, %mul3A_412 : i32
        %swap3A_414 = arith.constant 8 : i32
        %swap3A_415 = arith.index_cast %swap3A_414 : i32 to index
        %swap3A_416 = arith.index_cast %mul3A_413 : i32 to index
        %swap3A_417 = tpu.vector_load %arg7[%swap3A_415, %swap3A_416] {strides = array<i32>} : memref<16x3072xi32, #tpu.memory_space<vmem>>, vector<16xi32>,
        tpu.vector_store %arg7[%swap3A_415, %swap3A_416], %gather3A_411 {strides = array<i32>} : memref<16x3072xi32, #tpu.memory_space<vmem>>, vector<16xi32>,
        %broadcast_in_dim3A_418 = arith.constant 9 : i32
        %broadcast_in_dim3A_419 = vector.broadcast %broadcast_in_dim3A_418 : i32 to vector<16xi32>
        %gather3A_420 = tpu.vector_load_idx %arg5[%broadcast_in_dim3A_419, %get3A_336] : memref<16x2048xi32, #tpu.memory_space<vmem>>[vector<16xi32>, vector<16xi32>], vector<16xi32>,
        %mul3A_421 = arith.constant 16 : i32
        %mul3A_422 = arith.muli %add3A_330, %mul3A_421 : i32
        %swap3A_423 = arith.constant 9 : i32
        %swap3A_424 = arith.index_cast %swap3A_423 : i32 to index
        %swap3A_425 = arith.index_cast %mul3A_422 : i32 to index
        %swap3A_426 = tpu.vector_load %arg7[%swap3A_424, %swap3A_425] {strides = array<i32>} : memref<16x3072xi32, #tpu.memory_space<vmem>>, vector<16xi32>,
        tpu.vector_store %arg7[%swap3A_424, %swap3A_425], %gather3A_420 {strides = array<i32>} : memref<16x3072xi32, #tpu.memory_space<vmem>>, vector<16xi32>,
        %broadcast_in_dim3A_427 = arith.constant 10 : i32
        %broadcast_in_dim3A_428 = vector.broadcast %broadcast_in_dim3A_427 : i32 to vector<16xi32>
        %gather3A_429 = tpu.vector_load_idx %arg5[%broadcast_in_dim3A_428, %get3A_336] : memref<16x2048xi32, #tpu.memory_space<vmem>>[vector<16xi32>, vector<16xi32>], vector<16xi32>,
        %mul3A_430 = arith.constant 16 : i32
        %mul3A_431 = arith.muli %add3A_330, %mul3A_430 : i32
        %swap3A_432 = arith.constant 10 : i32
        %swap3A_433 = arith.index_cast %swap3A_432 : i32 to index
        %swap3A_434 = arith.index_cast %mul3A_431 : i32 to index
        %swap3A_435 = tpu.vector_load %arg7[%swap3A_433, %swap3A_434] {strides = array<i32>} : memref<16x3072xi32, #tpu.memory_space<vmem>>, vector<16xi32>,
        tpu.vector_store %arg7[%swap3A_433, %swap3A_434], %gather3A_429 {strides = array<i32>} : memref<16x3072xi32, #tpu.memory_space<vmem>>, vector<16xi32>,
        %broadcast_in_dim3A_436 = arith.constant 11 : i32
        %broadcast_in_dim3A_437 = vector.broadcast %broadcast_in_dim3A_436 : i32 to vector<16xi32>
        %gather3A_438 = tpu.vector_load_idx %arg5[%broadcast_in_dim3A_437, %get3A_336] : memref<16x2048xi32, #tpu.memory_space<vmem>>[vector<16xi32>, vector<16xi32>], vector<16xi32>,
        %mul3A_439 = arith.constant 16 : i32
        %mul3A_440 = arith.muli %add3A_330, %mul3A_439 : i32
        %swap3A_441 = arith.constant 11 : i32
        %swap3A_442 = arith.index_cast %swap3A_441 : i32 to index
        %swap3A_443 = arith.index_cast %mul3A_440 : i32 to index
        %swap3A_444 = tpu.vector_load %arg7[%swap3A_442, %swap3A_443] {strides = array<i32>} : memref<16x3072xi32, #tpu.memory_space<vmem>>, vector<16xi32>,
        tpu.vector_store %arg7[%swap3A_442, %swap3A_443], %gather3A_438 {strides = array<i32>} : memref<16x3072xi32, #tpu.memory_space<vmem>>, vector<16xi32>,
        %broadcast_in_dim3A_445 = arith.constant 12 : i32
        %broadcast_in_dim3A_446 = vector.broadcast %broadcast_in_dim3A_445 : i32 to vector<16xi32>
        %gather3A_447 = tpu.vector_load_idx %arg5[%broadcast_in_dim3A_446, %get3A_336] : memref<16x2048xi32, #tpu.memory_space<vmem>>[vector<16xi32>, vector<16xi32>], vector<16xi32>,
        %mul3A_448 = arith.constant 16 : i32
        %mul3A_449 = arith.muli %add3A_330, %mul3A_448 : i32
        %swap3A_450 = arith.constant 12 : i32
        %swap3A_451 = arith.index_cast %swap3A_450 : i32 to index
        %swap3A_452 = arith.index_cast %mul3A_449 : i32 to index
        %swap3A_453 = tpu.vector_load %arg7[%swap3A_451, %swap3A_452] {strides = array<i32>} : memref<16x3072xi32, #tpu.memory_space<vmem>>, vector<16xi32>,
        tpu.vector_store %arg7[%swap3A_451, %swap3A_452], %gather3A_447 {strides = array<i32>} : memref<16x3072xi32, #tpu.memory_space<vmem>>, vector<16xi32>,
        %broadcast_in_dim3A_454 = arith.constant 13 : i32
        %broadcast_in_dim3A_455 = vector.broadcast %broadcast_in_dim3A_454 : i32 to vector<16xi32>
        %gather3A_456 = tpu.vector_load_idx %arg5[%broadcast_in_dim3A_455, %get3A_336] : memref<16x2048xi32, #tpu.memory_space<vmem>>[vector<16xi32>, vector<16xi32>], vector<16xi32>,
        %mul3A_457 = arith.constant 16 : i32
        %mul3A_458 = arith.muli %add3A_330, %mul3A_457 : i32
        %swap3A_459 = arith.constant 13 : i32
        %swap3A_460 = arith.index_cast %swap3A_459 : i32 to index
        %swap3A_461 = arith.index_cast %mul3A_458 : i32 to index
        %swap3A_462 = tpu.vector_load %arg7[%swap3A_460, %swap3A_461] {strides = array<i32>} : memref<16x3072xi32, #tpu.memory_space<vmem>>, vector<16xi32>,
        tpu.vector_store %arg7[%swap3A_460, %swap3A_461], %gather3A_456 {strides = array<i32>} : memref<16x3072xi32, #tpu.memory_space<vmem>>, vector<16xi32>,
        %broadcast_in_dim3A_463 = arith.constant 14 : i32
        %broadcast_in_dim3A_464 = vector.broadcast %broadcast_in_dim3A_463 : i32 to vector<16xi32>
        %gather3A_465 = tpu.vector_load_idx %arg5[%broadcast_in_dim3A_464, %get3A_336] : memref<16x2048xi32, #tpu.memory_space<vmem>>[vector<16xi32>, vector<16xi32>], vector<16xi32>,
        %mul3A_466 = arith.constant 16 : i32
        %mul3A_467 = arith.muli %add3A_330, %mul3A_466 : i32
        %swap3A_468 = arith.constant 14 : i32
        %swap3A_469 = arith.index_cast %swap3A_468 : i32 to index
        %swap3A_470 = arith.index_cast %mul3A_467 : i32 to index
        %swap3A_471 = tpu.vector_load %arg7[%swap3A_469, %swap3A_470] {strides = array<i32>} : memref<16x3072xi32, #tpu.memory_space<vmem>>, vector<16xi32>,
        tpu.vector_store %arg7[%swap3A_469, %swap3A_470], %gather3A_465 {strides = array<i32>} : memref<16x3072xi32, #tpu.memory_space<vmem>>, vector<16xi32>,
        %broadcast_in_dim3A_472 = arith.constant 15 : i32
        %broadcast_in_dim3A_473 = vector.broadcast %broadcast_in_dim3A_472 : i32 to vector<16xi32>
        %gather3A_474 = tpu.vector_load_idx %arg5[%broadcast_in_dim3A_473, %get3A_336] : memref<16x2048xi32, #tpu.memory_space<vmem>>[vector<16xi32>, vector<16xi32>], vector<16xi32>,
        %mul3A_475 = arith.constant 16 : i32
        %mul3A_476 = arith.muli %add3A_330, %mul3A_475 : i32
        %swap3A_477 = arith.constant 15 : i32
        %swap3A_478 = arith.index_cast %swap3A_477 : i32 to index
        %swap3A_479 = arith.index_cast %mul3A_476 : i32 to index
        %swap3A_480 = tpu.vector_load %arg7[%swap3A_478, %swap3A_479] {strides = array<i32>} : memref<16x3072xi32, #tpu.memory_space<vmem>>, vector<16xi32>,
        tpu.vector_store %arg7[%swap3A_478, %swap3A_479], %gather3A_474 {strides = array<i32>} : memref<16x3072xi32, #tpu.memory_space<vmem>>, vector<16xi32>,
        %scan3A_481 = arith.constant 3 : i32
        %scan3A_482 = arith.addi %scan3A_18, %scan3A_481 : i32
        %mul3A_483 = arith.constant 1 : i32
        %mul3A_484 = arith.muli %scan3A_482, %mul3A_483 : i32
        %add3A_485 = arith.constant 0 : i32
        %add3A_486 = arith.addi %add3A_485, %mul3A_484 : i32
        %mul3A_487 = arith.constant 16 : i32
        %mul3A_488 = arith.muli %add3A_486, %mul3A_487 : i32
        %add3A_489 = arith.constant 3072 : i32
        %add3A_490 = arith.addi %add3A_489, %mul3A_488 : i32
        %get3A_491 = arith.index_cast %add3A_490 : i32 to index
        %get3A_492 = tpu.vector_load %arg6[%get3A_491] {strides = array<i32>} : memref<6144xi32, #tpu.memory_space<vmem>>, vector<16xi32>,
        %broadcast_in_dim3A_493 = arith.constant 0 : i32
        %broadcast_in_dim3A_494 = vector.broadcast %broadcast_in_dim3A_493 : i32 to vector<16xi32>
        %gather3A_495 = tpu.vector_load_idx %arg5[%broadcast_in_dim3A_494, %get3A_492] : memref<16x2048xi32, #tpu.memory_space<vmem>>[vector<16xi32>, vector<16xi32>], vector<16xi32>,
        %mul3A_496 = arith.constant 16 : i32
        %mul3A_497 = arith.muli %add3A_486, %mul3A_496 : i32
        %swap3A_498 = arith.constant 0 : i32
        %swap3A_499 = arith.index_cast %swap3A_498 : i32 to index
        %swap3A_500 = arith.index_cast %mul3A_497 : i32 to index
        %swap3A_501 = tpu.vector_load %arg7[%swap3A_499, %swap3A_500] {strides = array<i32>} : memref<16x3072xi32, #tpu.memory_space<vmem>>, vector<16xi32>,
        tpu.vector_store %arg7[%swap3A_499, %swap3A_500], %gather3A_495 {strides = array<i32>} : memref<16x3072xi32, #tpu.memory_space<vmem>>, vector<16xi32>,
        %broadcast_in_dim3A_502 = arith.constant 1 : i32
        %broadcast_in_dim3A_503 = vector.broadcast %broadcast_in_dim3A_502 : i32 to vector<16xi32>
        %gather3A_504 = tpu.vector_load_idx %arg5[%broadcast_in_dim3A_503, %get3A_492] : memref<16x2048xi32, #tpu.memory_space<vmem>>[vector<16xi32>, vector<16xi32>], vector<16xi32>,
        %mul3A_505 = arith.constant 16 : i32
        %mul3A_506 = arith.muli %add3A_486, %mul3A_505 : i32
        %swap3A_507 = arith.constant 1 : i32
        %swap3A_508 = arith.index_cast %swap3A_507 : i32 to index
        %swap3A_509 = arith.index_cast %mul3A_506 : i32 to index
        %swap3A_510 = tpu.vector_load %arg7[%swap3A_508, %swap3A_509] {strides = array<i32>} : memref<16x3072xi32, #tpu.memory_space<vmem>>, vector<16xi32>,
        tpu.vector_store %arg7[%swap3A_508, %swap3A_509], %gather3A_504 {strides = array<i32>} : memref<16x3072xi32, #tpu.memory_space<vmem>>, vector<16xi32>,
        %broadcast_in_dim3A_511 = arith.constant 2 : i32
        %broadcast_in_dim3A_512 = vector.broadcast %broadcast_in_dim3A_511 : i32 to vector<16xi32>
        %gather3A_513 = tpu.vector_load_idx %arg5[%broadcast_in_dim3A_512, %get3A_492] : memref<16x2048xi32, #tpu.memory_space<vmem>>[vector<16xi32>, vector<16xi32>], vector<16xi32>,
        %mul3A_514 = arith.constant 16 : i32
        %mul3A_515 = arith.muli %add3A_486, %mul3A_514 : i32
        %swap3A_516 = arith.constant 2 : i32
        %swap3A_517 = arith.index_cast %swap3A_516 : i32 to index
        %swap3A_518 = arith.index_cast %mul3A_515 : i32 to index
        %swap3A_519 = tpu.vector_load %arg7[%swap3A_517, %swap3A_518] {strides = array<i32>} : memref<16x3072xi32, #tpu.memory_space<vmem>>, vector<16xi32>,
        tpu.vector_store %arg7[%swap3A_517, %swap3A_518], %gather3A_513 {strides = array<i32>} : memref<16x3072xi32, #tpu.memory_space<vmem>>, vector<16xi32>,
        %broadcast_in_dim3A_520 = arith.constant 3 : i32
        %broadcast_in_dim3A_521 = vector.broadcast %broadcast_in_dim3A_520 : i32 to vector<16xi32>
        %gather3A_522 = tpu.vector_load_idx %arg5[%broadcast_in_dim3A_521, %get3A_492] : memref<16x2048xi32, #tpu.memory_space<vmem>>[vector<16xi32>, vector<16xi32>], vector<16xi32>,
        %mul3A_523 = arith.constant 16 : i32
        %mul3A_524 = arith.muli %add3A_486, %mul3A_523 : i32
        %swap3A_525 = arith.constant 3 : i32
        %swap3A_526 = arith.index_cast %swap3A_525 : i32 to index
        %swap3A_527 = arith.index_cast %mul3A_524 : i32 to index
        %swap3A_528 = tpu.vector_load %arg7[%swap3A_526, %swap3A_527] {strides = array<i32>} : memref<16x3072xi32, #tpu.memory_space<vmem>>, vector<16xi32>,
        tpu.vector_store %arg7[%swap3A_526, %swap3A_527], %gather3A_522 {strides = array<i32>} : memref<16x3072xi32, #tpu.memory_space<vmem>>, vector<16xi32>,
        %broadcast_in_dim3A_529 = arith.constant 4 : i32
        %broadcast_in_dim3A_530 = vector.broadcast %broadcast_in_dim3A_529 : i32 to vector<16xi32>
        %gather3A_531 = tpu.vector_load_idx %arg5[%broadcast_in_dim3A_530, %get3A_492] : memref<16x2048xi32, #tpu.memory_space<vmem>>[vector<16xi32>, vector<16xi32>], vector<16xi32>,
        %mul3A_532 = arith.constant 16 : i32
        %mul3A_533 = arith.muli %add3A_486, %mul3A_532 : i32
        %swap3A_534 = arith.constant 4 : i32
        %swap3A_535 = arith.index_cast %swap3A_534 : i32 to index
        %swap3A_536 = arith.index_cast %mul3A_533 : i32 to index
        %swap3A_537 = tpu.vector_load %arg7[%swap3A_535, %swap3A_536] {strides = array<i32>} : memref<16x3072xi32, #tpu.memory_space<vmem>>, vector<16xi32>,
        tpu.vector_store %arg7[%swap3A_535, %swap3A_536], %gather3A_531 {strides = array<i32>} : memref<16x3072xi32, #tpu.memory_space<vmem>>, vector<16xi32>,
        %broadcast_in_dim3A_538 = arith.constant 5 : i32
        %broadcast_in_dim3A_539 = vector.broadcast %broadcast_in_dim3A_538 : i32 to vector<16xi32>
        %gather3A_540 = tpu.vector_load_idx %arg5[%broadcast_in_dim3A_539, %get3A_492] : memref<16x2048xi32, #tpu.memory_space<vmem>>[vector<16xi32>, vector<16xi32>], vector<16xi32>,
        %mul3A_541 = arith.constant 16 : i32
        %mul3A_542 = arith.muli %add3A_486, %mul3A_541 : i32
        %swap3A_543 = arith.constant 5 : i32
        %swap3A_544 = arith.index_cast %swap3A_543 : i32 to index
        %swap3A_545 = arith.index_cast %mul3A_542 : i32 to index
        %swap3A_546 = tpu.vector_load %arg7[%swap3A_544, %swap3A_545] {strides = array<i32>} : memref<16x3072xi32, #tpu.memory_space<vmem>>, vector<16xi32>,
        tpu.vector_store %arg7[%swap3A_544, %swap3A_545], %gather3A_540 {strides = array<i32>} : memref<16x3072xi32, #tpu.memory_space<vmem>>, vector<16xi32>,
        %broadcast_in_dim3A_547 = arith.constant 6 : i32
        %broadcast_in_dim3A_548 = vector.broadcast %broadcast_in_dim3A_547 : i32 to vector<16xi32>
        %gather3A_549 = tpu.vector_load_idx %arg5[%broadcast_in_dim3A_548, %get3A_492] : memref<16x2048xi32, #tpu.memory_space<vmem>>[vector<16xi32>, vector<16xi32>], vector<16xi32>,
        %mul3A_550 = arith.constant 16 : i32
        %mul3A_551 = arith.muli %add3A_486, %mul3A_550 : i32
        %swap3A_552 = arith.constant 6 : i32
        %swap3A_553 = arith.index_cast %swap3A_552 : i32 to index
        %swap3A_554 = arith.index_cast %mul3A_551 : i32 to index
        %swap3A_555 = tpu.vector_load %arg7[%swap3A_553, %swap3A_554] {strides = array<i32>} : memref<16x3072xi32, #tpu.memory_space<vmem>>, vector<16xi32>,
        tpu.vector_store %arg7[%swap3A_553, %swap3A_554], %gather3A_549 {strides = array<i32>} : memref<16x3072xi32, #tpu.memory_space<vmem>>, vector<16xi32>,
        %broadcast_in_dim3A_556 = arith.constant 7 : i32
        %broadcast_in_dim3A_557 = vector.broadcast %broadcast_in_dim3A_556 : i32 to vector<16xi32>
        %gather3A_558 = tpu.vector_load_idx %arg5[%broadcast_in_dim3A_557, %get3A_492] : memref<16x2048xi32, #tpu.memory_space<vmem>>[vector<16xi32>, vector<16xi32>], vector<16xi32>,
        %mul3A_559 = arith.constant 16 : i32
        %mul3A_560 = arith.muli %add3A_486, %mul3A_559 : i32
        %swap3A_561 = arith.constant 7 : i32
        %swap3A_562 = arith.index_cast %swap3A_561 : i32 to index
        %swap3A_563 = arith.index_cast %mul3A_560 : i32 to index
        %swap3A_564 = tpu.vector_load %arg7[%swap3A_562, %swap3A_563] {strides = array<i32>} : memref<16x3072xi32, #tpu.memory_space<vmem>>, vector<16xi32>,
        tpu.vector_store %arg7[%swap3A_562, %swap3A_563], %gather3A_558 {strides = array<i32>} : memref<16x3072xi32, #tpu.memory_space<vmem>>, vector<16xi32>,
        %broadcast_in_dim3A_565 = arith.constant 8 : i32
        %broadcast_in_dim3A_566 = vector.broadcast %broadcast_in_dim3A_565 : i32 to vector<16xi32>
        %gather3A_567 = tpu.vector_load_idx %arg5[%broadcast_in_dim3A_566, %get3A_492] : memref<16x2048xi32, #tpu.memory_space<vmem>>[vector<16xi32>, vector<16xi32>], vector<16xi32>,
        %mul3A_568 = arith.constant 16 : i32
        %mul3A_569 = arith.muli %add3A_486, %mul3A_568 : i32
        %swap3A_570 = arith.constant 8 : i32
        %swap3A_571 = arith.index_cast %swap3A_570 : i32 to index
        %swap3A_572 = arith.index_cast %mul3A_569 : i32 to index
        %swap3A_573 = tpu.vector_load %arg7[%swap3A_571, %swap3A_572] {strides = array<i32>} : memref<16x3072xi32, #tpu.memory_space<vmem>>, vector<16xi32>,
        tpu.vector_store %arg7[%swap3A_571, %swap3A_572], %gather3A_567 {strides = array<i32>} : memref<16x3072xi32, #tpu.memory_space<vmem>>, vector<16xi32>,
        %broadcast_in_dim3A_574 = arith.constant 9 : i32
        %broadcast_in_dim3A_575 = vector.broadcast %broadcast_in_dim3A_574 : i32 to vector<16xi32>
        %gather3A_576 = tpu.vector_load_idx %arg5[%broadcast_in_dim3A_575, %get3A_492] : memref<16x2048xi32, #tpu.memory_space<vmem>>[vector<16xi32>, vector<16xi32>], vector<16xi32>,
        %mul3A_577 = arith.constant 16 : i32
        %mul3A_578 = arith.muli %add3A_486, %mul3A_577 : i32
        %swap3A_579 = arith.constant 9 : i32
        %swap3A_580 = arith.index_cast %swap3A_579 : i32 to index
        %swap3A_581 = arith.index_cast %mul3A_578 : i32 to index
        %swap3A_582 = tpu.vector_load %arg7[%swap3A_580, %swap3A_581] {strides = array<i32>} : memref<16x3072xi32, #tpu.memory_space<vmem>>, vector<16xi32>,
        tpu.vector_store %arg7[%swap3A_580, %swap3A_581], %gather3A_576 {strides = array<i32>} : memref<16x3072xi32, #tpu.memory_space<vmem>>, vector<16xi32>,
        %broadcast_in_dim3A_583 = arith.constant 10 : i32
        %broadcast_in_dim3A_584 = vector.broadcast %broadcast_in_dim3A_583 : i32 to vector<16xi32>
        %gather3A_585 = tpu.vector_load_idx %arg5[%broadcast_in_dim3A_584, %get3A_492] : memref<16x2048xi32, #tpu.memory_space<vmem>>[vector<16xi32>, vector<16xi32>], vector<16xi32>,
        %mul3A_586 = arith.constant 16 : i32
        %mul3A_587 = arith.muli %add3A_486, %mul3A_586 : i32
        %swap3A_588 = arith.constant 10 : i32
        %swap3A_589 = arith.index_cast %swap3A_588 : i32 to index
        %swap3A_590 = arith.index_cast %mul3A_587 : i32 to index
        %swap3A_591 = tpu.vector_load %arg7[%swap3A_589, %swap3A_590] {strides = array<i32>} : memref<16x3072xi32, #tpu.memory_space<vmem>>, vector<16xi32>,
        tpu.vector_store %arg7[%swap3A_589, %swap3A_590], %gather3A_585 {strides = array<i32>} : memref<16x3072xi32, #tpu.memory_space<vmem>>, vector<16xi32>,
        %broadcast_in_dim3A_592 = arith.constant 11 : i32
        %broadcast_in_dim3A_593 = vector.broadcast %broadcast_in_dim3A_592 : i32 to vector<16xi32>
        %gather3A_594 = tpu.vector_load_idx %arg5[%broadcast_in_dim3A_593, %get3A_492] : memref<16x2048xi32, #tpu.memory_space<vmem>>[vector<16xi32>, vector<16xi32>], vector<16xi32>,
        %mul3A_595 = arith.constant 16 : i32
        %mul3A_596 = arith.muli %add3A_486, %mul3A_595 : i32
        %swap3A_597 = arith.constant 11 : i32
        %swap3A_598 = arith.index_cast %swap3A_597 : i32 to index
        %swap3A_599 = arith.index_cast %mul3A_596 : i32 to index
        %swap3A_600 = tpu.vector_load %arg7[%swap3A_598, %swap3A_599] {strides = array<i32>} : memref<16x3072xi32, #tpu.memory_space<vmem>>, vector<16xi32>,
        tpu.vector_store %arg7[%swap3A_598, %swap3A_599], %gather3A_594 {strides = array<i32>} : memref<16x3072xi32, #tpu.memory_space<vmem>>, vector<16xi32>,
        %broadcast_in_dim3A_601 = arith.constant 12 : i32
        %broadcast_in_dim3A_602 = vector.broadcast %broadcast_in_dim3A_601 : i32 to vector<16xi32>
        %gather3A_603 = tpu.vector_load_idx %arg5[%broadcast_in_dim3A_602, %get3A_492] : memref<16x2048xi32, #tpu.memory_space<vmem>>[vector<16xi32>, vector<16xi32>], vector<16xi32>,
        %mul3A_604 = arith.constant 16 : i32
        %mul3A_605 = arith.muli %add3A_486, %mul3A_604 : i32
        %swap3A_606 = arith.constant 12 : i32
        %swap3A_607 = arith.index_cast %swap3A_606 : i32 to index
        %swap3A_608 = arith.index_cast %mul3A_605 : i32 to index
        %swap3A_609 = tpu.vector_load %arg7[%swap3A_607, %swap3A_608] {strides = array<i32>} : memref<16x3072xi32, #tpu.memory_space<vmem>>, vector<16xi32>,
        tpu.vector_store %arg7[%swap3A_607, %swap3A_608], %gather3A_603 {strides = array<i32>} : memref<16x3072xi32, #tpu.memory_space<vmem>>, vector<16xi32>,
        %broadcast_in_dim3A_610 = arith.constant 13 : i32
        %broadcast_in_dim3A_611 = vector.broadcast %broadcast_in_dim3A_610 : i32 to vector<16xi32>
        %gather3A_612 = tpu.vector_load_idx %arg5[%broadcast_in_dim3A_611, %get3A_492] : memref<16x2048xi32, #tpu.memory_space<vmem>>[vector<16xi32>, vector<16xi32>], vector<16xi32>,
        %mul3A_613 = arith.constant 16 : i32
        %mul3A_614 = arith.muli %add3A_486, %mul3A_613 : i32
        %swap3A_615 = arith.constant 13 : i32
        %swap3A_616 = arith.index_cast %swap3A_615 : i32 to index
        %swap3A_617 = arith.index_cast %mul3A_614 : i32 to index
        %swap3A_618 = tpu.vector_load %arg7[%swap3A_616, %swap3A_617] {strides = array<i32>} : memref<16x3072xi32, #tpu.memory_space<vmem>>, vector<16xi32>,
        tpu.vector_store %arg7[%swap3A_616, %swap3A_617], %gather3A_612 {strides = array<i32>} : memref<16x3072xi32, #tpu.memory_space<vmem>>, vector<16xi32>,
        %broadcast_in_dim3A_619 = arith.constant 14 : i32
        %broadcast_in_dim3A_620 = vector.broadcast %broadcast_in_dim3A_619 : i32 to vector<16xi32>
        %gather3A_621 = tpu.vector_load_idx %arg5[%broadcast_in_dim3A_620, %get3A_492] : memref<16x2048xi32, #tpu.memory_space<vmem>>[vector<16xi32>, vector<16xi32>], vector<16xi32>,
        %mul3A_622 = arith.constant 16 : i32
        %mul3A_623 = arith.muli %add3A_486, %mul3A_622 : i32
        %swap3A_624 = arith.constant 14 : i32
        %swap3A_625 = arith.index_cast %swap3A_624 : i32 to index
        %swap3A_626 = arith.index_cast %mul3A_623 : i32 to index
        %swap3A_627 = tpu.vector_load %arg7[%swap3A_625, %swap3A_626] {strides = array<i32>} : memref<16x3072xi32, #tpu.memory_space<vmem>>, vector<16xi32>,
        tpu.vector_store %arg7[%swap3A_625, %swap3A_626], %gather3A_621 {strides = array<i32>} : memref<16x3072xi32, #tpu.memory_space<vmem>>, vector<16xi32>,
        %broadcast_in_dim3A_628 = arith.constant 15 : i32
        %broadcast_in_dim3A_629 = vector.broadcast %broadcast_in_dim3A_628 : i32 to vector<16xi32>
        %gather3A_630 = tpu.vector_load_idx %arg5[%broadcast_in_dim3A_629, %get3A_492] : memref<16x2048xi32, #tpu.memory_space<vmem>>[vector<16xi32>, vector<16xi32>], vector<16xi32>,
        %mul3A_631 = arith.constant 16 : i32
        %mul3A_632 = arith.muli %add3A_486, %mul3A_631 : i32
        %swap3A_633 = arith.constant 15 : i32
        %swap3A_634 = arith.index_cast %swap3A_633 : i32 to index
        %swap3A_635 = arith.index_cast %mul3A_632 : i32 to index
        %swap3A_636 = tpu.vector_load %arg7[%swap3A_634, %swap3A_635] {strides = array<i32>} : memref<16x3072xi32, #tpu.memory_space<vmem>>, vector<16xi32>,
        tpu.vector_store %arg7[%swap3A_634, %swap3A_635], %gather3A_630 {strides = array<i32>} : memref<16x3072xi32, #tpu.memory_space<vmem>>, vector<16xi32>,
      }
      %scan3A_15 = arith.constant 192 : i32
      %mul3A_16 = arith.constant 16 : i32
      %mul3A_17 = arith.muli %add3A, %mul3A_16 : i32
      "tpu.region"() ({
        %run_scoped3A = tpu.sem_alloc : memref<!tpu.dma_semaphore, #tpu.memory_space<semaphore_mem>>
        %dma_start3A = arith.constant 3072 : i32
        %dma_start3A_18 = tpu.memref_slice %arg4[%mul3A_17, %dma_start3A] : memref<384x6144xi32, #tpu.memory_space<hbm>> -> memref<16x3072xi32, #tpu.memory_space<hbm>>
        %dma_start3A_19 = arith.constant 3072 : i32
        %dma_start3A_20 = tpu.memref_slice %arg4[%mul3A_17, %dma_start3A_19] : memref<384x6144xi32, #tpu.memory_space<hbm>> -> memref<16x3072xi32, #tpu.memory_space<hbm>>
        tpu.enqueue_dma source(%arg7 : memref<16x3072xi32, #tpu.memory_space<vmem>>) target(%dma_start3A_20 : memref<16x3072xi32, #tpu.memory_space<hbm>>) target_semaphore(%run_scoped3A : memref<!tpu.dma_semaphore, #tpu.memory_space<semaphore_mem>>)
        %dma_wait3A = arith.constant 3072 : i32
        %dma_wait3A_21 = tpu.memref_slice %arg4[%mul3A_17, %dma_wait3A] : memref<384x6144xi32, #tpu.memory_space<hbm>> -> memref<16x3072xi32, #tpu.memory_space<hbm>>
        %dma_wait3A_22 = arith.constant 3072 : i32
        %dma_wait3A_23 = tpu.memref_slice %arg4[%mul3A_17, %dma_wait3A_22] : memref<384x6144xi32, #tpu.memory_space<hbm>> -> memref<16x3072xi32, #tpu.memory_space<hbm>>
        tpu.wait_dma2 semaphore(%run_scoped3A : memref<!tpu.dma_semaphore, #tpu.memory_space<semaphore_mem>>) src(%arg7 : memref<16x3072xi32, #tpu.memory_space<vmem>>) dst(%dma_wait3A_23 : memref<16x3072xi32, #tpu.memory_space<hbm>>)
        tpu.yield
      }) : () -> ()
    } else {
    }
    return
  }
}

#map = affine_map<(d0, d1) -> (0)>
module attributes {stable_mosaic.version = 14 : i64} {
  func.func @_sc_scatter_body(%arg0: i32, %arg1: i32, %arg2: memref<2048xi32, #tpu.memory_space<hbm>>, %arg3: memref<2048xi32, #tpu.memory_space<hbm>>, %arg4: memref<2048xf32, #tpu.memory_space<hbm>>, %arg5: memref<2048xf32, #tpu.memory_space<hbm>>, %arg6: memref<6144xi32, #tpu.memory_space<hbm>>, %arg7: memref<6144xf32, #tpu.memory_space<hbm>>, %arg8: memref<2048xi32, #tpu.memory_space<vmem>>, %arg9: memref<2048xi32, #tpu.memory_space<vmem>>, %arg10: memref<2048xf32, #tpu.memory_space<vmem>>, %arg11: memref<2048xf32, #tpu.memory_space<vmem>>, %arg12: memref<6144xi32, #tpu.memory_space<vmem>>, %arg13: memref<6144xf32, #tpu.memory_space<vmem>>) attributes {dimension_semantics = [#tpu.dimension_semantics<core_parallel>, #tpu.dimension_semantics<subcore_parallel>], iteration_bounds = array<i64: 2, 16>, scalar_prefetch = 0 : i64, scratch_operands = 6 : i64, tpu.core_type = #tpu.core_type<sc_vector_subcore>, window_params = [{transform_indices = #map}, {transform_indices = #map}, {transform_indices = #map}, {transform_indices = #map}, {transform_indices = #map}, {transform_indices = #map}]} {
    %mul3A = arith.constant 2 : i32
    %mul3A_0 = arith.muli %arg1, %mul3A : i32
    %add3A = arith.addi %mul3A_0, %arg0 : i32
    %eq3A = arith.constant 0 : i32
    %eq3A_1 = arith.cmpi eq, %add3A, %eq3A : i32
    %convert_element_type3A = arith.extui %eq3A_1 : i1 to i32
    %cond3A = arith.constant 0 : i32
    %cond3A_2 = arith.cmpi ne, %convert_element_type3A, %cond3A : i32
    scf.if %cond3A_2 {
      "tpu.region"() ({
        %run_scoped3A = tpu.sem_alloc : memref<!tpu.dma_semaphore, #tpu.memory_space<semaphore_mem>>
        tpu.enqueue_dma source(%arg2 : memref<2048xi32, #tpu.memory_space<hbm>>) target(%arg8 : memref<2048xi32, #tpu.memory_space<vmem>>) target_semaphore(%run_scoped3A : memref<!tpu.dma_semaphore, #tpu.memory_space<semaphore_mem>>)
        tpu.wait_dma2 semaphore(%run_scoped3A : memref<!tpu.dma_semaphore, #tpu.memory_space<semaphore_mem>>) src(%arg2 : memref<2048xi32, #tpu.memory_space<hbm>>) dst(%arg8 : memref<2048xi32, #tpu.memory_space<vmem>>)
        tpu.yield
      }) : () -> ()
      "tpu.region"() ({
        %run_scoped3A = tpu.sem_alloc : memref<!tpu.dma_semaphore, #tpu.memory_space<semaphore_mem>>
        tpu.enqueue_dma source(%arg3 : memref<2048xi32, #tpu.memory_space<hbm>>) target(%arg9 : memref<2048xi32, #tpu.memory_space<vmem>>) target_semaphore(%run_scoped3A : memref<!tpu.dma_semaphore, #tpu.memory_space<semaphore_mem>>)
        tpu.wait_dma2 semaphore(%run_scoped3A : memref<!tpu.dma_semaphore, #tpu.memory_space<semaphore_mem>>) src(%arg3 : memref<2048xi32, #tpu.memory_space<hbm>>) dst(%arg9 : memref<2048xi32, #tpu.memory_space<vmem>>)
        tpu.yield
      }) : () -> ()
      "tpu.region"() ({
        %run_scoped3A = tpu.sem_alloc : memref<!tpu.dma_semaphore, #tpu.memory_space<semaphore_mem>>
        tpu.enqueue_dma source(%arg4 : memref<2048xf32, #tpu.memory_space<hbm>>) target(%arg10 : memref<2048xf32, #tpu.memory_space<vmem>>) target_semaphore(%run_scoped3A : memref<!tpu.dma_semaphore, #tpu.memory_space<semaphore_mem>>)
        tpu.wait_dma2 semaphore(%run_scoped3A : memref<!tpu.dma_semaphore, #tpu.memory_space<semaphore_mem>>) src(%arg4 : memref<2048xf32, #tpu.memory_space<hbm>>) dst(%arg10 : memref<2048xf32, #tpu.memory_space<vmem>>)
        tpu.yield
      }) : () -> ()
      "tpu.region"() ({
        %run_scoped3A = tpu.sem_alloc : memref<!tpu.dma_semaphore, #tpu.memory_space<semaphore_mem>>
        tpu.enqueue_dma source(%arg5 : memref<2048xf32, #tpu.memory_space<hbm>>) target(%arg11 : memref<2048xf32, #tpu.memory_space<vmem>>) target_semaphore(%run_scoped3A : memref<!tpu.dma_semaphore, #tpu.memory_space<semaphore_mem>>)
        tpu.wait_dma2 semaphore(%run_scoped3A : memref<!tpu.dma_semaphore, #tpu.memory_space<semaphore_mem>>) src(%arg5 : memref<2048xf32, #tpu.memory_space<hbm>>) dst(%arg11 : memref<2048xf32, #tpu.memory_space<vmem>>)
        tpu.yield
      }) : () -> ()
      %scan3A = arith.constant 0 : i32
      %scan3A_3 = arith.constant 384 : i32
      %scan3A_4 = arith.addi %scan3A, %scan3A_3 : i32
      %scan3A_5 = arith.constant 1 : i32
      scf.for %scan3A_12 = %scan3A to %scan3A_4 step %scan3A_5  : i32 {
        %mul3A_13 = arith.constant 1 : i32
        %mul3A_14 = arith.muli %scan3A_12, %mul3A_13 : i32
        %add3A_15 = arith.constant 0 : i32
        %add3A_16 = arith.addi %add3A_15, %mul3A_14 : i32
        %broadcast_in_dim3A = arith.constant 0 : i32
        %broadcast_in_dim3A_17 = vector.broadcast %broadcast_in_dim3A : i32 to vector<16xi32>
        %mul3A_18 = arith.constant 16 : i32
        %mul3A_19 = arith.muli %add3A_16, %mul3A_18 : i32
        %swap3A = arith.index_cast %mul3A_19 : i32 to index
        %swap3A_20 = tpu.vector_load %arg12[%swap3A] {strides = array<i32>} : memref<6144xi32, #tpu.memory_space<vmem>>, vector<16xi32>,
        tpu.vector_store %arg12[%swap3A], %broadcast_in_dim3A_17 {strides = array<i32>} : memref<6144xi32, #tpu.memory_space<vmem>>, vector<16xi32>,
        %broadcast_in_dim3A_21 = arith.constant 0.000000e+00 : f32
        %broadcast_in_dim3A_22 = vector.broadcast %broadcast_in_dim3A_21 : f32 to vector<16xf32>
        %mul3A_23 = arith.constant 16 : i32
        %mul3A_24 = arith.muli %add3A_16, %mul3A_23 : i32
        %swap3A_25 = arith.index_cast %mul3A_24 : i32 to index
        %swap3A_26 = tpu.vector_load %arg13[%swap3A_25] {strides = array<i32>} : memref<6144xf32, #tpu.memory_space<vmem>>, vector<16xf32>,
        tpu.vector_store %arg13[%swap3A_25], %broadcast_in_dim3A_22 {strides = array<i32>} : memref<6144xf32, #tpu.memory_space<vmem>>, vector<16xf32>,
      }
      %scan3A_6 = arith.constant 384 : i32
      %scan3A_7 = arith.constant 0 : i32
      %scan3A_8 = arith.constant 128 : i32
      %scan3A_9 = arith.addi %scan3A_7, %scan3A_8 : i32
      %scan3A_10 = arith.constant 1 : i32
      scf.for %scan3A_12 = %scan3A_7 to %scan3A_9 step %scan3A_10  : i32 {
        %mul3A_13 = arith.constant 1 : i32
        %mul3A_14 = arith.muli %scan3A_12, %mul3A_13 : i32
        %add3A_15 = arith.constant 0 : i32
        %add3A_16 = arith.addi %add3A_15, %mul3A_14 : i32
        %mul3A_17 = arith.constant 16 : i32
        %mul3A_18 = arith.muli %add3A_16, %mul3A_17 : i32
        %iota3A = tpu.iota {dimensions = array<i32: 0>} : vector<16xi32>
        %add3A_19 = vector.broadcast %mul3A_18 : i32 to vector<16xi32>
        %add3A_20 = arith.addi %iota3A, %add3A_19 : vector<16xi32>
        %get3A = arith.index_cast %mul3A_18 : i32 to index
        %get3A_21 = tpu.vector_load %arg8[%get3A] {strides = array<i32>} : memref<2048xi32, #tpu.memory_space<vmem>>, vector<16xi32>,
        %get3A_22 = arith.index_cast %mul3A_18 : i32 to index
        %get3A_23 = tpu.vector_load %arg9[%get3A_22] {strides = array<i32>} : memref<2048xi32, #tpu.memory_space<vmem>>, vector<16xi32>,
        tpu.vector_store_idx %arg12[%get3A_21], %add3A_20 : memref<6144xi32, #tpu.memory_space<vmem>>[vector<16xi32>], vector<16xi32>,
        %get3A_24 = arith.index_cast %mul3A_18 : i32 to index
        %get3A_25 = tpu.vector_load %arg10[%get3A_24] {strides = array<i32>} : memref<2048xf32, #tpu.memory_space<vmem>>, vector<16xf32>,
        tpu.vector_store_idx %arg13[%get3A_21], %get3A_25 : memref<6144xf32, #tpu.memory_space<vmem>>[vector<16xi32>], vector<16xf32>,
        tpu.vector_store_idx %arg12[%get3A_23], %add3A_20 : memref<6144xi32, #tpu.memory_space<vmem>>[vector<16xi32>], vector<16xi32>,
        %get3A_26 = arith.index_cast %mul3A_18 : i32 to index
        %get3A_27 = tpu.vector_load %arg11[%get3A_26] {strides = array<i32>} : memref<2048xf32, #tpu.memory_space<vmem>>, vector<16xf32>,
        tpu.vector_store_idx %arg13[%get3A_23], %get3A_27 : memref<6144xf32, #tpu.memory_space<vmem>>[vector<16xi32>], vector<16xf32>,
      }
      %scan3A_11 = arith.constant 128 : i32
      "tpu.region"() ({
        %run_scoped3A = tpu.sem_alloc : memref<!tpu.dma_semaphore, #tpu.memory_space<semaphore_mem>>
        tpu.enqueue_dma source(%arg12 : memref<6144xi32, #tpu.memory_space<vmem>>) target(%arg6 : memref<6144xi32, #tpu.memory_space<hbm>>) target_semaphore(%run_scoped3A : memref<!tpu.dma_semaphore, #tpu.memory_space<semaphore_mem>>)
        tpu.wait_dma2 semaphore(%run_scoped3A : memref<!tpu.dma_semaphore, #tpu.memory_space<semaphore_mem>>) src(%arg12 : memref<6144xi32, #tpu.memory_space<vmem>>) dst(%arg6 : memref<6144xi32, #tpu.memory_space<hbm>>)
        tpu.yield
      }) : () -> ()
      "tpu.region"() ({
        %run_scoped3A = tpu.sem_alloc : memref<!tpu.dma_semaphore, #tpu.memory_space<semaphore_mem>>
        tpu.enqueue_dma source(%arg13 : memref<6144xf32, #tpu.memory_space<vmem>>) target(%arg7 : memref<6144xf32, #tpu.memory_space<hbm>>) target_semaphore(%run_scoped3A : memref<!tpu.dma_semaphore, #tpu.memory_space<semaphore_mem>>)
        tpu.wait_dma2 semaphore(%run_scoped3A : memref<!tpu.dma_semaphore, #tpu.memory_space<semaphore_mem>>) src(%arg13 : memref<6144xf32, #tpu.memory_space<vmem>>) dst(%arg7 : memref<6144xf32, #tpu.memory_space<hbm>>)
        tpu.yield
      }) : () -> ()
    } else {
    }
    return
  }
}

module attributes {stable_mosaic.version = 14 : i64} {
  func.func @_moe_body(%arg0: i32, %arg1: memref<24xi32, #tpu.memory_space<smem>>, %arg2: memref<384x256xi32, #tpu.memory_space<vmem>>, %arg3: memref<1x1024x768xf32, #tpu.memory_space<vmem>>, %arg4: memref<1x1024x768xf32, #tpu.memory_space<vmem>>, %arg5: memref<1x768x1024xf32, #tpu.memory_space<vmem>>, %arg6: memref<1x1x256xf32, #tpu.memory_space<vmem>>, %arg7: memref<384x256xi32, #tpu.memory_space<vmem>>, %arg8: memref<1024x768xbf16, #tpu.memory_space<vmem>>, %arg9: memref<1024x768xbf16, #tpu.memory_space<vmem>>, %arg10: memref<768x1024xbf16, #tpu.memory_space<vmem>>) attributes {dimension_semantics = [#tpu.dimension_semantics<arbitrary>], iteration_bounds = array<i64: 24>, scalar_prefetch = 1 : i64, scratch_operands = 3 : i64, tpu.core_type = #tpu.core_type<tc>, window_params = [{transform_indices = @transform_0, window_bounds = array<i64: 384, 256>}, {transform_indices = @transform_1, window_bounds = array<i64: 1, 1024, 768>}, {transform_indices = @transform_2, window_bounds = array<i64: 1, 1024, 768>}, {transform_indices = @transform_3, window_bounds = array<i64: 1, 768, 1024>}, {transform_indices = @transform_4, window_bounds = array<i64: 1, 1, 256>}, {transform_indices = @transform_5, window_bounds = array<i64: 384, 256>}]} {
    %eq3A = arith.constant 0 : i32
    %eq3A_0 = arith.cmpi eq, %arg0, %eq3A : i32
    %get3A = arith.index_cast %arg0 : i32 to index
    %get3A_1 = memref.load %arg1[%get3A] : memref<24xi32, #tpu.memory_space<smem>>
    %sub3A = arith.constant 1 : i32
    %sub3A_2 = arith.subi %arg0, %sub3A : i32
    %max3A = arith.constant 0 : i32
    %max3A_3 = arith.maxsi %sub3A_2, %max3A : i32
    %get3A_4 = arith.index_cast %max3A_3 : i32 to index
    %get3A_5 = memref.load %arg1[%get3A_4] : memref<24xi32, #tpu.memory_space<smem>>
    %ne3A = arith.cmpi ne, %get3A_1, %get3A_5 : i32
    %or3A = arith.ori %eq3A_0, %ne3A : i1
    %convert_element_type3A = arith.extui %or3A : i1 to i32
    %cond3A = arith.constant 0 : i32
    %cond3A_6 = arith.cmpi ne, %convert_element_type3A, %cond3A : i32
    scf.if %cond3A_6 {
      %get3A_57 = arith.constant 0 : index
      %get3A_58 = arith.constant 0 : index
      %get3A_59 = arith.constant 0 : index
      %get3A_60 = vector.load %arg3[%get3A_57, %get3A_58, %get3A_59] : memref<1x1024x768xf32, #tpu.memory_space<vmem>>, vector<1x1024x768xf32>
      %get3A_61 = vector.shape_cast %get3A_60 : vector<1x1024x768xf32> to vector<1024x768xf32>
      %convert_element_type3A_62 = arith.truncf %get3A_61 : vector<1024x768xf32> to vector<1024x768xbf16>
      %swap3A_63 = arith.constant 0 : index
      %swap3A_64 = arith.constant 0 : index
      %swap3A_65 = vector.load %arg8[%swap3A_63, %swap3A_64] : memref<1024x768xbf16, #tpu.memory_space<vmem>>, vector<1024x768xbf16>
      tpu.vector_store %arg8[%swap3A_63, %swap3A_64], %convert_element_type3A_62 {strides = array<i32>} : memref<1024x768xbf16, #tpu.memory_space<vmem>>, vector<1024x768xbf16>,
      %get3A_66 = arith.constant 0 : index
      %get3A_67 = arith.constant 0 : index
      %get3A_68 = arith.constant 0 : index
      %get3A_69 = vector.load %arg4[%get3A_66, %get3A_67, %get3A_68] : memref<1x1024x768xf32, #tpu.memory_space<vmem>>, vector<1x1024x768xf32>
      %get3A_70 = vector.shape_cast %get3A_69 : vector<1x1024x768xf32> to vector<1024x768xf32>
      %convert_element_type3A_71 = arith.truncf %get3A_70 : vector<1024x768xf32> to vector<1024x768xbf16>
      %swap3A_72 = arith.constant 0 : index
      %swap3A_73 = arith.constant 0 : index
      %swap3A_74 = vector.load %arg9[%swap3A_72, %swap3A_73] : memref<1024x768xbf16, #tpu.memory_space<vmem>>, vector<1024x768xbf16>
      tpu.vector_store %arg9[%swap3A_72, %swap3A_73], %convert_element_type3A_71 {strides = array<i32>} : memref<1024x768xbf16, #tpu.memory_space<vmem>>, vector<1024x768xbf16>,
      %get3A_75 = arith.constant 0 : index
      %get3A_76 = arith.constant 0 : index
      %get3A_77 = arith.constant 0 : index
      %get3A_78 = vector.load %arg5[%get3A_75, %get3A_76, %get3A_77] : memref<1x768x1024xf32, #tpu.memory_space<vmem>>, vector<1x768x1024xf32>
      %get3A_79 = vector.shape_cast %get3A_78 : vector<1x768x1024xf32> to vector<768x1024xf32>
      %convert_element_type3A_80 = arith.truncf %get3A_79 : vector<768x1024xf32> to vector<768x1024xbf16>
      %swap3A_81 = arith.constant 0 : index
      %swap3A_82 = arith.constant 0 : index
      %swap3A_83 = vector.load %arg10[%swap3A_81, %swap3A_82] : memref<768x1024xbf16, #tpu.memory_space<vmem>>, vector<768x1024xbf16>
      tpu.vector_store %arg10[%swap3A_81, %swap3A_82], %convert_element_type3A_80 {strides = array<i32>} : memref<768x1024xbf16, #tpu.memory_space<vmem>>, vector<768x1024xbf16>,
    } else {
    }
    %get3A_7 = arith.constant 0 : index
    %get3A_8 = arith.constant 0 : index
    %get3A_9 = vector.load %arg2[%get3A_7, %get3A_8] : memref<384x256xi32, #tpu.memory_space<vmem>>, vector<384x256xi32>
    %shift_left3A = arith.constant 16 : i32
    %shift_left3A_10 = vector.broadcast %shift_left3A : i32 to vector<384x256xi32>
    %shift_left3A_11 = arith.shli %get3A_9, %shift_left3A_10 : vector<384x256xi32>
    %bitcast_convert_type3A = tpu.bitcast %shift_left3A_11 : vector<384x256xi32> -> vector<384x256xf32>
    %and3A = arith.constant -65536 : i32
    %and3A_12 = vector.broadcast %and3A : i32 to vector<384x256xi32>
    %and3A_13 = arith.andi %get3A_9, %and3A_12 : vector<384x256xi32>
    %bitcast_convert_type3A_14 = tpu.bitcast %and3A_13 : vector<384x256xi32> -> vector<384x256xf32>
    %concatenate3A = tpu.concatenate %bitcast_convert_type3A, %bitcast_convert_type3A_14 in 0 : vector<384x256xf32>, vector<384x256xf32> -> vector<768x256xf32>
    %convert_element_type3A_15 = arith.truncf %concatenate3A : vector<768x256xf32> to vector<768x256xbf16>
    %get3A_16 = arith.constant 0 : index
    %get3A_17 = arith.constant 0 : index
    %get3A_18 = vector.load %arg8[%get3A_16, %get3A_17] : memref<1024x768xbf16, #tpu.memory_space<vmem>>, vector<1024x768xbf16>
    %dot_general3A = arith.constant dense<0.000000e+00> : vector<1024x256xf32>
    %dot_general3A_19 = tpu.matmul %get3A_18, %convert_element_type3A_15, %dot_general3A {dimension_numbers = #tpu.dot_dimension_numbers<[1], [0], [0], [1], [0, 0, 1, 1], [], []>, transpose_lhs_hint = false} : vector<1024x768xbf16>, vector<768x256xbf16>, vector<1024x256xf32> -> vector<1024x256xf32>
    %get3A_20 = arith.constant 0 : index
    %get3A_21 = arith.constant 0 : index
    %get3A_22 = vector.load %arg9[%get3A_20, %get3A_21] : memref<1024x768xbf16, #tpu.memory_space<vmem>>, vector<1024x768xbf16>
    %dot_general3A_23 = arith.constant dense<0.000000e+00> : vector<1024x256xf32>
    %dot_general3A_24 = tpu.matmul %get3A_22, %convert_element_type3A_15, %dot_general3A_23 {dimension_numbers = #tpu.dot_dimension_numbers<[1], [0], [0], [1], [0, 0, 1, 1], [], []>, transpose_lhs_hint = false} : vector<1024x768xbf16>, vector<768x256xbf16>, vector<1024x256xf32> -> vector<1024x256xf32>
    %logistic3A = arith.negf %dot_general3A_19 : vector<1024x256xf32>
    %logistic3A_25 = math.exp %logistic3A : vector<1024x256xf32>
    %logistic3A_26 = arith.constant 1.000000e+00 : f32
    %logistic3A_27 = vector.broadcast %logistic3A_26 : f32 to vector<1024x256xf32>
    %logistic3A_28 = arith.addf %logistic3A_27, %logistic3A_25 : vector<1024x256xf32>
    %logistic3A_29 = arith.divf %logistic3A_27, %logistic3A_28 : vector<1024x256xf32>
    %mul3A = arith.mulf %dot_general3A_19, %logistic3A_29 : vector<1024x256xf32>
    %mul3A_30 = arith.mulf %mul3A, %dot_general3A_24 : vector<1024x256xf32>
    %convert_element_type3A_31 = arith.truncf %mul3A_30 : vector<1024x256xf32> to vector<1024x256xbf16>
    %get3A_32 = arith.constant 0 : index
    %get3A_33 = arith.constant 0 : index
    %get3A_34 = vector.load %arg10[%get3A_32, %get3A_33] : memref<768x1024xbf16, #tpu.memory_space<vmem>>, vector<768x1024xbf16>
    %dot_general3A_35 = arith.constant dense<0.000000e+00> : vector<768x256xf32>
    %dot_general3A_36 = tpu.matmul %get3A_34, %convert_element_type3A_31, %dot_general3A_35 {dimension_numbers = #tpu.dot_dimension_numbers<[1], [0], [0], [1], [0, 0, 1, 1], [], []>, transpose_lhs_hint = false} : vector<768x1024xbf16>, vector<1024x256xbf16>, vector<768x256xf32> -> vector<768x256xf32>
    %get3A_37 = arith.constant 0 : index
    %get3A_38 = arith.constant 0 : index
    %get3A_39 = arith.constant 0 : index
    %get3A_40 = vector.load %arg6[%get3A_37, %get3A_38, %get3A_39] : memref<1x1x256xf32, #tpu.memory_space<vmem>>, vector<1x1x256xf32>
    %get3A_41 = vector.shape_cast %get3A_40 : vector<1x1x256xf32> to vector<1x256xf32>
    %mul3A_42 = vector.broadcast %get3A_41 : vector<1x256xf32> to vector<768x256xf32>
    %mul3A_43 = arith.mulf %dot_general3A_36, %mul3A_42 : vector<768x256xf32>
    %convert_element_type3A_44 = arith.truncf %mul3A_43 : vector<768x256xf32> to vector<768x256xbf16>
    %convert_element_type3A_45 = arith.extf %convert_element_type3A_44 : vector<768x256xbf16> to vector<768x256xf32>
    %slice3A = vector.extract_strided_slice %convert_element_type3A_45 {offsets = [0, 0], sizes = [384, 256], strides = [1, 1]} : vector<768x256xf32> to vector<384x256xf32>
    %bitcast_convert_type3A_46 = tpu.bitcast %slice3A : vector<384x256xf32> -> vector<384x256xi32>
    %shift_right_logical3A = arith.constant 16 : i32
    %shift_right_logical3A_47 = vector.broadcast %shift_right_logical3A : i32 to vector<384x256xi32>
    %shift_right_logical3A_48 = arith.shrui %bitcast_convert_type3A_46, %shift_right_logical3A_47 : vector<384x256xi32>
    %slice3A_49 = vector.extract_strided_slice %convert_element_type3A_45 {offsets = [384, 0], sizes = [384, 256], strides = [1, 1]} : vector<768x256xf32> to vector<384x256xf32>
    %bitcast_convert_type3A_50 = tpu.bitcast %slice3A_49 : vector<384x256xf32> -> vector<384x256xi32>
    %and3A_51 = arith.constant -65536 : i32
    %and3A_52 = vector.broadcast %and3A_51 : i32 to vector<384x256xi32>
    %and3A_53 = arith.andi %bitcast_convert_type3A_50, %and3A_52 : vector<384x256xi32>
    %or3A_54 = arith.ori %shift_right_logical3A_48, %and3A_53 : vector<384x256xi32>
    %swap3A = arith.constant 0 : index
    %swap3A_55 = arith.constant 0 : index
    %swap3A_56 = vector.load %arg7[%swap3A, %swap3A_55] : memref<384x256xi32, #tpu.memory_space<vmem>>, vector<384x256xi32>
    tpu.vector_store %arg7[%swap3A, %swap3A_55], %or3A_54 {strides = array<i32>} : memref<384x256xi32, #tpu.memory_space<vmem>>, vector<384x256xi32>,
    return
  }
  func.func @transform_0(%arg0: i32, %arg1: memref<24xi32, #tpu.memory_space<smem>>) -> (i32, i32) {
    %c0_i32 = arith.constant 0 : i32
    %c0_i32_0 = arith.constant 0 : i32
    return %c0_i32, %arg0 : i32, i32
  }
  func.func @transform_1(%arg0: i32, %arg1: memref<24xi32, #tpu.memory_space<smem>>) -> (i32, i32, i32) {
    %get3A = arith.index_cast %arg0 : i32 to index
    %get3A_0 = memref.load %arg1[%get3A] : memref<24xi32, #tpu.memory_space<smem>>
    %c0_i32 = arith.constant 0 : i32
    %c0_i32_1 = arith.constant 0 : i32
    %c0_i32_2 = arith.constant 0 : i32
    return %get3A_0, %c0_i32, %c0_i32_1 : i32, i32, i32
  }
  func.func @transform_2(%arg0: i32, %arg1: memref<24xi32, #tpu.memory_space<smem>>) -> (i32, i32, i32) {
    %get3A = arith.index_cast %arg0 : i32 to index
    %get3A_0 = memref.load %arg1[%get3A] : memref<24xi32, #tpu.memory_space<smem>>
    %c0_i32 = arith.constant 0 : i32
    %c0_i32_1 = arith.constant 0 : i32
    %c0_i32_2 = arith.constant 0 : i32
    return %get3A_0, %c0_i32, %c0_i32_1 : i32, i32, i32
  }
  func.func @transform_3(%arg0: i32, %arg1: memref<24xi32, #tpu.memory_space<smem>>) -> (i32, i32, i32) {
    %get3A = arith.index_cast %arg0 : i32 to index
    %get3A_0 = memref.load %arg1[%get3A] : memref<24xi32, #tpu.memory_space<smem>>
    %c0_i32 = arith.constant 0 : i32
    %c0_i32_1 = arith.constant 0 : i32
    %c0_i32_2 = arith.constant 0 : i32
    return %get3A_0, %c0_i32, %c0_i32_1 : i32, i32, i32
  }
  func.func @transform_4(%arg0: i32, %arg1: memref<24xi32, #tpu.memory_space<smem>>) -> (i32, i32, i32) {
    %c0_i32 = arith.constant 0 : i32
    %c0_i32_0 = arith.constant 0 : i32
    %c0_i32_1 = arith.constant 0 : i32
    return %arg0, %c0_i32, %c0_i32_0 : i32, i32, i32
  }
  func.func @transform_5(%arg0: i32, %arg1: memref<24xi32, #tpu.memory_space<smem>>) -> (i32, i32) {
    %c0_i32 = arith.constant 0 : i32
    %c0_i32_0 = arith.constant 0 : i32
    return %c0_i32, %arg0 : i32, i32
  }
}

module attributes {stable_mosaic.version = 14 : i64} {
  func.func @_router_body(%arg0: memref<2048x768xf32, #tpu.memory_space<vmem>>, %arg1: memref<8x768xf32, #tpu.memory_space<vmem>>, %arg2: memref<2048x8xf32, #tpu.memory_space<vmem>>, %arg3: memref<2048x2xf32, #tpu.memory_space<vmem>>, %arg4: memref<2048x2xi32, #tpu.memory_space<vmem>>, %arg5: memref<32x1xi32, #tpu.memory_space<vmem>>, %arg6: memref<384x2048xi32, #tpu.memory_space<vmem>>) attributes {dimension_semantics = [], scalar_prefetch = 0 : i64, scratch_operands = 0 : i64, tpu.core_type = #tpu.core_type<tc>} {
    %get3A = arith.constant 0 : index
    %get3A_0 = arith.constant 0 : index
    %get3A_1 = vector.load %arg0[%get3A, %get3A_0] : memref<2048x768xf32, #tpu.memory_space<vmem>>, vector<2048x768xf32>
    %get3A_2 = arith.constant 0 : index
    %get3A_3 = arith.constant 0 : index
    %get3A_4 = vector.load %arg1[%get3A_2, %get3A_3] : memref<8x768xf32, #tpu.memory_space<vmem>>, vector<8x768xf32>
    %dot_general3A = arith.constant dense<0.000000e+00> : vector<2048x8xf32>
    %dot_general3A_5 = tpu.matmul %get3A_1, %get3A_4, %dot_general3A {dimension_numbers = #tpu.dot_dimension_numbers<[1], [1], [0], [0], [0, 0, 1, 0], [], []>, transpose_lhs_hint = false} : vector<2048x768xf32>, vector<8x768xf32>, vector<2048x8xf32> -> vector<2048x8xf32>
    %swap3A = arith.constant 0 : index
    %swap3A_6 = arith.constant 0 : index
    %swap3A_7 = vector.load %arg2[%swap3A, %swap3A_6] : memref<2048x8xf32, #tpu.memory_space<vmem>>, vector<2048x8xf32>
    tpu.vector_store %arg2[%swap3A, %swap3A_6], %dot_general3A_5 {strides = array<i32>} : memref<2048x8xf32, #tpu.memory_space<vmem>>, vector<2048x8xf32>,
    %reduce_max3A = arith.constant dense<0xFF800000> : vector<2048xf32>
    %reduce_max3A_8 = vector.multi_reduction <maximumf>, %dot_general3A_5, %reduce_max3A [1] : vector<2048x8xf32> to vector<2048xf32>
    %broadcast_in_dim3A = vector.shape_cast %reduce_max3A_8 : vector<2048xf32> to vector<2048x1xf32>
    %sub3A = vector.broadcast %broadcast_in_dim3A : vector<2048x1xf32> to vector<2048x8xf32>
    %sub3A_9 = arith.subf %dot_general3A_5, %sub3A : vector<2048x8xf32>
    %exp3A = math.exp %sub3A_9 : vector<2048x8xf32>
    %reduce_sum3A = arith.constant dense<0.000000e+00> : vector<2048xf32>
    %reduce_sum3A_10 = vector.multi_reduction <add>, %exp3A, %reduce_sum3A [1] : vector<2048x8xf32> to vector<2048xf32>
    %broadcast_in_dim3A_11 = vector.shape_cast %reduce_sum3A_10 : vector<2048xf32> to vector<2048x1xf32>
    %div3A = vector.broadcast %broadcast_in_dim3A_11 : vector<2048x1xf32> to vector<2048x8xf32>
    %div3A_12 = arith.divf %exp3A, %div3A : vector<2048x8xf32>
    %iota3A = tpu.iota {dimensions = array<i32: 1>} : vector<2048x8xi32>
    %reduce_max3A_13 = arith.constant dense<0xFF800000> : vector<2048xf32>
    %reduce_max3A_14 = vector.multi_reduction <maximumf>, %div3A_12, %reduce_max3A_13 [1] : vector<2048x8xf32> to vector<2048xf32>
    %broadcast_in_dim3A_15 = vector.shape_cast %reduce_max3A_14 : vector<2048xf32> to vector<2048x1xf32>
    %eq3A = vector.broadcast %broadcast_in_dim3A_15 : vector<2048x1xf32> to vector<2048x8xf32>
    %eq3A_16 = arith.cmpf oeq, %div3A_12, %eq3A : vector<2048x8xf32>
    %jit3A = arith.constant 8 : i32
    %broadcast_in_dim3A_17 = vector.broadcast %jit3A : i32 to vector<2048x8xi32>
    %select_n3A = arith.select %eq3A_16, %iota3A, %broadcast_in_dim3A_17 : vector<2048x8xi1>, vector<2048x8xi32>
    %reduce_min3A = arith.constant dense<2147483647> : vector<2048xi32>
    %reduce_min3A_18 = vector.multi_reduction <minsi>, %select_n3A, %reduce_min3A [1] : vector<2048x8xi32> to vector<2048xi32>
    %broadcast_in_dim3A_19 = vector.shape_cast %reduce_min3A_18 : vector<2048xi32> to vector<2048x1xi32>
    %eq3A_20 = vector.broadcast %broadcast_in_dim3A_19 : vector<2048x1xi32> to vector<2048x8xi32>
    %eq3A_21 = arith.cmpi eq, %iota3A, %eq3A_20 : vector<2048x8xi32>
    %jit3A_22 = arith.constant -1.000000e+00 : f32
    %broadcast_in_dim3A_23 = vector.broadcast %jit3A_22 : f32 to vector<2048x8xf32>
    %select_n3A_24 = arith.select %eq3A_21, %broadcast_in_dim3A_23, %div3A_12 : vector<2048x8xi1>, vector<2048x8xf32>
    %reduce_max3A_25 = arith.constant dense<0xFF800000> : vector<2048xf32>
    %reduce_max3A_26 = vector.multi_reduction <maximumf>, %select_n3A_24, %reduce_max3A_25 [1] : vector<2048x8xf32> to vector<2048xf32>
    %broadcast_in_dim3A_27 = vector.shape_cast %reduce_max3A_26 : vector<2048xf32> to vector<2048x1xf32>
    %eq3A_28 = vector.broadcast %broadcast_in_dim3A_27 : vector<2048x1xf32> to vector<2048x8xf32>
    %eq3A_29 = arith.cmpf oeq, %select_n3A_24, %eq3A_28 : vector<2048x8xf32>
    %jit3A_30 = arith.constant 8 : i32
    %broadcast_in_dim3A_31 = vector.broadcast %jit3A_30 : i32 to vector<2048x8xi32>
    %select_n3A_32 = arith.select %eq3A_29, %iota3A, %broadcast_in_dim3A_31 : vector<2048x8xi1>, vector<2048x8xi32>
    %reduce_min3A_33 = arith.constant dense<2147483647> : vector<2048xi32>
    %reduce_min3A_34 = vector.multi_reduction <minsi>, %select_n3A_32, %reduce_min3A_33 [1] : vector<2048x8xi32> to vector<2048xi32>
    %broadcast_in_dim3A_35 = vector.shape_cast %reduce_min3A_34 : vector<2048xi32> to vector<2048x1xi32>
    %concatenate3A = tpu.concatenate %broadcast_in_dim3A_15, %broadcast_in_dim3A_27 in 1 : vector<2048x1xf32>, vector<2048x1xf32> -> vector<2048x2xf32>
    %swap3A_36 = arith.constant 0 : index
    %swap3A_37 = arith.constant 0 : index
    %swap3A_38 = vector.load %arg3[%swap3A_36, %swap3A_37] : memref<2048x2xf32, #tpu.memory_space<vmem>>, vector<2048x2xf32>
    tpu.vector_store %arg3[%swap3A_36, %swap3A_37], %concatenate3A {strides = array<i32>} : memref<2048x2xf32, #tpu.memory_space<vmem>>, vector<2048x2xf32>,
    %eq3A_39 = vector.broadcast %broadcast_in_dim3A_19 : vector<2048x1xi32> to vector<2048x8xi32>
    %eq3A_40 = arith.cmpi eq, %iota3A, %eq3A_39 : vector<2048x8xi32>
    %convert_element_type3A = arith.extui %eq3A_40 : vector<2048x8xi1> to vector<2048x8xi32>
    %convert_element_type3A_41 = arith.sitofp %convert_element_type3A : vector<2048x8xi32> to vector<2048x8xf32>
    %eq3A_42 = vector.broadcast %broadcast_in_dim3A_35 : vector<2048x1xi32> to vector<2048x8xi32>
    %eq3A_43 = arith.cmpi eq, %iota3A, %eq3A_42 : vector<2048x8xi32>
    %convert_element_type3A_44 = arith.extui %eq3A_43 : vector<2048x8xi1> to vector<2048x8xi32>
    %convert_element_type3A_45 = arith.sitofp %convert_element_type3A_44 : vector<2048x8xi32> to vector<2048x8xf32>
    %add3A = arith.addf %convert_element_type3A_41, %convert_element_type3A_45 : vector<2048x8xf32>
    %broadcast_in_dim3A_46 = arith.constant 0.000000e+00 : f32
    %broadcast_in_dim3A_47 = vector.broadcast %broadcast_in_dim3A_46 : f32 to vector<1x8xf32>
    %slice3A = vector.extract_strided_slice %add3A {offsets = [0, 0], sizes = [2047, 8], strides = [1, 1]} : vector<2048x8xf32> to vector<2047x8xf32>
    %concatenate3A_48 = tpu.concatenate %broadcast_in_dim3A_47, %slice3A in 0 : vector<1x8xf32>, vector<2047x8xf32> -> vector<2048x8xf32>
    %add3A_49 = arith.addf %add3A, %concatenate3A_48 : vector<2048x8xf32>
    %broadcast_in_dim3A_50 = arith.constant 0.000000e+00 : f32
    %broadcast_in_dim3A_51 = vector.broadcast %broadcast_in_dim3A_50 : f32 to vector<2x8xf32>
    %slice3A_52 = vector.extract_strided_slice %add3A_49 {offsets = [0, 0], sizes = [2046, 8], strides = [1, 1]} : vector<2048x8xf32> to vector<2046x8xf32>
    %concatenate3A_53 = tpu.concatenate %broadcast_in_dim3A_51, %slice3A_52 in 0 : vector<2x8xf32>, vector<2046x8xf32> -> vector<2048x8xf32>
    %add3A_54 = arith.addf %add3A_49, %concatenate3A_53 : vector<2048x8xf32>
    %broadcast_in_dim3A_55 = arith.constant 0.000000e+00 : f32
    %broadcast_in_dim3A_56 = vector.broadcast %broadcast_in_dim3A_55 : f32 to vector<4x8xf32>
    %slice3A_57 = vector.extract_strided_slice %add3A_54 {offsets = [0, 0], sizes = [2044, 8], strides = [1, 1]} : vector<2048x8xf32> to vector<2044x8xf32>
    %concatenate3A_58 = tpu.concatenate %broadcast_in_dim3A_56, %slice3A_57 in 0 : vector<4x8xf32>, vector<2044x8xf32> -> vector<2048x8xf32>
    %add3A_59 = arith.addf %add3A_54, %concatenate3A_58 : vector<2048x8xf32>
    %broadcast_in_dim3A_60 = arith.constant 0.000000e+00 : f32
    %broadcast_in_dim3A_61 = vector.broadcast %broadcast_in_dim3A_60 : f32 to vector<8x8xf32>
    %slice3A_62 = vector.extract_strided_slice %add3A_59 {offsets = [0, 0], sizes = [2040, 8], strides = [1, 1]} : vector<2048x8xf32> to vector<2040x8xf32>
    %concatenate3A_63 = tpu.concatenate %broadcast_in_dim3A_61, %slice3A_62 in 0 : vector<8x8xf32>, vector<2040x8xf32> -> vector<2048x8xf32>
    %add3A_64 = arith.addf %add3A_59, %concatenate3A_63 : vector<2048x8xf32>
    %broadcast_in_dim3A_65 = arith.constant 0.000000e+00 : f32
    %broadcast_in_dim3A_66 = vector.broadcast %broadcast_in_dim3A_65 : f32 to vector<16x8xf32>
    %slice3A_67 = vector.extract_strided_slice %add3A_64 {offsets = [0, 0], sizes = [2032, 8], strides = [1, 1]} : vector<2048x8xf32> to vector<2032x8xf32>
    %concatenate3A_68 = tpu.concatenate %broadcast_in_dim3A_66, %slice3A_67 in 0 : vector<16x8xf32>, vector<2032x8xf32> -> vector<2048x8xf32>
    %add3A_69 = arith.addf %add3A_64, %concatenate3A_68 : vector<2048x8xf32>
    %broadcast_in_dim3A_70 = arith.constant 0.000000e+00 : f32
    %broadcast_in_dim3A_71 = vector.broadcast %broadcast_in_dim3A_70 : f32 to vector<32x8xf32>
    %slice3A_72 = vector.extract_strided_slice %add3A_69 {offsets = [0, 0], sizes = [2016, 8], strides = [1, 1]} : vector<2048x8xf32> to vector<2016x8xf32>
    %concatenate3A_73 = tpu.concatenate %broadcast_in_dim3A_71, %slice3A_72 in 0 : vector<32x8xf32>, vector<2016x8xf32> -> vector<2048x8xf32>
    %add3A_74 = arith.addf %add3A_69, %concatenate3A_73 : vector<2048x8xf32>
    %broadcast_in_dim3A_75 = arith.constant 0.000000e+00 : f32
    %broadcast_in_dim3A_76 = vector.broadcast %broadcast_in_dim3A_75 : f32 to vector<64x8xf32>
    %slice3A_77 = vector.extract_strided_slice %add3A_74 {offsets = [0, 0], sizes = [1984, 8], strides = [1, 1]} : vector<2048x8xf32> to vector<1984x8xf32>
    %concatenate3A_78 = tpu.concatenate %broadcast_in_dim3A_76, %slice3A_77 in 0 : vector<64x8xf32>, vector<1984x8xf32> -> vector<2048x8xf32>
    %add3A_79 = arith.addf %add3A_74, %concatenate3A_78 : vector<2048x8xf32>
    %broadcast_in_dim3A_80 = arith.constant 0.000000e+00 : f32
    %broadcast_in_dim3A_81 = vector.broadcast %broadcast_in_dim3A_80 : f32 to vector<128x8xf32>
    %slice3A_82 = vector.extract_strided_slice %add3A_79 {offsets = [0, 0], sizes = [1920, 8], strides = [1, 1]} : vector<2048x8xf32> to vector<1920x8xf32>
    %concatenate3A_83 = tpu.concatenate %broadcast_in_dim3A_81, %slice3A_82 in 0 : vector<128x8xf32>, vector<1920x8xf32> -> vector<2048x8xf32>
    %add3A_84 = arith.addf %add3A_79, %concatenate3A_83 : vector<2048x8xf32>
    %broadcast_in_dim3A_85 = arith.constant 0.000000e+00 : f32
    %broadcast_in_dim3A_86 = vector.broadcast %broadcast_in_dim3A_85 : f32 to vector<256x8xf32>
    %slice3A_87 = vector.extract_strided_slice %add3A_84 {offsets = [0, 0], sizes = [1792, 8], strides = [1, 1]} : vector<2048x8xf32> to vector<1792x8xf32>
    %concatenate3A_88 = tpu.concatenate %broadcast_in_dim3A_86, %slice3A_87 in 0 : vector<256x8xf32>, vector<1792x8xf32> -> vector<2048x8xf32>
    %add3A_89 = arith.addf %add3A_84, %concatenate3A_88 : vector<2048x8xf32>
    %broadcast_in_dim3A_90 = arith.constant 0.000000e+00 : f32
    %broadcast_in_dim3A_91 = vector.broadcast %broadcast_in_dim3A_90 : f32 to vector<512x8xf32>
    %slice3A_92 = vector.extract_strided_slice %add3A_89 {offsets = [0, 0], sizes = [1536, 8], strides = [1, 1]} : vector<2048x8xf32> to vector<1536x8xf32>
    %concatenate3A_93 = tpu.concatenate %broadcast_in_dim3A_91, %slice3A_92 in 0 : vector<512x8xf32>, vector<1536x8xf32> -> vector<2048x8xf32>
    %add3A_94 = arith.addf %add3A_89, %concatenate3A_93 : vector<2048x8xf32>
    %broadcast_in_dim3A_95 = arith.constant 0.000000e+00 : f32
    %broadcast_in_dim3A_96 = vector.broadcast %broadcast_in_dim3A_95 : f32 to vector<1024x8xf32>
    %slice3A_97 = vector.extract_strided_slice %add3A_94 {offsets = [0, 0], sizes = [1024, 8], strides = [1, 1]} : vector<2048x8xf32> to vector<1024x8xf32>
    %concatenate3A_98 = tpu.concatenate %broadcast_in_dim3A_96, %slice3A_97 in 0 : vector<1024x8xf32>, vector<1024x8xf32> -> vector<2048x8xf32>
    %add3A_99 = arith.addf %add3A_94, %concatenate3A_98 : vector<2048x8xf32>
    %sub3A_100 = arith.subf %add3A_99, %add3A : vector<2048x8xf32>
    %slice3A_101 = vector.extract_strided_slice %add3A_99 {offsets = [2047, 0], sizes = [1, 8], strides = [1, 1]} : vector<2048x8xf32> to vector<1x8xf32>
    %add3A_102 = arith.constant 2.550000e+02 : f32
    %add3A_103 = vector.broadcast %add3A_102 : f32 to vector<1x8xf32>
    %add3A_104 = arith.addf %slice3A_101, %add3A_103 : vector<1x8xf32>
    %div3A_105 = arith.constant 2.560000e+02 : f32
    %div3A_106 = vector.broadcast %div3A_105 : f32 to vector<1x8xf32>
    %div3A_107 = arith.divf %add3A_104, %div3A_106 : vector<1x8xf32>
    %floor3A = math.floor %div3A_107 : vector<1x8xf32>
    %broadcast_in_dim3A_108 = arith.constant 0.000000e+00 : f32
    %broadcast_in_dim3A_109 = vector.broadcast %broadcast_in_dim3A_108 : f32 to vector<1x1xf32>
    %slice3A_110 = vector.extract_strided_slice %floor3A {offsets = [0, 0], sizes = [1, 7], strides = [1, 1]} : vector<1x8xf32> to vector<1x7xf32>
    %concatenate3A_111 = tpu.concatenate %broadcast_in_dim3A_109, %slice3A_110 in 1 : vector<1x1xf32>, vector<1x7xf32> -> vector<1x8xf32>
    %add3A_112 = arith.addf %floor3A, %concatenate3A_111 : vector<1x8xf32>
    %broadcast_in_dim3A_113 = arith.constant 0.000000e+00 : f32
    %broadcast_in_dim3A_114 = vector.broadcast %broadcast_in_dim3A_113 : f32 to vector<1x2xf32>
    %slice3A_115 = vector.extract_strided_slice %add3A_112 {offsets = [0, 0], sizes = [1, 6], strides = [1, 1]} : vector<1x8xf32> to vector<1x6xf32>
    %concatenate3A_116 = tpu.concatenate %broadcast_in_dim3A_114, %slice3A_115 in 1 : vector<1x2xf32>, vector<1x6xf32> -> vector<1x8xf32>
    %add3A_117 = arith.addf %add3A_112, %concatenate3A_116 : vector<1x8xf32>
    %broadcast_in_dim3A_118 = arith.constant 0.000000e+00 : f32
    %broadcast_in_dim3A_119 = vector.broadcast %broadcast_in_dim3A_118 : f32 to vector<1x4xf32>
    %slice3A_120 = vector.extract_strided_slice %add3A_117 {offsets = [0, 0], sizes = [1, 4], strides = [1, 1]} : vector<1x8xf32> to vector<1x4xf32>
    %concatenate3A_121 = tpu.concatenate %broadcast_in_dim3A_119, %slice3A_120 in 1 : vector<1x4xf32>, vector<1x4xf32> -> vector<1x8xf32>
    %add3A_122 = arith.addf %add3A_117, %concatenate3A_121 : vector<1x8xf32>
    %sub3A_123 = arith.subf %add3A_122, %floor3A : vector<1x8xf32>
    %mul3A = arith.constant 2.560000e+02 : f32
    %mul3A_124 = vector.broadcast %mul3A : f32 to vector<1x8xf32>
    %mul3A_125 = arith.mulf %sub3A_123, %mul3A_124 : vector<1x8xf32>
    %add3A_126 = vector.broadcast %mul3A_125 : vector<1x8xf32> to vector<2048x8xf32>
    %add3A_127 = arith.addf %add3A_126, %sub3A_100 : vector<2048x8xf32>
    %mul3A_128 = arith.mulf %convert_element_type3A_41, %add3A_127 : vector<2048x8xf32>
    %reduce_sum3A_129 = arith.constant dense<0.000000e+00> : vector<2048xf32>
    %reduce_sum3A_130 = vector.multi_reduction <add>, %mul3A_128, %reduce_sum3A_129 [1] : vector<2048x8xf32> to vector<2048xf32>
    %broadcast_in_dim3A_131 = vector.shape_cast %reduce_sum3A_130 : vector<2048xf32> to vector<2048x1xf32>
    %add3A_132 = vector.broadcast %mul3A_125 : vector<1x8xf32> to vector<2048x8xf32>
    %add3A_133 = arith.addf %add3A_132, %sub3A_100 : vector<2048x8xf32>
    %mul3A_134 = arith.mulf %convert_element_type3A_45, %add3A_133 : vector<2048x8xf32>
    %reduce_sum3A_135 = arith.constant dense<0.000000e+00> : vector<2048xf32>
    %reduce_sum3A_136 = vector.multi_reduction <add>, %mul3A_134, %reduce_sum3A_135 [1] : vector<2048x8xf32> to vector<2048xf32>
    %broadcast_in_dim3A_137 = vector.shape_cast %reduce_sum3A_136 : vector<2048xf32> to vector<2048x1xf32>
    %concatenate3A_138 = tpu.concatenate %broadcast_in_dim3A_131, %broadcast_in_dim3A_137 in 1 : vector<2048x1xf32>, vector<2048x1xf32> -> vector<2048x2xf32>
    %convert_element_type3A_139 = arith.fptosi %concatenate3A_138 : vector<2048x2xf32> to vector<2048x2xi32>
    %swap3A_140 = arith.constant 0 : index
    %swap3A_141 = arith.constant 0 : index
    %swap3A_142 = vector.load %arg4[%swap3A_140, %swap3A_141] : memref<2048x2xi32, #tpu.memory_space<vmem>>, vector<2048x2xi32>
    tpu.vector_store %arg4[%swap3A_140, %swap3A_141], %convert_element_type3A_139 {strides = array<i32>} : memref<2048x2xi32, #tpu.memory_space<vmem>>, vector<2048x2xi32>,
    %iota3A_143 = tpu.iota {dimensions = array<i32: 0>} : vector<32x8xi32>
    %convert_element_type3A_144 = arith.sitofp %iota3A_143 : vector<32x8xi32> to vector<32x8xf32>
    %broadcast_in_dim3A_145 = vector.shape_cast %add3A_122 : vector<1x8xf32> to vector<1x8xf32>
    %broadcast_in_dim3A_146 = vector.broadcast %broadcast_in_dim3A_145 : vector<1x8xf32> to vector<32x8xf32>
    %ge3A = arith.cmpf oge, %convert_element_type3A_144, %broadcast_in_dim3A_146 : vector<32x8xf32>
    %convert_element_type3A_147 = arith.extui %ge3A : vector<32x8xi1> to vector<32x8xi32>
    %convert_element_type3A_148 = arith.sitofp %convert_element_type3A_147 : vector<32x8xi32> to vector<32x8xf32>
    %reduce_sum3A_149 = arith.constant dense<0.000000e+00> : vector<32xf32>
    %reduce_sum3A_150 = vector.multi_reduction <add>, %convert_element_type3A_148, %reduce_sum3A_149 [1] : vector<32x8xf32> to vector<32xf32>
    %broadcast_in_dim3A_151 = vector.shape_cast %reduce_sum3A_150 : vector<32xf32> to vector<32x1xf32>
    %min3A = arith.constant 7.000000e+00 : f32
    %min3A_152 = vector.broadcast %min3A : f32 to vector<32x1xf32>
    %min3A_153 = arith.minimumf %broadcast_in_dim3A_151, %min3A_152 : vector<32x1xf32>
    %convert_element_type3A_154 = arith.fptosi %min3A_153 : vector<32x1xf32> to vector<32x1xi32>
    %swap3A_155 = arith.constant 0 : index
    %swap3A_156 = arith.constant 0 : index
    %swap3A_157 = vector.load %arg5[%swap3A_155, %swap3A_156] : memref<32x1xi32, #tpu.memory_space<vmem>>, vector<32x1xi32>
    tpu.vector_store %arg5[%swap3A_155, %swap3A_156], %convert_element_type3A_154 {strides = array<i32>} : memref<32x1xi32, #tpu.memory_space<vmem>>, vector<32x1xi32>,
    %convert_element_type3A_158 = arith.truncf %get3A_1 : vector<2048x768xf32> to vector<2048x768xbf16>
    %convert_element_type3A_159 = arith.extf %convert_element_type3A_158 : vector<2048x768xbf16> to vector<2048x768xf32>
    %slice3A_160 = vector.extract_strided_slice %convert_element_type3A_159 {offsets = [0, 0], sizes = [2048, 384], strides = [1, 1]} : vector<2048x768xf32> to vector<2048x384xf32>
    %bitcast_convert_type3A = tpu.bitcast %slice3A_160 : vector<2048x384xf32> -> vector<2048x384xi32>
    %shift_right_logical3A = arith.constant 16 : i32
    %shift_right_logical3A_161 = vector.broadcast %shift_right_logical3A : i32 to vector<2048x384xi32>
    %shift_right_logical3A_162 = arith.shrui %bitcast_convert_type3A, %shift_right_logical3A_161 : vector<2048x384xi32>
    %slice3A_163 = vector.extract_strided_slice %convert_element_type3A_159 {offsets = [0, 384], sizes = [2048, 384], strides = [1, 1]} : vector<2048x768xf32> to vector<2048x384xf32>
    %bitcast_convert_type3A_164 = tpu.bitcast %slice3A_163 : vector<2048x384xf32> -> vector<2048x384xi32>
    %and3A = arith.constant -65536 : i32
    %and3A_165 = vector.broadcast %and3A : i32 to vector<2048x384xi32>
    %and3A_166 = arith.andi %bitcast_convert_type3A_164, %and3A_165 : vector<2048x384xi32>
    %or3A = arith.ori %shift_right_logical3A_162, %and3A_166 : vector<2048x384xi32>
    %transpose3A = tpu.transpose %or3A, [1, 0] : vector<2048x384xi32> -> vector<384x2048xi32>
    %swap3A_167 = arith.constant 0 : index
    %swap3A_168 = arith.constant 0 : index
    %swap3A_169 = vector.load %arg6[%swap3A_167, %swap3A_168] : memref<384x2048xi32, #tpu.memory_space<vmem>>, vector<384x2048xi32>
    tpu.vector_store %arg6[%swap3A_167, %swap3A_168], %transpose3A {strides = array<i32>} : memref<384x2048xi32, #tpu.memory_space<vmem>>, vector<384x2048xi32>,
    return
  }
}

module attributes {stable_mosaic.version = 14 : i64} {
  func.func @_shared_body(%arg0: i32, %arg1: memref<384x256xi32, #tpu.memory_space<vmem>>, %arg2: memref<2048x768xf32, #tpu.memory_space<vmem>>, %arg3: memref<2048x768xf32, #tpu.memory_space<vmem>>, %arg4: memref<768x2048xf32, #tpu.memory_space<vmem>>, %arg5: memref<768x1xf32, #tpu.memory_space<vmem>>, %arg6: memref<768x256xf32, #tpu.memory_space<vmem>>, %arg7: memref<2048x768xbf16, #tpu.memory_space<vmem>>, %arg8: memref<2048x768xbf16, #tpu.memory_space<vmem>>, %arg9: memref<768x2048xbf16, #tpu.memory_space<vmem>>) attributes {dimension_semantics = [#tpu.dimension_semantics<arbitrary>], iteration_bounds = array<i64: 8>, scalar_prefetch = 0 : i64, scratch_operands = 3 : i64, tpu.core_type = #tpu.core_type<tc>, window_params = [{transform_indices = @transform_0, window_bounds = array<i64: 384, 256>}, {pipeline_mode = #tpu.pipeline_mode<synchronous>, transform_indices = @transform_1, window_bounds = array<i64: 2048, 768>}, {pipeline_mode = #tpu.pipeline_mode<synchronous>, transform_indices = @transform_2, window_bounds = array<i64: 2048, 768>}, {pipeline_mode = #tpu.pipeline_mode<synchronous>, transform_indices = @transform_3, window_bounds = array<i64: 768, 2048>}, {pipeline_mode = #tpu.pipeline_mode<synchronous>, transform_indices = @transform_4, window_bounds = array<i64: 768, 1>}, {transform_indices = @transform_5, window_bounds = array<i64: 768, 256>}]} {
    %eq3A = arith.constant 0 : i32
    %eq3A_0 = arith.cmpi eq, %arg0, %eq3A : i32
    %convert_element_type3A = arith.extui %eq3A_0 : i1 to i32
    %cond3A = arith.constant 0 : i32
    %cond3A_1 = arith.cmpi ne, %convert_element_type3A, %cond3A : i32
    scf.if %cond3A_1 {
      %get3A_48 = arith.constant 0 : index
      %get3A_49 = arith.constant 0 : index
      %get3A_50 = vector.load %arg2[%get3A_48, %get3A_49] : memref<2048x768xf32, #tpu.memory_space<vmem>>, vector<2048x768xf32>
      %convert_element_type3A_51 = arith.truncf %get3A_50 : vector<2048x768xf32> to vector<2048x768xbf16>
      %swap3A_52 = arith.constant 0 : index
      %swap3A_53 = arith.constant 0 : index
      %swap3A_54 = vector.load %arg7[%swap3A_52, %swap3A_53] : memref<2048x768xbf16, #tpu.memory_space<vmem>>, vector<2048x768xbf16>
      tpu.vector_store %arg7[%swap3A_52, %swap3A_53], %convert_element_type3A_51 {strides = array<i32>} : memref<2048x768xbf16, #tpu.memory_space<vmem>>, vector<2048x768xbf16>,
      %get3A_55 = arith.constant 0 : index
      %get3A_56 = arith.constant 0 : index
      %get3A_57 = vector.load %arg3[%get3A_55, %get3A_56] : memref<2048x768xf32, #tpu.memory_space<vmem>>, vector<2048x768xf32>
      %convert_element_type3A_58 = arith.truncf %get3A_57 : vector<2048x768xf32> to vector<2048x768xbf16>
      %swap3A_59 = arith.constant 0 : index
      %swap3A_60 = arith.constant 0 : index
      %swap3A_61 = vector.load %arg8[%swap3A_59, %swap3A_60] : memref<2048x768xbf16, #tpu.memory_space<vmem>>, vector<2048x768xbf16>
      tpu.vector_store %arg8[%swap3A_59, %swap3A_60], %convert_element_type3A_58 {strides = array<i32>} : memref<2048x768xbf16, #tpu.memory_space<vmem>>, vector<2048x768xbf16>,
      %get3A_62 = arith.constant 0 : index
      %get3A_63 = arith.constant 0 : index
      %get3A_64 = vector.load %arg4[%get3A_62, %get3A_63] : memref<768x2048xf32, #tpu.memory_space<vmem>>, vector<768x2048xf32>
      %convert_element_type3A_65 = arith.truncf %get3A_64 : vector<768x2048xf32> to vector<768x2048xbf16>
      %swap3A_66 = arith.constant 0 : index
      %swap3A_67 = arith.constant 0 : index
      %swap3A_68 = vector.load %arg9[%swap3A_66, %swap3A_67] : memref<768x2048xbf16, #tpu.memory_space<vmem>>, vector<768x2048xbf16>
      tpu.vector_store %arg9[%swap3A_66, %swap3A_67], %convert_element_type3A_65 {strides = array<i32>} : memref<768x2048xbf16, #tpu.memory_space<vmem>>, vector<768x2048xbf16>,
    } else {
    }
    %get3A = arith.constant 0 : index
    %get3A_2 = arith.constant 0 : index
    %get3A_3 = vector.load %arg1[%get3A, %get3A_2] : memref<384x256xi32, #tpu.memory_space<vmem>>, vector<384x256xi32>
    %shift_left3A = arith.constant 16 : i32
    %shift_left3A_4 = vector.broadcast %shift_left3A : i32 to vector<384x256xi32>
    %shift_left3A_5 = arith.shli %get3A_3, %shift_left3A_4 : vector<384x256xi32>
    %bitcast_convert_type3A = tpu.bitcast %shift_left3A_5 : vector<384x256xi32> -> vector<384x256xf32>
    %and3A = arith.constant -65536 : i32
    %and3A_6 = vector.broadcast %and3A : i32 to vector<384x256xi32>
    %and3A_7 = arith.andi %get3A_3, %and3A_6 : vector<384x256xi32>
    %bitcast_convert_type3A_8 = tpu.bitcast %and3A_7 : vector<384x256xi32> -> vector<384x256xf32>
    %concatenate3A = tpu.concatenate %bitcast_convert_type3A, %bitcast_convert_type3A_8 in 0 : vector<384x256xf32>, vector<384x256xf32> -> vector<768x256xf32>
    %convert_element_type3A_9 = arith.truncf %concatenate3A : vector<768x256xf32> to vector<768x256xbf16>
    %get3A_10 = arith.constant 0 : index
    %get3A_11 = arith.constant 0 : index
    %get3A_12 = vector.load %arg7[%get3A_10, %get3A_11] : memref<2048x768xbf16, #tpu.memory_space<vmem>>, vector<2048x768xbf16>
    %dot_general3A = arith.constant dense<0.000000e+00> : vector<2048x256xf32>
    %dot_general3A_13 = tpu.matmul %get3A_12, %convert_element_type3A_9, %dot_general3A {dimension_numbers = #tpu.dot_dimension_numbers<[1], [0], [0], [1], [0, 0, 1, 1], [], []>, transpose_lhs_hint = false} : vector<2048x768xbf16>, vector<768x256xbf16>, vector<2048x256xf32> -> vector<2048x256xf32>
    %get3A_14 = arith.constant 0 : index
    %get3A_15 = arith.constant 0 : index
    %get3A_16 = vector.load %arg8[%get3A_14, %get3A_15] : memref<2048x768xbf16, #tpu.memory_space<vmem>>, vector<2048x768xbf16>
    %dot_general3A_17 = arith.constant dense<0.000000e+00> : vector<2048x256xf32>
    %dot_general3A_18 = tpu.matmul %get3A_16, %convert_element_type3A_9, %dot_general3A_17 {dimension_numbers = #tpu.dot_dimension_numbers<[1], [0], [0], [1], [0, 0, 1, 1], [], []>, transpose_lhs_hint = false} : vector<2048x768xbf16>, vector<768x256xbf16>, vector<2048x256xf32> -> vector<2048x256xf32>
    %logistic3A = arith.negf %dot_general3A_13 : vector<2048x256xf32>
    %logistic3A_19 = math.exp %logistic3A : vector<2048x256xf32>
    %logistic3A_20 = arith.constant 1.000000e+00 : f32
    %logistic3A_21 = vector.broadcast %logistic3A_20 : f32 to vector<2048x256xf32>
    %logistic3A_22 = arith.addf %logistic3A_21, %logistic3A_19 : vector<2048x256xf32>
    %logistic3A_23 = arith.divf %logistic3A_21, %logistic3A_22 : vector<2048x256xf32>
    %mul3A = arith.mulf %dot_general3A_13, %logistic3A_23 : vector<2048x256xf32>
    %mul3A_24 = arith.mulf %mul3A, %dot_general3A_18 : vector<2048x256xf32>
    %convert_element_type3A_25 = arith.truncf %mul3A_24 : vector<2048x256xf32> to vector<2048x256xbf16>
    %get3A_26 = arith.constant 0 : index
    %get3A_27 = arith.constant 0 : index
    %get3A_28 = vector.load %arg9[%get3A_26, %get3A_27] : memref<768x2048xbf16, #tpu.memory_space<vmem>>, vector<768x2048xbf16>
    %dot_general3A_29 = arith.constant dense<0.000000e+00> : vector<768x256xf32>
    %dot_general3A_30 = tpu.matmul %get3A_28, %convert_element_type3A_25, %dot_general3A_29 {dimension_numbers = #tpu.dot_dimension_numbers<[1], [0], [0], [1], [0, 0, 1, 1], [], []>, transpose_lhs_hint = false} : vector<768x2048xbf16>, vector<2048x256xbf16>, vector<768x256xf32> -> vector<768x256xf32>
    %convert_element_type3A_31 = arith.extf %convert_element_type3A_9 : vector<768x256xbf16> to vector<768x256xf32>
    %get3A_32 = arith.constant 0 : index
    %get3A_33 = arith.constant 0 : index
    %get3A_34 = vector.load %arg5[%get3A_32, %get3A_33] : memref<768x1xf32, #tpu.memory_space<vmem>>, vector<768x1xf32>
    %mul3A_35 = vector.broadcast %get3A_34 : vector<768x1xf32> to vector<768x256xf32>
    %mul3A_36 = arith.mulf %convert_element_type3A_31, %mul3A_35 : vector<768x256xf32>
    %reduce_sum3A = arith.constant dense<0.000000e+00> : vector<256xf32>
    %reduce_sum3A_37 = vector.multi_reduction <add>, %mul3A_36, %reduce_sum3A [0] : vector<768x256xf32> to vector<256xf32>
    %broadcast_in_dim3A = vector.shape_cast %reduce_sum3A_37 : vector<256xf32> to vector<1x256xf32>
    %logistic3A_38 = arith.negf %broadcast_in_dim3A : vector<1x256xf32>
    %logistic3A_39 = math.exp %logistic3A_38 : vector<1x256xf32>
    %logistic3A_40 = arith.constant 1.000000e+00 : f32
    %logistic3A_41 = vector.broadcast %logistic3A_40 : f32 to vector<1x256xf32>
    %logistic3A_42 = arith.addf %logistic3A_41, %logistic3A_39 : vector<1x256xf32>
    %logistic3A_43 = arith.divf %logistic3A_41, %logistic3A_42 : vector<1x256xf32>
    %mul3A_44 = vector.broadcast %logistic3A_43 : vector<1x256xf32> to vector<768x256xf32>
    %mul3A_45 = arith.mulf %mul3A_44, %dot_general3A_30 : vector<768x256xf32>
    %swap3A = arith.constant 0 : index
    %swap3A_46 = arith.constant 0 : index
    %swap3A_47 = vector.load %arg6[%swap3A, %swap3A_46] : memref<768x256xf32, #tpu.memory_space<vmem>>, vector<768x256xf32>
    tpu.vector_store %arg6[%swap3A, %swap3A_46], %mul3A_45 {strides = array<i32>} : memref<768x256xf32, #tpu.memory_space<vmem>>, vector<768x256xf32>,
    return
  }
  func.func @transform_0(%arg0: i32) -> (i32, i32) {
    %c0_i32 = arith.constant 0 : i32
    %c0_i32_0 = arith.constant 0 : i32
    return %c0_i32, %arg0 : i32, i32
  }
  func.func @transform_1(%arg0: i32) -> (i32, i32) {
    %c0_i32 = arith.constant 0 : i32
    %c0_i32_0 = arith.constant 0 : i32
    %c0_i32_1 = arith.constant 0 : i32
    return %c0_i32, %c0_i32_0 : i32, i32
  }
  func.func @transform_2(%arg0: i32) -> (i32, i32) {
    %c0_i32 = arith.constant 0 : i32
    %c0_i32_0 = arith.constant 0 : i32
    %c0_i32_1 = arith.constant 0 : i32
    return %c0_i32, %c0_i32_0 : i32, i32
  }
  func.func @transform_3(%arg0: i32) -> (i32, i32) {
    %c0_i32 = arith.constant 0 : i32
    %c0_i32_0 = arith.constant 0 : i32
    %c0_i32_1 = arith.constant 0 : i32
    return %c0_i32, %c0_i32_0 : i32, i32
  }
  func.func @transform_4(%arg0: i32) -> (i32, i32) {
    %c0_i32 = arith.constant 0 : i32
    %c0_i32_0 = arith.constant 0 : i32
    %c0_i32_1 = arith.constant 0 : i32
    return %c0_i32, %c0_i32_0 : i32, i32
  }
  func.func @transform_5(%arg0: i32) -> (i32, i32) {
    %c0_i32 = arith.constant 0 : i32
    %c0_i32_0 = arith.constant 0 : i32
    return %c0_i32, %arg0 : i32, i32
  }
}

module attributes {stable_mosaic.version = 14 : i64} {
  func.func @_fadd_body(%arg0: i32, %arg1: memref<384x512xi32, #tpu.memory_space<vmem>>, %arg2: memref<768x512xf32, #tpu.memory_space<vmem>>, %arg3: memref<512x768xf32, #tpu.memory_space<vmem>>) attributes {dimension_semantics = [#tpu.dimension_semantics<arbitrary>], iteration_bounds = array<i64: 4>, scalar_prefetch = 0 : i64, scratch_operands = 0 : i64, tpu.core_type = #tpu.core_type<tc>, window_params = [{transform_indices = @transform_0, window_bounds = array<i64: 384, 512>}, {transform_indices = @transform_1, window_bounds = array<i64: 768, 512>}, {transform_indices = @transform_2, window_bounds = array<i64: 512, 768>}]} {
    %get3A = arith.constant 0 : index
    %get3A_0 = arith.constant 0 : index
    %get3A_1 = vector.load %arg1[%get3A, %get3A_0] : memref<384x512xi32, #tpu.memory_space<vmem>>, vector<384x512xi32>
    %shift_left3A = arith.constant 16 : i32
    %shift_left3A_2 = vector.broadcast %shift_left3A : i32 to vector<384x512xi32>
    %shift_left3A_3 = arith.shli %get3A_1, %shift_left3A_2 : vector<384x512xi32>
    %bitcast_convert_type3A = tpu.bitcast %shift_left3A_3 : vector<384x512xi32> -> vector<384x512xf32>
    %and3A = arith.constant -65536 : i32
    %and3A_4 = vector.broadcast %and3A : i32 to vector<384x512xi32>
    %and3A_5 = arith.andi %get3A_1, %and3A_4 : vector<384x512xi32>
    %bitcast_convert_type3A_6 = tpu.bitcast %and3A_5 : vector<384x512xi32> -> vector<384x512xf32>
    %concatenate3A = tpu.concatenate %bitcast_convert_type3A, %bitcast_convert_type3A_6 in 0 : vector<384x512xf32>, vector<384x512xf32> -> vector<768x512xf32>
    %get3A_7 = arith.constant 0 : index
    %get3A_8 = arith.constant 0 : index
    %get3A_9 = vector.load %arg2[%get3A_7, %get3A_8] : memref<768x512xf32, #tpu.memory_space<vmem>>, vector<768x512xf32>
    %add3A = arith.addf %concatenate3A, %get3A_9 : vector<768x512xf32>
    %transpose3A = tpu.transpose %add3A, [1, 0] : vector<768x512xf32> -> vector<512x768xf32>
    %swap3A = arith.constant 0 : index
    %swap3A_10 = arith.constant 0 : index
    %swap3A_11 = vector.load %arg3[%swap3A, %swap3A_10] : memref<512x768xf32, #tpu.memory_space<vmem>>, vector<512x768xf32>
    tpu.vector_store %arg3[%swap3A, %swap3A_10], %transpose3A {strides = array<i32>} : memref<512x768xf32, #tpu.memory_space<vmem>>, vector<512x768xf32>,
    return
  }
  func.func @transform_0(%arg0: i32) -> (i32, i32) {
    %c0_i32 = arith.constant 0 : i32
    %c0_i32_0 = arith.constant 0 : i32
    return %c0_i32, %arg0 : i32, i32
  }
  func.func @transform_1(%arg0: i32) -> (i32, i32) {
    %c0_i32 = arith.constant 0 : i32
    %c0_i32_0 = arith.constant 0 : i32
    return %c0_i32, %arg0 : i32, i32
  }
  func.func @transform_2(%arg0: i32) -> (i32, i32) {
    %c0_i32 = arith.constant 0 : i32
    %c0_i32_0 = arith.constant 0 : i32
    return %arg0, %c0_i32 : i32, i32
  }
}

</mosaic_0001>

<sc_bundles>
// kernel: kernel.12.cloned.1.call-start
scs
__scs_entry_jumppad:
0x0: {  	(pc) =	sbr.rel $0x88, $3  }
0x1: {  	(tag) =	ssettag $0x0;
	lr =	simm.s32 $0x1  }
0x2: {  	[smem:$0x3F98] =	sst lr;
	_ =	strace $0xD0000000  }
0x3: {  	_ = 	snop  }
0x4: {  	_ = 	snop  }
0x5: {  	_ = 	snop  }
0x6: {  	_ = 	snop  }
0x7: {  	_ = 	snop  }
__scs_overlays_trampoline_lowered:
0x8: {  	[smem:$0x3FA7] =	sst s0  }
0x9: {  	[smem:$0x3FA8] =	sst s1  }
0xa: {  	[smem:$0x3FA9] =	sst s2  }
0xb: {  	[smem:$0x3FAA] =	sst s3  }
0xc: {  	[smem:$0x3FAB] =	sst s4  }
0xd: {  	[smem:$0x3FAC] =	sst s5  }
0xe: {  	[smem:$0x3FAD] =	sst s6  }
0xf: {  	[smem:$0x3FAE] =	sst s7  }
0x10: {  	[smem:$0x3FAF] =	sst s8  }
0x11: {  	[smem:$0x3FB0] =	sst s9;
	s0 =	simm.s32 @!p0 $0x0  }
0x12: {  	s1 =	sld [smem:$0x3F96];
	s0 =	simm.s32 @p0 $0x1  }
0x13: {  	[smem:$0x3FB1] =	sst s0;
	s0 =	simm.s32 @!p1 $0x0  }
0x14: {  	s2 =	sld [smem:$0x3F95];
	s0 =	simm.s32 @p1 $0x1  }
0x15: {  	[smem:$0x3FB2] =	sst s0;
	s0 =	simm.s32 @!p2 $0x0  }
0x16: {  	s3 =	sld [smem:$0x3FDB];
	s0 =	simm.s32 @p2 $0x1  }
0x17: {  	s4 =	simm.s32 $0x1BF5;
	[smem:$0x3FB4] =	sst s0  }
0x18: {  	s0 =	sld [smem:$0x3F97];
	_ =	swait.ge [sflag:s4], $0x0  }
0x19: {  	s7 =	sld [smem:$0x3F98]  }
0x1a: {  	s8 =	sadd.s32 $0xFFFFE003, lr  }
0x1b: {  	s9 =	sadd.s32 $0xFFFFFEF7, lr;
	s5 =	simm.s32 $0xFFFFFFFF;
	p2 =	slt.u32 s8, $0xFFFFF086  }
0x1c: {  	p1 =	slt.u32 s9, $0xF7A;
	s5 =	simm.s32 @!p2 $0x0  }
0x1d: {  	s5 =	simm.s32 @p1 $0x1;
	p0 =	seq.s32 s7, s2  }
0x1e: {  	s7 =	smul.u32 @!p0 $0xF7A, s2;
	p2 =	seq.s32 @!p0 s5, $0x0  }
0x1f: {  	s9 =	smul.u32 $0xF7A, s1;
	s8 =	simm.s32 @!p0 $0x1BF5;
	p2 =	por !p2, p0  }
0x20: {  	[sflag:s8] =	ssyncset.s32 @!p0 $0xFFFFF086;
	s6 =	sadd.s32 @!p0 s3, s7;
	s7 =	simm.s32 @!p0 $0x108  }
0x21: {  	s3 =	sadd.s32 s3, s9;
	s6 =	sadd.s32 @!p0 $0x88, s6;
	s7 =	simm.s32 @p2 $0x1082  }
0x22: {  	[simem:s7], [sflag:s8] =	dma.local @!p0 [hbm:s6], $0xF7A  }
0x23: {  	s9 =	sor.u32 $0xD0000000, s2;
	s6 =	simm.s32 $0x108;
	_ =	swait.ge @!p0 [sflag:s8], $0x0  }
0x24: {  	s3 =	sadd.s32 $0x88, s3;
	s6 =	simm.s32 @!p1 $0x1082;
	[sflag:s4] =	ssyncset.s32 $0xFFFFF086  }
0x25: {  	[simem:s6], [sflag:s4] =	dma.local [hbm:s3], $0xF7A  }
0x26: {  	[smem:$0x3F98] =	sst s1;
	(tag) =	ssettag s2;
	_ =	strace s9  }
0x27: {  	s1 =	sld [smem:$0x3FA8]  }
0x28: {  	s2 =	sld [smem:$0x3FA9]  }
0x29: {  	s4 =	sld [smem:$0x3FAB]  }
0x2a: {  	p0 =	seq.s32 s5, $0x0;
	s5 =	sld [smem:$0x3FAC]  }
0x2b: {  	s6 =	sld [smem:$0x3FAD]  }
0x2c: {  	s7 =	sld [smem:$0x3FAE]  }
0x2d: {  	s3 =	simm.s32 $0x108;
	s8 =	sld [smem:$0x3FAF]  }
0x2e: {  	s3 =	simm.s32 @!p0 $0x1082;
	s9 =	sld [smem:$0x3FB0]  }
0x2f: {  	lr =	sadd.s32 s0, s3;
	s0 =	sld [smem:$0x3FA7]  }
0x30: {  	s3 =	sld [smem:$0x3FAA]  }
0x31: {  	[smem:$0x3FB3] =	sst s10  }
0x32: {  	s10 =	sld [smem:$0x3FB1];
	_ =	sdelay $0x3  }
0x33: {  	p0 =	seq.s32 s10, $0x1;
	s10 =	sld [smem:$0x3FB3];
	_ =	sdelay $0x3  }
0x34: {  	[smem:$0x3FB3] =	sst s10  }
0x35: {  	s10 =	sld [smem:$0x3FB2];
	_ =	sdelay $0x3  }
0x36: {  	p1 =	seq.s32 s10, $0x1;
	s10 =	sld [smem:$0x3FB3];
	_ =	sdelay $0x3  }
0x37: {  	[smem:$0x3FB3] =	sst s10  }
0x38: {  	s10 =	sld [smem:$0x3FB4]  }
0x39: {  	_ = 	snop;
	(pc) =	sbr.ind lr, $3  }
0x3a: {  	_ = 	snop  }
0x3b: {  	_ = 	snop  }
0x3c: {  	p2 =	seq.s32 s10, $0x1;
	s10 =	sld [smem:$0x3FB3]  }
0x3d: {  	_ =	shalt  }
0x3e: {  	_ =	shalt  }
0x3f: {  	_ =	shalt  }
0x40: {  	_ =	shalt  }
0x41: {  	_ =	shalt  }
0x42: {  	_ =	shalt  }
0x43: {  	_ =	shalt  }
0x44: {  	_ =	shalt  }
0x45: {  	_ =	shalt  }
0x46: {  	_ =	shalt  }
0x47: {  	_ =	shalt  }
0x48: {  	_ =	shalt  }
0x49: {  	_ =	shalt  }
0x4a: {  	_ =	shalt  }
0x4b: {  	_ =	shalt  }
0x4c: {  	_ =	shalt  }
0x4d: {  	_ =	shalt  }
0x4e: {  	_ =	shalt  }
0x4f: {  	_ =	shalt  }
0x50: {  	_ =	shalt  }
0x51: {  	_ =	shalt  }
0x52: {  	_ =	shalt  }
0x53: {  	_ =	shalt  }
0x54: {  	_ =	shalt  }
0x55: {  	_ =	shalt  }
0x56: {  	_ =	shalt  }
0x57: {  	_ =	shalt  }
0x58: {  	_ =	shalt  }
0x59: {  	_ =	shalt  }
0x5a: {  	_ =	shalt  }
0x5b: {  	_ =	shalt  }
0x5c: {  	_ =	shalt  }
0x5d: {  	_ =	shalt  }
0x5e: {  	_ =	shalt  }
0x5f: {  	_ =	shalt  }
0x60: {  	_ =	shalt  }
0x61: {  	_ =	shalt  }
0x62: {  	_ =	shalt  }
0x63: {  	_ =	shalt  }
0x64: {  	_ =	shalt  }
0x65: {  	_ =	shalt  }
0x66: {  	_ =	shalt  }
0x67: {  	_ =	shalt  }
0x68: {  	_ =	shalt  }
0x69: {  	_ =	shalt  }
0x6a: {  	_ =	shalt  }
0x6b: {  	_ =	shalt  }
0x6c: {  	_ =	shalt  }
0x6d: {  	_ =	shalt  }
0x6e: {  	_ =	shalt  }
0x6f: {  	_ =	shalt  }
0x70: {  	_ =	shalt  }
0x71: {  	_ =	shalt  }
0x72: {  	_ =	shalt  }
0x73: {  	_ =	shalt  }
0x74: {  	_ =	shalt  }
0x75: {  	_ =	shalt  }
0x76: {  	_ =	shalt  }
0x77: {  	_ =	shalt  }
0x78: {  	_ =	shalt  }
0x79: {  	_ =	shalt  }
0x7a: {  	_ =	shalt  }
0x7b: {  	_ =	shalt  }
0x7c: {  	_ =	shalt  }
0x7d: {  	_ =	shalt  }
0x7e: {  	_ =	shalt  }
0x7f: {  	_ =	shalt  }
0x80: {  	_ =	shalt  }
0x81: {  	_ =	shalt  }
0x82: {  	_ =	shalt  }
0x83: {  	_ =	shalt  }
0x84: {  	_ =	shalt  }
0x85: {  	_ =	shalt  }
0x86: {  	_ =	shalt  }
0x87: {  	_ =	shalt  }
.Lfunc_end0:
.L_simem_size_0:
called_computation.1_lowered:
.L_overlay_start_0:
0x88: {  	s2 =	sld [smem:$0x3FD9]  }
0x89: {  	s3 =	sld [smem:$0x3FFE];
	_ =	sdelay $0x1  }
0x8a: {  	s1 =	srdreg.scid  }
0x8b: {  	s0 =	sand.u32 $0x1, s1  }
0x8c: {  	s14 =	sshll.u32 s0, $0xA;
	s2 =	sadd.s32 s3, s2  }
0x8d: {  	s2 =	sadd.s32 s2, s14  }
0x8e: {  	[smem:$0x3FBF] =	sst s2  }
0x8f: {  	_ = 	snop  }
0x90: {  	s2 =	sld [smem:$0x3FD0];
	_ =	sdelay $0x2  }
0x91: {  	s15 =	simm.s32 $0xA;
	s4 =	simm.s32 $0x10  }
0x92: {  	[smem:s4], [sflag:s15] =	dma.local [hbm:s2], $0x1  }
0x93: {  	_ =	swait.eq [sflag:s15], $0x1  }
0x94: {  	[sflag:s15] =	ssyncset.done $0x0  }
0x95: {  	s16 =	sld [smem:$0x10];
	[sflag:s15] =	ssyncadd.s32 $0xFFFFFFFF  }
0x96: {  	s17 =	sld [smem:$0x11];
	(tm) =	ssettm $0x1  }
0x97: {  	s18 =	sld [smem:$0x3FFB];
	_ =	sdelay $0x3  }
0x98: {  	_ =	strace s18  }
0x99: {  	s4 =	sld [smem:$0x3FFC];
	_ =	sdelay $0x3  }
0x9a: {  	_ =	strace s4  }
0x9b: {  	s4 =	sld [smem:$0x3FFD];
	_ =	sdelay $0x3  }
0x9c: {  	_ =	strace s4  }
0x9d: {  	_ =	strace $0x8FFFFFFF  }
0x9e: {  	s19 =	sld [smem:$0x3FDB];
	_ =	sdelay $0x1  }
0x9f: {  	s5 =	simm.s32 $_scs_section_size  }
0xa0: {  	s6 =	simm.s32 $_size__tile_overlayer_lowered;
	s7 =	simm.s32 $_tile_overlayer_lowered  }
0xa1: {  	s22 =	simm.s32 $0x1BFF;
	s21 =	sshll.u32 s7, $0x1;
	s4 =	sadd.s32 s5, s19  }
0xa2: {  	s8 =	simm.s32 $0x0;
	s20 =	sshll.u32 s6, $0x1;
	s6 =	sadd.s32 s21, s4  }
0xa3: {  	[timem:s8], [sflag:s22] =	dma.local [hbm:s6], s20  }
0xa4: {  	_ =	swait.ge [sflag:s22], s20  }
0xa5: {  	s5 =	ssub.s32 $0x0, s20;
	[sflag:s22] =	ssyncset.done $0x0  }
0xa6: {  	[sflag:s22] =	ssyncadd.s32 s5;
	_ =	sdelay $0x1  }
0xa7: {  	s23 =	simm.s32 $0x1B8B  }
0xa8: {  	_ =	swait.ge [sflag:s23], $0x1  }
0xa9: {  	[sflag:s23] =	ssyncset.done $0x0  }
0xaa: {  	s25 =	simm.s32 $0x1B8E;
	s24 =	sld [smem:$0x3FFE];
	[sflag:s23] =	ssyncadd.s32 $0xFFFFFFFF  }
0xab: {  	s26 =	simm.s32 $execute0_lowered;
	[smem:$0x3FD2] =	sst s25  }
0xac: {  	s6 =	sshll.u32 s26, $0x1;
	_ =	strace $0x80000049;
	[dreg:$0x1] =	wrdreg $0xFFFFFFFF  }
0xad: {  	s28 =	simm.s32 $_size_execute0_lowered;
	s4 =	sadd.s32 s4, s6;
	[dreg:$0x0] =	wrdreg $0x0  }
0xae: {  	s6 =	sshll.u32 s28, $0x1;
	[dreg:$0x2] =	wrdreg s4  }
0xaf: {  	[dreg:$0x3] =	wrdreg s6  }
0xb0: {  	[dreg:$0x4] =	wrdreg $0xC0  }
0xb1: {  	_ =	task [dreg:s8], $0x5FFFF  }
0xb2: {  	[dreg:$0x1] =	wrdreg $0xFFFFFFFF  }
0xb3: {  	[dreg:$0x0] =	wrdreg $0x60  }
0xb4: {  	[dreg:$0x2] =	wrdreg s16  }
0xb5: {  	[dreg:$0x3] =	wrdreg s17  }
0xb6: {  	[dreg:$0x4] =	wrdreg s24  }
0xb7: {  	[dreg:$0x5] =	wrdreg $0x9  }
0xb8: {  	_ =	task.clear_ibuf [dreg:s8], $0x6FFFF;
	_ =	strace $0x90000049  }
0xb9: {  	s29 =	simm.s32 $0x9;
	_ =	strace $0x8000004B  }
0xba: {  	_ =	swait.ge [sflag:s29], $0x1  }
0xbb: {  	[sflag:s29] =	ssyncadd.s32 $0xFFFFFFFF  }
0xbc: {  	_ =	strace $0x9000004B  }
0xbd: {  	_ =	sfence  }
0xbe: {  	s30 =	sld [smem:$0x0];
	_ =	sdelay $0x2  }
0xbf: {  	s31 =	sshll.u32 s1, $0xD;
	s1 =	sshrl.u32 s1, $0x2  }
0xc0: {  	s3 =	sand.u32 $0x4000, s31;
	s1 =	sadd.s32 s1, s30  }
0xc1: {  	s0 =	sor.u32 s3, s0;
	s1 =	sshll.u32 s1, $0x11  }
0xc2: {  	s0 =	sor.u32 s1, s0  }
0xc3: {  	s0 =	sadd.s32 $0x8F2B, s0  }
0xc4: {  	[sflag:s0] =	ssyncadd.remote.s32 $0x1  }
0xc5: {  	_ =	sfence.sel $0xFFFF  }
0xc6: {  	[dreg:$0x0] =	wrdreg $0xFFFFFFFF;
	(pc) =	sbr.abs _section_cstart, $3  }
0xc7: {  	[dreg:$0x1] =	wrdreg $0xFFFFFFFF  }
0xc8: {  	_ =	task.clear_ibuf [dreg:s8], $0x2FFFF;
	_ =	strace $0x9FFFFFFF  }
0xc9: {  	(tm) =	ssettm $0x7FFFFFFF  }
tec
execute0_lowered:
.L_overlay_start_1:
0x0: {  	(tag) =	ssettag $0x1  }
0x1: {  	s1 =	stileid.u32  }
0x2: {  	p0 =	sgt.u32 s1, $0xB  }
.Ltmp0:
0x3: {  	_ = 	snop;
	(pc) =	sbr.rel @p0 .LBB2_7-.Ltmp0, $4  }
0x4: {  	s6 =	rddreg [dreg:$0x0]  }
0x5: {  	s2 =	rddreg [dreg:$0x1];
	s3 =	simm.s32 $0x0  }
0x6: {  	[smem:$0x7FF] =	sst s3  }
0x7: {  	s4 =	rddreg [dreg:$0x2];
	_ =	strace $0x8000004A  }
0x8: {  	s5 =	srdreg.scid  }
0x9: {  	s7 =	sshll.u32 s1, $0x1;
	s11 =	simm.s32 $0x9800;
	s5 =	sand.u32 $0x1, s5  }
0xa: {  	s12 =	simm.s32 $0x0;
	s7 =	sor.u32 s5, s7;
	s9 =	ssub.s32 $0x2, s5  }
0xb: {  	s8 =	smul.u32 $0x3000, s7;
	s10 =	sshrl.u32 s9, $0x1;
	s7 =	sshll.u32 s7, $0xC  }
0xc: {  	s31 =	ssub.s32 s9, s10;
	s6 =	sadd.s32 s6, s7;
	s9 =	simm.s32 $0x6000  }
0xd: {  	s10 =	simm.s32 $0xC000;
	s8 =	sadd.s32 s8, s4;
	s7 =	smax.u32 s31, $0x1  }
0xe: {  	s4 =	sadd.s32 $0x2200, s8;
	s5 =	sadd.s32 $0x2E00, s8;
	s8 =	simm.s32 $0x1  }
.LBB2_2:
0xf: {  	s13 =	simm.s32 $0x0  }
0x10: {  	[tilespmem:s13], [sflag:$0x1] =	stream.linear.gather [hbm4b:s6+s13], $0x8000, $0x38;
	[tilespmem:$0x15800] =	vst v63  }
0x11: {  	_ =	swait.ge [sflag:s8], $0x8000  }
0x12: {  	[sflag:s8] =	ssyncset.done $0x0  }
0x13: {  	s14 =	simm.s32 $0x8000;
	[sflag:s8] =	ssyncadd.s32 $0xFFFF8000  }
0x14: {  	[tilespmem:s14], [sflag:$0x1] =	stream.linear.gather [hbm4b:s2+s13], $0x1800, $0x38;
	[tilespmem:$0x15800] =	vst v63  }
0x15: {  	_ =	swait.ge [sflag:s8], $0x1800  }
0x16: {  	s15 =	simm.s32 $0xFFFFFFFC;
	[sflag:s8] =	ssyncset.done $0x0  }
0x17: {  	p0 =	por $0x0, $0x0;
	s16 =	simm.s32 $0x0;
	[sflag:s8] =	ssyncadd.s32 $0xFFFFE800  }
.LBB2_3:
0x18: {  	v0 =	vld [tilespmem:s14+$0x0];
	_ =	sdelay $0x4  }
0x19: {  	v1 =	vshll.u32 v0, $0x3  }
0x1a: {  	v0 =	vand.u32 $0x7F, v0;
	v1 =	vand.u32 $0xFFFFFC00, v1  }
0x1b: {  	v0 =	vor.u32 v0, v1;
	_ =	sdelay $0x4  }
0x1c: {  	v1 =	vld.idx.msk [tilespmem:v0+s3+$0x0], $0xffff  }
0x1d: {  	v2 =	vor.u32 $0x80, v0  }
0x1e: {  	s28 =	sand.u32 $0x7C00, s16  }
0x1f: {  	s24 =	sand.u32 $0x40, s13;
	s17 =	sadd.s32 $0x9800, s28  }
0x20: {  	s18 =	sor.u32 s24, s17  }
0x21: {  	[tilespmem:s18+$0x0] =	vst v1  }
0x22: {  	v1 =	vld.idx.msk [tilespmem:v2+s3+$0x0], $0xffff  }
0x23: {  	v6 =	vor.u32 $0x100, v0;
	_ =	sdelay $0x3  }
0x24: {  	[tilespmem:s18+$0x80] =	vst v1  }
0x25: {  	v1 =	vld.idx.msk [tilespmem:v6+s3+$0x0], $0xffff  }
0x26: {  	v7 =	vor.u32 $0x180, v0;
	_ =	sdelay $0x3  }
0x27: {  	[tilespmem:s18+$0x100] =	vst v1  }
0x28: {  	v1 =	vld.idx.msk [tilespmem:v7+s3+$0x0], $0xffff  }
0x29: {  	v8 =	vor.u32 $0x200, v0;
	_ =	sdelay $0x3  }
0x2a: {  	[tilespmem:s18+$0x180] =	vst v1  }
0x2b: {  	s18 =	simm.s32 $0x1;
	v1 =	vld.idx.msk [tilespmem:v8+s3+$0x0], $0xffff  }
0x2c: {  	v9 =	vor.u32 $0x280, v0;
	s18 =	simm.s32 @!p0 $0x0  }
0x2d: {  	s18 =	sshll.u32 s18, $0x6  }
0x2e: {  	s18 =	sadd.s32 s18, s16  }
0x2f: {  	s19 =	sor.u32 $0x200, s18  }
0x30: {  	[tilespmem:s19+$0x9800] =	vst v1  }
0x31: {  	v1 =	vld.idx.msk [tilespmem:v9+s3+$0x0], $0xffff  }
0x32: {  	v10 =	vor.u32 $0x300, v0;
	_ =	sdelay $0x2  }
0x33: {  	s29 =	sor.u32 $0x280, s18  }
0x34: {  	[tilespmem:s29+$0x9800] =	vst v1  }
0x35: {  	v1 =	vld.idx.msk [tilespmem:v10+s3+$0x0], $0xffff  }
0x36: {  	v11 =	vor.u32 $0x380, v0;
	_ =	sdelay $0x2  }
0x37: {  	s30 =	sor.u32 $0x300, s18  }
0x38: {  	[tilespmem:s30+$0x9800] =	vst v1  }
0x39: {  	v1 =	vld.idx.msk [tilespmem:v11+s3+$0x0], $0xffff  }
0x3a: {  	v12 =	vadd.s32 $0x4000, v0;
	_ =	sdelay $0x2  }
0x3b: {  	s31 =	sor.u32 $0x380, s18  }
0x3c: {  	[tilespmem:s31+$0x9800] =	vst v1  }
0x3d: {  	v1 =	vld.idx.msk [tilespmem:v12+s3+$0x0], $0xffff  }
0x3e: {  	v13 =	vadd.s32 $0x4080, v0;
	_ =	sdelay $0x1  }
0x3f: {  	s19 =	sadd.s32 $0xF800, s28  }
0x40: {  	s20 =	sor.u32 s24, s19  }
0x41: {  	[tilespmem:s20+$0x0] =	vst v1  }
0x42: {  	v1 =	vld.idx.msk [tilespmem:v13+s3+$0x0], $0xffff  }
0x43: {  	v14 =	vadd.s32 $0x4100, v0;
	_ =	sdelay $0x1  }
0x44: {  	s20 =	sadd.s32 $0xF880, s28  }
0x45: {  	s21 =	sor.u32 s24, s20  }
0x46: {  	[tilespmem:s21+$0x0] =	vst v1  }
0x47: {  	v1 =	vld.idx.msk [tilespmem:v14+s3+$0x0], $0xffff  }
0x48: {  	v15 =	vadd.s32 $0x4180, v0;
	_ =	sdelay $0x1  }
0x49: {  	s21 =	sadd.s32 $0xF900, s28  }
0x4a: {  	s22 =	sor.u32 s24, s21  }
0x4b: {  	[tilespmem:s22+$0x0] =	vst v1  }
0x4c: {  	v1 =	vld.idx.msk [tilespmem:v15+s3+$0x0], $0xffff  }
0x4d: {  	v16 =	vadd.s32 $0x4200, v0;
	_ =	sdelay $0x1  }
0x4e: {  	s22 =	sadd.s32 $0xF980, s28  }
0x4f: {  	s23 =	sor.u32 s24, s22  }
0x50: {  	[tilespmem:s23+$0x0] =	vst v1  }
0x51: {  	v1 =	vld.idx.msk [tilespmem:v16+s3+$0x0], $0xffff  }
0x52: {  	v17 =	vadd.s32 $0x4280, v0;
	_ =	sdelay $0x1  }
0x53: {  	s23 =	sadd.s32 $0xFA00, s28  }
0x54: {  	s25 =	sor.u32 s24, s23  }
0x55: {  	[tilespmem:s25+$0x0] =	vst v1  }
0x56: {  	v1 =	vld.idx.msk [tilespmem:v17+s3+$0x0], $0xffff  }
0x57: {  	v18 =	vadd.s32 $0x4300, v0;
	_ =	sdelay $0x1  }
0x58: {  	s25 =	sadd.s32 $0xFA80, s28  }
0x59: {  	s26 =	sor.u32 s24, s25  }
0x5a: {  	[tilespmem:s26+$0x0] =	vst v1  }
0x5b: {  	v1 =	vld.idx.msk [tilespmem:v18+s3+$0x0], $0xffff  }
0x5c: {  	v0 =	vadd.s32 $0x4380, v0;
	_ =	sdelay $0x1  }
0x5d: {  	s26 =	sadd.s32 $0xFB00, s28  }
0x5e: {  	s29 =	sor.u32 s24, s26  }
0x5f: {  	[tilespmem:s29+$0x0] =	vst v1  }
0x60: {  	v0 =	vld.idx.msk [tilespmem:v0+s3+$0x0], $0xffff;
	_ =	sdelay $0x2  }
0x61: {  	s0 =	sand.u32 $0xF80, s13;
	s28 =	sadd.s32 $0xFB80, s28  }
0x62: {  	s30 =	sor.u32 $0x10, s24;
	s31 =	sor.u32 s24, s28;
	s29 =	sor.u32 $0x8000, s0  }
0x63: {  	s0 =	sor.u32 s30, s29;
	[tilespmem:s31+$0x0] =	vst v0  }
0x64: {  	v0 =	vld [tilespmem:s0+$0x0];
	_ =	sdelay $0x4  }
0x65: {  	v19 =	vshll.u32 v0, $0x3  }
0x66: {  	v0 =	vand.u32 $0x7F, v0;
	v1 =	vand.u32 $0xFFFFFC00, v19  }
0x67: {  	v0 =	vor.u32 v0, v1;
	_ =	sdelay $0x4  }
0x68: {  	v1 =	vld.idx.msk [tilespmem:v0+s3+$0x0], $0xffff  }
0x69: {  	v20 =	vor.u32 $0x80, v0;
	_ =	sdelay $0x2  }
0x6a: {  	s0 =	sor.u32 s30, s17  }
0x6b: {  	[tilespmem:s0+$0x0] =	vst v1  }
0x6c: {  	v1 =	vld.idx.msk [tilespmem:v20+s3+$0x0], $0xffff  }
0x6d: {  	v21 =	vor.u32 $0x100, v0;
	_ =	sdelay $0x3  }
0x6e: {  	[tilespmem:s0+$0x80] =	vst v1  }
0x6f: {  	v1 =	vld.idx.msk [tilespmem:v21+s3+$0x0], $0xffff  }
0x70: {  	v22 =	vor.u32 $0x180, v0;
	_ =	sdelay $0x3  }
0x71: {  	[tilespmem:s0+$0x100] =	vst v1  }
0x72: {  	v1 =	vld.idx.msk [tilespmem:v22+s3+$0x0], $0xffff  }
0x73: {  	v23 =	vor.u32 $0x200, v0;
	_ =	sdelay $0x3  }
0x74: {  	[tilespmem:s0+$0x180] =	vst v1  }
0x75: {  	v1 =	vld.idx.msk [tilespmem:v23+s3+$0x0], $0xffff  }
0x76: {  	v24 =	vor.u32 $0x280, v0;
	_ =	sdelay $0x1  }
0x77: {  	s31 =	sadd.s32 $0x10, s18  }
0x78: {  	s0 =	sor.u32 $0x200, s31  }
0x79: {  	[tilespmem:s0+$0x9800] =	vst v1  }
0x7a: {  	v1 =	vld.idx.msk [tilespmem:v24+s3+$0x0], $0xffff  }
0x7b: {  	v25 =	vor.u32 $0x300, v0;
	_ =	sdelay $0x2  }
0x7c: {  	s0 =	sor.u32 $0x280, s31  }
0x7d: {  	[tilespmem:s0+$0x9800] =	vst v1  }
0x7e: {  	v1 =	vld.idx.msk [tilespmem:v25+s3+$0x0], $0xffff  }
0x7f: {  	v26 =	vor.u32 $0x380, v0;
	_ =	sdelay $0x2  }
0x80: {  	s0 =	sor.u32 $0x300, s31  }
0x81: {  	[tilespmem:s0+$0x9800] =	vst v1  }
0x82: {  	v1 =	vld.idx.msk [tilespmem:v26+s3+$0x0], $0xffff  }
0x83: {  	v27 =	vadd.s32 $0x4000, v0;
	_ =	sdelay $0x2  }
0x84: {  	s31 =	sor.u32 $0x380, s31  }
0x85: {  	[tilespmem:s31+$0x9800] =	vst v1  }
0x86: {  	v1 =	vld.idx.msk [tilespmem:v27+s3+$0x0], $0xffff  }
0x87: {  	v28 =	vadd.s32 $0x4080, v0;
	_ =	sdelay $0x2  }
0x88: {  	s31 =	sor.u32 s30, s19  }
0x89: {  	[tilespmem:s31+$0x0] =	vst v1  }
0x8a: {  	v1 =	vld.idx.msk [tilespmem:v28+s3+$0x0], $0xffff  }
0x8b: {  	v29 =	vadd.s32 $0x4100, v0;
	_ =	sdelay $0x2  }
0x8c: {  	s31 =	sor.u32 s30, s20  }
0x8d: {  	[tilespmem:s31+$0x0] =	vst v1  }
0x8e: {  	v1 =	vld.idx.msk [tilespmem:v29+s3+$0x0], $0xffff  }
0x8f: {  	v30 =	vadd.s32 $0x4180, v0;
	_ =	sdelay $0x2  }
0x90: {  	s31 =	sor.u32 s30, s21  }
0x91: {  	[tilespmem:s31+$0x0] =	vst v1  }
0x92: {  	v1 =	vld.idx.msk [tilespmem:v30+s3+$0x0], $0xffff  }
0x93: {  	v31 =	vadd.s32 $0x4200, v0;
	_ =	sdelay $0x2  }
0x94: {  	s31 =	sor.u32 s30, s22  }
0x95: {  	[tilespmem:s31+$0x0] =	vst v1  }
0x96: {  	v1 =	vld.idx.msk [tilespmem:v31+s3+$0x0], $0xffff  }
0x97: {  	v32 =	vadd.s32 $0x4280, v0;
	_ =	sdelay $0x2  }
0x98: {  	s31 =	sor.u32 s30, s23  }
0x99: {  	[tilespmem:s31+$0x0] =	vst v1  }
0x9a: {  	v1 =	vld.idx.msk [tilespmem:v32+s3+$0x0], $0xffff  }
0x9b: {  	v33 =	vadd.s32 $0x4300, v0;
	_ =	sdelay $0x2  }
0x9c: {  	s31 =	sor.u32 s30, s25  }
0x9d: {  	[tilespmem:s31+$0x0] =	vst v1  }
0x9e: {  	v1 =	vld.idx.msk [tilespmem:v33+s3+$0x0], $0xffff  }
0x9f: {  	v0 =	vadd.s32 $0x4380, v0;
	_ =	sdelay $0x2  }
0xa0: {  	s31 =	sor.u32 s30, s26  }
0xa1: {  	[tilespmem:s31+$0x0] =	vst v1  }
0xa2: {  	v0 =	vld.idx.msk [tilespmem:v0+s3+$0x0], $0xffff;
	_ =	sdelay $0x3  }
0xa3: {  	s31 =	sor.u32 s30, s28;
	s30 =	sor.u32 $0x20, s24  }
0xa4: {  	[tilespmem:s31+$0x0] =	vst v0;
	s31 =	sor.u32 s30, s29  }
0xa5: {  	v0 =	vld [tilespmem:s31+$0x0];
	_ =	sdelay $0x4  }
0xa6: {  	v34 =	vshll.u32 v0, $0x3  }
0xa7: {  	v0 =	vand.u32 $0x7F, v0;
	v1 =	vand.u32 $0xFFFFFC00, v34  }
0xa8: {  	v0 =	vor.u32 v0, v1;
	_ =	sdelay $0x4  }
0xa9: {  	v1 =	vld.idx.msk [tilespmem:v0+s3+$0x0], $0xffff  }
0xaa: {  	v35 =	vor.u32 $0x80, v0;
	_ =	sdelay $0x2  }
0xab: {  	s31 =	sor.u32 s30, s17  }
0xac: {  	[tilespmem:s31+$0x0] =	vst v1  }
0xad: {  	v1 =	vld.idx.msk [tilespmem:v35+s3+$0x0], $0xffff  }
0xae: {  	v36 =	vor.u32 $0x100, v0;
	_ =	sdelay $0x3  }
0xaf: {  	[tilespmem:s31+$0x80] =	vst v1  }
0xb0: {  	v1 =	vld.idx.msk [tilespmem:v36+s3+$0x0], $0xffff  }
0xb1: {  	v37 =	vor.u32 $0x180, v0;
	_ =	sdelay $0x3  }
0xb2: {  	[tilespmem:s31+$0x100] =	vst v1  }
0xb3: {  	v1 =	vld.idx.msk [tilespmem:v37+s3+$0x0], $0xffff  }
0xb4: {  	v38 =	vor.u32 $0x200, v0;
	_ =	sdelay $0x3  }
0xb5: {  	[tilespmem:s31+$0x180] =	vst v1  }
0xb6: {  	v1 =	vld.idx.msk [tilespmem:v38+s3+$0x0], $0xffff  }
0xb7: {  	v39 =	vor.u32 $0x280, v0;
	_ =	sdelay $0x1  }
0xb8: {  	s0 =	sadd.s32 $0x20, s18  }
0xb9: {  	s31 =	sor.u32 $0x200, s0  }
0xba: {  	[tilespmem:s31+$0x9800] =	vst v1  }
0xbb: {  	v1 =	vld.idx.msk [tilespmem:v39+s3+$0x0], $0xffff  }
0xbc: {  	v40 =	vor.u32 $0x300, v0;
	_ =	sdelay $0x2  }
0xbd: {  	s31 =	sor.u32 $0x280, s0  }
0xbe: {  	[tilespmem:s31+$0x9800] =	vst v1  }
0xbf: {  	v1 =	vld.idx.msk [tilespmem:v40+s3+$0x0], $0xffff  }
0xc0: {  	v41 =	vor.u32 $0x380, v0;
	_ =	sdelay $0x2  }
0xc1: {  	s31 =	sor.u32 $0x300, s0  }
0xc2: {  	[tilespmem:s31+$0x9800] =	vst v1  }
0xc3: {  	v1 =	vld.idx.msk [tilespmem:v41+s3+$0x0], $0xffff  }
0xc4: {  	v42 =	vadd.s32 $0x4000, v0;
	_ =	sdelay $0x2  }
0xc5: {  	s0 =	sor.u32 $0x380, s0  }
0xc6: {  	[tilespmem:s0+$0x9800] =	vst v1  }
0xc7: {  	v1 =	vld.idx.msk [tilespmem:v42+s3+$0x0], $0xffff  }
0xc8: {  	v43 =	vadd.s32 $0x4080, v0;
	_ =	sdelay $0x2  }
0xc9: {  	s31 =	sor.u32 s30, s19  }
0xca: {  	[tilespmem:s31+$0x0] =	vst v1  }
0xcb: {  	v1 =	vld.idx.msk [tilespmem:v43+s3+$0x0], $0xffff  }
0xcc: {  	v44 =	vadd.s32 $0x4100, v0;
	_ =	sdelay $0x2  }
0xcd: {  	s31 =	sor.u32 s30, s20  }
0xce: {  	[tilespmem:s31+$0x0] =	vst v1  }
0xcf: {  	v1 =	vld.idx.msk [tilespmem:v44+s3+$0x0], $0xffff  }
0xd0: {  	v45 =	vadd.s32 $0x4180, v0;
	_ =	sdelay $0x2  }
0xd1: {  	s31 =	sor.u32 s30, s21  }
0xd2: {  	[tilespmem:s31+$0x0] =	vst v1  }
0xd3: {  	v1 =	vld.idx.msk [tilespmem:v45+s3+$0x0], $0xffff  }
0xd4: {  	v46 =	vadd.s32 $0x4200, v0;
	_ =	sdelay $0x2  }
0xd5: {  	s31 =	sor.u32 s30, s22  }
0xd6: {  	[tilespmem:s31+$0x0] =	vst v1  }
0xd7: {  	v1 =	vld.idx.msk [tilespmem:v46+s3+$0x0], $0xffff  }
0xd8: {  	v47 =	vadd.s32 $0x4280, v0;
	_ =	sdelay $0x2  }
0xd9: {  	s31 =	sor.u32 s30, s23  }
0xda: {  	[tilespmem:s31+$0x0] =	vst v1  }
0xdb: {  	v1 =	vld.idx.msk [tilespmem:v47+s3+$0x0], $0xffff  }
0xdc: {  	v48 =	vadd.s32 $0x4300, v0;
	_ =	sdelay $0x2  }
0xdd: {  	s31 =	sor.u32 s30, s25  }
0xde: {  	[tilespmem:s31+$0x0] =	vst v1  }
0xdf: {  	v1 =	vld.idx.msk [tilespmem:v48+s3+$0x0], $0xffff  }
0xe0: {  	v0 =	vadd.s32 $0x4380, v0;
	_ =	sdelay $0x2  }
0xe1: {  	s31 =	sor.u32 s30, s26  }
0xe2: {  	[tilespmem:s31+$0x0] =	vst v1  }
0xe3: {  	v0 =	vld.idx.msk [tilespmem:v0+s3+$0x0], $0xffff;
	_ =	sdelay $0x3  }
0xe4: {  	s24 =	sor.u32 $0x30, s24;
	s30 =	sor.u32 s30, s28  }
0xe5: {  	s31 =	sor.u32 s24, s29;
	[tilespmem:s30+$0x0] =	vst v0  }
0xe6: {  	v0 =	vld [tilespmem:s31+$0x0];
	_ =	sdelay $0x4  }
0xe7: {  	v49 =	vshll.u32 v0, $0x3  }
0xe8: {  	v0 =	vand.u32 $0x7F, v0;
	v1 =	vand.u32 $0xFFFFFC00, v49  }
0xe9: {  	v0 =	vor.u32 v0, v1;
	_ =	sdelay $0x4  }
0xea: {  	v1 =	vld.idx.msk [tilespmem:v0+s3+$0x0], $0xffff  }
0xeb: {  	v50 =	vor.u32 $0x80, v0;
	_ =	sdelay $0x2  }
0xec: {  	s17 =	sor.u32 s24, s17  }
0xed: {  	[tilespmem:s17+$0x0] =	vst v1  }
0xee: {  	v1 =	vld.idx.msk [tilespmem:v50+s3+$0x0], $0xffff  }
0xef: {  	v51 =	vor.u32 $0x100, v0;
	_ =	sdelay $0x3  }
0xf0: {  	[tilespmem:s17+$0x80] =	vst v1  }
0xf1: {  	v1 =	vld.idx.msk [tilespmem:v51+s3+$0x0], $0xffff  }
0xf2: {  	v52 =	vor.u32 $0x180, v0;
	_ =	sdelay $0x3  }
0xf3: {  	[tilespmem:s17+$0x100] =	vst v1  }
0xf4: {  	v1 =	vld.idx.msk [tilespmem:v52+s3+$0x0], $0xffff  }
0xf5: {  	v53 =	vor.u32 $0x200, v0;
	_ =	sdelay $0x3  }
0xf6: {  	[tilespmem:s17+$0x180] =	vst v1  }
0xf7: {  	v1 =	vld.idx.msk [tilespmem:v53+s3+$0x0], $0xffff  }
0xf8: {  	v54 =	vor.u32 $0x280, v0;
	_ =	sdelay $0x1  }
0xf9: {  	s29 =	sadd.s32 $0x30, s18  }
0xfa: {  	s30 =	sor.u32 $0x200, s29  }
0xfb: {  	[tilespmem:s30+$0x9800] =	vst v1  }
0xfc: {  	v1 =	vld.idx.msk [tilespmem:v54+s3+$0x0], $0xffff  }
0xfd: {  	v55 =	vor.u32 $0x300, v0;
	_ =	sdelay $0x2  }
0xfe: {  	s31 =	sor.u32 $0x280, s29  }
0xff: {  	[tilespmem:s31+$0x9800] =	vst v1  }
0x100: {  	v1 =	vld.idx.msk [tilespmem:v55+s3+$0x0], $0xffff  }
0x101: {  	v56 =	vor.u32 $0x380, v0;
	_ =	sdelay $0x2  }
0x102: {  	s18 =	sor.u32 $0x300, s29  }
0x103: {  	[tilespmem:s18+$0x9800] =	vst v1  }
0x104: {  	v1 =	vld.idx.msk [tilespmem:v56+s3+$0x0], $0xffff  }
0x105: {  	v57 =	vadd.s32 $0x4000, v0;
	_ =	sdelay $0x2  }
0x106: {  	s0 =	sor.u32 $0x380, s29  }
0x107: {  	[tilespmem:s0+$0x9800] =	vst v1  }
0x108: {  	v1 =	vld.idx.msk [tilespmem:v57+s3+$0x0], $0xffff  }
0x109: {  	v58 =	vadd.s32 $0x4080, v0;
	_ =	sdelay $0x2  }
0x10a: {  	s19 =	sor.u32 s24, s19  }
0x10b: {  	[tilespmem:s19+$0x0] =	vst v1  }
0x10c: {  	v1 =	vld.idx.msk [tilespmem:v58+s3+$0x0], $0xffff  }
0x10d: {  	v59 =	vadd.s32 $0x4100, v0;
	_ =	sdelay $0x2  }
0x10e: {  	s20 =	sor.u32 s24, s20  }
0x10f: {  	[tilespmem:s20+$0x0] =	vst v1  }
0x110: {  	v1 =	vld.idx.msk [tilespmem:v59+s3+$0x0], $0xffff  }
0x111: {  	v60 =	vadd.s32 $0x4180, v0;
	_ =	sdelay $0x2  }
0x112: {  	s21 =	sor.u32 s24, s21  }
0x113: {  	[tilespmem:s21+$0x0] =	vst v1  }
0x114: {  	v1 =	vld.idx.msk [tilespmem:v60+s3+$0x0], $0xffff  }
0x115: {  	v61 =	vadd.s32 $0x4200, v0;
	_ =	sdelay $0x2  }
0x116: {  	s22 =	sor.u32 s24, s22  }
0x117: {  	[tilespmem:s22+$0x0] =	vst v1  }
0x118: {  	v1 =	vld.idx.msk [tilespmem:v61+s3+$0x0], $0xffff  }
0x119: {  	v62 =	vadd.s32 $0x4280, v0;
	_ =	sdelay $0x2  }
0x11a: {  	s23 =	sor.u32 s24, s23  }
0x11b: {  	[tilespmem:s23+$0x0] =	vst v1  }
0x11c: {  	v1 =	vld.idx.msk [tilespmem:v62+s3+$0x0], $0xffff  }
0x11d: {  	v63 =	vadd.s32 $0x4300, v0;
	_ =	sdelay $0x2  }
0x11e: {  	s29 =	sor.u32 s24, s25  }
0x11f: {  	[tilespmem:s29+$0x0] =	vst v1  }
0x120: {  	v1 =	vld.idx.msk [tilespmem:v63+s3+$0x0], $0xffff  }
0x121: {  	v0 =	vadd.s32 $0x4380, v0;
	_ =	sdelay $0x2  }
0x122: {  	s30 =	sor.u32 s24, s26  }
0x123: {  	s15 =	sadd.s32 $0x4, s15;
	[tilespmem:s30+$0x0] =	vst v1  }
0x124: {  	p1 =	slt.u32 s15, $0xBC;
	v0 =	vld.idx.msk [tilespmem:v0+s3+$0x0], $0xffff  }
.Ltmp1:
0x125: {  	_ = 	snop;
	(pc) =	sbr.rel @p1 .LBB2_3-.Ltmp1, $3  }
0x126: {  	_ =	sdelay $0x1  }
0x127: {  	s13 =	sadd.s32 $0x40, s13;
	s31 =	sor.u32 s24, s28  }
0x128: {  	s14 =	sadd.s32 $0x40, s14;
	p0 =	por !p0, !p0;
	s16 =	sadd.s32 $0x200, s16;
	[tilespmem:s31+$0x0] =	vst v0  }
0x129: {  	[hbm4b:s4+s9] =	stream.strided.scatter [tilespmem:s11], [sflag:$0x1], $0xC000, s10, s9, $0x38;
	[tilespmem:$0x15800] =	vst v63  }
0x12a: {  	s13 =	simm.s32 $0xFFFFFFFC;
	_ =	swait.ge [sflag:s8], $0xC000  }
0x12b: {  	p0 =	por $0x0, $0x0;
	s14 =	simm.s32 $0x0;
	[sflag:s8] =	ssyncset.done $0x0  }
0x12c: {  	s15 =	simm.s32 $0x8C30;
	s16 =	simm.s32 $0x0;
	[sflag:s8] =	ssyncadd.s32 $0xFFFF4000  }
.LBB2_5:
0x12d: {  	s0 =	sand.u32 $0xFC0, s14  }
0x12e: {  	v0 =	vld [tilespmem:s0+$0x8C00];
	_ =	sdelay $0x4  }
0x12f: {  	v1 =	vshll.u32 v0, $0x3  }
0x130: {  	v0 =	vand.u32 $0x7F, v0;
	v1 =	vand.u32 $0xFFFFFC00, v1  }
0x131: {  	v0 =	vor.u32 v0, v1;
	_ =	sdelay $0x4  }
0x132: {  	v1 =	vld.idx.msk [tilespmem:v0+s3+$0x0], $0xffff  }
0x133: {  	v2 =	vor.u32 $0x80, v0  }
0x134: {  	s28 =	sand.u32 $0x7C00, s16  }
0x135: {  	s17 =	sand.u32 $0x40, s14;
	s18 =	sadd.s32 $0x9800, s28  }
0x136: {  	s29 =	sor.u32 s17, s18  }
0x137: {  	[tilespmem:s29+$0x0] =	vst v1  }
0x138: {  	v1 =	vld.idx.msk [tilespmem:v2+s3+$0x0], $0xffff  }
0x139: {  	v6 =	vor.u32 $0x100, v0;
	_ =	sdelay $0x3  }
0x13a: {  	[tilespmem:s29+$0x80] =	vst v1  }
0x13b: {  	v1 =	vld.idx.msk [tilespmem:v6+s3+$0x0], $0xffff  }
0x13c: {  	v7 =	vor.u32 $0x180, v0;
	_ =	sdelay $0x3  }
0x13d: {  	[tilespmem:s29+$0x100] =	vst v1  }
0x13e: {  	v1 =	vld.idx.msk [tilespmem:v7+s3+$0x0], $0xffff  }
0x13f: {  	v8 =	vor.u32 $0x200, v0;
	_ =	sdelay $0x3  }
0x140: {  	[tilespmem:s29+$0x180] =	vst v1  }
0x141: {  	s0 =	simm.s32 $0x1;
	v1 =	vld.idx.msk [tilespmem:v8+s3+$0x0], $0xffff  }
0x142: {  	s0 =	simm.s32 @!p0 $0x0;
	v9 =	vor.u32 $0x280, v0  }
0x143: {  	s0 =	sshll.u32 s0, $0x6  }
0x144: {  	s19 =	sadd.s32 s0, s16  }
0x145: {  	s0 =	sor.u32 $0x200, s19  }
0x146: {  	[tilespmem:s0+$0x9800] =	vst v1  }
0x147: {  	v1 =	vld.idx.msk [tilespmem:v9+s3+$0x0], $0xffff  }
0x148: {  	v10 =	vor.u32 $0x300, v0;
	_ =	sdelay $0x2  }
0x149: {  	s30 =	sor.u32 $0x280, s19  }
0x14a: {  	[tilespmem:s30+$0x9800] =	vst v1  }
0x14b: {  	v1 =	vld.idx.msk [tilespmem:v10+s3+$0x0], $0xffff  }
0x14c: {  	v11 =	vor.u32 $0x380, v0;
	_ =	sdelay $0x2  }
0x14d: {  	s31 =	sor.u32 $0x300, s19  }
0x14e: {  	[tilespmem:s31+$0x9800] =	vst v1  }
0x14f: {  	v1 =	vld.idx.msk [tilespmem:v11+s3+$0x0], $0xffff  }
0x150: {  	v12 =	vadd.s32 $0x4000, v0;
	_ =	sdelay $0x2  }
0x151: {  	s20 =	sor.u32 $0x380, s19  }
0x152: {  	[tilespmem:s20+$0x9800] =	vst v1  }
0x153: {  	v1 =	vld.idx.msk [tilespmem:v12+s3+$0x0], $0xffff  }
0x154: {  	v13 =	vadd.s32 $0x4080, v0;
	_ =	sdelay $0x1  }
0x155: {  	s20 =	sadd.s32 $0xF800, s28  }
0x156: {  	s21 =	sor.u32 s17, s20  }
0x157: {  	[tilespmem:s21+$0x0] =	vst v1  }
0x158: {  	v1 =	vld.idx.msk [tilespmem:v13+s3+$0x0], $0xffff  }
0x159: {  	v14 =	vadd.s32 $0x4100, v0;
	_ =	sdelay $0x1  }
0x15a: {  	s21 =	sadd.s32 $0xF880, s28  }
0x15b: {  	s22 =	sor.u32 s17, s21  }
0x15c: {  	[tilespmem:s22+$0x0] =	vst v1  }
0x15d: {  	v1 =	vld.idx.msk [tilespmem:v14+s3+$0x0], $0xffff  }
0x15e: {  	v15 =	vadd.s32 $0x4180, v0;
	_ =	sdelay $0x1  }
0x15f: {  	s22 =	sadd.s32 $0xF900, s28  }
0x160: {  	s23 =	sor.u32 s17, s22  }
0x161: {  	[tilespmem:s23+$0x0] =	vst v1  }
0x162: {  	v1 =	vld.idx.msk [tilespmem:v15+s3+$0x0], $0xffff  }
0x163: {  	v16 =	vadd.s32 $0x4200, v0;
	_ =	sdelay $0x1  }
0x164: {  	s23 =	sadd.s32 $0xF980, s28  }
0x165: {  	s24 =	sor.u32 s17, s23  }
0x166: {  	[tilespmem:s24+$0x0] =	vst v1  }
0x167: {  	v1 =	vld.idx.msk [tilespmem:v16+s3+$0x0], $0xffff  }
0x168: {  	v17 =	vadd.s32 $0x4280, v0;
	_ =	sdelay $0x1  }
0x169: {  	s24 =	sadd.s32 $0xFA00, s28  }
0x16a: {  	s25 =	sor.u32 s17, s24  }
0x16b: {  	[tilespmem:s25+$0x0] =	vst v1  }
0x16c: {  	v1 =	vld.idx.msk [tilespmem:v17+s3+$0x0], $0xffff  }
0x16d: {  	v18 =	vadd.s32 $0x4300, v0;
	_ =	sdelay $0x1  }
0x16e: {  	s25 =	sadd.s32 $0xFA80, s28  }
0x16f: {  	s26 =	sor.u32 s17, s25  }
0x170: {  	[tilespmem:s26+$0x0] =	vst v1  }
0x171: {  	v1 =	vld.idx.msk [tilespmem:v18+s3+$0x0], $0xffff  }
0x172: {  	v0 =	vadd.s32 $0x4380, v0;
	_ =	sdelay $0x1  }
0x173: {  	s26 =	sadd.s32 $0xFB00, s28  }
0x174: {  	s29 =	sor.u32 s17, s26  }
0x175: {  	[tilespmem:s29+$0x0] =	vst v1  }
0x176: {  	v0 =	vld.idx.msk [tilespmem:v0+s3+$0x0], $0xffff;
	_ =	sdelay $0x2  }
0x177: {  	s28 =	sadd.s32 $0xFB80, s28  }
0x178: {  	s30 =	sor.u32 s17, s28  }
0x179: {  	[tilespmem:s30+$0x0] =	vst v0  }
0x17a: {  	v0 =	vld [tilespmem:s15+$0xFFFFFFE0];
	_ =	sdelay $0x4  }
0x17b: {  	v19 =	vshll.u32 v0, $0x3  }
0x17c: {  	v0 =	vand.u32 $0x7F, v0;
	v1 =	vand.u32 $0xFFFFFC00, v19  }
0x17d: {  	v0 =	vor.u32 v0, v1;
	_ =	sdelay $0x4  }
0x17e: {  	v1 =	vld.idx.msk [tilespmem:v0+s3+$0x0], $0xffff  }
0x17f: {  	v20 =	vor.u32 $0x80, v0;
	_ =	sdelay $0x1  }
0x180: {  	s0 =	sor.u32 $0x10, s17  }
0x181: {  	s29 =	sor.u32 s0, s18  }
0x182: {  	[tilespmem:s29+$0x0] =	vst v1  }
0x183: {  	v1 =	vld.idx.msk [tilespmem:v20+s3+$0x0], $0xffff  }
0x184: {  	v21 =	vor.u32 $0x100, v0;
	_ =	sdelay $0x3  }
0x185: {  	[tilespmem:s29+$0x80] =	vst v1  }
0x186: {  	v1 =	vld.idx.msk [tilespmem:v21+s3+$0x0], $0xffff  }
0x187: {  	v22 =	vor.u32 $0x180, v0;
	_ =	sdelay $0x3  }
0x188: {  	[tilespmem:s29+$0x100] =	vst v1  }
0x189: {  	v1 =	vld.idx.msk [tilespmem:v22+s3+$0x0], $0xffff  }
0x18a: {  	v23 =	vor.u32 $0x200, v0;
	_ =	sdelay $0x3  }
0x18b: {  	[tilespmem:s29+$0x180] =	vst v1  }
0x18c: {  	v1 =	vld.idx.msk [tilespmem:v23+s3+$0x0], $0xffff  }
0x18d: {  	v24 =	vor.u32 $0x280, v0;
	_ =	sdelay $0x1  }
0x18e: {  	s29 =	sadd.s32 $0x10, s19  }
0x18f: {  	s30 =	sor.u32 $0x200, s29  }
0x190: {  	[tilespmem:s30+$0x9800] =	vst v1  }
0x191: {  	v1 =	vld.idx.msk [tilespmem:v24+s3+$0x0], $0xffff  }
0x192: {  	v25 =	vor.u32 $0x300, v0;
	_ =	sdelay $0x2  }
0x193: {  	s31 =	sor.u32 $0x280, s29  }
0x194: {  	[tilespmem:s31+$0x9800] =	vst v1  }
0x195: {  	v1 =	vld.idx.msk [tilespmem:v25+s3+$0x0], $0xffff  }
0x196: {  	v26 =	vor.u32 $0x380, v0;
	_ =	sdelay $0x2  }
0x197: {  	s31 =	sor.u32 $0x300, s29  }
0x198: {  	[tilespmem:s31+$0x9800] =	vst v1  }
0x199: {  	v1 =	vld.idx.msk [tilespmem:v26+s3+$0x0], $0xffff  }
0x19a: {  	v27 =	vadd.s32 $0x4000, v0;
	_ =	sdelay $0x2  }
0x19b: {  	s29 =	sor.u32 $0x380, s29  }
0x19c: {  	[tilespmem:s29+$0x9800] =	vst v1  }
0x19d: {  	v1 =	vld.idx.msk [tilespmem:v27+s3+$0x0], $0xffff  }
0x19e: {  	v28 =	vadd.s32 $0x4080, v0;
	_ =	sdelay $0x2  }
0x19f: {  	s31 =	sor.u32 s0, s20  }
0x1a0: {  	[tilespmem:s31+$0x0] =	vst v1  }
0x1a1: {  	v1 =	vld.idx.msk [tilespmem:v28+s3+$0x0], $0xffff  }
0x1a2: {  	v29 =	vadd.s32 $0x4100, v0;
	_ =	sdelay $0x2  }
0x1a3: {  	s30 =	sor.u32 s0, s21  }
0x1a4: {  	[tilespmem:s30+$0x0] =	vst v1  }
0x1a5: {  	v1 =	vld.idx.msk [tilespmem:v29+s3+$0x0], $0xffff  }
0x1a6: {  	v30 =	vadd.s32 $0x4180, v0;
	_ =	sdelay $0x2  }
0x1a7: {  	s31 =	sor.u32 s0, s22  }
0x1a8: {  	[tilespmem:s31+$0x0] =	vst v1  }
0x1a9: {  	v1 =	vld.idx.msk [tilespmem:v30+s3+$0x0], $0xffff  }
0x1aa: {  	v31 =	vadd.s32 $0x4200, v0;
	_ =	sdelay $0x2  }
0x1ab: {  	s30 =	sor.u32 s0, s23  }
0x1ac: {  	[tilespmem:s30+$0x0] =	vst v1  }
0x1ad: {  	v1 =	vld.idx.msk [tilespmem:v31+s3+$0x0], $0xffff  }
0x1ae: {  	v32 =	vadd.s32 $0x4280, v0;
	_ =	sdelay $0x2  }
0x1af: {  	s31 =	sor.u32 s0, s24  }
0x1b0: {  	[tilespmem:s31+$0x0] =	vst v1  }
0x1b1: {  	v1 =	vld.idx.msk [tilespmem:v32+s3+$0x0], $0xffff  }
0x1b2: {  	v33 =	vadd.s32 $0x4300, v0;
	_ =	sdelay $0x2  }
0x1b3: {  	s30 =	sor.u32 s0, s25  }
0x1b4: {  	[tilespmem:s30+$0x0] =	vst v1  }
0x1b5: {  	v1 =	vld.idx.msk [tilespmem:v33+s3+$0x0], $0xffff  }
0x1b6: {  	v0 =	vadd.s32 $0x4380, v0;
	_ =	sdelay $0x2  }
0x1b7: {  	s31 =	sor.u32 s0, s26  }
0x1b8: {  	[tilespmem:s31+$0x0] =	vst v1  }
0x1b9: {  	v0 =	vld.idx.msk [tilespmem:v0+s3+$0x0], $0xffff;
	_ =	sdelay $0x3  }
0x1ba: {  	s0 =	sor.u32 s0, s28  }
0x1bb: {  	[tilespmem:s0+$0x0] =	vst v0  }
0x1bc: {  	v0 =	vld [tilespmem:s15+$0xFFFFFFF0];
	_ =	sdelay $0x4  }
0x1bd: {  	v34 =	vshll.u32 v0, $0x3  }
0x1be: {  	v0 =	vand.u32 $0x7F, v0;
	v1 =	vand.u32 $0xFFFFFC00, v34  }
0x1bf: {  	v0 =	vor.u32 v0, v1;
	_ =	sdelay $0x4  }
0x1c0: {  	v1 =	vld.idx.msk [tilespmem:v0+s3+$0x0], $0xffff  }
0x1c1: {  	v35 =	vor.u32 $0x80, v0;
	_ =	sdelay $0x1  }
0x1c2: {  	s0 =	sor.u32 $0x20, s17  }
0x1c3: {  	s30 =	sor.u32 s0, s18  }
0x1c4: {  	[tilespmem:s30+$0x0] =	vst v1  }
0x1c5: {  	v1 =	vld.idx.msk [tilespmem:v35+s3+$0x0], $0xffff  }
0x1c6: {  	v36 =	vor.u32 $0x100, v0;
	_ =	sdelay $0x3  }
0x1c7: {  	[tilespmem:s30+$0x80] =	vst v1  }
0x1c8: {  	v1 =	vld.idx.msk [tilespmem:v36+s3+$0x0], $0xffff  }
0x1c9: {  	v37 =	vor.u32 $0x180, v0;
	_ =	sdelay $0x3  }
0x1ca: {  	[tilespmem:s30+$0x100] =	vst v1  }
0x1cb: {  	v1 =	vld.idx.msk [tilespmem:v37+s3+$0x0], $0xffff  }
0x1cc: {  	v38 =	vor.u32 $0x200, v0;
	_ =	sdelay $0x3  }
0x1cd: {  	[tilespmem:s30+$0x180] =	vst v1  }
0x1ce: {  	v1 =	vld.idx.msk [tilespmem:v38+s3+$0x0], $0xffff  }
0x1cf: {  	v39 =	vor.u32 $0x280, v0;
	_ =	sdelay $0x1  }
0x1d0: {  	s29 =	sadd.s32 $0x20, s19  }
0x1d1: {  	s31 =	sor.u32 $0x200, s29  }
0x1d2: {  	[tilespmem:s31+$0x9800] =	vst v1  }
0x1d3: {  	v1 =	vld.idx.msk [tilespmem:v39+s3+$0x0], $0xffff  }
0x1d4: {  	v40 =	vor.u32 $0x300, v0;
	_ =	sdelay $0x2  }
0x1d5: {  	s31 =	sor.u32 $0x280, s29  }
0x1d6: {  	[tilespmem:s31+$0x9800] =	vst v1  }
0x1d7: {  	v1 =	vld.idx.msk [tilespmem:v40+s3+$0x0], $0xffff  }
0x1d8: {  	v41 =	vor.u32 $0x380, v0;
	_ =	sdelay $0x2  }
0x1d9: {  	s31 =	sor.u32 $0x300, s29  }
0x1da: {  	[tilespmem:s31+$0x9800] =	vst v1  }
0x1db: {  	v1 =	vld.idx.msk [tilespmem:v41+s3+$0x0], $0xffff  }
0x1dc: {  	v42 =	vadd.s32 $0x4000, v0;
	_ =	sdelay $0x2  }
0x1dd: {  	s29 =	sor.u32 $0x380, s29  }
0x1de: {  	[tilespmem:s29+$0x9800] =	vst v1  }
0x1df: {  	v1 =	vld.idx.msk [tilespmem:v42+s3+$0x0], $0xffff  }
0x1e0: {  	v43 =	vadd.s32 $0x4080, v0;
	_ =	sdelay $0x2  }
0x1e1: {  	s31 =	sor.u32 s0, s20  }
0x1e2: {  	[tilespmem:s31+$0x0] =	vst v1  }
0x1e3: {  	v1 =	vld.idx.msk [tilespmem:v43+s3+$0x0], $0xffff  }
0x1e4: {  	v44 =	vadd.s32 $0x4100, v0;
	_ =	sdelay $0x2  }
0x1e5: {  	s30 =	sor.u32 s0, s21  }
0x1e6: {  	[tilespmem:s30+$0x0] =	vst v1  }
0x1e7: {  	v1 =	vld.idx.msk [tilespmem:v44+s3+$0x0], $0xffff  }
0x1e8: {  	v45 =	vadd.s32 $0x4180, v0;
	_ =	sdelay $0x2  }
0x1e9: {  	s31 =	sor.u32 s0, s22  }
0x1ea: {  	[tilespmem:s31+$0x0] =	vst v1  }
0x1eb: {  	v1 =	vld.idx.msk [tilespmem:v45+s3+$0x0], $0xffff  }
0x1ec: {  	v46 =	vadd.s32 $0x4200, v0;
	_ =	sdelay $0x2  }
0x1ed: {  	s30 =	sor.u32 s0, s23  }
0x1ee: {  	[tilespmem:s30+$0x0] =	vst v1  }
0x1ef: {  	v1 =	vld.idx.msk [tilespmem:v46+s3+$0x0], $0xffff  }
0x1f0: {  	v47 =	vadd.s32 $0x4280, v0;
	_ =	sdelay $0x2  }
0x1f1: {  	s31 =	sor.u32 s0, s24  }
0x1f2: {  	[tilespmem:s31+$0x0] =	vst v1  }
0x1f3: {  	v1 =	vld.idx.msk [tilespmem:v47+s3+$0x0], $0xffff  }
0x1f4: {  	v48 =	vadd.s32 $0x4300, v0;
	_ =	sdelay $0x2  }
0x1f5: {  	s30 =	sor.u32 s0, s25  }
0x1f6: {  	[tilespmem:s30+$0x0] =	vst v1  }
0x1f7: {  	v1 =	vld.idx.msk [tilespmem:v48+s3+$0x0], $0xffff  }
0x1f8: {  	v0 =	vadd.s32 $0x4380, v0;
	_ =	sdelay $0x2  }
0x1f9: {  	s31 =	sor.u32 s0, s26  }
0x1fa: {  	[tilespmem:s31+$0x0] =	vst v1  }
0x1fb: {  	v0 =	vld.idx.msk [tilespmem:v0+s3+$0x0], $0xffff;
	_ =	sdelay $0x3  }
0x1fc: {  	s0 =	sor.u32 s0, s28  }
0x1fd: {  	[tilespmem:s0+$0x0] =	vst v0  }
0x1fe: {  	v0 =	vld [tilespmem:s15+$0x0];
	_ =	sdelay $0x4  }
0x1ff: {  	v49 =	vshll.u32 v0, $0x3  }
0x200: {  	v0 =	vand.u32 $0x7F, v0;
	v1 =	vand.u32 $0xFFFFFC00, v49  }
0x201: {  	v0 =	vor.u32 v0, v1;
	_ =	sdelay $0x4  }
0x202: {  	v1 =	vld.idx.msk [tilespmem:v0+s3+$0x0], $0xffff  }
0x203: {  	v50 =	vor.u32 $0x80, v0;
	_ =	sdelay $0x1  }
0x204: {  	s0 =	sor.u32 $0x30, s17  }
0x205: {  	s17 =	sor.u32 s0, s18  }
0x206: {  	[tilespmem:s17+$0x0] =	vst v1  }
0x207: {  	v1 =	vld.idx.msk [tilespmem:v50+s3+$0x0], $0xffff  }
0x208: {  	v51 =	vor.u32 $0x100, v0;
	_ =	sdelay $0x3  }
0x209: {  	[tilespmem:s17+$0x80] =	vst v1  }
0x20a: {  	v1 =	vld.idx.msk [tilespmem:v51+s3+$0x0], $0xffff  }
0x20b: {  	v52 =	vor.u32 $0x180, v0;
	_ =	sdelay $0x3  }
0x20c: {  	[tilespmem:s17+$0x100] =	vst v1  }
0x20d: {  	v1 =	vld.idx.msk [tilespmem:v52+s3+$0x0], $0xffff  }
0x20e: {  	v53 =	vor.u32 $0x200, v0;
	_ =	sdelay $0x3  }
0x20f: {  	[tilespmem:s17+$0x180] =	vst v1  }
0x210: {  	v1 =	vld.idx.msk [tilespmem:v53+s3+$0x0], $0xffff  }
0x211: {  	v54 =	vor.u32 $0x280, v0;
	_ =	sdelay $0x1  }
0x212: {  	s29 =	sadd.s32 $0x30, s19  }
0x213: {  	s30 =	sor.u32 $0x200, s29  }
0x214: {  	[tilespmem:s30+$0x9800] =	vst v1  }
0x215: {  	v1 =	vld.idx.msk [tilespmem:v54+s3+$0x0], $0xffff  }
0x216: {  	v55 =	vor.u32 $0x300, v0;
	_ =	sdelay $0x2  }
0x217: {  	s31 =	sor.u32 $0x280, s29  }
0x218: {  	[tilespmem:s31+$0x9800] =	vst v1  }
0x219: {  	v1 =	vld.idx.msk [tilespmem:v55+s3+$0x0], $0xffff  }
0x21a: {  	v56 =	vor.u32 $0x380, v0;
	_ =	sdelay $0x2  }
0x21b: {  	s19 =	sor.u32 $0x300, s29  }
0x21c: {  	[tilespmem:s19+$0x9800] =	vst v1  }
0x21d: {  	v1 =	vld.idx.msk [tilespmem:v56+s3+$0x0], $0xffff  }
0x21e: {  	v57 =	vadd.s32 $0x4000, v0;
	_ =	sdelay $0x2  }
0x21f: {  	s17 =	sor.u32 $0x380, s29  }
0x220: {  	[tilespmem:s17+$0x9800] =	vst v1  }
0x221: {  	v1 =	vld.idx.msk [tilespmem:v57+s3+$0x0], $0xffff  }
0x222: {  	v58 =	vadd.s32 $0x4080, v0;
	_ =	sdelay $0x2  }
0x223: {  	s20 =	sor.u32 s0, s20  }
0x224: {  	[tilespmem:s20+$0x0] =	vst v1  }
0x225: {  	v1 =	vld.idx.msk [tilespmem:v58+s3+$0x0], $0xffff  }
0x226: {  	v59 =	vadd.s32 $0x4100, v0;
	_ =	sdelay $0x2  }
0x227: {  	s21 =	sor.u32 s0, s21  }
0x228: {  	[tilespmem:s21+$0x0] =	vst v1  }
0x229: {  	v1 =	vld.idx.msk [tilespmem:v59+s3+$0x0], $0xffff  }
0x22a: {  	v60 =	vadd.s32 $0x4180, v0;
	_ =	sdelay $0x2  }
0x22b: {  	s22 =	sor.u32 s0, s22  }
0x22c: {  	[tilespmem:s22+$0x0] =	vst v1  }
0x22d: {  	v1 =	vld.idx.msk [tilespmem:v60+s3+$0x0], $0xffff  }
0x22e: {  	v61 =	vadd.s32 $0x4200, v0;
	_ =	sdelay $0x2  }
0x22f: {  	s23 =	sor.u32 s0, s23  }
0x230: {  	[tilespmem:s23+$0x0] =	vst v1  }
0x231: {  	v1 =	vld.idx.msk [tilespmem:v61+s3+$0x0], $0xffff  }
0x232: {  	v62 =	vadd.s32 $0x4280, v0;
	_ =	sdelay $0x2  }
0x233: {  	s29 =	sor.u32 s0, s24  }
0x234: {  	[tilespmem:s29+$0x0] =	vst v1  }
0x235: {  	v1 =	vld.idx.msk [tilespmem:v62+s3+$0x0], $0xffff  }
0x236: {  	v63 =	vadd.s32 $0x4300, v0;
	_ =	sdelay $0x2  }
0x237: {  	s30 =	sor.u32 s0, s25  }
0x238: {  	[tilespmem:s30+$0x0] =	vst v1  }
0x239: {  	v1 =	vld.idx.msk [tilespmem:v63+s3+$0x0], $0xffff  }
0x23a: {  	v0 =	vadd.s32 $0x4380, v0;
	_ =	sdelay $0x2  }
0x23b: {  	s31 =	sor.u32 s0, s26  }
0x23c: {  	s13 =	sadd.s32 $0x4, s13;
	[tilespmem:s31+$0x0] =	vst v1  }
0x23d: {  	p1 =	slt.u32 s13, $0xBC;
	v0 =	vld.idx.msk [tilespmem:v0+s3+$0x0], $0xffff  }
.Ltmp2:
0x23e: {  	_ = 	snop;
	(pc) =	sbr.rel @p1 .LBB2_5-.Ltmp2, $3  }
0x23f: {  	_ =	sdelay $0x1  }
0x240: {  	s14 =	sadd.s32 $0x40, s14;
	s0 =	sor.u32 s0, s28  }
0x241: {  	p0 =	por !p0, !p0;
	s16 =	sadd.s32 $0x200, s16;
	s15 =	sadd.s32 $0x40, s15;
	[tilespmem:s0+$0x0] =	vst v0  }
0x242: {  	s12 =	sadd.s32 $0x1, s12  }
0x243: {  	p0 =	sne.s32 s12, s7  }
.Ltmp3:
0x244: {  	_ = 	snop;
	(pc) =	sbr.rel @p0 .LBB2_2-.Ltmp3, $4  }
0x245: {  	[hbm4b:s5+s9] =	stream.strided.scatter [tilespmem:s11], [sflag:$0x1], $0xC000, s10, s9, $0x38;
	[tilespmem:$0x15800] =	vst v63  }
0x246: {  	_ =	swait.ge [sflag:s8], $0xC000  }
0x247: {  	[sflag:s8] =	ssyncset.done $0x0  }
0x248: {  	[sflag:s8] =	ssyncadd.s32 $0xFFFF4000  }
.LBB2_7:
0x249: {  	_ =	sfence.sel $0x180000  }
0x24a: {  	[bflag:$0x0] =	sbarrier.arrive $0xFFFF  }
0x24b: {  	_ =	strace $0x9000004A  }
0x24c: {  	[bflag:$0x2] =	sbarrier.arrive $0xFFFF  }
0x24d: {  	p0 =	sne.s32 s1, $0x0;
	s0 =	rddreg [dreg:$0x3]  }
0x24e: {  	s0 =	sadd.s32 @!p0 $0x100000, s0  }
0x24f: {  	[sflag:s0] =	ssyncadd.tile.s32 @!p0 $0x1;
	_ =	shalt  }
.Lfunc_end2:
_tile_overlayer_lowered:
.L_overlay_start_2:
0x250: {  	(tag) =	ssettag $0x2  }
0x251: {  	s0 =	rddreg [dreg:$0x0];
	s2 =	stileid.u32  }
0x252: {  	s1 =	rddreg [dreg:$0x1];
	p0 =	sne.s32 s2, $0x0  }
0x253: {  	s3 =	rddreg [dreg:$0x2];
	[bflag:$0x3] =	sbarrier.arrive $0xFFFF;
	s2 =	simm.s32 @!p0 $0x1C01  }
0x254: {  	[timem:s3], [sflag:s2] =	dma.local @!p0 [hbm:s0], s1  }
0x255: {  	s0 =	simm.s32 @!p0 $0x1  }
0x256: {  	_ =	swait.ge @!p0 [sflag:s0], s1  }
0x257: {  	s1 =	ssub.s32 @!p0 $0x0, s1;
	[sflag:s0] =	ssyncset.done @!p0 $0x0  }
0x258: {  	[sflag:s0] =	ssyncadd.s32 @!p0 s1  }
0x259: {  	[bflag:$0x3] =	sbarrier.arrive $0xFFFF  }
0x25a: {  	_ =	shalt  }

// kernel: kernel.15.cloned.1.call-start
scs
__scs_entry_jumppad:
0x0: {  	(pc) =	sbr.rel $0x88, $3  }
0x1: {  	(tag) =	ssettag $0x0;
	lr =	simm.s32 $0x1  }
0x2: {  	[smem:$0x3F98] =	sst lr;
	_ =	strace $0xD0000000  }
0x3: {  	_ = 	snop  }
0x4: {  	_ = 	snop  }
0x5: {  	_ = 	snop  }
0x6: {  	_ = 	snop  }
0x7: {  	_ = 	snop  }
__scs_overlays_trampoline_lowered:
0x8: {  	[smem:$0x3FA7] =	sst s0  }
0x9: {  	[smem:$0x3FA8] =	sst s1  }
0xa: {  	[smem:$0x3FA9] =	sst s2  }
0xb: {  	[smem:$0x3FAA] =	sst s3  }
0xc: {  	[smem:$0x3FAB] =	sst s4  }
0xd: {  	[smem:$0x3FAC] =	sst s5  }
0xe: {  	[smem:$0x3FAD] =	sst s6  }
0xf: {  	[smem:$0x3FAE] =	sst s7  }
0x10: {  	[smem:$0x3FAF] =	sst s8  }
0x11: {  	[smem:$0x3FB0] =	sst s9;
	s0 =	simm.s32 @!p0 $0x0  }
0x12: {  	s1 =	sld [smem:$0x3F96];
	s0 =	simm.s32 @p0 $0x1  }
0x13: {  	[smem:$0x3FB1] =	sst s0;
	s0 =	simm.s32 @!p1 $0x0  }
0x14: {  	s2 =	sld [smem:$0x3F95];
	s0 =	simm.s32 @p1 $0x1  }
0x15: {  	[smem:$0x3FB2] =	sst s0;
	s0 =	simm.s32 @!p2 $0x0  }
0x16: {  	s3 =	sld [smem:$0x3FDB];
	s0 =	simm.s32 @p2 $0x1  }
0x17: {  	s4 =	simm.s32 $0x1BF5;
	[smem:$0x3FB4] =	sst s0  }
0x18: {  	s0 =	sld [smem:$0x3F97];
	_ =	swait.ge [sflag:s4], $0x0  }
0x19: {  	s7 =	sld [smem:$0x3F98]  }
0x1a: {  	s8 =	sadd.s32 $0xFFFFE003, lr  }
0x1b: {  	s9 =	sadd.s32 $0xFFFFFEF7, lr;
	s5 =	simm.s32 $0xFFFFFFFF;
	p2 =	slt.u32 s8, $0xFFFFF086  }
0x1c: {  	p1 =	slt.u32 s9, $0xF7A;
	s5 =	simm.s32 @!p2 $0x0  }
0x1d: {  	s5 =	simm.s32 @p1 $0x1;
	p0 =	seq.s32 s7, s2  }
0x1e: {  	s7 =	smul.u32 @!p0 $0xF7A, s2;
	p2 =	seq.s32 @!p0 s5, $0x0  }
0x1f: {  	s9 =	smul.u32 $0xF7A, s1;
	s8 =	simm.s32 @!p0 $0x1BF5;
	p2 =	por !p2, p0  }
0x20: {  	[sflag:s8] =	ssyncset.s32 @!p0 $0xFFFFF086;
	s6 =	sadd.s32 @!p0 s3, s7;
	s7 =	simm.s32 @!p0 $0x108  }
0x21: {  	s3 =	sadd.s32 s3, s9;
	s6 =	sadd.s32 @!p0 $0x88, s6;
	s7 =	simm.s32 @p2 $0x1082  }
0x22: {  	[simem:s7], [sflag:s8] =	dma.local @!p0 [hbm:s6], $0xF7A  }
0x23: {  	s9 =	sor.u32 $0xD0000000, s2;
	s6 =	simm.s32 $0x108;
	_ =	swait.ge @!p0 [sflag:s8], $0x0  }
0x24: {  	s3 =	sadd.s32 $0x88, s3;
	s6 =	simm.s32 @!p1 $0x1082;
	[sflag:s4] =	ssyncset.s32 $0xFFFFF086  }
0x25: {  	[simem:s6], [sflag:s4] =	dma.local [hbm:s3], $0xF7A  }
0x26: {  	[smem:$0x3F98] =	sst s1;
	(tag) =	ssettag s2;
	_ =	strace s9  }
0x27: {  	s1 =	sld [smem:$0x3FA8]  }
0x28: {  	s2 =	sld [smem:$0x3FA9]  }
0x29: {  	s4 =	sld [smem:$0x3FAB]  }
0x2a: {  	p0 =	seq.s32 s5, $0x0;
	s5 =	sld [smem:$0x3FAC]  }
0x2b: {  	s6 =	sld [smem:$0x3FAD]  }
0x2c: {  	s7 =	sld [smem:$0x3FAE]  }
0x2d: {  	s3 =	simm.s32 $0x108;
	s8 =	sld [smem:$0x3FAF]  }
0x2e: {  	s3 =	simm.s32 @!p0 $0x1082;
	s9 =	sld [smem:$0x3FB0]  }
0x2f: {  	lr =	sadd.s32 s0, s3;
	s0 =	sld [smem:$0x3FA7]  }
0x30: {  	s3 =	sld [smem:$0x3FAA]  }
0x31: {  	[smem:$0x3FB3] =	sst s10  }
0x32: {  	s10 =	sld [smem:$0x3FB1];
	_ =	sdelay $0x3  }
0x33: {  	p0 =	seq.s32 s10, $0x1;
	s10 =	sld [smem:$0x3FB3];
	_ =	sdelay $0x3  }
0x34: {  	[smem:$0x3FB3] =	sst s10  }
0x35: {  	s10 =	sld [smem:$0x3FB2];
	_ =	sdelay $0x3  }
0x36: {  	p1 =	seq.s32 s10, $0x1;
	s10 =	sld [smem:$0x3FB3];
	_ =	sdelay $0x3  }
0x37: {  	[smem:$0x3FB3] =	sst s10  }
0x38: {  	s10 =	sld [smem:$0x3FB4]  }
0x39: {  	_ = 	snop;
	(pc) =	sbr.ind lr, $3  }
0x3a: {  	_ = 	snop  }
0x3b: {  	_ = 	snop  }
0x3c: {  	p2 =	seq.s32 s10, $0x1;
	s10 =	sld [smem:$0x3FB3]  }
0x3d: {  	_ =	shalt  }
0x3e: {  	_ =	shalt  }
0x3f: {  	_ =	shalt  }
0x40: {  	_ =	shalt  }
0x41: {  	_ =	shalt  }
0x42: {  	_ =	shalt  }
0x43: {  	_ =	shalt  }
0x44: {  	_ =	shalt  }
0x45: {  	_ =	shalt  }
0x46: {  	_ =	shalt  }
0x47: {  	_ =	shalt  }
0x48: {  	_ =	shalt  }
0x49: {  	_ =	shalt  }
0x4a: {  	_ =	shalt  }
0x4b: {  	_ =	shalt  }
0x4c: {  	_ =	shalt  }
0x4d: {  	_ =	shalt  }
0x4e: {  	_ =	shalt  }
0x4f: {  	_ =	shalt  }
0x50: {  	_ =	shalt  }
0x51: {  	_ =	shalt  }
0x52: {  	_ =	shalt  }
0x53: {  	_ =	shalt  }
0x54: {  	_ =	shalt  }
0x55: {  	_ =	shalt  }
0x56: {  	_ =	shalt  }
0x57: {  	_ =	shalt  }
0x58: {  	_ =	shalt  }
0x59: {  	_ =	shalt  }
0x5a: {  	_ =	shalt  }
0x5b: {  	_ =	shalt  }
0x5c: {  	_ =	shalt  }
0x5d: {  	_ =	shalt  }
0x5e: {  	_ =	shalt  }
0x5f: {  	_ =	shalt  }
0x60: {  	_ =	shalt  }
0x61: {  	_ =	shalt  }
0x62: {  	_ =	shalt  }
0x63: {  	_ =	shalt  }
0x64: {  	_ =	shalt  }
0x65: {  	_ =	shalt  }
0x66: {  	_ =	shalt  }
0x67: {  	_ =	shalt  }
0x68: {  	_ =	shalt  }
0x69: {  	_ =	shalt  }
0x6a: {  	_ =	shalt  }
0x6b: {  	_ =	shalt  }
0x6c: {  	_ =	shalt  }
0x6d: {  	_ =	shalt  }
0x6e: {  	_ =	shalt  }
0x6f: {  	_ =	shalt  }
0x70: {  	_ =	shalt  }
0x71: {  	_ =	shalt  }
0x72: {  	_ =	shalt  }
0x73: {  	_ =	shalt  }
0x74: {  	_ =	shalt  }
0x75: {  	_ =	shalt  }
0x76: {  	_ =	shalt  }
0x77: {  	_ =	shalt  }
0x78: {  	_ =	shalt  }
0x79: {  	_ =	shalt  }
0x7a: {  	_ =	shalt  }
0x7b: {  	_ =	shalt  }
0x7c: {  	_ =	shalt  }
0x7d: {  	_ =	shalt  }
0x7e: {  	_ =	shalt  }
0x7f: {  	_ =	shalt  }
0x80: {  	_ =	shalt  }
0x81: {  	_ =	shalt  }
0x82: {  	_ =	shalt  }
0x83: {  	_ =	shalt  }
0x84: {  	_ =	shalt  }
0x85: {  	_ =	shalt  }
0x86: {  	_ =	shalt  }
0x87: {  	_ =	shalt  }
.Lfunc_end0:
.L_simem_size_0:
called_computation.2_lowered:
.L_overlay_start_0:
0x88: {  	s2 =	sld [smem:$0x3FD9]  }
0x89: {  	s3 =	sld [smem:$0x3FFE];
	_ =	sdelay $0x1  }
0x8a: {  	s1 =	srdreg.scid  }
0x8b: {  	s0 =	sand.u32 $0x1, s1  }
0x8c: {  	s16 =	sshll.u32 s0, $0xA;
	s2 =	sadd.s32 s3, s2  }
0x8d: {  	s2 =	sadd.s32 s2, s16  }
0x8e: {  	[smem:$0x3FBF] =	sst s2  }
0x8f: {  	_ = 	snop  }
0x90: {  	(tm) =	ssettm $0x1  }
0x91: {  	s17 =	sld [smem:$0x3FFB];
	_ =	sdelay $0x3  }
0x92: {  	_ =	strace s17  }
0x93: {  	s2 =	sld [smem:$0x3FFC];
	_ =	sdelay $0x3  }
0x94: {  	_ =	strace s2  }
0x95: {  	s2 =	sld [smem:$0x3FFD];
	_ =	sdelay $0x3  }
0x96: {  	_ =	strace s2  }
0x97: {  	_ =	strace $0x8FFFFFFF  }
0x98: {  	s18 =	sld [smem:$0x3FDB];
	_ =	sdelay $0x1  }
0x99: {  	s19 =	simm.s32 $_scs_section_size  }
0x9a: {  	s4 =	simm.s32 $_size__tile_overlayer_lowered;
	s5 =	simm.s32 $_tile_overlayer_lowered  }
0x9b: {  	s22 =	simm.s32 $0x1BFF;
	s21 =	sshll.u32 s5, $0x1;
	s2 =	sadd.s32 s19, s18  }
0x9c: {  	s6 =	simm.s32 $0x0;
	s20 =	sshll.u32 s4, $0x1;
	s4 =	sadd.s32 s21, s2  }
0x9d: {  	[timem:s6], [sflag:s22] =	dma.local [hbm:s4], s20  }
0x9e: {  	_ =	swait.ge [sflag:s22], s20  }
0x9f: {  	s3 =	ssub.s32 $0x0, s20;
	[sflag:s22] =	ssyncset.done $0x0  }
0xa0: {  	[sflag:s22] =	ssyncadd.s32 s3;
	_ =	sdelay $0x1  }
0xa1: {  	s23 =	simm.s32 $0x1B8B  }
0xa2: {  	_ =	swait.ge [sflag:s23], $0x1  }
0xa3: {  	[sflag:s23] =	ssyncset.done $0x0  }
0xa4: {  	s25 =	simm.s32 $0x1B8E;
	s24 =	sld [smem:$0x3FFE];
	[sflag:s23] =	ssyncadd.s32 $0xFFFFFFFF  }
0xa5: {  	s26 =	simm.s32 $execute0_lowered;
	[smem:$0x3FD2] =	sst s25  }
0xa6: {  	s4 =	sshll.u32 s26, $0x1;
	_ =	strace $0x8000004C;
	[dreg:$0x1] =	wrdreg $0xFFFFFFFF  }
0xa7: {  	s28 =	simm.s32 $_size_execute0_lowered;
	s2 =	sadd.s32 s2, s4;
	[dreg:$0x0] =	wrdreg $0x0  }
0xa8: {  	s4 =	sshll.u32 s28, $0x1;
	[dreg:$0x2] =	wrdreg s2  }
0xa9: {  	[dreg:$0x3] =	wrdreg s4  }
0xaa: {  	[dreg:$0x4] =	wrdreg $0xC0  }
0xab: {  	_ =	task [dreg:s6], $0x5FFFF  }
0xac: {  	[dreg:$0x1] =	wrdreg $0xFFFFFFFF  }
0xad: {  	[dreg:$0x0] =	wrdreg $0x60  }
0xae: {  	[dreg:$0x2] =	wrdreg s24  }
0xaf: {  	[dreg:$0x3] =	wrdreg $0x9  }
0xb0: {  	_ =	task.clear_ibuf [dreg:s6], $0x4FFFF;
	_ =	strace $0x9000004C  }
0xb1: {  	s29 =	simm.s32 $0x9;
	_ =	strace $0x8000004E  }
0xb2: {  	_ =	swait.ge [sflag:s29], $0x1  }
0xb3: {  	[sflag:s29] =	ssyncadd.s32 $0xFFFFFFFF  }
0xb4: {  	_ =	strace $0x9000004E  }
0xb5: {  	_ =	sfence  }
0xb6: {  	s30 =	sld [smem:$0x0];
	_ =	sdelay $0x2  }
0xb7: {  	s31 =	sshll.u32 s1, $0xD;
	s1 =	sshrl.u32 s1, $0x2  }
0xb8: {  	s3 =	sand.u32 $0x4000, s31;
	s1 =	sadd.s32 s1, s30  }
0xb9: {  	s0 =	sor.u32 s3, s0;
	s1 =	sshll.u32 s1, $0x11  }
0xba: {  	s0 =	sor.u32 s1, s0  }
0xbb: {  	s0 =	sadd.s32 $0x8F2B, s0  }
0xbc: {  	[sflag:s0] =	ssyncadd.remote.s32 $0x1  }
0xbd: {  	_ =	sfence.sel $0xFFFF  }
0xbe: {  	[dreg:$0x0] =	wrdreg $0xFFFFFFFF;
	(pc) =	sbr.abs _section_cstart, $3  }
0xbf: {  	[dreg:$0x1] =	wrdreg $0xFFFFFFFF  }
0xc0: {  	_ =	task.clear_ibuf [dreg:s6], $0x2FFFF;
	_ =	strace $0x9FFFFFFF  }
0xc1: {  	(tm) =	ssettm $0x7FFFFFFF  }
tec
execute0_lowered:
.L_overlay_start_1:
0x0: {  	(tag) =	ssettag $0x1  }
0x1: {  	s1 =	stileid.u32  }
0x2: {  	p0 =	sgt.u32 s1, $0xB  }
.Ltmp0:
0x3: {  	_ = 	snop;
	(pc) =	sbr.rel @p0 .LBB2_7-.Ltmp0, $4  }
0x4: {  	_ = 	snop  }
0x5: {  	s2 =	simm.s32 $0x0  }
0x6: {  	[smem:$0x7FF] =	sst s2  }
0x7: {  	s0 =	rddreg [dreg:$0x0];
	_ =	strace $0x8000004D  }
0x8: {  	s1 =	srdreg.scid;
	s3 =	stileid.u32  }
0x9: {  	s9 =	sadd.s32 $0x1A00, s0;
	s7 =	sadd.s32 $0x1680, s0;
	s1 =	sand.u32 $0x1, s1  }
0xa: {  	s11 =	simm.s32 $0x1;
	s3 =	sshll.u32 s3, $0x2;
	s4 =	sshll.u32 s1, $0x1  }
0xb: {  	s15 =	simm.s32 $0x0;
	s1 =	ssub.s32 $0x2, s1;
	s6 =	sor.u32 s4, s3  }
0xc: {  	s3 =	sadd.s32 $0x1800, s0;
	s4 =	sadd.s32 $0x1600, s0;
	s5 =	sshll.u32 s6, $0xB  }
0xd: {  	s31 =	sshrl.u32 s1, $0x1;
	s10 =	smul.u32 $0x1800, s6;
	s8 =	sadd.s32 s5, s0  }
0xe: {  	s6 =	sadd.s32 $0x1880, s0;
	s0 =	ssub.s32 s1, s31;
	s5 =	sadd.s32 $0x49A00, s8  }
0xf: {  	s8 =	sadd.s32 $0x49E00, s8;
	s9 =	sadd.s32 s9, s10;
	s10 =	smax.u32 s0, $0x1  }
.LBB2_2:
0x10: {  	s16 =	simm.s32 $0x0  }
0x11: {  	[tilespmem:s16], [sflag:$0x1] =	stream.linear.gather [hbm4b:s9+s16], $0x18000, $0x38;
	[tilespmem:$0x1C800] =	vst v63  }
0x12: {  	_ =	swait.ge [sflag:s11], $0x18000  }
0x13: {  	[sflag:s11] =	ssyncset.done $0x0  }
0x14: {  	s17 =	simm.s32 $0x18000;
	[sflag:s11] =	ssyncadd.s32 $0xFFFE8000  }
0x15: {  	[tilespmem:s17], [sflag:$0x1] =	stream.linear.gather [hbm4b:s3+s16], $0x400, $0x38;
	[tilespmem:$0x1C800] =	vst v63  }
0x16: {  	_ =	swait.ge [sflag:s11], $0x400  }
0x17: {  	[sflag:s11] =	ssyncset.done $0x0  }
0x18: {  	s18 =	simm.s32 $0x18400;
	[sflag:s11] =	ssyncadd.s32 $0xFFFFFC00  }
0x19: {  	[tilespmem:s18], [sflag:$0x1] =	stream.linear.gather [hbm4b:s4+s16], $0x400, $0x38;
	[tilespmem:$0x1C800] =	vst v63  }
0x1a: {  	_ =	swait.ge [sflag:s11], $0x400  }
0x1b: {  	s19 =	simm.s32 $0xFFFFFFFC;
	[sflag:s11] =	ssyncset.done $0x0  }
0x1c: {  	p0 =	por $0x0, $0x0;
	s20 =	simm.s32 $0x0;
	[sflag:s11] =	ssyncadd.s32 $0xFFFFFC00  }
.LBB2_3:
0x1d: {  	v0 =	vld [tilespmem:s17+$0x0]  }
0x1e: {  	v1 =	vld [tilespmem:s18+$0x0];
	_ =	sdelay $0x3  }
0x1f: {  	v2 =	vshll.u32 v0, $0x3  }
0x20: {  	v0 =	vand.u32 $0x7F, v0;
	v3 =	vshll.u32 v1, $0x3;
	v2 =	vand.u32 $0xFFFFFC00, v2  }
0x21: {  	v1 =	vand.u32 $0x7F, v1;
	v45 =	vand.u32 $0xFFFFFC00, v3;
	v0 =	vor.u32 v0, v2  }
0x22: {  	v1 =	vor.u32 v1, v45;
	_ =	sdelay $0x3  }
0x23: {  	v46 =	vld.idx.msk [tilespmem:v0+s2+$0x0], $0xffff  }
0x24: {  	v47 =	vld.idx.msk [tilespmem:v1+s2+$0x0], $0xffff;
	_ =	sdelay $0x2  }
0x25: {  	v4 =	vor.u32 $0x80, v0  }
0x26: {  	s1 =	sand.u32 $0x1C00, s20;
	v5 =	vor.u32 $0x80, v1  }
0x27: {  	s0 =	sand.u32 $0x40, s16;
	s21 =	sadd.s32 $0x18800, s1;
	v2 =	vadd.bf16 v47, v46  }
0x28: {  	s12 =	sor.u32 s0, s21  }
0x29: {  	[tilespmem:s12+$0x0] =	vst v2  }
0x2a: {  	v2 =	vld.idx.msk [tilespmem:v4+s2+$0x0], $0xffff  }
0x2b: {  	v48 =	vld.idx.msk [tilespmem:v5+s2+$0x0], $0xffff;
	_ =	sdelay $0x2  }
0x2c: {  	v49 =	vor.u32 $0x100, v0  }
0x2d: {  	v50 =	vor.u32 $0x100, v1  }
0x2e: {  	v2 =	vadd.bf16 v48, v2;
	_ =	sdelay $0x1  }
0x2f: {  	[tilespmem:s12+$0x80] =	vst v2  }
0x30: {  	v2 =	vld.idx.msk [tilespmem:v49+s2+$0x0], $0xffff  }
0x31: {  	v51 =	vld.idx.msk [tilespmem:v50+s2+$0x0], $0xffff;
	_ =	sdelay $0x2  }
0x32: {  	v52 =	vor.u32 $0x180, v0  }
0x33: {  	v53 =	vor.u32 $0x180, v1  }
0x34: {  	v2 =	vadd.bf16 v51, v2;
	_ =	sdelay $0x1  }
0x35: {  	[tilespmem:s12+$0x100] =	vst v2  }
0x36: {  	v2 =	vld.idx.msk [tilespmem:v52+s2+$0x0], $0xffff  }
0x37: {  	v54 =	vld.idx.msk [tilespmem:v53+s2+$0x0], $0xffff;
	_ =	sdelay $0x2  }
0x38: {  	v55 =	vor.u32 $0x200, v0  }
0x39: {  	v56 =	vor.u32 $0x200, v1  }
0x3a: {  	v2 =	vadd.bf16 v54, v2;
	_ =	sdelay $0x1  }
0x3b: {  	[tilespmem:s12+$0x180] =	vst v2  }
0x3c: {  	v2 =	vld.idx.msk [tilespmem:v55+s2+$0x0], $0xffff  }
0x3d: {  	v57 =	vld.idx.msk [tilespmem:v56+s2+$0x0], $0xffff;
	_ =	sdelay $0x1  }
0x3e: {  	s12 =	simm.s32 $0x1  }
0x3f: {  	v58 =	vor.u32 $0x280, v0;
	s12 =	simm.s32 @!p0 $0x0  }
0x40: {  	v59 =	vor.u32 $0x280, v1;
	s12 =	sshll.u32 s12, $0x6  }
0x41: {  	s22 =	sadd.s32 s12, s20;
	v2 =	vadd.bf16 v57, v2  }
0x42: {  	s12 =	sor.u32 $0x200, s22  }
0x43: {  	[tilespmem:s12+$0x18800] =	vst v2  }
0x44: {  	v2 =	vld.idx.msk [tilespmem:v58+s2+$0x0], $0xffff  }
0x45: {  	v60 =	vld.idx.msk [tilespmem:v59+s2+$0x0], $0xffff;
	_ =	sdelay $0x2  }
0x46: {  	v61 =	vor.u32 $0x300, v0  }
0x47: {  	v62 =	vor.u32 $0x300, v1  }
0x48: {  	v2 =	vadd.bf16 v60, v2  }
0x49: {  	s14 =	sor.u32 $0x280, s22  }
0x4a: {  	[tilespmem:s14+$0x18800] =	vst v2  }
0x4b: {  	v2 =	vld.idx.msk [tilespmem:v61+s2+$0x0], $0xffff  }
0x4c: {  	v63 =	vld.idx.msk [tilespmem:v62+s2+$0x0], $0xffff;
	_ =	sdelay $0x2  }
0x4d: {  	v8 =	vor.u32 $0x380, v0  }
0x4e: {  	v9 =	vor.u32 $0x380, v1  }
0x4f: {  	v2 =	vadd.bf16 v63, v2  }
0x50: {  	s23 =	sor.u32 $0x300, s22  }
0x51: {  	[tilespmem:s23+$0x18800] =	vst v2  }
0x52: {  	v2 =	vld.idx.msk [tilespmem:v8+s2+$0x0], $0xffff  }
0x53: {  	v10 =	vld.idx.msk [tilespmem:v9+s2+$0x0], $0xffff;
	_ =	sdelay $0x2  }
0x54: {  	v11 =	vadd.s32 $0xC000, v0  }
0x55: {  	v12 =	vadd.s32 $0xC000, v1  }
0x56: {  	s24 =	sor.u32 s20, s16;
	v2 =	vadd.bf16 v10, v2  }
0x57: {  	s12 =	sor.u32 $0x380, s24  }
0x58: {  	[tilespmem:s12+$0x18800] =	vst v2  }
0x59: {  	v2 =	vld.idx.msk [tilespmem:v11+s2+$0x0], $0xffff  }
0x5a: {  	v13 =	vld.idx.msk [tilespmem:v12+s2+$0x0], $0xffff;
	_ =	sdelay $0x2  }
0x5b: {  	v14 =	vadd.s32 $0xC080, v0  }
0x5c: {  	v15 =	vadd.s32 $0xC080, v1  }
0x5d: {  	s23 =	sadd.s32 $0x1A800, s1;
	v2 =	vadd.bf16 v13, v2  }
0x5e: {  	s25 =	sor.u32 s0, s23  }
0x5f: {  	[tilespmem:s25+$0x0] =	vst v2  }
0x60: {  	v2 =	vld.idx.msk [tilespmem:v14+s2+$0x0], $0xffff  }
0x61: {  	v16 =	vld.idx.msk [tilespmem:v15+s2+$0x0], $0xffff;
	_ =	sdelay $0x2  }
0x62: {  	v17 =	vadd.s32 $0xC100, v0  }
0x63: {  	v18 =	vadd.s32 $0xC100, v1  }
0x64: {  	s24 =	sadd.s32 $0x1A880, s1;
	v2 =	vadd.bf16 v16, v2  }
0x65: {  	s26 =	sor.u32 s0, s24  }
0x66: {  	[tilespmem:s26+$0x0] =	vst v2  }
0x67: {  	v2 =	vld.idx.msk [tilespmem:v17+s2+$0x0], $0xffff  }
0x68: {  	v19 =	vld.idx.msk [tilespmem:v18+s2+$0x0], $0xffff;
	_ =	sdelay $0x2  }
0x69: {  	v20 =	vadd.s32 $0xC180, v0  }
0x6a: {  	v21 =	vadd.s32 $0xC180, v1  }
0x6b: {  	s25 =	sadd.s32 $0x1A900, s1;
	v2 =	vadd.bf16 v19, v2  }
0x6c: {  	s28 =	sor.u32 s0, s25  }
0x6d: {  	[tilespmem:s28+$0x0] =	vst v2  }
0x6e: {  	v2 =	vld.idx.msk [tilespmem:v20+s2+$0x0], $0xffff  }
0x6f: {  	v22 =	vld.idx.msk [tilespmem:v21+s2+$0x0], $0xffff;
	_ =	sdelay $0x2  }
0x70: {  	v23 =	vadd.s32 $0xC200, v0  }
0x71: {  	v24 =	vadd.s32 $0xC200, v1  }
0x72: {  	s26 =	sadd.s32 $0x1A980, s1;
	v2 =	vadd.bf16 v22, v2  }
0x73: {  	s29 =	sor.u32 s0, s26  }
0x74: {  	[tilespmem:s29+$0x0] =	vst v2  }
0x75: {  	v2 =	vld.idx.msk [tilespmem:v23+s2+$0x0], $0xffff  }
0x76: {  	v25 =	vld.idx.msk [tilespmem:v24+s2+$0x0], $0xffff;
	_ =	sdelay $0x2  }
0x77: {  	v26 =	vadd.s32 $0xC280, v0  }
0x78: {  	v27 =	vadd.s32 $0xC280, v1  }
0x79: {  	s28 =	sadd.s32 $0x1AA00, s1;
	v2 =	vadd.bf16 v25, v2  }
0x7a: {  	s30 =	sor.u32 s0, s28  }
0x7b: {  	[tilespmem:s30+$0x0] =	vst v2  }
0x7c: {  	v2 =	vld.idx.msk [tilespmem:v26+s2+$0x0], $0xffff  }
0x7d: {  	v28 =	vld.idx.msk [tilespmem:v27+s2+$0x0], $0xffff;
	_ =	sdelay $0x2  }
0x7e: {  	v29 =	vadd.s32 $0xC300, v0  }
0x7f: {  	v30 =	vadd.s32 $0xC300, v1  }
0x80: {  	s29 =	sadd.s32 $0x1AA80, s1;
	v2 =	vadd.bf16 v28, v2  }
0x81: {  	s31 =	sor.u32 s0, s29  }
0x82: {  	[tilespmem:s31+$0x0] =	vst v2  }
0x83: {  	v2 =	vld.idx.msk [tilespmem:v29+s2+$0x0], $0xffff  }
0x84: {  	v31 =	vld.idx.msk [tilespmem:v30+s2+$0x0], $0xffff;
	_ =	sdelay $0x2  }
0x85: {  	v0 =	vadd.s32 $0xC380, v0  }
0x86: {  	v1 =	vadd.s32 $0xC380, v1  }
0x87: {  	s30 =	sadd.s32 $0x1AB00, s1;
	v2 =	vadd.bf16 v31, v2  }
0x88: {  	s13 =	sor.u32 s0, s30  }
0x89: {  	[tilespmem:s13+$0x0] =	vst v2  }
0x8a: {  	v0 =	vld.idx.msk [tilespmem:v0+s2+$0x0], $0xffff  }
0x8b: {  	v1 =	vld.idx.msk [tilespmem:v1+s2+$0x0], $0xffff;
	_ =	sdelay $0x4  }
0x8c: {  	s31 =	sadd.s32 $0x1AB80, s1;
	v0 =	vadd.bf16 v1, v0  }
0x8d: {  	s12 =	sor.u32 $0x10, s0;
	s1 =	sand.u32 $0x380, s16;
	s13 =	sor.u32 s0, s31  }
0x8e: {  	s14 =	sor.u32 s1, s12;
	[tilespmem:s13+$0x0] =	vst v0  }
0x8f: {  	v0 =	vld [tilespmem:s14+$0x18000]  }
0x90: {  	v32 =	vld [tilespmem:s14+$0x18400];
	_ =	sdelay $0x3  }
0x91: {  	v33 =	vshll.u32 v0, $0x3  }
0x92: {  	v0 =	vand.u32 $0x7F, v0;
	v34 =	vshll.u32 v32, $0x3;
	v2 =	vand.u32 $0xFFFFFC00, v33  }
0x93: {  	v1 =	vand.u32 $0x7F, v32;
	v35 =	vand.u32 $0xFFFFFC00, v34;
	v0 =	vor.u32 v0, v2  }
0x94: {  	v1 =	vor.u32 v1, v35;
	_ =	sdelay $0x3  }
0x95: {  	v36 =	vld.idx.msk [tilespmem:v0+s2+$0x0], $0xffff  }
0x96: {  	v37 =	vld.idx.msk [tilespmem:v1+s2+$0x0], $0xffff;
	_ =	sdelay $0x2  }
0x97: {  	v38 =	vor.u32 $0x80, v0  }
0x98: {  	v39 =	vor.u32 $0x80, v1  }
0x99: {  	v2 =	vadd.bf16 v37, v36  }
0x9a: {  	s14 =	sor.u32 s12, s21  }
0x9b: {  	[tilespmem:s14+$0x0] =	vst v2  }
0x9c: {  	v2 =	vld.idx.msk [tilespmem:v38+s2+$0x0], $0xffff  }
0x9d: {  	v40 =	vld.idx.msk [tilespmem:v39+s2+$0x0], $0xffff;
	_ =	sdelay $0x2  }
0x9e: {  	v41 =	vor.u32 $0x100, v0  }
0x9f: {  	v42 =	vor.u32 $0x100, v1  }
0xa0: {  	v2 =	vadd.bf16 v40, v2;
	_ =	sdelay $0x1  }
0xa1: {  	[tilespmem:s14+$0x80] =	vst v2  }
0xa2: {  	v2 =	vld.idx.msk [tilespmem:v41+s2+$0x0], $0xffff  }
0xa3: {  	v43 =	vld.idx.msk [tilespmem:v42+s2+$0x0], $0xffff;
	_ =	sdelay $0x2  }
0xa4: {  	v44 =	vor.u32 $0x180, v0  }
0xa5: {  	v45 =	vor.u32 $0x180, v1  }
0xa6: {  	v2 =	vadd.bf16 v43, v2;
	_ =	sdelay $0x1  }
0xa7: {  	[tilespmem:s14+$0x100] =	vst v2  }
0xa8: {  	v2 =	vld.idx.msk [tilespmem:v44+s2+$0x0], $0xffff  }
0xa9: {  	v46 =	vld.idx.msk [tilespmem:v45+s2+$0x0], $0xffff;
	_ =	sdelay $0x2  }
0xaa: {  	v47 =	vor.u32 $0x200, v0  }
0xab: {  	v48 =	vor.u32 $0x200, v1  }
0xac: {  	v2 =	vadd.bf16 v46, v2;
	_ =	sdelay $0x1  }
0xad: {  	[tilespmem:s14+$0x180] =	vst v2  }
0xae: {  	v2 =	vld.idx.msk [tilespmem:v47+s2+$0x0], $0xffff  }
0xaf: {  	v49 =	vld.idx.msk [tilespmem:v48+s2+$0x0], $0xffff;
	_ =	sdelay $0x2  }
0xb0: {  	v50 =	vor.u32 $0x280, v0  }
0xb1: {  	v51 =	vor.u32 $0x280, v1  }
0xb2: {  	s13 =	sadd.s32 $0x10, s22;
	v2 =	vadd.bf16 v49, v2  }
0xb3: {  	s14 =	sor.u32 $0x200, s13  }
0xb4: {  	[tilespmem:s14+$0x18800] =	vst v2  }
0xb5: {  	v2 =	vld.idx.msk [tilespmem:v50+s2+$0x0], $0xffff  }
0xb6: {  	v52 =	vld.idx.msk [tilespmem:v51+s2+$0x0], $0xffff;
	_ =	sdelay $0x2  }
0xb7: {  	v53 =	vor.u32 $0x300, v0  }
0xb8: {  	v54 =	vor.u32 $0x300, v1  }
0xb9: {  	v2 =	vadd.bf16 v52, v2  }
0xba: {  	s14 =	sor.u32 $0x280, s13  }
0xbb: {  	[tilespmem:s14+$0x18800] =	vst v2  }
0xbc: {  	v2 =	vld.idx.msk [tilespmem:v53+s2+$0x0], $0xffff  }
0xbd: {  	v55 =	vld.idx.msk [tilespmem:v54+s2+$0x0], $0xffff;
	_ =	sdelay $0x2  }
0xbe: {  	v56 =	vor.u32 $0x380, v0  }
0xbf: {  	v57 =	vor.u32 $0x380, v1  }
0xc0: {  	v2 =	vadd.bf16 v55, v2  }
0xc1: {  	s14 =	sor.u32 $0x300, s13  }
0xc2: {  	[tilespmem:s14+$0x18800] =	vst v2  }
0xc3: {  	v2 =	vld.idx.msk [tilespmem:v56+s2+$0x0], $0xffff  }
0xc4: {  	v58 =	vld.idx.msk [tilespmem:v57+s2+$0x0], $0xffff;
	_ =	sdelay $0x2  }
0xc5: {  	v59 =	vadd.s32 $0xC000, v0  }
0xc6: {  	v60 =	vadd.s32 $0xC000, v1  }
0xc7: {  	v2 =	vadd.bf16 v58, v2  }
0xc8: {  	s13 =	sor.u32 $0x380, s13  }
0xc9: {  	[tilespmem:s13+$0x18800] =	vst v2  }
0xca: {  	v2 =	vld.idx.msk [tilespmem:v59+s2+$0x0], $0xffff  }
0xcb: {  	v61 =	vld.idx.msk [tilespmem:v60+s2+$0x0], $0xffff;
	_ =	sdelay $0x2  }
0xcc: {  	v62 =	vadd.s32 $0xC080, v0  }
0xcd: {  	v63 =	vadd.s32 $0xC080, v1  }
0xce: {  	v2 =	vadd.bf16 v61, v2  }
0xcf: {  	s14 =	sor.u32 s12, s23  }
0xd0: {  	[tilespmem:s14+$0x0] =	vst v2  }
0xd1: {  	v2 =	vld.idx.msk [tilespmem:v62+s2+$0x0], $0xffff  }
0xd2: {  	v8 =	vld.idx.msk [tilespmem:v63+s2+$0x0], $0xffff;
	_ =	sdelay $0x2  }
0xd3: {  	v9 =	vadd.s32 $0xC100, v0  }
0xd4: {  	v10 =	vadd.s32 $0xC100, v1  }
0xd5: {  	v2 =	vadd.bf16 v8, v2  }
0xd6: {  	s14 =	sor.u32 s12, s24  }
0xd7: {  	[tilespmem:s14+$0x0] =	vst v2  }
0xd8: {  	v2 =	vld.idx.msk [tilespmem:v9+s2+$0x0], $0xffff  }
0xd9: {  	v11 =	vld.idx.msk [tilespmem:v10+s2+$0x0], $0xffff;
	_ =	sdelay $0x2  }
0xda: {  	v12 =	vadd.s32 $0xC180, v0  }
0xdb: {  	v13 =	vadd.s32 $0xC180, v1  }
0xdc: {  	v2 =	vadd.bf16 v11, v2  }
0xdd: {  	s14 =	sor.u32 s12, s25  }
0xde: {  	[tilespmem:s14+$0x0] =	vst v2  }
0xdf: {  	v2 =	vld.idx.msk [tilespmem:v12+s2+$0x0], $0xffff  }
0xe0: {  	v14 =	vld.idx.msk [tilespmem:v13+s2+$0x0], $0xffff;
	_ =	sdelay $0x2  }
0xe1: {  	v15 =	vadd.s32 $0xC200, v0  }
0xe2: {  	v16 =	vadd.s32 $0xC200, v1  }
0xe3: {  	v2 =	vadd.bf16 v14, v2  }
0xe4: {  	s14 =	sor.u32 s12, s26  }
0xe5: {  	[tilespmem:s14+$0x0] =	vst v2  }
0xe6: {  	v2 =	vld.idx.msk [tilespmem:v15+s2+$0x0], $0xffff  }
0xe7: {  	v17 =	vld.idx.msk [tilespmem:v16+s2+$0x0], $0xffff;
	_ =	sdelay $0x2  }
0xe8: {  	v18 =	vadd.s32 $0xC280, v0  }
0xe9: {  	v19 =	vadd.s32 $0xC280, v1  }
0xea: {  	v2 =	vadd.bf16 v17, v2  }
0xeb: {  	s14 =	sor.u32 s12, s28  }
0xec: {  	[tilespmem:s14+$0x0] =	vst v2  }
0xed: {  	v2 =	vld.idx.msk [tilespmem:v18+s2+$0x0], $0xffff  }
0xee: {  	v20 =	vld.idx.msk [tilespmem:v19+s2+$0x0], $0xffff;
	_ =	sdelay $0x2  }
0xef: {  	v21 =	vadd.s32 $0xC300, v0  }
0xf0: {  	v22 =	vadd.s32 $0xC300, v1  }
0xf1: {  	v2 =	vadd.bf16 v20, v2  }
0xf2: {  	s14 =	sor.u32 s12, s29  }
0xf3: {  	[tilespmem:s14+$0x0] =	vst v2  }
0xf4: {  	v2 =	vld.idx.msk [tilespmem:v21+s2+$0x0], $0xffff  }
0xf5: {  	v23 =	vld.idx.msk [tilespmem:v22+s2+$0x0], $0xffff;
	_ =	sdelay $0x2  }
0xf6: {  	v0 =	vadd.s32 $0xC380, v0  }
0xf7: {  	v1 =	vadd.s32 $0xC380, v1  }
0xf8: {  	v2 =	vadd.bf16 v23, v2  }
0xf9: {  	s14 =	sor.u32 s12, s30  }
0xfa: {  	[tilespmem:s14+$0x0] =	vst v2  }
0xfb: {  	v0 =	vld.idx.msk [tilespmem:v0+s2+$0x0], $0xffff  }
0xfc: {  	v1 =	vld.idx.msk [tilespmem:v1+s2+$0x0], $0xffff;
	_ =	sdelay $0x4  }
0xfd: {  	v0 =	vadd.bf16 v1, v0  }
0xfe: {  	s14 =	sor.u32 s12, s31;
	s12 =	sor.u32 $0x20, s0  }
0xff: {  	[tilespmem:s14+$0x0] =	vst v0;
	s14 =	sor.u32 s1, s12  }
0x100: {  	v0 =	vld [tilespmem:s14+$0x18000]  }
0x101: {  	v24 =	vld [tilespmem:s14+$0x18400];
	_ =	sdelay $0x3  }
0x102: {  	v25 =	vshll.u32 v0, $0x3  }
0x103: {  	v0 =	vand.u32 $0x7F, v0;
	v26 =	vshll.u32 v24, $0x3;
	v2 =	vand.u32 $0xFFFFFC00, v25  }
0x104: {  	v1 =	vand.u32 $0x7F, v24;
	v27 =	vand.u32 $0xFFFFFC00, v26;
	v0 =	vor.u32 v0, v2  }
0x105: {  	v1 =	vor.u32 v1, v27;
	_ =	sdelay $0x3  }
0x106: {  	v28 =	vld.idx.msk [tilespmem:v0+s2+$0x0], $0xffff  }
0x107: {  	v29 =	vld.idx.msk [tilespmem:v1+s2+$0x0], $0xffff;
	_ =	sdelay $0x2  }
0x108: {  	v30 =	vor.u32 $0x80, v0  }
0x109: {  	v31 =	vor.u32 $0x80, v1  }
0x10a: {  	v2 =	vadd.bf16 v29, v28  }
0x10b: {  	s14 =	sor.u32 s12, s21  }
0x10c: {  	[tilespmem:s14+$0x0] =	vst v2  }
0x10d: {  	v2 =	vld.idx.msk [tilespmem:v30+s2+$0x0], $0xffff  }
0x10e: {  	v32 =	vld.idx.msk [tilespmem:v31+s2+$0x0], $0xffff;
	_ =	sdelay $0x2  }
0x10f: {  	v33 =	vor.u32 $0x100, v0  }
0x110: {  	v34 =	vor.u32 $0x100, v1  }
0x111: {  	v2 =	vadd.bf16 v32, v2;
	_ =	sdelay $0x1  }
0x112: {  	[tilespmem:s14+$0x80] =	vst v2  }
0x113: {  	v2 =	vld.idx.msk [tilespmem:v33+s2+$0x0], $0xffff  }
0x114: {  	v35 =	vld.idx.msk [tilespmem:v34+s2+$0x0], $0xffff;
	_ =	sdelay $0x2  }
0x115: {  	v36 =	vor.u32 $0x180, v0  }
0x116: {  	v37 =	vor.u32 $0x180, v1  }
0x117: {  	v2 =	vadd.bf16 v35, v2;
	_ =	sdelay $0x1  }
0x118: {  	[tilespmem:s14+$0x100] =	vst v2  }
0x119: {  	v2 =	vld.idx.msk [tilespmem:v36+s2+$0x0], $0xffff  }
0x11a: {  	v38 =	vld.idx.msk [tilespmem:v37+s2+$0x0], $0xffff;
	_ =	sdelay $0x2  }
0x11b: {  	v39 =	vor.u32 $0x200, v0  }
0x11c: {  	v40 =	vor.u32 $0x200, v1  }
0x11d: {  	v2 =	vadd.bf16 v38, v2;
	_ =	sdelay $0x1  }
0x11e: {  	[tilespmem:s14+$0x180] =	vst v2  }
0x11f: {  	v2 =	vld.idx.msk [tilespmem:v39+s2+$0x0], $0xffff  }
0x120: {  	v41 =	vld.idx.msk [tilespmem:v40+s2+$0x0], $0xffff;
	_ =	sdelay $0x2  }
0x121: {  	v42 =	vor.u32 $0x280, v0  }
0x122: {  	v43 =	vor.u32 $0x280, v1  }
0x123: {  	s13 =	sadd.s32 $0x20, s22;
	v2 =	vadd.bf16 v41, v2  }
0x124: {  	s14 =	sor.u32 $0x200, s13  }
0x125: {  	[tilespmem:s14+$0x18800] =	vst v2  }
0x126: {  	v2 =	vld.idx.msk [tilespmem:v42+s2+$0x0], $0xffff  }
0x127: {  	v44 =	vld.idx.msk [tilespmem:v43+s2+$0x0], $0xffff;
	_ =	sdelay $0x2  }
0x128: {  	v45 =	vor.u32 $0x300, v0  }
0x129: {  	v46 =	vor.u32 $0x300, v1  }
0x12a: {  	v2 =	vadd.bf16 v44, v2  }
0x12b: {  	s14 =	sor.u32 $0x280, s13  }
0x12c: {  	[tilespmem:s14+$0x18800] =	vst v2  }
0x12d: {  	v2 =	vld.idx.msk [tilespmem:v45+s2+$0x0], $0xffff  }
0x12e: {  	v47 =	vld.idx.msk [tilespmem:v46+s2+$0x0], $0xffff;
	_ =	sdelay $0x2  }
0x12f: {  	v48 =	vor.u32 $0x380, v0  }
0x130: {  	v49 =	vor.u32 $0x380, v1  }
0x131: {  	v2 =	vadd.bf16 v47, v2  }
0x132: {  	s14 =	sor.u32 $0x300, s13  }
0x133: {  	[tilespmem:s14+$0x18800] =	vst v2  }
0x134: {  	v2 =	vld.idx.msk [tilespmem:v48+s2+$0x0], $0xffff  }
0x135: {  	v50 =	vld.idx.msk [tilespmem:v49+s2+$0x0], $0xffff;
	_ =	sdelay $0x2  }
0x136: {  	v51 =	vadd.s32 $0xC000, v0  }
0x137: {  	v52 =	vadd.s32 $0xC000, v1  }
0x138: {  	v2 =	vadd.bf16 v50, v2  }
0x139: {  	s13 =	sor.u32 $0x380, s13  }
0x13a: {  	[tilespmem:s13+$0x18800] =	vst v2  }
0x13b: {  	v2 =	vld.idx.msk [tilespmem:v51+s2+$0x0], $0xffff  }
0x13c: {  	v53 =	vld.idx.msk [tilespmem:v52+s2+$0x0], $0xffff;
	_ =	sdelay $0x2  }
0x13d: {  	v54 =	vadd.s32 $0xC080, v0  }
0x13e: {  	v55 =	vadd.s32 $0xC080, v1  }
0x13f: {  	v2 =	vadd.bf16 v53, v2  }
0x140: {  	s14 =	sor.u32 s12, s23  }
0x141: {  	[tilespmem:s14+$0x0] =	vst v2  }
0x142: {  	v2 =	vld.idx.msk [tilespmem:v54+s2+$0x0], $0xffff  }
0x143: {  	v56 =	vld.idx.msk [tilespmem:v55+s2+$0x0], $0xffff;
	_ =	sdelay $0x2  }
0x144: {  	v57 =	vadd.s32 $0xC100, v0  }
0x145: {  	v58 =	vadd.s32 $0xC100, v1  }
0x146: {  	v2 =	vadd.bf16 v56, v2  }
0x147: {  	s14 =	sor.u32 s12, s24  }
0x148: {  	[tilespmem:s14+$0x0] =	vst v2  }
0x149: {  	v2 =	vld.idx.msk [tilespmem:v57+s2+$0x0], $0xffff  }
0x14a: {  	v59 =	vld.idx.msk [tilespmem:v58+s2+$0x0], $0xffff;
	_ =	sdelay $0x2  }
0x14b: {  	v60 =	vadd.s32 $0xC180, v0  }
0x14c: {  	v61 =	vadd.s32 $0xC180, v1  }
0x14d: {  	v2 =	vadd.bf16 v59, v2  }
0x14e: {  	s14 =	sor.u32 s12, s25  }
0x14f: {  	[tilespmem:s14+$0x0] =	vst v2  }
0x150: {  	v2 =	vld.idx.msk [tilespmem:v60+s2+$0x0], $0xffff  }
0x151: {  	v62 =	vld.idx.msk [tilespmem:v61+s2+$0x0], $0xffff;
	_ =	sdelay $0x2  }
0x152: {  	v63 =	vadd.s32 $0xC200, v0  }
0x153: {  	v8 =	vadd.s32 $0xC200, v1  }
0x154: {  	v2 =	vadd.bf16 v62, v2  }
0x155: {  	s14 =	sor.u32 s12, s26  }
0x156: {  	[tilespmem:s14+$0x0] =	vst v2  }
0x157: {  	v2 =	vld.idx.msk [tilespmem:v63+s2+$0x0], $0xffff  }
0x158: {  	v9 =	vld.idx.msk [tilespmem:v8+s2+$0x0], $0xffff;
	_ =	sdelay $0x2  }
0x159: {  	v10 =	vadd.s32 $0xC280, v0  }
0x15a: {  	v11 =	vadd.s32 $0xC280, v1  }
0x15b: {  	v2 =	vadd.bf16 v9, v2  }
0x15c: {  	s14 =	sor.u32 s12, s28  }
0x15d: {  	[tilespmem:s14+$0x0] =	vst v2  }
0x15e: {  	v2 =	vld.idx.msk [tilespmem:v10+s2+$0x0], $0xffff  }
0x15f: {  	v12 =	vld.idx.msk [tilespmem:v11+s2+$0x0], $0xffff;
	_ =	sdelay $0x2  }
0x160: {  	v13 =	vadd.s32 $0xC300, v0  }
0x161: {  	v14 =	vadd.s32 $0xC300, v1  }
0x162: {  	v2 =	vadd.bf16 v12, v2  }
0x163: {  	s14 =	sor.u32 s12, s29  }
0x164: {  	[tilespmem:s14+$0x0] =	vst v2  }
0x165: {  	v2 =	vld.idx.msk [tilespmem:v13+s2+$0x0], $0xffff  }
0x166: {  	v15 =	vld.idx.msk [tilespmem:v14+s2+$0x0], $0xffff;
	_ =	sdelay $0x2  }
0x167: {  	v0 =	vadd.s32 $0xC380, v0  }
0x168: {  	v1 =	vadd.s32 $0xC380, v1  }
0x169: {  	v2 =	vadd.bf16 v15, v2  }
0x16a: {  	s14 =	sor.u32 s12, s30  }
0x16b: {  	[tilespmem:s14+$0x0] =	vst v2  }
0x16c: {  	v0 =	vld.idx.msk [tilespmem:v0+s2+$0x0], $0xffff  }
0x16d: {  	v1 =	vld.idx.msk [tilespmem:v1+s2+$0x0], $0xffff;
	_ =	sdelay $0x4  }
0x16e: {  	v0 =	vadd.bf16 v1, v0  }
0x16f: {  	s0 =	sor.u32 $0x30, s0;
	s12 =	sor.u32 s12, s31  }
0x170: {  	s1 =	sor.u32 s1, s0;
	[tilespmem:s12+$0x0] =	vst v0  }
0x171: {  	v0 =	vld [tilespmem:s1+$0x18000]  }
0x172: {  	v16 =	vld [tilespmem:s1+$0x18400];
	_ =	sdelay $0x3  }
0x173: {  	v17 =	vshll.u32 v0, $0x3  }
0x174: {  	v0 =	vand.u32 $0x7F, v0;
	v18 =	vshll.u32 v16, $0x3;
	v2 =	vand.u32 $0xFFFFFC00, v17  }
0x175: {  	v1 =	vand.u32 $0x7F, v16;
	v19 =	vand.u32 $0xFFFFFC00, v18;
	v0 =	vor.u32 v0, v2  }
0x176: {  	v1 =	vor.u32 v1, v19;
	_ =	sdelay $0x3  }
0x177: {  	v20 =	vld.idx.msk [tilespmem:v0+s2+$0x0], $0xffff  }
0x178: {  	v21 =	vld.idx.msk [tilespmem:v1+s2+$0x0], $0xffff;
	_ =	sdelay $0x2  }
0x179: {  	v22 =	vor.u32 $0x80, v0  }
0x17a: {  	v23 =	vor.u32 $0x80, v1  }
0x17b: {  	v2 =	vadd.bf16 v21, v20  }
0x17c: {  	s12 =	sor.u32 s0, s21  }
0x17d: {  	[tilespmem:s12+$0x0] =	vst v2  }
0x17e: {  	v2 =	vld.idx.msk [tilespmem:v22+s2+$0x0], $0xffff  }
0x17f: {  	v24 =	vld.idx.msk [tilespmem:v23+s2+$0x0], $0xffff;
	_ =	sdelay $0x2  }
0x180: {  	v25 =	vor.u32 $0x100, v0  }
0x181: {  	v26 =	vor.u32 $0x100, v1  }
0x182: {  	v2 =	vadd.bf16 v24, v2;
	_ =	sdelay $0x1  }
0x183: {  	[tilespmem:s12+$0x80] =	vst v2  }
0x184: {  	v2 =	vld.idx.msk [tilespmem:v25+s2+$0x0], $0xffff  }
0x185: {  	v27 =	vld.idx.msk [tilespmem:v26+s2+$0x0], $0xffff;
	_ =	sdelay $0x2  }
0x186: {  	v28 =	vor.u32 $0x180, v0  }
0x187: {  	v29 =	vor.u32 $0x180, v1  }
0x188: {  	v2 =	vadd.bf16 v27, v2;
	_ =	sdelay $0x1  }
0x189: {  	[tilespmem:s12+$0x100] =	vst v2  }
0x18a: {  	v2 =	vld.idx.msk [tilespmem:v28+s2+$0x0], $0xffff  }
0x18b: {  	v30 =	vld.idx.msk [tilespmem:v29+s2+$0x0], $0xffff;
	_ =	sdelay $0x2  }
0x18c: {  	v31 =	vor.u32 $0x200, v0  }
0x18d: {  	v32 =	vor.u32 $0x200, v1  }
0x18e: {  	v2 =	vadd.bf16 v30, v2;
	_ =	sdelay $0x1  }
0x18f: {  	[tilespmem:s12+$0x180] =	vst v2  }
0x190: {  	v2 =	vld.idx.msk [tilespmem:v31+s2+$0x0], $0xffff  }
0x191: {  	v33 =	vld.idx.msk [tilespmem:v32+s2+$0x0], $0xffff;
	_ =	sdelay $0x2  }
0x192: {  	v34 =	vor.u32 $0x280, v0  }
0x193: {  	v35 =	vor.u32 $0x280, v1  }
0x194: {  	s13 =	sadd.s32 $0x30, s22;
	v2 =	vadd.bf16 v33, v2  }
0x195: {  	s14 =	sor.u32 $0x200, s13  }
0x196: {  	[tilespmem:s14+$0x18800] =	vst v2  }
0x197: {  	v2 =	vld.idx.msk [tilespmem:v34+s2+$0x0], $0xffff  }
0x198: {  	v36 =	vld.idx.msk [tilespmem:v35+s2+$0x0], $0xffff;
	_ =	sdelay $0x2  }
0x199: {  	v37 =	vor.u32 $0x300, v0  }
0x19a: {  	v38 =	vor.u32 $0x300, v1  }
0x19b: {  	v2 =	vadd.bf16 v36, v2  }
0x19c: {  	s21 =	sor.u32 $0x280, s13  }
0x19d: {  	[tilespmem:s21+$0x18800] =	vst v2  }
0x19e: {  	v2 =	vld.idx.msk [tilespmem:v37+s2+$0x0], $0xffff  }
0x19f: {  	v39 =	vld.idx.msk [tilespmem:v38+s2+$0x0], $0xffff;
	_ =	sdelay $0x2  }
0x1a0: {  	v40 =	vor.u32 $0x380, v0  }
0x1a1: {  	v41 =	vor.u32 $0x380, v1  }
0x1a2: {  	v2 =	vadd.bf16 v39, v2  }
0x1a3: {  	s22 =	sor.u32 $0x300, s13  }
0x1a4: {  	[tilespmem:s22+$0x18800] =	vst v2  }
0x1a5: {  	v2 =	vld.idx.msk [tilespmem:v40+s2+$0x0], $0xffff  }
0x1a6: {  	v42 =	vld.idx.msk [tilespmem:v41+s2+$0x0], $0xffff;
	_ =	sdelay $0x2  }
0x1a7: {  	v43 =	vadd.s32 $0xC000, v0  }
0x1a8: {  	v44 =	vadd.s32 $0xC000, v1  }
0x1a9: {  	v2 =	vadd.bf16 v42, v2  }
0x1aa: {  	s1 =	sor.u32 $0x380, s13  }
0x1ab: {  	[tilespmem:s1+$0x18800] =	vst v2  }
0x1ac: {  	v2 =	vld.idx.msk [tilespmem:v43+s2+$0x0], $0xffff  }
0x1ad: {  	v45 =	vld.idx.msk [tilespmem:v44+s2+$0x0], $0xffff;
	_ =	sdelay $0x2  }
0x1ae: {  	v46 =	vadd.s32 $0xC080, v0  }
0x1af: {  	v47 =	vadd.s32 $0xC080, v1  }
0x1b0: {  	v2 =	vadd.bf16 v45, v2  }
0x1b1: {  	s23 =	sor.u32 s0, s23  }
0x1b2: {  	[tilespmem:s23+$0x0] =	vst v2  }
0x1b3: {  	v2 =	vld.idx.msk [tilespmem:v46+s2+$0x0], $0xffff  }
0x1b4: {  	v48 =	vld.idx.msk [tilespmem:v47+s2+$0x0], $0xffff;
	_ =	sdelay $0x2  }
0x1b5: {  	v49 =	vadd.s32 $0xC100, v0  }
0x1b6: {  	v50 =	vadd.s32 $0xC100, v1  }
0x1b7: {  	v2 =	vadd.bf16 v48, v2  }
0x1b8: {  	s24 =	sor.u32 s0, s24  }
0x1b9: {  	[tilespmem:s24+$0x0] =	vst v2  }
0x1ba: {  	v2 =	vld.idx.msk [tilespmem:v49+s2+$0x0], $0xffff  }
0x1bb: {  	v51 =	vld.idx.msk [tilespmem:v50+s2+$0x0], $0xffff;
	_ =	sdelay $0x2  }
0x1bc: {  	v52 =	vadd.s32 $0xC180, v0  }
0x1bd: {  	v53 =	vadd.s32 $0xC180, v1  }
0x1be: {  	v2 =	vadd.bf16 v51, v2  }
0x1bf: {  	s25 =	sor.u32 s0, s25  }
0x1c0: {  	[tilespmem:s25+$0x0] =	vst v2  }
0x1c1: {  	v2 =	vld.idx.msk [tilespmem:v52+s2+$0x0], $0xffff  }
0x1c2: {  	v54 =	vld.idx.msk [tilespmem:v53+s2+$0x0], $0xffff;
	_ =	sdelay $0x2  }
0x1c3: {  	v55 =	vadd.s32 $0xC200, v0  }
0x1c4: {  	v56 =	vadd.s32 $0xC200, v1  }
0x1c5: {  	v2 =	vadd.bf16 v54, v2  }
0x1c6: {  	s26 =	sor.u32 s0, s26  }
0x1c7: {  	[tilespmem:s26+$0x0] =	vst v2  }
0x1c8: {  	v2 =	vld.idx.msk [tilespmem:v55+s2+$0x0], $0xffff  }
0x1c9: {  	v57 =	vld.idx.msk [tilespmem:v56+s2+$0x0], $0xffff;
	_ =	sdelay $0x2  }
0x1ca: {  	v58 =	vadd.s32 $0xC280, v0  }
0x1cb: {  	v59 =	vadd.s32 $0xC280, v1  }
0x1cc: {  	v2 =	vadd.bf16 v57, v2  }
0x1cd: {  	s28 =	sor.u32 s0, s28  }
0x1ce: {  	[tilespmem:s28+$0x0] =	vst v2  }
0x1cf: {  	v2 =	vld.idx.msk [tilespmem:v58+s2+$0x0], $0xffff  }
0x1d0: {  	v60 =	vld.idx.msk [tilespmem:v59+s2+$0x0], $0xffff;
	_ =	sdelay $0x2  }
0x1d1: {  	v61 =	vadd.s32 $0xC300, v0  }
0x1d2: {  	v62 =	vadd.s32 $0xC300, v1  }
0x1d3: {  	v2 =	vadd.bf16 v60, v2  }
0x1d4: {  	s29 =	sor.u32 s0, s29  }
0x1d5: {  	[tilespmem:s29+$0x0] =	vst v2  }
0x1d6: {  	v2 =	vld.idx.msk [tilespmem:v61+s2+$0x0], $0xffff  }
0x1d7: {  	v63 =	vld.idx.msk [tilespmem:v62+s2+$0x0], $0xffff;
	_ =	sdelay $0x2  }
0x1d8: {  	v0 =	vadd.s32 $0xC380, v0  }
0x1d9: {  	v1 =	vadd.s32 $0xC380, v1  }
0x1da: {  	v2 =	vadd.bf16 v63, v2  }
0x1db: {  	s30 =	sor.u32 s0, s30  }
0x1dc: {  	[tilespmem:s30+$0x0] =	vst v2  }
0x1dd: {  	v0 =	vld.idx.msk [tilespmem:v0+s2+$0x0], $0xffff  }
0x1de: {  	v1 =	vld.idx.msk [tilespmem:v1+s2+$0x0], $0xffff  }
0x1df: {  	s19 =	sadd.s32 $0x4, s19  }
0x1e0: {  	p1 =	slt.u32 s19, $0x3C  }
.Ltmp1:
0x1e1: {  	_ = 	snop;
	(pc) =	sbr.rel @p1 .LBB2_3-.Ltmp1, $4  }
0x1e2: {  	_ = 	snop  }
0x1e3: {  	v0 =	vadd.bf16 v1, v0  }
0x1e4: {  	s17 =	sadd.s32 $0x40, s17;
	s18 =	sadd.s32 $0x40, s18;
	s0 =	sor.u32 s0, s31  }
0x1e5: {  	p0 =	por !p0, !p0;
	s20 =	sadd.s32 $0x200, s20;
	s16 =	sadd.s32 $0x40, s16;
	[tilespmem:s0+$0x0] =	vst v0  }
0x1e6: {  	s0 =	simm.s32 $0x2000;
	s1 =	simm.s32 $0x4000;
	s12 =	simm.s32 $0x18800  }
0x1e7: {  	[hbm4b:s5+s0] =	stream.strided.scatter [tilespmem:s12], [sflag:$0x1], $0x4000, s1, s0, $0x38;
	[tilespmem:$0x1C800] =	vst v63  }
0x1e8: {  	_ =	swait.ge [sflag:s11], $0x4000  }
0x1e9: {  	[sflag:s11] =	ssyncset.done $0x0  }
0x1ea: {  	s16 =	simm.s32 $0x0;
	s17 =	simm.s32 $0x18000;
	[sflag:s11] =	ssyncadd.s32 $0xFFFFC000  }
0x1eb: {  	[tilespmem:s17], [sflag:$0x1] =	stream.linear.gather [hbm4b:s6+s16], $0x400, $0x38;
	[tilespmem:$0x1C800] =	vst v63  }
0x1ec: {  	_ =	swait.ge [sflag:s11], $0x400  }
0x1ed: {  	[sflag:s11] =	ssyncset.done $0x0  }
0x1ee: {  	s18 =	simm.s32 $0x18400;
	[sflag:s11] =	ssyncadd.s32 $0xFFFFFC00  }
0x1ef: {  	[tilespmem:s18], [sflag:$0x1] =	stream.linear.gather [hbm4b:s7+s16], $0x400, $0x38;
	[tilespmem:$0x1C800] =	vst v63  }
0x1f0: {  	_ =	swait.ge [sflag:s11], $0x400  }
0x1f1: {  	s19 =	simm.s32 $0xFFFFFFFC;
	[sflag:s11] =	ssyncset.done $0x0  }
0x1f2: {  	p0 =	por $0x0, $0x0;
	s20 =	simm.s32 $0x0;
	[sflag:s11] =	ssyncadd.s32 $0xFFFFFC00  }
.LBB2_5:
0x1f3: {  	v0 =	vld [tilespmem:s17+$0x0]  }
0x1f4: {  	v1 =	vld [tilespmem:s18+$0x0];
	_ =	sdelay $0x3  }
0x1f5: {  	v2 =	vshll.u32 v0, $0x3  }
0x1f6: {  	v0 =	vand.u32 $0x7F, v0;
	v3 =	vshll.u32 v1, $0x3;
	v2 =	vand.u32 $0xFFFFFC00, v2  }
0x1f7: {  	v1 =	vand.u32 $0x7F, v1;
	v45 =	vand.u32 $0xFFFFFC00, v3;
	v0 =	vor.u32 v0, v2  }
0x1f8: {  	v1 =	vor.u32 v1, v45;
	_ =	sdelay $0x3  }
0x1f9: {  	v46 =	vld.idx.msk [tilespmem:v0+s2+$0x0], $0xffff  }
0x1fa: {  	v47 =	vld.idx.msk [tilespmem:v1+s2+$0x0], $0xffff;
	_ =	sdelay $0x2  }
0x1fb: {  	v4 =	vor.u32 $0x80, v0  }
0x1fc: {  	s1 =	sand.u32 $0x1C00, s20;
	v5 =	vor.u32 $0x80, v1  }
0x1fd: {  	s0 =	sand.u32 $0x40, s16;
	s21 =	sadd.s32 $0x18800, s1;
	v2 =	vadd.bf16 v47, v46  }
0x1fe: {  	s12 =	sor.u32 s0, s21  }
0x1ff: {  	[tilespmem:s12+$0x0] =	vst v2  }
0x200: {  	v2 =	vld.idx.msk [tilespmem:v4+s2+$0x0], $0xffff  }
0x201: {  	v48 =	vld.idx.msk [tilespmem:v5+s2+$0x0], $0xffff;
	_ =	sdelay $0x2  }
0x202: {  	v49 =	vor.u32 $0x100, v0  }
0x203: {  	v50 =	vor.u32 $0x100, v1  }
0x204: {  	v2 =	vadd.bf16 v48, v2;
	_ =	sdelay $0x1  }
0x205: {  	[tilespmem:s12+$0x80] =	vst v2  }
0x206: {  	v2 =	vld.idx.msk [tilespmem:v49+s2+$0x0], $0xffff  }
0x207: {  	v51 =	vld.idx.msk [tilespmem:v50+s2+$0x0], $0xffff;
	_ =	sdelay $0x2  }
0x208: {  	v52 =	vor.u32 $0x180, v0  }
0x209: {  	v53 =	vor.u32 $0x180, v1  }
0x20a: {  	v2 =	vadd.bf16 v51, v2;
	_ =	sdelay $0x1  }
0x20b: {  	[tilespmem:s12+$0x100] =	vst v2  }
0x20c: {  	v2 =	vld.idx.msk [tilespmem:v52+s2+$0x0], $0xffff  }
0x20d: {  	v54 =	vld.idx.msk [tilespmem:v53+s2+$0x0], $0xffff;
	_ =	sdelay $0x2  }
0x20e: {  	v55 =	vor.u32 $0x200, v0  }
0x20f: {  	v56 =	vor.u32 $0x200, v1  }
0x210: {  	v2 =	vadd.bf16 v54, v2;
	_ =	sdelay $0x1  }
0x211: {  	[tilespmem:s12+$0x180] =	vst v2  }
0x212: {  	v2 =	vld.idx.msk [tilespmem:v55+s2+$0x0], $0xffff  }
0x213: {  	v57 =	vld.idx.msk [tilespmem:v56+s2+$0x0], $0xffff;
	_ =	sdelay $0x1  }
0x214: {  	s12 =	simm.s32 $0x1  }
0x215: {  	v58 =	vor.u32 $0x280, v0;
	s12 =	simm.s32 @!p0 $0x0  }
0x216: {  	v59 =	vor.u32 $0x280, v1;
	s12 =	sshll.u32 s12, $0x6  }
0x217: {  	s22 =	sadd.s32 s12, s20;
	v2 =	vadd.bf16 v57, v2  }
0x218: {  	s12 =	sor.u32 $0x200, s22  }
0x219: {  	[tilespmem:s12+$0x18800] =	vst v2  }
0x21a: {  	v2 =	vld.idx.msk [tilespmem:v58+s2+$0x0], $0xffff  }
0x21b: {  	v60 =	vld.idx.msk [tilespmem:v59+s2+$0x0], $0xffff;
	_ =	sdelay $0x2  }
0x21c: {  	v61 =	vor.u32 $0x300, v0  }
0x21d: {  	v62 =	vor.u32 $0x300, v1  }
0x21e: {  	v2 =	vadd.bf16 v60, v2  }
0x21f: {  	s14 =	sor.u32 $0x280, s22  }
0x220: {  	[tilespmem:s14+$0x18800] =	vst v2  }
0x221: {  	v2 =	vld.idx.msk [tilespmem:v61+s2+$0x0], $0xffff  }
0x222: {  	v63 =	vld.idx.msk [tilespmem:v62+s2+$0x0], $0xffff;
	_ =	sdelay $0x2  }
0x223: {  	v8 =	vor.u32 $0x380, v0  }
0x224: {  	v9 =	vor.u32 $0x380, v1  }
0x225: {  	v2 =	vadd.bf16 v63, v2  }
0x226: {  	s23 =	sor.u32 $0x300, s22  }
0x227: {  	[tilespmem:s23+$0x18800] =	vst v2  }
0x228: {  	v2 =	vld.idx.msk [tilespmem:v8+s2+$0x0], $0xffff  }
0x229: {  	v10 =	vld.idx.msk [tilespmem:v9+s2+$0x0], $0xffff;
	_ =	sdelay $0x2  }
0x22a: {  	v11 =	vadd.s32 $0xC000, v0  }
0x22b: {  	v12 =	vadd.s32 $0xC000, v1  }
0x22c: {  	s24 =	sor.u32 s20, s16;
	v2 =	vadd.bf16 v10, v2  }
0x22d: {  	s12 =	sor.u32 $0x380, s24  }
0x22e: {  	[tilespmem:s12+$0x18800] =	vst v2  }
0x22f: {  	v2 =	vld.idx.msk [tilespmem:v11+s2+$0x0], $0xffff  }
0x230: {  	v13 =	vld.idx.msk [tilespmem:v12+s2+$0x0], $0xffff;
	_ =	sdelay $0x2  }
0x231: {  	v14 =	vadd.s32 $0xC080, v0  }
0x232: {  	v15 =	vadd.s32 $0xC080, v1  }
0x233: {  	s23 =	sadd.s32 $0x1A800, s1;
	v2 =	vadd.bf16 v13, v2  }
0x234: {  	s25 =	sor.u32 s0, s23  }
0x235: {  	[tilespmem:s25+$0x0] =	vst v2  }
0x236: {  	v2 =	vld.idx.msk [tilespmem:v14+s2+$0x0], $0xffff  }
0x237: {  	v16 =	vld.idx.msk [tilespmem:v15+s2+$0x0], $0xffff;
	_ =	sdelay $0x2  }
0x238: {  	v17 =	vadd.s32 $0xC100, v0  }
0x239: {  	v18 =	vadd.s32 $0xC100, v1  }
0x23a: {  	s24 =	sadd.s32 $0x1A880, s1;
	v2 =	vadd.bf16 v16, v2  }
0x23b: {  	s26 =	sor.u32 s0, s24  }
0x23c: {  	[tilespmem:s26+$0x0] =	vst v2  }
0x23d: {  	v2 =	vld.idx.msk [tilespmem:v17+s2+$0x0], $0xffff  }
0x23e: {  	v19 =	vld.idx.msk [tilespmem:v18+s2+$0x0], $0xffff;
	_ =	sdelay $0x2  }
0x23f: {  	v20 =	vadd.s32 $0xC180, v0  }
0x240: {  	v21 =	vadd.s32 $0xC180, v1  }
0x241: {  	s25 =	sadd.s32 $0x1A900, s1;
	v2 =	vadd.bf16 v19, v2  }
0x242: {  	s28 =	sor.u32 s0, s25  }
0x243: {  	[tilespmem:s28+$0x0] =	vst v2  }
0x244: {  	v2 =	vld.idx.msk [tilespmem:v20+s2+$0x0], $0xffff  }
0x245: {  	v22 =	vld.idx.msk [tilespmem:v21+s2+$0x0], $0xffff;
	_ =	sdelay $0x2  }
0x246: {  	v23 =	vadd.s32 $0xC200, v0  }
0x247: {  	v24 =	vadd.s32 $0xC200, v1  }
0x248: {  	s26 =	sadd.s32 $0x1A980, s1;
	v2 =	vadd.bf16 v22, v2  }
0x249: {  	s29 =	sor.u32 s0, s26  }
0x24a: {  	[tilespmem:s29+$0x0] =	vst v2  }
0x24b: {  	v2 =	vld.idx.msk [tilespmem:v23+s2+$0x0], $0xffff  }
0x24c: {  	v25 =	vld.idx.msk [tilespmem:v24+s2+$0x0], $0xffff;
	_ =	sdelay $0x2  }
0x24d: {  	v26 =	vadd.s32 $0xC280, v0  }
0x24e: {  	v27 =	vadd.s32 $0xC280, v1  }
0x24f: {  	s28 =	sadd.s32 $0x1AA00, s1;
	v2 =	vadd.bf16 v25, v2  }
0x250: {  	s30 =	sor.u32 s0, s28  }
0x251: {  	[tilespmem:s30+$0x0] =	vst v2  }
0x252: {  	v2 =	vld.idx.msk [tilespmem:v26+s2+$0x0], $0xffff  }
0x253: {  	v28 =	vld.idx.msk [tilespmem:v27+s2+$0x0], $0xffff;
	_ =	sdelay $0x2  }
0x254: {  	v29 =	vadd.s32 $0xC300, v0  }
0x255: {  	v30 =	vadd.s32 $0xC300, v1  }
0x256: {  	s29 =	sadd.s32 $0x1AA80, s1;
	v2 =	vadd.bf16 v28, v2  }
0x257: {  	s31 =	sor.u32 s0, s29  }
0x258: {  	[tilespmem:s31+$0x0] =	vst v2  }
0x259: {  	v2 =	vld.idx.msk [tilespmem:v29+s2+$0x0], $0xffff  }
0x25a: {  	v31 =	vld.idx.msk [tilespmem:v30+s2+$0x0], $0xffff;
	_ =	sdelay $0x2  }
0x25b: {  	v0 =	vadd.s32 $0xC380, v0  }
0x25c: {  	v1 =	vadd.s32 $0xC380, v1  }
0x25d: {  	s30 =	sadd.s32 $0x1AB00, s1;
	v2 =	vadd.bf16 v31, v2  }
0x25e: {  	s13 =	sor.u32 s0, s30  }
0x25f: {  	[tilespmem:s13+$0x0] =	vst v2  }
0x260: {  	v0 =	vld.idx.msk [tilespmem:v0+s2+$0x0], $0xffff  }
0x261: {  	v1 =	vld.idx.msk [tilespmem:v1+s2+$0x0], $0xffff;
	_ =	sdelay $0x4  }
0x262: {  	s31 =	sadd.s32 $0x1AB80, s1;
	v0 =	vadd.bf16 v1, v0  }
0x263: {  	s12 =	sor.u32 $0x10, s0;
	s1 =	sand.u32 $0x380, s16;
	s13 =	sor.u32 s0, s31  }
0x264: {  	s14 =	sor.u32 s1, s12;
	[tilespmem:s13+$0x0] =	vst v0  }
0x265: {  	v0 =	vld [tilespmem:s14+$0x18000]  }
0x266: {  	v32 =	vld [tilespmem:s14+$0x18400];
	_ =	sdelay $0x3  }
0x267: {  	v33 =	vshll.u32 v0, $0x3  }
0x268: {  	v0 =	vand.u32 $0x7F, v0;
	v34 =	vshll.u32 v32, $0x3;
	v2 =	vand.u32 $0xFFFFFC00, v33  }
0x269: {  	v1 =	vand.u32 $0x7F, v32;
	v35 =	vand.u32 $0xFFFFFC00, v34;
	v0 =	vor.u32 v0, v2  }
0x26a: {  	v1 =	vor.u32 v1, v35;
	_ =	sdelay $0x3  }
0x26b: {  	v36 =	vld.idx.msk [tilespmem:v0+s2+$0x0], $0xffff  }
0x26c: {  	v37 =	vld.idx.msk [tilespmem:v1+s2+$0x0], $0xffff;
	_ =	sdelay $0x2  }
0x26d: {  	v38 =	vor.u32 $0x80, v0  }
0x26e: {  	v39 =	vor.u32 $0x80, v1  }
0x26f: {  	v2 =	vadd.bf16 v37, v36  }
0x270: {  	s14 =	sor.u32 s12, s21  }
0x271: {  	[tilespmem:s14+$0x0] =	vst v2  }
0x272: {  	v2 =	vld.idx.msk [tilespmem:v38+s2+$0x0], $0xffff  }
0x273: {  	v40 =	vld.idx.msk [tilespmem:v39+s2+$0x0], $0xffff;
	_ =	sdelay $0x2  }
0x274: {  	v41 =	vor.u32 $0x100, v0  }
0x275: {  	v42 =	vor.u32 $0x100, v1  }
0x276: {  	v2 =	vadd.bf16 v40, v2;
	_ =	sdelay $0x1  }
0x277: {  	[tilespmem:s14+$0x80] =	vst v2  }
0x278: {  	v2 =	vld.idx.msk [tilespmem:v41+s2+$0x0], $0xffff  }
0x279: {  	v43 =	vld.idx.msk [tilespmem:v42+s2+$0x0], $0xffff;
	_ =	sdelay $0x2  }
0x27a: {  	v44 =	vor.u32 $0x180, v0  }
0x27b: {  	v45 =	vor.u32 $0x180, v1  }
0x27c: {  	v2 =	vadd.bf16 v43, v2;
	_ =	sdelay $0x1  }
0x27d: {  	[tilespmem:s14+$0x100] =	vst v2  }
0x27e: {  	v2 =	vld.idx.msk [tilespmem:v44+s2+$0x0], $0xffff  }
0x27f: {  	v46 =	vld.idx.msk [tilespmem:v45+s2+$0x0], $0xffff;
	_ =	sdelay $0x2  }
0x280: {  	v47 =	vor.u32 $0x200, v0  }
0x281: {  	v48 =	vor.u32 $0x200, v1  }
0x282: {  	v2 =	vadd.bf16 v46, v2;
	_ =	sdelay $0x1  }
0x283: {  	[tilespmem:s14+$0x180] =	vst v2  }
0x284: {  	v2 =	vld.idx.msk [tilespmem:v47+s2+$0x0], $0xffff  }
0x285: {  	v49 =	vld.idx.msk [tilespmem:v48+s2+$0x0], $0xffff;
	_ =	sdelay $0x2  }
0x286: {  	v50 =	vor.u32 $0x280, v0  }
0x287: {  	v51 =	vor.u32 $0x280, v1  }
0x288: {  	s13 =	sadd.s32 $0x10, s22;
	v2 =	vadd.bf16 v49, v2  }
0x289: {  	s14 =	sor.u32 $0x200, s13  }
0x28a: {  	[tilespmem:s14+$0x18800] =	vst v2  }
0x28b: {  	v2 =	vld.idx.msk [tilespmem:v50+s2+$0x0], $0xffff  }
0x28c: {  	v52 =	vld.idx.msk [tilespmem:v51+s2+$0x0], $0xffff;
	_ =	sdelay $0x2  }
0x28d: {  	v53 =	vor.u32 $0x300, v0  }
0x28e: {  	v54 =	vor.u32 $0x300, v1  }
0x28f: {  	v2 =	vadd.bf16 v52, v2  }
0x290: {  	s14 =	sor.u32 $0x280, s13  }
0x291: {  	[tilespmem:s14+$0x18800] =	vst v2  }
0x292: {  	v2 =	vld.idx.msk [tilespmem:v53+s2+$0x0], $0xffff  }
0x293: {  	v55 =	vld.idx.msk [tilespmem:v54+s2+$0x0], $0xffff;
	_ =	sdelay $0x2  }
0x294: {  	v56 =	vor.u32 $0x380, v0  }
0x295: {  	v57 =	vor.u32 $0x380, v1  }
0x296: {  	v2 =	vadd.bf16 v55, v2  }
0x297: {  	s14 =	sor.u32 $0x300, s13  }
0x298: {  	[tilespmem:s14+$0x18800] =	vst v2  }
0x299: {  	v2 =	vld.idx.msk [tilespmem:v56+s2+$0x0], $0xffff  }
0x29a: {  	v58 =	vld.idx.msk [tilespmem:v57+s2+$0x0], $0xffff;
	_ =	sdelay $0x2  }
0x29b: {  	v59 =	vadd.s32 $0xC000, v0  }
0x29c: {  	v60 =	vadd.s32 $0xC000, v1  }
0x29d: {  	v2 =	vadd.bf16 v58, v2  }
0x29e: {  	s13 =	sor.u32 $0x380, s13  }
0x29f: {  	[tilespmem:s13+$0x18800] =	vst v2  }
0x2a0: {  	v2 =	vld.idx.msk [tilespmem:v59+s2+$0x0], $0xffff  }
0x2a1: {  	v61 =	vld.idx.msk [tilespmem:v60+s2+$0x0], $0xffff;
	_ =	sdelay $0x2  }
0x2a2: {  	v62 =	vadd.s32 $0xC080, v0  }
0x2a3: {  	v63 =	vadd.s32 $0xC080, v1  }
0x2a4: {  	v2 =	vadd.bf16 v61, v2  }
0x2a5: {  	s14 =	sor.u32 s12, s23  }
0x2a6: {  	[tilespmem:s14+$0x0] =	vst v2  }
0x2a7: {  	v2 =	vld.idx.msk [tilespmem:v62+s2+$0x0], $0xffff  }
0x2a8: {  	v8 =	vld.idx.msk [tilespmem:v63+s2+$0x0], $0xffff;
	_ =	sdelay $0x2  }
0x2a9: {  	v9 =	vadd.s32 $0xC100, v0  }
0x2aa: {  	v10 =	vadd.s32 $0xC100, v1  }
0x2ab: {  	v2 =	vadd.bf16 v8, v2  }
0x2ac: {  	s14 =	sor.u32 s12, s24  }
0x2ad: {  	[tilespmem:s14+$0x0] =	vst v2  }
0x2ae: {  	v2 =	vld.idx.msk [tilespmem:v9+s2+$0x0], $0xffff  }
0x2af: {  	v11 =	vld.idx.msk [tilespmem:v10+s2+$0x0], $0xffff;
	_ =	sdelay $0x2  }
0x2b0: {  	v12 =	vadd.s32 $0xC180, v0  }
0x2b1: {  	v13 =	vadd.s32 $0xC180, v1  }
0x2b2: {  	v2 =	vadd.bf16 v11, v2  }
0x2b3: {  	s14 =	sor.u32 s12, s25  }
0x2b4: {  	[tilespmem:s14+$0x0] =	vst v2  }
0x2b5: {  	v2 =	vld.idx.msk [tilespmem:v12+s2+$0x0], $0xffff  }
0x2b6: {  	v14 =	vld.idx.msk [tilespmem:v13+s2+$0x0], $0xffff;
	_ =	sdelay $0x2  }
0x2b7: {  	v15 =	vadd.s32 $0xC200, v0  }
0x2b8: {  	v16 =	vadd.s32 $0xC200, v1  }
0x2b9: {  	v2 =	vadd.bf16 v14, v2  }
0x2ba: {  	s14 =	sor.u32 s12, s26  }
0x2bb: {  	[tilespmem:s14+$0x0] =	vst v2  }
0x2bc: {  	v2 =	vld.idx.msk [tilespmem:v15+s2+$0x0], $0xffff  }
0x2bd: {  	v17 =	vld.idx.msk [tilespmem:v16+s2+$0x0], $0xffff;
	_ =	sdelay $0x2  }
0x2be: {  	v18 =	vadd.s32 $0xC280, v0  }
0x2bf: {  	v19 =	vadd.s32 $0xC280, v1  }
0x2c0: {  	v2 =	vadd.bf16 v17, v2  }
0x2c1: {  	s14 =	sor.u32 s12, s28  }
0x2c2: {  	[tilespmem:s14+$0x0] =	vst v2  }
0x2c3: {  	v2 =	vld.idx.msk [tilespmem:v18+s2+$0x0], $0xffff  }
0x2c4: {  	v20 =	vld.idx.msk [tilespmem:v19+s2+$0x0], $0xffff;
	_ =	sdelay $0x2  }
0x2c5: {  	v21 =	vadd.s32 $0xC300, v0  }
0x2c6: {  	v22 =	vadd.s32 $0xC300, v1  }
0x2c7: {  	v2 =	vadd.bf16 v20, v2  }
0x2c8: {  	s14 =	sor.u32 s12, s29  }
0x2c9: {  	[tilespmem:s14+$0x0] =	vst v2  }
0x2ca: {  	v2 =	vld.idx.msk [tilespmem:v21+s2+$0x0], $0xffff  }
0x2cb: {  	v23 =	vld.idx.msk [tilespmem:v22+s2+$0x0], $0xffff;
	_ =	sdelay $0x2  }
0x2cc: {  	v0 =	vadd.s32 $0xC380, v0  }
0x2cd: {  	v1 =	vadd.s32 $0xC380, v1  }
0x2ce: {  	v2 =	vadd.bf16 v23, v2  }
0x2cf: {  	s14 =	sor.u32 s12, s30  }
0x2d0: {  	[tilespmem:s14+$0x0] =	vst v2  }
0x2d1: {  	v0 =	vld.idx.msk [tilespmem:v0+s2+$0x0], $0xffff  }
0x2d2: {  	v1 =	vld.idx.msk [tilespmem:v1+s2+$0x0], $0xffff;
	_ =	sdelay $0x4  }
0x2d3: {  	v0 =	vadd.bf16 v1, v0  }
0x2d4: {  	s14 =	sor.u32 s12, s31;
	s12 =	sor.u32 $0x20, s0  }
0x2d5: {  	[tilespmem:s14+$0x0] =	vst v0;
	s14 =	sor.u32 s1, s12  }
0x2d6: {  	v0 =	vld [tilespmem:s14+$0x18000]  }
0x2d7: {  	v24 =	vld [tilespmem:s14+$0x18400];
	_ =	sdelay $0x3  }
0x2d8: {  	v25 =	vshll.u32 v0, $0x3  }
0x2d9: {  	v0 =	vand.u32 $0x7F, v0;
	v26 =	vshll.u32 v24, $0x3;
	v2 =	vand.u32 $0xFFFFFC00, v25  }
0x2da: {  	v1 =	vand.u32 $0x7F, v24;
	v27 =	vand.u32 $0xFFFFFC00, v26;
	v0 =	vor.u32 v0, v2  }
0x2db: {  	v1 =	vor.u32 v1, v27;
	_ =	sdelay $0x3  }
0x2dc: {  	v28 =	vld.idx.msk [tilespmem:v0+s2+$0x0], $0xffff  }
0x2dd: {  	v29 =	vld.idx.msk [tilespmem:v1+s2+$0x0], $0xffff;
	_ =	sdelay $0x2  }
0x2de: {  	v30 =	vor.u32 $0x80, v0  }
0x2df: {  	v31 =	vor.u32 $0x80, v1  }
0x2e0: {  	v2 =	vadd.bf16 v29, v28  }
0x2e1: {  	s14 =	sor.u32 s12, s21  }
0x2e2: {  	[tilespmem:s14+$0x0] =	vst v2  }
0x2e3: {  	v2 =	vld.idx.msk [tilespmem:v30+s2+$0x0], $0xffff  }
0x2e4: {  	v32 =	vld.idx.msk [tilespmem:v31+s2+$0x0], $0xffff;
	_ =	sdelay $0x2  }
0x2e5: {  	v33 =	vor.u32 $0x100, v0  }
0x2e6: {  	v34 =	vor.u32 $0x100, v1  }
0x2e7: {  	v2 =	vadd.bf16 v32, v2;
	_ =	sdelay $0x1  }
0x2e8: {  	[tilespmem:s14+$0x80] =	vst v2  }
0x2e9: {  	v2 =	vld.idx.msk [tilespmem:v33+s2+$0x0], $0xffff  }
0x2ea: {  	v35 =	vld.idx.msk [tilespmem:v34+s2+$0x0], $0xffff;
	_ =	sdelay $0x2  }
0x2eb: {  	v36 =	vor.u32 $0x180, v0  }
0x2ec: {  	v37 =	vor.u32 $0x180, v1  }
0x2ed: {  	v2 =	vadd.bf16 v35, v2;
	_ =	sdelay $0x1  }
0x2ee: {  	[tilespmem:s14+$0x100] =	vst v2  }
0x2ef: {  	v2 =	vld.idx.msk [tilespmem:v36+s2+$0x0], $0xffff  }
0x2f0: {  	v38 =	vld.idx.msk [tilespmem:v37+s2+$0x0], $0xffff;
	_ =	sdelay $0x2  }
0x2f1: {  	v39 =	vor.u32 $0x200, v0  }
0x2f2: {  	v40 =	vor.u32 $0x200, v1  }
0x2f3: {  	v2 =	vadd.bf16 v38, v2;
	_ =	sdelay $0x1  }
0x2f4: {  	[tilespmem:s14+$0x180] =	vst v2  }
0x2f5: {  	v2 =	vld.idx.msk [tilespmem:v39+s2+$0x0], $0xffff  }
0x2f6: {  	v41 =	vld.idx.msk [tilespmem:v40+s2+$0x0], $0xffff;
	_ =	sdelay $0x2  }
0x2f7: {  	v42 =	vor.u32 $0x280, v0  }
0x2f8: {  	v43 =	vor.u32 $0x280, v1  }
0x2f9: {  	s13 =	sadd.s32 $0x20, s22;
	v2 =	vadd.bf16 v41, v2  }
0x2fa: {  	s14 =	sor.u32 $0x200, s13  }
0x2fb: {  	[tilespmem:s14+$0x18800] =	vst v2  }
0x2fc: {  	v2 =	vld.idx.msk [tilespmem:v42+s2+$0x0], $0xffff  }
0x2fd: {  	v44 =	vld.idx.msk [tilespmem:v43+s2+$0x0], $0xffff;
	_ =	sdelay $0x2  }
0x2fe: {  	v45 =	vor.u32 $0x300, v0  }
0x2ff: {  	v46 =	vor.u32 $0x300, v1  }
0x300: {  	v2 =	vadd.bf16 v44, v2  }
0x301: {  	s14 =	sor.u32 $0x280, s13  }
0x302: {  	[tilespmem:s14+$0x18800] =	vst v2  }
0x303: {  	v2 =	vld.idx.msk [tilespmem:v45+s2+$0x0], $0xffff  }
0x304: {  	v47 =	vld.idx.msk [tilespmem:v46+s2+$0x0], $0xffff;
	_ =	sdelay $0x2  }
0x305: {  	v48 =	vor.u32 $0x380, v0  }
0x306: {  	v49 =	vor.u32 $0x380, v1  }
0x307: {  	v2 =	vadd.bf16 v47, v2  }
0x308: {  	s14 =	sor.u32 $0x300, s13  }
0x309: {  	[tilespmem:s14+$0x18800] =	vst v2  }
0x30a: {  	v2 =	vld.idx.msk [tilespmem:v48+s2+$0x0], $0xffff  }
0x30b: {  	v50 =	vld.idx.msk [tilespmem:v49+s2+$0x0], $0xffff;
	_ =	sdelay $0x2  }
0x30c: {  	v51 =	vadd.s32 $0xC000, v0  }
0x30d: {  	v52 =	vadd.s32 $0xC000, v1  }
0x30e: {  	v2 =	vadd.bf16 v50, v2  }
0x30f: {  	s13 =	sor.u32 $0x380, s13  }
0x310: {  	[tilespmem:s13+$0x18800] =	vst v2  }
0x311: {  	v2 =	vld.idx.msk [tilespmem:v51+s2+$0x0], $0xffff  }
0x312: {  	v53 =	vld.idx.msk [tilespmem:v52+s2+$0x0], $0xffff;
	_ =	sdelay $0x2  }
0x313: {  	v54 =	vadd.s32 $0xC080, v0  }
0x314: {  	v55 =	vadd.s32 $0xC080, v1  }
0x315: {  	v2 =	vadd.bf16 v53, v2  }
0x316: {  	s14 =	sor.u32 s12, s23  }
0x317: {  	[tilespmem:s14+$0x0] =	vst v2  }
0x318: {  	v2 =	vld.idx.msk [tilespmem:v54+s2+$0x0], $0xffff  }
0x319: {  	v56 =	vld.idx.msk [tilespmem:v55+s2+$0x0], $0xffff;
	_ =	sdelay $0x2  }
0x31a: {  	v57 =	vadd.s32 $0xC100, v0  }
0x31b: {  	v58 =	vadd.s32 $0xC100, v1  }
0x31c: {  	v2 =	vadd.bf16 v56, v2  }
0x31d: {  	s14 =	sor.u32 s12, s24  }
0x31e: {  	[tilespmem:s14+$0x0] =	vst v2  }
0x31f: {  	v2 =	vld.idx.msk [tilespmem:v57+s2+$0x0], $0xffff  }
0x320: {  	v59 =	vld.idx.msk [tilespmem:v58+s2+$0x0], $0xffff;
	_ =	sdelay $0x2  }
0x321: {  	v60 =	vadd.s32 $0xC180, v0  }
0x322: {  	v61 =	vadd.s32 $0xC180, v1  }
0x323: {  	v2 =	vadd.bf16 v59, v2  }
0x324: {  	s14 =	sor.u32 s12, s25  }
0x325: {  	[tilespmem:s14+$0x0] =	vst v2  }
0x326: {  	v2 =	vld.idx.msk [tilespmem:v60+s2+$0x0], $0xffff  }
0x327: {  	v62 =	vld.idx.msk [tilespmem:v61+s2+$0x0], $0xffff;
	_ =	sdelay $0x2  }
0x328: {  	v63 =	vadd.s32 $0xC200, v0  }
0x329: {  	v8 =	vadd.s32 $0xC200, v1  }
0x32a: {  	v2 =	vadd.bf16 v62, v2  }
0x32b: {  	s14 =	sor.u32 s12, s26  }
0x32c: {  	[tilespmem:s14+$0x0] =	vst v2  }
0x32d: {  	v2 =	vld.idx.msk [tilespmem:v63+s2+$0x0], $0xffff  }
0x32e: {  	v9 =	vld.idx.msk [tilespmem:v8+s2+$0x0], $0xffff;
	_ =	sdelay $0x2  }
0x32f: {  	v10 =	vadd.s32 $0xC280, v0  }
0x330: {  	v11 =	vadd.s32 $0xC280, v1  }
0x331: {  	v2 =	vadd.bf16 v9, v2  }
0x332: {  	s14 =	sor.u32 s12, s28  }
0x333: {  	[tilespmem:s14+$0x0] =	vst v2  }
0x334: {  	v2 =	vld.idx.msk [tilespmem:v10+s2+$0x0], $0xffff  }
0x335: {  	v12 =	vld.idx.msk [tilespmem:v11+s2+$0x0], $0xffff;
	_ =	sdelay $0x2  }
0x336: {  	v13 =	vadd.s32 $0xC300, v0  }
0x337: {  	v14 =	vadd.s32 $0xC300, v1  }
0x338: {  	v2 =	vadd.bf16 v12, v2  }
0x339: {  	s14 =	sor.u32 s12, s29  }
0x33a: {  	[tilespmem:s14+$0x0] =	vst v2  }
0x33b: {  	v2 =	vld.idx.msk [tilespmem:v13+s2+$0x0], $0xffff  }
0x33c: {  	v15 =	vld.idx.msk [tilespmem:v14+s2+$0x0], $0xffff;
	_ =	sdelay $0x2  }
0x33d: {  	v0 =	vadd.s32 $0xC380, v0  }
0x33e: {  	v1 =	vadd.s32 $0xC380, v1  }
0x33f: {  	v2 =	vadd.bf16 v15, v2  }
0x340: {  	s14 =	sor.u32 s12, s30  }
0x341: {  	[tilespmem:s14+$0x0] =	vst v2  }
0x342: {  	v0 =	vld.idx.msk [tilespmem:v0+s2+$0x0], $0xffff  }
0x343: {  	v1 =	vld.idx.msk [tilespmem:v1+s2+$0x0], $0xffff;
	_ =	sdelay $0x4  }
0x344: {  	v0 =	vadd.bf16 v1, v0  }
0x345: {  	s0 =	sor.u32 $0x30, s0;
	s12 =	sor.u32 s12, s31  }
0x346: {  	s1 =	sor.u32 s1, s0;
	[tilespmem:s12+$0x0] =	vst v0  }
0x347: {  	v0 =	vld [tilespmem:s1+$0x18000]  }
0x348: {  	v16 =	vld [tilespmem:s1+$0x18400];
	_ =	sdelay $0x3  }
0x349: {  	v17 =	vshll.u32 v0, $0x3  }
0x34a: {  	v0 =	vand.u32 $0x7F, v0;
	v18 =	vshll.u32 v16, $0x3;
	v2 =	vand.u32 $0xFFFFFC00, v17  }
0x34b: {  	v1 =	vand.u32 $0x7F, v16;
	v19 =	vand.u32 $0xFFFFFC00, v18;
	v0 =	vor.u32 v0, v2  }
0x34c: {  	v1 =	vor.u32 v1, v19;
	_ =	sdelay $0x3  }
0x34d: {  	v20 =	vld.idx.msk [tilespmem:v0+s2+$0x0], $0xffff  }
0x34e: {  	v21 =	vld.idx.msk [tilespmem:v1+s2+$0x0], $0xffff;
	_ =	sdelay $0x2  }
0x34f: {  	v22 =	vor.u32 $0x80, v0  }
0x350: {  	v23 =	vor.u32 $0x80, v1  }
0x351: {  	v2 =	vadd.bf16 v21, v20  }
0x352: {  	s12 =	sor.u32 s0, s21  }
0x353: {  	[tilespmem:s12+$0x0] =	vst v2  }
0x354: {  	v2 =	vld.idx.msk [tilespmem:v22+s2+$0x0], $0xffff  }
0x355: {  	v24 =	vld.idx.msk [tilespmem:v23+s2+$0x0], $0xffff;
	_ =	sdelay $0x2  }
0x356: {  	v25 =	vor.u32 $0x100, v0  }
0x357: {  	v26 =	vor.u32 $0x100, v1  }
0x358: {  	v2 =	vadd.bf16 v24, v2;
	_ =	sdelay $0x1  }
0x359: {  	[tilespmem:s12+$0x80] =	vst v2  }
0x35a: {  	v2 =	vld.idx.msk [tilespmem:v25+s2+$0x0], $0xffff  }
0x35b: {  	v27 =	vld.idx.msk [tilespmem:v26+s2+$0x0], $0xffff;
	_ =	sdelay $0x2  }
0x35c: {  	v28 =	vor.u32 $0x180, v0  }
0x35d: {  	v29 =	vor.u32 $0x180, v1  }
0x35e: {  	v2 =	vadd.bf16 v27, v2;
	_ =	sdelay $0x1  }
0x35f: {  	[tilespmem:s12+$0x100] =	vst v2  }
0x360: {  	v2 =	vld.idx.msk [tilespmem:v28+s2+$0x0], $0xffff  }
0x361: {  	v30 =	vld.idx.msk [tilespmem:v29+s2+$0x0], $0xffff;
	_ =	sdelay $0x2  }
0x362: {  	v31 =	vor.u32 $0x200, v0  }
0x363: {  	v32 =	vor.u32 $0x200, v1  }
0x364: {  	v2 =	vadd.bf16 v30, v2;
	_ =	sdelay $0x1  }
0x365: {  	[tilespmem:s12+$0x180] =	vst v2  }
0x366: {  	v2 =	vld.idx.msk [tilespmem:v31+s2+$0x0], $0xffff  }
0x367: {  	v33 =	vld.idx.msk [tilespmem:v32+s2+$0x0], $0xffff;
	_ =	sdelay $0x2  }
0x368: {  	v34 =	vor.u32 $0x280, v0  }
0x369: {  	v35 =	vor.u32 $0x280, v1  }
0x36a: {  	s13 =	sadd.s32 $0x30, s22;
	v2 =	vadd.bf16 v33, v2  }
0x36b: {  	s14 =	sor.u32 $0x200, s13  }
0x36c: {  	[tilespmem:s14+$0x18800] =	vst v2  }
0x36d: {  	v2 =	vld.idx.msk [tilespmem:v34+s2+$0x0], $0xffff  }
0x36e: {  	v36 =	vld.idx.msk [tilespmem:v35+s2+$0x0], $0xffff;
	_ =	sdelay $0x2  }
0x36f: {  	v37 =	vor.u32 $0x300, v0  }
0x370: {  	v38 =	vor.u32 $0x300, v1  }
0x371: {  	v2 =	vadd.bf16 v36, v2  }
0x372: {  	s21 =	sor.u32 $0x280, s13  }
0x373: {  	[tilespmem:s21+$0x18800] =	vst v2  }
0x374: {  	v2 =	vld.idx.msk [tilespmem:v37+s2+$0x0], $0xffff  }
0x375: {  	v39 =	vld.idx.msk [tilespmem:v38+s2+$0x0], $0xffff;
	_ =	sdelay $0x2  }
0x376: {  	v40 =	vor.u32 $0x380, v0  }
0x377: {  	v41 =	vor.u32 $0x380, v1  }
0x378: {  	v2 =	vadd.bf16 v39, v2  }
0x379: {  	s22 =	sor.u32 $0x300, s13  }
0x37a: {  	[tilespmem:s22+$0x18800] =	vst v2  }
0x37b: {  	v2 =	vld.idx.msk [tilespmem:v40+s2+$0x0], $0xffff  }
0x37c: {  	v42 =	vld.idx.msk [tilespmem:v41+s2+$0x0], $0xffff;
	_ =	sdelay $0x2  }
0x37d: {  	v43 =	vadd.s32 $0xC000, v0  }
0x37e: {  	v44 =	vadd.s32 $0xC000, v1  }
0x37f: {  	v2 =	vadd.bf16 v42, v2  }
0x380: {  	s1 =	sor.u32 $0x380, s13  }
0x381: {  	[tilespmem:s1+$0x18800] =	vst v2  }
0x382: {  	v2 =	vld.idx.msk [tilespmem:v43+s2+$0x0], $0xffff  }
0x383: {  	v45 =	vld.idx.msk [tilespmem:v44+s2+$0x0], $0xffff;
	_ =	sdelay $0x2  }
0x384: {  	v46 =	vadd.s32 $0xC080, v0  }
0x385: {  	v47 =	vadd.s32 $0xC080, v1  }
0x386: {  	v2 =	vadd.bf16 v45, v2  }
0x387: {  	s23 =	sor.u32 s0, s23  }
0x388: {  	[tilespmem:s23+$0x0] =	vst v2  }
0x389: {  	v2 =	vld.idx.msk [tilespmem:v46+s2+$0x0], $0xffff  }
0x38a: {  	v48 =	vld.idx.msk [tilespmem:v47+s2+$0x0], $0xffff;
	_ =	sdelay $0x2  }
0x38b: {  	v49 =	vadd.s32 $0xC100, v0  }
0x38c: {  	v50 =	vadd.s32 $0xC100, v1  }
0x38d: {  	v2 =	vadd.bf16 v48, v2  }
0x38e: {  	s24 =	sor.u32 s0, s24  }
0x38f: {  	[tilespmem:s24+$0x0] =	vst v2  }
0x390: {  	v2 =	vld.idx.msk [tilespmem:v49+s2+$0x0], $0xffff  }
0x391: {  	v51 =	vld.idx.msk [tilespmem:v50+s2+$0x0], $0xffff;
	_ =	sdelay $0x2  }
0x392: {  	v52 =	vadd.s32 $0xC180, v0  }
0x393: {  	v53 =	vadd.s32 $0xC180, v1  }
0x394: {  	v2 =	vadd.bf16 v51, v2  }
0x395: {  	s25 =	sor.u32 s0, s25  }
0x396: {  	[tilespmem:s25+$0x0] =	vst v2  }
0x397: {  	v2 =	vld.idx.msk [tilespmem:v52+s2+$0x0], $0xffff  }
0x398: {  	v54 =	vld.idx.msk [tilespmem:v53+s2+$0x0], $0xffff;
	_ =	sdelay $0x2  }
0x399: {  	v55 =	vadd.s32 $0xC200, v0  }
0x39a: {  	v56 =	vadd.s32 $0xC200, v1  }
0x39b: {  	v2 =	vadd.bf16 v54, v2  }
0x39c: {  	s26 =	sor.u32 s0, s26  }
0x39d: {  	[tilespmem:s26+$0x0] =	vst v2  }
0x39e: {  	v2 =	vld.idx.msk [tilespmem:v55+s2+$0x0], $0xffff  }
0x39f: {  	v57 =	vld.idx.msk [tilespmem:v56+s2+$0x0], $0xffff;
	_ =	sdelay $0x2  }
0x3a0: {  	v58 =	vadd.s32 $0xC280, v0  }
0x3a1: {  	v59 =	vadd.s32 $0xC280, v1  }
0x3a2: {  	v2 =	vadd.bf16 v57, v2  }
0x3a3: {  	s28 =	sor.u32 s0, s28  }
0x3a4: {  	[tilespmem:s28+$0x0] =	vst v2  }
0x3a5: {  	v2 =	vld.idx.msk [tilespmem:v58+s2+$0x0], $0xffff  }
0x3a6: {  	v60 =	vld.idx.msk [tilespmem:v59+s2+$0x0], $0xffff;
	_ =	sdelay $0x2  }
0x3a7: {  	v61 =	vadd.s32 $0xC300, v0  }
0x3a8: {  	v62 =	vadd.s32 $0xC300, v1  }
0x3a9: {  	v2 =	vadd.bf16 v60, v2  }
0x3aa: {  	s29 =	sor.u32 s0, s29  }
0x3ab: {  	[tilespmem:s29+$0x0] =	vst v2  }
0x3ac: {  	v2 =	vld.idx.msk [tilespmem:v61+s2+$0x0], $0xffff  }
0x3ad: {  	v63 =	vld.idx.msk [tilespmem:v62+s2+$0x0], $0xffff;
	_ =	sdelay $0x2  }
0x3ae: {  	v0 =	vadd.s32 $0xC380, v0  }
0x3af: {  	v1 =	vadd.s32 $0xC380, v1  }
0x3b0: {  	v2 =	vadd.bf16 v63, v2  }
0x3b1: {  	s30 =	sor.u32 s0, s30  }
0x3b2: {  	[tilespmem:s30+$0x0] =	vst v2  }
0x3b3: {  	v0 =	vld.idx.msk [tilespmem:v0+s2+$0x0], $0xffff  }
0x3b4: {  	v1 =	vld.idx.msk [tilespmem:v1+s2+$0x0], $0xffff  }
0x3b5: {  	s19 =	sadd.s32 $0x4, s19  }
0x3b6: {  	p1 =	slt.u32 s19, $0x3C  }
.Ltmp2:
0x3b7: {  	_ = 	snop;
	(pc) =	sbr.rel @p1 .LBB2_5-.Ltmp2, $4  }
0x3b8: {  	_ = 	snop  }
0x3b9: {  	v0 =	vadd.bf16 v1, v0  }
0x3ba: {  	s17 =	sadd.s32 $0x40, s17;
	s18 =	sadd.s32 $0x40, s18;
	s0 =	sor.u32 s0, s31  }
0x3bb: {  	p0 =	por !p0, !p0;
	s20 =	sadd.s32 $0x200, s20;
	s16 =	sadd.s32 $0x40, s16;
	[tilespmem:s0+$0x0] =	vst v0  }
0x3bc: {  	s15 =	sadd.s32 $0x1, s15  }
0x3bd: {  	s0 =	simm.s32 $0x2000;
	p0 =	sne.s32 s15, s10  }
.Ltmp3:
0x3be: {  	s1 =	simm.s32 $0x4000;
	s12 =	simm.s32 $0x18800;
	(pc) =	sbr.rel @p0 .LBB2_2-.Ltmp3, $4  }
0x3bf: {  	[hbm4b:s8+s0] =	stream.strided.scatter [tilespmem:s12], [sflag:$0x1], $0x4000, s1, s0, $0x38;
	[tilespmem:$0x1C800] =	vst v63  }
0x3c0: {  	_ =	swait.ge [sflag:s11], $0x4000  }
0x3c1: {  	[sflag:s11] =	ssyncset.done $0x0  }
0x3c2: {  	[sflag:s11] =	ssyncadd.s32 $0xFFFFC000  }
.LBB2_7:
0x3c3: {  	_ =	sfence.sel $0x180000  }
0x3c4: {  	[bflag:$0x0] =	sbarrier.arrive $0xFFFF  }
0x3c5: {  	_ =	strace $0x9000004D  }
0x3c6: {  	s0 =	stileid.u32;
	[bflag:$0x2] =	sbarrier.arrive $0xFFFF  }
0x3c7: {  	p0 =	sne.s32 s0, $0x0;
	s0 =	rddreg [dreg:$0x1]  }
0x3c8: {  	s0 =	sadd.s32 @!p0 $0x100000, s0  }
0x3c9: {  	[sflag:s0] =	ssyncadd.tile.s32 @!p0 $0x1;
	_ =	shalt  }
.Lfunc_end2:
_tile_overlayer_lowered:
.L_overlay_start_2:
0x3ca: {  	(tag) =	ssettag $0x2  }
0x3cb: {  	s0 =	rddreg [dreg:$0x0];
	s2 =	stileid.u32  }
0x3cc: {  	s1 =	rddreg [dreg:$0x1];
	p0 =	sne.s32 s2, $0x0  }
0x3cd: {  	s3 =	rddreg [dreg:$0x2];
	[bflag:$0x3] =	sbarrier.arrive $0xFFFF;
	s2 =	simm.s32 @!p0 $0x1C01  }
0x3ce: {  	[timem:s3], [sflag:s2] =	dma.local @!p0 [hbm:s0], s1  }
0x3cf: {  	s0 =	simm.s32 @!p0 $0x1  }
0x3d0: {  	_ =	swait.ge @!p0 [sflag:s0], s1  }
0x3d1: {  	s1 =	ssub.s32 @!p0 $0x0, s1;
	[sflag:s0] =	ssyncset.done @!p0 $0x0  }
0x3d2: {  	[sflag:s0] =	ssyncadd.s32 @!p0 s1  }
0x3d3: {  	[bflag:$0x3] =	sbarrier.arrive $0xFFFF  }
0x3d4: {  	_ =	shalt  }

// kernel: kernel.9.cloned.1.call-start
scs
__scs_entry_jumppad:
0x0: {  	(pc) =	sbr.rel $0x88, $3  }
0x1: {  	(tag) =	ssettag $0x0;
	lr =	simm.s32 $0x1  }
0x2: {  	[smem:$0x3F98] =	sst lr;
	_ =	strace $0xD0000000  }
0x3: {  	_ = 	snop  }
0x4: {  	_ = 	snop  }
0x5: {  	_ = 	snop  }
0x6: {  	_ = 	snop  }
0x7: {  	_ = 	snop  }
__scs_overlays_trampoline_lowered:
0x8: {  	[smem:$0x3FA7] =	sst s0  }
0x9: {  	[smem:$0x3FA8] =	sst s1  }
0xa: {  	[smem:$0x3FA9] =	sst s2  }
0xb: {  	[smem:$0x3FAA] =	sst s3  }
0xc: {  	[smem:$0x3FAB] =	sst s4  }
0xd: {  	[smem:$0x3FAC] =	sst s5  }
0xe: {  	[smem:$0x3FAD] =	sst s6  }
0xf: {  	[smem:$0x3FAE] =	sst s7  }
0x10: {  	[smem:$0x3FAF] =	sst s8  }
0x11: {  	[smem:$0x3FB0] =	sst s9;
	s0 =	simm.s32 @!p0 $0x0  }
0x12: {  	s1 =	sld [smem:$0x3F96];
	s0 =	simm.s32 @p0 $0x1  }
0x13: {  	[smem:$0x3FB1] =	sst s0;
	s0 =	simm.s32 @!p1 $0x0  }
0x14: {  	s2 =	sld [smem:$0x3F95];
	s0 =	simm.s32 @p1 $0x1  }
0x15: {  	[smem:$0x3FB2] =	sst s0;
	s0 =	simm.s32 @!p2 $0x0  }
0x16: {  	s3 =	sld [smem:$0x3FDB];
	s0 =	simm.s32 @p2 $0x1  }
0x17: {  	s4 =	simm.s32 $0x1BF5;
	[smem:$0x3FB4] =	sst s0  }
0x18: {  	s0 =	sld [smem:$0x3F97];
	_ =	swait.ge [sflag:s4], $0x0  }
0x19: {  	s7 =	sld [smem:$0x3F98]  }
0x1a: {  	s8 =	sadd.s32 $0xFFFFE003, lr  }
0x1b: {  	s9 =	sadd.s32 $0xFFFFFEF7, lr;
	s5 =	simm.s32 $0xFFFFFFFF;
	p2 =	slt.u32 s8, $0xFFFFF086  }
0x1c: {  	p1 =	slt.u32 s9, $0xF7A;
	s5 =	simm.s32 @!p2 $0x0  }
0x1d: {  	s5 =	simm.s32 @p1 $0x1;
	p0 =	seq.s32 s7, s2  }
0x1e: {  	s7 =	smul.u32 @!p0 $0xF7A, s2;
	p2 =	seq.s32 @!p0 s5, $0x0  }
0x1f: {  	s9 =	smul.u32 $0xF7A, s1;
	s8 =	simm.s32 @!p0 $0x1BF5;
	p2 =	por !p2, p0  }
0x20: {  	[sflag:s8] =	ssyncset.s32 @!p0 $0xFFFFF086;
	s6 =	sadd.s32 @!p0 s3, s7;
	s7 =	simm.s32 @!p0 $0x108  }
0x21: {  	s3 =	sadd.s32 s3, s9;
	s6 =	sadd.s32 @!p0 $0x88, s6;
	s7 =	simm.s32 @p2 $0x1082  }
0x22: {  	[simem:s7], [sflag:s8] =	dma.local @!p0 [hbm:s6], $0xF7A  }
0x23: {  	s9 =	sor.u32 $0xD0000000, s2;
	s6 =	simm.s32 $0x108;
	_ =	swait.ge @!p0 [sflag:s8], $0x0  }
0x24: {  	s3 =	sadd.s32 $0x88, s3;
	s6 =	simm.s32 @!p1 $0x1082;
	[sflag:s4] =	ssyncset.s32 $0xFFFFF086  }
0x25: {  	[simem:s6], [sflag:s4] =	dma.local [hbm:s3], $0xF7A  }
0x26: {  	[smem:$0x3F98] =	sst s1;
	(tag) =	ssettag s2;
	_ =	strace s9  }
0x27: {  	s1 =	sld [smem:$0x3FA8]  }
0x28: {  	s2 =	sld [smem:$0x3FA9]  }
0x29: {  	s4 =	sld [smem:$0x3FAB]  }
0x2a: {  	p0 =	seq.s32 s5, $0x0;
	s5 =	sld [smem:$0x3FAC]  }
0x2b: {  	s6 =	sld [smem:$0x3FAD]  }
0x2c: {  	s7 =	sld [smem:$0x3FAE]  }
0x2d: {  	s3 =	simm.s32 $0x108;
	s8 =	sld [smem:$0x3FAF]  }
0x2e: {  	s3 =	simm.s32 @!p0 $0x1082;
	s9 =	sld [smem:$0x3FB0]  }
0x2f: {  	lr =	sadd.s32 s0, s3;
	s0 =	sld [smem:$0x3FA7]  }
0x30: {  	s3 =	sld [smem:$0x3FAA]  }
0x31: {  	[smem:$0x3FB3] =	sst s10  }
0x32: {  	s10 =	sld [smem:$0x3FB1];
	_ =	sdelay $0x3  }
0x33: {  	p0 =	seq.s32 s10, $0x1;
	s10 =	sld [smem:$0x3FB3];
	_ =	sdelay $0x3  }
0x34: {  	[smem:$0x3FB3] =	sst s10  }
0x35: {  	s10 =	sld [smem:$0x3FB2];
	_ =	sdelay $0x3  }
0x36: {  	p1 =	seq.s32 s10, $0x1;
	s10 =	sld [smem:$0x3FB3];
	_ =	sdelay $0x3  }
0x37: {  	[smem:$0x3FB3] =	sst s10  }
0x38: {  	s10 =	sld [smem:$0x3FB4]  }
0x39: {  	_ = 	snop;
	(pc) =	sbr.ind lr, $3  }
0x3a: {  	_ = 	snop  }
0x3b: {  	_ = 	snop  }
0x3c: {  	p2 =	seq.s32 s10, $0x1;
	s10 =	sld [smem:$0x3FB3]  }
0x3d: {  	_ =	shalt  }
0x3e: {  	_ =	shalt  }
0x3f: {  	_ =	shalt  }
0x40: {  	_ =	shalt  }
0x41: {  	_ =	shalt  }
0x42: {  	_ =	shalt  }
0x43: {  	_ =	shalt  }
0x44: {  	_ =	shalt  }
0x45: {  	_ =	shalt  }
0x46: {  	_ =	shalt  }
0x47: {  	_ =	shalt  }
0x48: {  	_ =	shalt  }
0x49: {  	_ =	shalt  }
0x4a: {  	_ =	shalt  }
0x4b: {  	_ =	shalt  }
0x4c: {  	_ =	shalt  }
0x4d: {  	_ =	shalt  }
0x4e: {  	_ =	shalt  }
0x4f: {  	_ =	shalt  }
0x50: {  	_ =	shalt  }
0x51: {  	_ =	shalt  }
0x52: {  	_ =	shalt  }
0x53: {  	_ =	shalt  }
0x54: {  	_ =	shalt  }
0x55: {  	_ =	shalt  }
0x56: {  	_ =	shalt  }
0x57: {  	_ =	shalt  }
0x58: {  	_ =	shalt  }
0x59: {  	_ =	shalt  }
0x5a: {  	_ =	shalt  }
0x5b: {  	_ =	shalt  }
0x5c: {  	_ =	shalt  }
0x5d: {  	_ =	shalt  }
0x5e: {  	_ =	shalt  }
0x5f: {  	_ =	shalt  }
0x60: {  	_ =	shalt  }
0x61: {  	_ =	shalt  }
0x62: {  	_ =	shalt  }
0x63: {  	_ =	shalt  }
0x64: {  	_ =	shalt  }
0x65: {  	_ =	shalt  }
0x66: {  	_ =	shalt  }
0x67: {  	_ =	shalt  }
0x68: {  	_ =	shalt  }
0x69: {  	_ =	shalt  }
0x6a: {  	_ =	shalt  }
0x6b: {  	_ =	shalt  }
0x6c: {  	_ =	shalt  }
0x6d: {  	_ =	shalt  }
0x6e: {  	_ =	shalt  }
0x6f: {  	_ =	shalt  }
0x70: {  	_ =	shalt  }
0x71: {  	_ =	shalt  }
0x72: {  	_ =	shalt  }
0x73: {  	_ =	shalt  }
0x74: {  	_ =	shalt  }
0x75: {  	_ =	shalt  }
0x76: {  	_ =	shalt  }
0x77: {  	_ =	shalt  }
0x78: {  	_ =	shalt  }
0x79: {  	_ =	shalt  }
0x7a: {  	_ =	shalt  }
0x7b: {  	_ =	shalt  }
0x7c: {  	_ =	shalt  }
0x7d: {  	_ =	shalt  }
0x7e: {  	_ =	shalt  }
0x7f: {  	_ =	shalt  }
0x80: {  	_ =	shalt  }
0x81: {  	_ =	shalt  }
0x82: {  	_ =	shalt  }
0x83: {  	_ =	shalt  }
0x84: {  	_ =	shalt  }
0x85: {  	_ =	shalt  }
0x86: {  	_ =	shalt  }
0x87: {  	_ =	shalt  }
.Lfunc_end0:
.L_simem_size_0:
called_computation_lowered:
.L_overlay_start_0:
0x88: {  	s2 =	sld [smem:$0x3FD9]  }
0x89: {  	s3 =	sld [smem:$0x3FFE];
	_ =	sdelay $0x1  }
0x8a: {  	s1 =	srdreg.scid  }
0x8b: {  	s0 =	sand.u32 $0x1, s1  }
0x8c: {  	s14 =	sshll.u32 s0, $0xA;
	s2 =	sadd.s32 s3, s2  }
0x8d: {  	s2 =	sadd.s32 s2, s14  }
0x8e: {  	[smem:$0x3FBF] =	sst s2  }
0x8f: {  	_ = 	snop  }
0x90: {  	s2 =	sld [smem:$0x3FD0];
	_ =	sdelay $0x2  }
0x91: {  	s15 =	simm.s32 $0xA;
	s4 =	simm.s32 $0x10  }
0x92: {  	[smem:s4], [sflag:s15] =	dma.local [hbm:s2], $0x1  }
0x93: {  	_ =	swait.eq [sflag:s15], $0x1  }
0x94: {  	[sflag:s15] =	ssyncset.done $0x0  }
0x95: {  	[sflag:s15] =	ssyncadd.s32 $0xFFFFFFFF  }
0x96: {  	s16 =	sld [smem:$0x11];
	(tm) =	ssettm $0x1  }
0x97: {  	s17 =	sld [smem:$0x3FFB];
	_ =	sdelay $0x3  }
0x98: {  	_ =	strace s17  }
0x99: {  	s3 =	sld [smem:$0x3FFC];
	_ =	sdelay $0x3  }
0x9a: {  	_ =	strace s3  }
0x9b: {  	s3 =	sld [smem:$0x3FFD];
	_ =	sdelay $0x3  }
0x9c: {  	_ =	strace s3  }
0x9d: {  	_ =	strace $0x8FFFFFFF  }
0x9e: {  	s18 =	sld [smem:$0x3FDB];
	_ =	sdelay $0x1  }
0x9f: {  	s19 =	simm.s32 $_scs_section_size  }
0xa0: {  	s5 =	simm.s32 $_size__tile_overlayer_lowered;
	s6 =	simm.s32 $_tile_overlayer_lowered  }
0xa1: {  	s22 =	simm.s32 $0x1BFF;
	s21 =	sshll.u32 s6, $0x1;
	s3 =	sadd.s32 s19, s18  }
0xa2: {  	s7 =	simm.s32 $0x0;
	s20 =	sshll.u32 s5, $0x1;
	s5 =	sadd.s32 s21, s3  }
0xa3: {  	[timem:s7], [sflag:s22] =	dma.local [hbm:s5], s20  }
0xa4: {  	_ =	swait.ge [sflag:s22], s20  }
0xa5: {  	s4 =	ssub.s32 $0x0, s20;
	[sflag:s22] =	ssyncset.done $0x0  }
0xa6: {  	[sflag:s22] =	ssyncadd.s32 s4;
	_ =	sdelay $0x1  }
0xa7: {  	s23 =	simm.s32 $0x1B8B  }
0xa8: {  	_ =	swait.ge [sflag:s23], $0x1  }
0xa9: {  	[sflag:s23] =	ssyncset.done $0x0  }
0xaa: {  	s25 =	simm.s32 $0x1B8E;
	s24 =	sld [smem:$0x3FFE];
	[sflag:s23] =	ssyncadd.s32 $0xFFFFFFFF  }
0xab: {  	s26 =	simm.s32 $execute0_lowered;
	[smem:$0x3FD2] =	sst s25  }
0xac: {  	s5 =	sshll.u32 s26, $0x1;
	_ =	strace $0x80000046;
	[dreg:$0x1] =	wrdreg $0xFFFFFFFF  }
0xad: {  	s28 =	simm.s32 $_size_execute0_lowered;
	s3 =	sadd.s32 s3, s5;
	[dreg:$0x0] =	wrdreg $0x0  }
0xae: {  	s5 =	sshll.u32 s28, $0x1;
	[dreg:$0x2] =	wrdreg s3  }
0xaf: {  	[dreg:$0x3] =	wrdreg s5  }
0xb0: {  	[dreg:$0x4] =	wrdreg $0xC0  }
0xb1: {  	_ =	task [dreg:s7], $0x5FFFF  }
0xb2: {  	[dreg:$0x1] =	wrdreg $0xFFFFFFFF  }
0xb3: {  	[dreg:$0x0] =	wrdreg $0x60  }
0xb4: {  	[dreg:$0x2] =	wrdreg s24  }
0xb5: {  	[dreg:$0x3] =	wrdreg s16  }
0xb6: {  	[dreg:$0x4] =	wrdreg $0x9  }
0xb7: {  	_ =	task.clear_ibuf [dreg:s7], $0x5FFFF;
	_ =	strace $0x90000046  }
0xb8: {  	s29 =	simm.s32 $0x9;
	_ =	strace $0x80000048  }
0xb9: {  	_ =	swait.ge [sflag:s29], $0x1  }
0xba: {  	[sflag:s29] =	ssyncadd.s32 $0xFFFFFFFF  }
0xbb: {  	_ =	strace $0x90000048  }
0xbc: {  	_ =	sfence  }
0xbd: {  	s30 =	sld [smem:$0x0];
	_ =	sdelay $0x2  }
0xbe: {  	s31 =	sshll.u32 s1, $0xD;
	s1 =	sshrl.u32 s1, $0x2  }
0xbf: {  	s3 =	sand.u32 $0x4000, s31;
	s1 =	sadd.s32 s1, s30  }
0xc0: {  	s0 =	sor.u32 s3, s0;
	s1 =	sshll.u32 s1, $0x11  }
0xc1: {  	s0 =	sor.u32 s1, s0  }
0xc2: {  	s0 =	sadd.s32 $0x8F2B, s0  }
0xc3: {  	[sflag:s0] =	ssyncadd.remote.s32 $0x1  }
0xc4: {  	_ =	sfence.sel $0xFFFF  }
0xc5: {  	[dreg:$0x0] =	wrdreg $0xFFFFFFFF;
	(pc) =	sbr.abs _section_cstart, $3  }
0xc6: {  	[dreg:$0x1] =	wrdreg $0xFFFFFFFF  }
0xc7: {  	_ =	task.clear_ibuf [dreg:s7], $0x2FFFF;
	_ =	strace $0x9FFFFFFF  }
0xc8: {  	(tm) =	ssettm $0x7FFFFFFF  }
0xc9: {  	_ =	shalt  }
tec
execute0_lowered:
.L_overlay_start_1:
0x0: {  	(tag) =	ssettag $0x1  }
0x1: {  	s0 =	srdreg.scid  }
0x2: {  	s4 =	sand.u32 $0x1, s0;
	s0 =	stileid.u32  }
0x3: {  	s3 =	sshll.u32 s0, $0x1;
	s5 =	ssub.s32 $0x0, s4  }
0x4: {  	p0 =	sne.s32 s3, s5  }
.Ltmp0:
0x5: {  	_ = 	snop;
	(pc) =	sbr.rel @p0 .LBB2_7-.Ltmp0, $4  }
0x6: {  	_ = 	snop  }
0x7: {  	s7 =	rddreg [dreg:$0x0]  }
0x8: {  	s2 =	rddreg [dreg:$0x1]  }
0x9: {  	s1 =	rddreg [dreg:$0x2];
	_ =	strace $0x80000047  }
0xa: {  	s3 =	sadd.s32 $0x1800, s7;
	s8 =	ssub.s32 $0x2, s4  }
0xb: {  	s4 =	sadd.s32 $0x1600, s7;
	s5 =	sadd.s32 $0x1C00, s7;
	s6 =	sadd.s32 $0x1A00, s7  }
0xc: {  	s7 =	sadd.s32 $0x1E00, s7;
	s10 =	simm.s32 $0x1;
	s11 =	simm.s32 $0x800  }
0xd: {  	s12 =	simm.s32 $0x1000;
	s13 =	simm.s32 $0x1800;
	s9 =	sshrl.u32 s8, $0x1  }
0xe: {  	s14 =	simm.s32 $0x2000;
	s15 =	simm.s32 $0x3800;
	s8 =	ssub.s32 s8, s9  }
0xf: {  	v0 =	vimm.s32 $0x0;
	v1 =	vimm.f32 $0.0e+00;
	v2 =	vlaneseq.u32;
	s16 =	simm.s32 $0x0;
	s9 =	simm.s32 $0x0;
	s8 =	smax.u32 s8, $0x1  }
.LBB2_2:
0x10: {  	[tilespmem:s9], [sflag:$0x1] =	stream.linear.gather [hbm4b:s3+s9], $0x800, $0x38;
	[tilespmem:$0x5000] =	vst v63  }
0x11: {  	_ =	swait.ge [sflag:s10], $0x800  }
0x12: {  	[sflag:s10] =	ssyncset.done $0x0  }
0x13: {  	[sflag:s10] =	ssyncadd.s32 $0xFFFFF800  }
0x14: {  	[tilespmem:s11], [sflag:$0x1] =	stream.linear.gather [hbm4b:s4+s9], $0x800, $0x38;
	[tilespmem:$0x5000] =	vst v63  }
0x15: {  	_ =	swait.ge [sflag:s10], $0x800  }
0x16: {  	[sflag:s10] =	ssyncset.done $0x0  }
0x17: {  	[sflag:s10] =	ssyncadd.s32 $0xFFFFF800  }
0x18: {  	[tilespmem:s12], [sflag:$0x1] =	stream.linear.gather [hbm4b:s5+s9], $0x800, $0x38;
	[tilespmem:$0x5000] =	vst v63  }
0x19: {  	_ =	swait.ge [sflag:s10], $0x800  }
0x1a: {  	[sflag:s10] =	ssyncset.done $0x0  }
0x1b: {  	[sflag:s10] =	ssyncadd.s32 $0xFFFFF800  }
0x1c: {  	[tilespmem:s13], [sflag:$0x1] =	stream.linear.gather [hbm4b:s6+s9], $0x800, $0x38;
	[tilespmem:$0x5000] =	vst v63  }
0x1d: {  	_ =	swait.ge [sflag:s10], $0x800  }
0x1e: {  	[sflag:s10] =	ssyncset.done $0x0  }
0x1f: {  	s17 =	simm.s32 $0x0;
	[sflag:s10] =	ssyncadd.s32 $0xFFFFF800  }
.LBB2_3:
0x20: {  	p0 =	sne.s32 s17, $0x5FC0  }
.Ltmp1:
0x21: {  	_ = 	snop;
	(pc) =	sbr.rel @p0 .LBB2_3-.Ltmp1, $4  }
0x22: {  	_ = 	snop  }
0x23: {  	s18 =	sshra.s32 s17, $0x2  }
0x24: {  	[tilespmem:s18+$0x2000] =	vst v0  }
0x25: {  	s17 =	sadd.s32 $0x40, s17;
	[tilespmem:s18+$0x3800] =	vst v1  }
0x26: {  	s17 =	simm.s32 $0x0  }
0x27: {  	v4 =	vld [tilespmem:s17+$0x0];
	_ =	sdelay $0x5  }
0x28: {  	s18 =	simm.s32 $0x800  }
0x29: {  	v5 =	vor.u32 s17, v2;
	v3 =	vld [tilespmem:s18+$0x0]  }
0x2a: {  	s19 =	simm.s32 $0x1000;
	[tilespmem:v4+s14+$0x0] =	vst.idx.msk $0xffff, v5  }
0x2b: {  	v6 =	vld [tilespmem:s19+$0x0];
	_ =	sdelay $0x4  }
0x2c: {  	[tilespmem:v4+s15+$0x0] =	vst.idx.msk $0xffff, v6  }
0x2d: {  	s21 =	simm.s32 $0x1800;
	[tilespmem:v3+s14+$0x0] =	vst.idx.msk $0xffff, v5  }
0x2e: {  	v4 =	vld [tilespmem:s21+$0x0];
	_ =	sdelay $0x3  }
0x2f: {  	s20 =	simm.s32 $0x10;
	s21 =	simm.s32 $0x1810  }
.LBB2_5:
0x30: {  	[tilespmem:v3+s15+$0x0] =	vst.idx.msk $0xffff, v4;
	s17 =	sadd.s32 $0x10, s17;
	s18 =	sadd.s32 $0x10, s18;
	s19 =	sadd.s32 $0x10, s19  }
0x31: {  	p0 =	sne.s32 s20, $0x7F0;
	s22 =	smov.u32 s20;
	s20 =	sadd.s32 $0x10, s20;
	v4 =	vld [tilespmem:s17+$0x0]  }
0x32: {  	_ =	sdelay $0x5  }
0x33: {  	v5 =	vor.u32 s22, v2;
	v3 =	vld [tilespmem:s18+$0x0]  }
0x34: {  	[tilespmem:v4+s14+$0x0] =	vst.idx.msk $0xffff, v5  }
0x35: {  	v6 =	vld [tilespmem:s19+$0x0];
	_ =	sdelay $0x4  }
0x36: {  	[tilespmem:v4+s15+$0x0] =	vst.idx.msk $0xffff, v6  }
0x37: {  	[tilespmem:v3+s14+$0x0] =	vst.idx.msk $0xffff, v5  }
.Ltmp2:
0x38: {  	v4 =	vld [tilespmem:s21+$0x0];
	(pc) =	sbr.rel @p0 .LBB2_5-.Ltmp2, $2  }
0x39: {  	_ =	sdelay $0x2  }
0x3a: {  	s21 =	sadd.s32 $0x10, s21  }
0x3b: {  	_ =	sdelay $0x3  }
0x3c: {  	[tilespmem:v3+s15+$0x0] =	vst.idx.msk $0xffff, v4  }
0x3d: {  	[hbm4b:s2+s9] =	stream.linear.scatter [tilespmem:s14], [sflag:$0x1], $0x1800, $0x38;
	[tilespmem:$0x5000] =	vst v63  }
0x3e: {  	s16 =	sadd.s32 $0x1, s16;
	_ =	swait.ge [sflag:s10], $0x1800  }
0x3f: {  	p0 =	sne.s32 s16, s8;
	[sflag:s10] =	ssyncset.done $0x0  }
.Ltmp3:
0x40: {  	[sflag:s10] =	ssyncadd.s32 $0xFFFFE800;
	(pc) =	sbr.rel @p0 .LBB2_2-.Ltmp3, $4  }
0x41: {  	[hbm4b:s7+s9] =	stream.linear.scatter [tilespmem:s15], [sflag:$0x1], $0x1800, $0x38;
	[tilespmem:$0x5000] =	vst v63  }
0x42: {  	_ =	swait.ge [sflag:s10], $0x1800  }
0x43: {  	[sflag:s10] =	ssyncset.done $0x0  }
0x44: {  	[sflag:s10] =	ssyncadd.s32 $0xFFFFE800  }
.LBB2_7:
0x45: {  	_ =	sfence.sel $0x180000  }
0x46: {  	[bflag:$0x0] =	sbarrier.arrive $0xFFFF  }
0x47: {  	p0 =	sne.s32 s0, $0x0;
	_ =	strace $0x90000047  }
0x48: {  	s0 =	sadd.s32 @!p0 $0x100000, s1;
	[bflag:$0x2] =	sbarrier.arrive $0xFFFF  }
0x49: {  	[sflag:s0] =	ssyncadd.tile.s32 @!p0 $0x1;
	_ =	shalt  }
.Lfunc_end2:
_tile_overlayer_lowered:
.L_overlay_start_2:
0x4a: {  	(tag) =	ssettag $0x2  }
0x4b: {  	s0 =	rddreg [dreg:$0x0];
	s2 =	stileid.u32  }
0x4c: {  	s1 =	rddreg [dreg:$0x1];
	p0 =	sne.s32 s2, $0x0  }
0x4d: {  	s3 =	rddreg [dreg:$0x2];
	[bflag:$0x3] =	sbarrier.arrive $0xFFFF;
	s2 =	simm.s32 @!p0 $0x1C01  }
0x4e: {  	[timem:s3], [sflag:s2] =	dma.local @!p0 [hbm:s0], s1  }
0x4f: {  	s0 =	simm.s32 @!p0 $0x1  }
0x50: {  	_ =	swait.ge @!p0 [sflag:s0], s1  }
0x51: {  	s1 =	ssub.s32 @!p0 $0x0, s1;
	[sflag:s0] =	ssyncset.done @!p0 $0x0  }
0x52: {  	[sflag:s0] =	ssyncadd.s32 @!p0 s1  }
0x53: {  	[bflag:$0x3] =	sbarrier.arrive $0xFFFF  }
0x54: {  	_ =	shalt  }

</sc_bundles>
